<compile_context>
chip_gen: v7x
topology: tpu7x:2x2x1
jax: 0.10.2.dev20260603
libtpu: 0.0.44.dev20260713+nightly
codegen_flags: <defaults>
</compile_context>

<pallas_src>
import functools

import jax
import jax.numpy as jnp
from jax import lax
from jax.experimental import pallas as pl
from jax.experimental.pallas import tpu as pltpu
from jax.experimental.pallas import tpu_sc as plsc

N_NODES = 10000
N_PAD = 10240
E_EDGES = 320000
D_FEAT = 128

NC = 2
NS = 16
NW = NC * NS
CHUNK = 80
NBUF = 4
N_STAGE = 16
N_STAGES = 8
N_CHUNKS = N_STAGE * N_STAGES
E_PER_W = CHUNK * N_CHUNKS
E_PAD = E_PER_W * NW
ROWS_PER_TILE = N_PAD // NS


def _sc_aggregate(row3, col3, x):
  mesh = plsc.VectorSubcoreMesh(
      core_axis_name="c", subcore_axis_name="s", num_cores=NC, num_subcores=NS)

  @functools.partial(
      pl.kernel,
      mesh=mesh,
      out_type=[
          jax.ShapeDtypeStruct((NC, N_PAD, D_FEAT), jnp.float32),
          jax.ShapeDtypeStruct((NC, N_PAD), jnp.float32),
      ],
      scratch_types=[
          pltpu.VMEM((N_STAGE, CHUNK), jnp.int32),
          pltpu.VMEM((N_STAGE, CHUNK), jnp.int32),
          [pltpu.VMEM((CHUNK, D_FEAT), jnp.float32) for _ in range(NBUF)],
          pltpu.VMEM((CHUNK,), jnp.float32),
          pltpu.VMEM_SHARED((N_PAD, D_FEAT), jnp.float32),
          pltpu.VMEM_SHARED((N_PAD,), jnp.float32),
          pltpu.SemaphoreType.DMA,
      ],
  )
  def agg(row_hbm, col_hbm, x_hbm, part_out, deg_out,
          row_v, col_v, bufs, ones_v, acc_sh, deg_sh, sem_g):
    cid = lax.axis_index("c")
    sid = lax.axis_index("s")
    wid = sid * NC + cid

    zeros16 = jnp.zeros((16,), jnp.float32)

    def zrow(i, carry):
      for j in range(D_FEAT // 16):
        bufs[0][i, pl.ds(j * 16, 16)] = zeros16
      return carry
    lax.fori_loop(0, CHUNK, zrow, 0)
    for j in range(CHUNK // 16):
      ones_v[pl.ds(j * 16, 16)] = jnp.ones((16,), jnp.float32)

    base = sid * ROWS_PER_TILE
    for k in range(ROWS_PER_TILE // CHUNK):
      pltpu.sync_copy(bufs[0], acc_sh.at[pl.ds(base + k * CHUNK, CHUNK)])
    for k in range(ROWS_PER_TILE // D_FEAT):
      pltpu.sync_copy(bufs[0].at[0],
                      deg_sh.at[pl.ds(base + k * D_FEAT, D_FEAT)])

    pltpu.sync_copy(row_hbm.at[wid].at[0], row_v)
    pltpu.sync_copy(col_hbm.at[wid].at[0], col_v)

    plsc.subcore_barrier()

    def run_stage():
      def group(i, carry):
        j0 = NBUF * i
        gs = [pltpu.async_copy(x_hbm.at[row_v.at[j0 + k]], bufs[k], sem_g)
              for k in range(NBUF)]
        for g in gs:
          g.wait()
        for k in range(NBUF):
          pltpu.sync_copy(bufs[k], acc_sh.at[col_v.at[j0 + k]], add=True)
          pltpu.sync_copy(ones_v, deg_sh.at[col_v.at[j0 + k]], add=True)
        return carry
      lax.fori_loop(0, N_STAGE // NBUF, group, 0)

    run_stage()
    for h in range(1, N_STAGES):
      pltpu.sync_copy(row_hbm.at[wid].at[h], row_v)
      pltpu.sync_copy(col_hbm.at[wid].at[h], col_v)
      run_stage()

    plsc.subcore_barrier()

    pltpu.sync_copy(acc_sh.at[pl.ds(base, ROWS_PER_TILE)],
                    part_out.at[cid].at[pl.ds(base, ROWS_PER_TILE)])
    pltpu.sync_copy(deg_sh.at[pl.ds(base, ROWS_PER_TILE)],
                    deg_out.at[cid].at[pl.ds(base, ROWS_PER_TILE)])

  return agg(row3, col3, x)


_BLK = 2000
_full = lambda shape: pl.BlockSpec(shape, lambda i: (0,) * len(shape))


def _tc_feat(x, Wf1, bf1, Wf2, bf2):
  def body(x_ref, wf1, bf1r, wf2, bf2r, o_ref):
    hf = jnp.maximum(jnp.dot(x_ref[...], wf1[...],
                             preferred_element_type=jnp.float32) + bf1r[...],
                     0.0)
    o_ref[...] = (jnp.dot(hf, wf2[...], preferred_element_type=jnp.float32)
                  + bf2r[...])

  return pl.pallas_call(
      body,
      grid=(N_NODES // _BLK,),
      in_specs=[
          pl.BlockSpec((_BLK, D_FEAT), lambda i: (i, 0)),
          _full((D_FEAT, 128)), _full((1, 128)),
          _full((128, 128)), _full((1, 128)),
      ],
      out_specs=pl.BlockSpec((_BLK, 128), lambda i: (i, 0)),
      out_shape=jax.ShapeDtypeStruct((N_NODES, 128), jnp.float32),
  )(x, Wf1, bf1, Wf2, bf2)


def _tc_combine(hf, part, degp, Ws1, bs1, Ws2, bs2, Wc1a, Wc1b, bc1, Wc2, bc2):
  def body(hf_ref, p_ref, d_ref, ws1, bs1r, ws2, bs2r,
           wc1a, wc1b, bc1r, wc2, bc2r, o_ref):
    p = p_ref[0] + p_ref[1]
    d = d_ref[0, :, :] + d_ref[1, :, :]
    ax = p * (1.0 / jnp.maximum(d, 1.0))
    hs = jnp.maximum(jnp.dot(ax, ws1[...],
                             preferred_element_type=jnp.float32) + bs1r[...],
                     0.0)
    hs = jnp.dot(hs, ws2[...], preferred_element_type=jnp.float32) + bs2r[...]

    h1 = jnp.maximum(jnp.dot(hf_ref[...], wc1a[...],
                             preferred_element_type=jnp.float32)
                     + jnp.dot(hs, wc1b[...],
                               preferred_element_type=jnp.float32)
                     + bc1r[...], 0.0)
    o_ref[...] = (jnp.dot(h1, wc2[...], preferred_element_type=jnp.float32)
                  + bc2r[...])

  return pl.pallas_call(
      body,
      grid=(N_NODES // _BLK,),
      in_specs=[
          pl.BlockSpec((_BLK, 128), lambda i: (i, 0)),
          pl.BlockSpec((NC, _BLK, D_FEAT), lambda i: (0, i, 0)),
          pl.BlockSpec((NC, _BLK, 1), lambda i: (0, i, 0)),
          _full((D_FEAT, 128)), _full((1, 128)),
          _full((128, 128)), _full((1, 128)),
          _full((128, 128)), _full((128, 128)), _full((1, 128)),
          _full((128, 64)), _full((1, 64)),
      ],
      out_specs=pl.BlockSpec((_BLK, 64), lambda i: (i, 0)),
      out_shape=jax.ShapeDtypeStruct((N_NODES, 64), jnp.float32),
  )(hf, part, degp, Ws1, bs1, Ws2, bs2, Wc1a, Wc1b, bc1, Wc2, bc2)


def kernel(x, edge_index, Wf1, bf1, Wf2, bf2, Ws1, bs1, Ws2, bs2,
           Wc1, bc1, Wc2, bc2):
  n_dummy = E_PAD - E_EDGES
  dummy_idx = jnp.arange(n_dummy, dtype=jnp.int32)
  row_p = jnp.concatenate([edge_index[0], dummy_idx % N_NODES])
  col_p = jnp.concatenate(
      [edge_index[1], N_NODES + dummy_idx % (N_PAD - N_NODES)])
  row3 = row_p.reshape(NW, N_STAGES, N_STAGE, CHUNK)
  col3 = col_p.reshape(NW, N_STAGES, N_STAGE, CHUNK)

  hf = _tc_feat(x, Wf1, bf1.reshape(1, 128), Wf2, bf2.reshape(1, 128))
  part, degp = _sc_aggregate(row3, col3, x)

  out = _tc_combine(
      hf, part, degp.reshape(NC, N_PAD, 1),
      Ws1, bs1.reshape(1, 128), Ws2, bs2.reshape(1, 128),
      Wc1[:128], Wc1[128:], bc1.reshape(1, 128),
      Wc2, bc2.reshape(1, 64))
  return out

# --- scband reference (transcript-rebuilt; emitter-appended) ---
"""Pipeline reference for scband-linkx-5342939316737 (READ-ONLY COPY).

The authoritative reference and input builder live on the scoring server;
editing this copy changes nothing except your own understanding.
"""

import jax, jax.numpy as jnp
import numpy as np

N = 10000
E = 320000
D = 128
H = 128
O = 64


def setup_inputs(seed: int = 0) -> dict:
    key = jax.random.key(seed)
    ks = jax.random.split(key, 16)
    s = 0.05
    inp = {}
    inp['x'] = jax.random.normal(ks[0], (N, D), dtype=jnp.float32)
    inp['edge_index'] = jax.random.randint(ks[1], (2, E), 0, N, dtype=jnp.int32)
    # mlp_feat params (Linear stored as (in, out) so y = x @ W + b)
    inp['Wf1'] = jax.random.normal(ks[2], (D, H), dtype=jnp.float32) * s
    inp['bf1'] = jnp.zeros((H,), dtype=jnp.float32)
    inp['Wf2'] = jax.random.normal(ks[3], (H, H), dtype=jnp.float32) * s
    inp['bf2'] = jnp.zeros((H,), dtype=jnp.float32)
    # mlp_struct params
    inp['Ws1'] = jax.random.normal(ks[4], (D, H), dtype=jnp.float32) * s
    inp['bs1'] = jnp.zeros((H,), dtype=jnp.float32)
    inp['Ws2'] = jax.random.normal(ks[5], (H, H), dtype=jnp.float32) * s
    inp['bs2'] = jnp.zeros((H,), dtype=jnp.float32)
    # mlp_combine params
    inp['Wc1'] = jax.random.normal(ks[6], (2 * H, H), dtype=jnp.float32) * s
    inp['bc1'] = jnp.zeros((H,), dtype=jnp.float32)
    inp['Wc2'] = jax.random.normal(ks[7], (H, O), dtype=jnp.float32) * s
    inp['bc2'] = jnp.zeros((O,), dtype=jnp.float32)
    return inp


def reference(x, edge_index, Wf1, bf1, Wf2, bf2, Ws1, bs1, Ws2, bs2, Wc1, bc1, Wc2, bc2):
    # eval mode: dropout is identity
    h_feat = jnp.maximum(x @ Wf1 + bf1, 0.0) @ Wf2 + bf2
    row = edge_index[0]
    col = edge_index[1]
    deg = jax.ops.segment_sum(jnp.ones((E,), dtype=x.dtype), col, num_segments=N)
    deg_inv = jnp.where(deg > 0, 1.0 / jnp.where(deg > 0, deg, 1.0), 0.0)
    msgs = x[row] * deg_inv[col][:, None]
    ax = jnp.zeros_like(x).at[col].add(msgs)
    h_struct = jnp.maximum(ax @ Ws1 + bs1, 0.0) @ Ws2 + bs2
    h = jnp.concatenate([h_feat, h_struct], axis=-1)
    out = jnp.maximum(h @ Wc1 + bc1, 0.0) @ Wc2 + bc2
    return out

if __name__ == "__main__":
    import jax
    _d = setup_inputs()
    print(jax.jit(kernel)(*tuple(_d.values())))

</pallas_src>

<mosaic_0001>
#map = affine_map<(d0, d1) -> (0, 0, 0, 0)>
#map1 = affine_map<(d0, d1) -> (0, 0)>
#map2 = affine_map<(d0, d1) -> (0, 0, 0)>
module attributes {stable_mosaic.version = 14 : i64} {
  func.func @agg(%arg0: i32, %arg1: i32, %arg2: memref<32x8x16x80xi32, #tpu.memory_space<hbm>>, %arg3: memref<32x8x16x80xi32, #tpu.memory_space<hbm>>, %arg4: memref<10000x128xf32, #tpu.memory_space<hbm>>, %arg5: memref<2x10240x128xf32, #tpu.memory_space<hbm>>, %arg6: memref<2x10240xf32, #tpu.memory_space<hbm>>, %arg7: memref<16x80xi32, #tpu.memory_space<vmem>>, %arg8: memref<16x80xi32, #tpu.memory_space<vmem>>, %arg9: memref<80x128xf32, #tpu.memory_space<vmem>>, %arg10: memref<80x128xf32, #tpu.memory_space<vmem>>, %arg11: memref<80x128xf32, #tpu.memory_space<vmem>>, %arg12: memref<80x128xf32, #tpu.memory_space<vmem>>, %arg13: memref<80xf32, #tpu.memory_space<vmem>>, %arg14: memref<10240x128xf32, #tpu.memory_space<vmem_shared>>, %arg15: memref<10240xf32, #tpu.memory_space<vmem_shared>>, %arg16: memref<!tpu.dma_semaphore, #tpu.memory_space<semaphore_mem>>) attributes {dimension_semantics = [#tpu.dimension_semantics<core_parallel>, #tpu.dimension_semantics<subcore_parallel>], iteration_bounds = array<i64: 2, 16>, scalar_prefetch = 0 : i64, scratch_operands = 10 : i64, tpu.core_type = #tpu.core_type<sc_vector_subcore>, window_params = [{transform_indices = #map}, {transform_indices = #map}, {transform_indices = #map1}, {transform_indices = #map2}, {transform_indices = #map1}]} {
    %mul3A = arith.constant 2 : i32
    %mul3A_0 = arith.muli %arg1, %mul3A : i32
    %add3A = arith.addi %mul3A_0, %arg0 : i32
    %broadcast_in_dim3A = arith.constant 0.000000e+00 : f32
    %broadcast_in_dim3A_1 = vector.broadcast %broadcast_in_dim3A : f32 to vector<16xf32>
    %scan3A = arith.constant 0 : i32
    %scan3A_2 = arith.constant 0 : i32
    %scan3A_3 = arith.constant 80 : i32
    %scan3A_4 = arith.addi %scan3A_2, %scan3A_3 : i32
    %scan3A_5 = arith.constant 1 : i32
    scf.for %scan3A_133 = %scan3A_2 to %scan3A_4 step %scan3A_5  : i32 {
      %swap3A_134 = arith.index_cast %scan3A_133 : i32 to index
      %swap3A_135 = arith.constant 0 : index
      %swap3A_136 = tpu.vector_load %arg9[%swap3A_134, %swap3A_135] {strides = array<i32>} : memref<80x128xf32, #tpu.memory_space<vmem>>, vector<1x16xf32>,
      %swap3A_137 = vector.shape_cast %swap3A_136 : vector<1x16xf32> to vector<16xf32>
      %swap3A_138 = vector.shape_cast %broadcast_in_dim3A_1 : vector<16xf32> to vector<1x16xf32>
      tpu.vector_store %arg9[%swap3A_134, %swap3A_135], %swap3A_138 {strides = array<i32>} : memref<80x128xf32, #tpu.memory_space<vmem>>, vector<1x16xf32>,
      %swap3A_139 = arith.index_cast %scan3A_133 : i32 to index
      %swap3A_140 = arith.constant 16 : index
      %swap3A_141 = tpu.vector_load %arg9[%swap3A_139, %swap3A_140] {strides = array<i32>} : memref<80x128xf32, #tpu.memory_space<vmem>>, vector<1x16xf32>,
      %swap3A_142 = vector.shape_cast %swap3A_141 : vector<1x16xf32> to vector<16xf32>
      %swap3A_143 = vector.shape_cast %broadcast_in_dim3A_1 : vector<16xf32> to vector<1x16xf32>
      tpu.vector_store %arg9[%swap3A_139, %swap3A_140], %swap3A_143 {strides = array<i32>} : memref<80x128xf32, #tpu.memory_space<vmem>>, vector<1x16xf32>,
      %swap3A_144 = arith.index_cast %scan3A_133 : i32 to index
      %swap3A_145 = arith.constant 32 : index
      %swap3A_146 = tpu.vector_load %arg9[%swap3A_144, %swap3A_145] {strides = array<i32>} : memref<80x128xf32, #tpu.memory_space<vmem>>, vector<1x16xf32>,
      %swap3A_147 = vector.shape_cast %swap3A_146 : vector<1x16xf32> to vector<16xf32>
      %swap3A_148 = vector.shape_cast %broadcast_in_dim3A_1 : vector<16xf32> to vector<1x16xf32>
      tpu.vector_store %arg9[%swap3A_144, %swap3A_145], %swap3A_148 {strides = array<i32>} : memref<80x128xf32, #tpu.memory_space<vmem>>, vector<1x16xf32>,
      %swap3A_149 = arith.index_cast %scan3A_133 : i32 to index
      %swap3A_150 = arith.constant 48 : index
      %swap3A_151 = tpu.vector_load %arg9[%swap3A_149, %swap3A_150] {strides = array<i32>} : memref<80x128xf32, #tpu.memory_space<vmem>>, vector<1x16xf32>,
      %swap3A_152 = vector.shape_cast %swap3A_151 : vector<1x16xf32> to vector<16xf32>
      %swap3A_153 = vector.shape_cast %broadcast_in_dim3A_1 : vector<16xf32> to vector<1x16xf32>
      tpu.vector_store %arg9[%swap3A_149, %swap3A_150], %swap3A_153 {strides = array<i32>} : memref<80x128xf32, #tpu.memory_space<vmem>>, vector<1x16xf32>,
      %swap3A_154 = arith.index_cast %scan3A_133 : i32 to index
      %swap3A_155 = arith.constant 64 : index
      %swap3A_156 = tpu.vector_load %arg9[%swap3A_154, %swap3A_155] {strides = array<i32>} : memref<80x128xf32, #tpu.memory_space<vmem>>, vector<1x16xf32>,
      %swap3A_157 = vector.shape_cast %swap3A_156 : vector<1x16xf32> to vector<16xf32>
      %swap3A_158 = vector.shape_cast %broadcast_in_dim3A_1 : vector<16xf32> to vector<1x16xf32>
      tpu.vector_store %arg9[%swap3A_154, %swap3A_155], %swap3A_158 {strides = array<i32>} : memref<80x128xf32, #tpu.memory_space<vmem>>, vector<1x16xf32>,
      %swap3A_159 = arith.index_cast %scan3A_133 : i32 to index
      %swap3A_160 = arith.constant 80 : index
      %swap3A_161 = tpu.vector_load %arg9[%swap3A_159, %swap3A_160] {strides = array<i32>} : memref<80x128xf32, #tpu.memory_space<vmem>>, vector<1x16xf32>,
      %swap3A_162 = vector.shape_cast %swap3A_161 : vector<1x16xf32> to vector<16xf32>
      %swap3A_163 = vector.shape_cast %broadcast_in_dim3A_1 : vector<16xf32> to vector<1x16xf32>
      tpu.vector_store %arg9[%swap3A_159, %swap3A_160], %swap3A_163 {strides = array<i32>} : memref<80x128xf32, #tpu.memory_space<vmem>>, vector<1x16xf32>,
      %swap3A_164 = arith.index_cast %scan3A_133 : i32 to index
      %swap3A_165 = arith.constant 96 : index
      %swap3A_166 = tpu.vector_load %arg9[%swap3A_164, %swap3A_165] {strides = array<i32>} : memref<80x128xf32, #tpu.memory_space<vmem>>, vector<1x16xf32>,
      %swap3A_167 = vector.shape_cast %swap3A_166 : vector<1x16xf32> to vector<16xf32>
      %swap3A_168 = vector.shape_cast %broadcast_in_dim3A_1 : vector<16xf32> to vector<1x16xf32>
      tpu.vector_store %arg9[%swap3A_164, %swap3A_165], %swap3A_168 {strides = array<i32>} : memref<80x128xf32, #tpu.memory_space<vmem>>, vector<1x16xf32>,
      %swap3A_169 = arith.index_cast %scan3A_133 : i32 to index
      %swap3A_170 = arith.constant 112 : index
      %swap3A_171 = tpu.vector_load %arg9[%swap3A_169, %swap3A_170] {strides = array<i32>} : memref<80x128xf32, #tpu.memory_space<vmem>>, vector<1x16xf32>,
      %swap3A_172 = vector.shape_cast %swap3A_171 : vector<1x16xf32> to vector<16xf32>
      %swap3A_173 = vector.shape_cast %broadcast_in_dim3A_1 : vector<16xf32> to vector<1x16xf32>
      tpu.vector_store %arg9[%swap3A_169, %swap3A_170], %swap3A_173 {strides = array<i32>} : memref<80x128xf32, #tpu.memory_space<vmem>>, vector<1x16xf32>,
    }
    %scan3A_6 = arith.constant 80 : i32
    %broadcast_in_dim3A_7 = arith.constant 1.000000e+00 : f32
    %broadcast_in_dim3A_8 = vector.broadcast %broadcast_in_dim3A_7 : f32 to vector<16xf32>
    %swap3A = arith.constant 0 : index
    %swap3A_9 = tpu.vector_load %arg13[%swap3A] {strides = array<i32>} : memref<80xf32, #tpu.memory_space<vmem>>, vector<16xf32>,
    %swap3A_10 = vector.shape_cast %swap3A_9 : vector<16xf32> to vector<16xf32>
    %swap3A_11 = vector.shape_cast %broadcast_in_dim3A_8 : vector<16xf32> to vector<16xf32>
    tpu.vector_store %arg13[%swap3A], %swap3A_11 {strides = array<i32>} : memref<80xf32, #tpu.memory_space<vmem>>, vector<16xf32>,
    %broadcast_in_dim3A_12 = arith.constant 1.000000e+00 : f32
    %broadcast_in_dim3A_13 = vector.broadcast %broadcast_in_dim3A_12 : f32 to vector<16xf32>
    %swap3A_14 = arith.constant 16 : index
    %swap3A_15 = tpu.vector_load %arg13[%swap3A_14] {strides = array<i32>} : memref<80xf32, #tpu.memory_space<vmem>>, vector<16xf32>,
    %swap3A_16 = vector.shape_cast %swap3A_15 : vector<16xf32> to vector<16xf32>
    %swap3A_17 = vector.shape_cast %broadcast_in_dim3A_13 : vector<16xf32> to vector<16xf32>
    tpu.vector_store %arg13[%swap3A_14], %swap3A_17 {strides = array<i32>} : memref<80xf32, #tpu.memory_space<vmem>>, vector<16xf32>,
    %broadcast_in_dim3A_18 = arith.constant 1.000000e+00 : f32
    %broadcast_in_dim3A_19 = vector.broadcast %broadcast_in_dim3A_18 : f32 to vector<16xf32>
    %swap3A_20 = arith.constant 32 : index
    %swap3A_21 = tpu.vector_load %arg13[%swap3A_20] {strides = array<i32>} : memref<80xf32, #tpu.memory_space<vmem>>, vector<16xf32>,
    %swap3A_22 = vector.shape_cast %swap3A_21 : vector<16xf32> to vector<16xf32>
    %swap3A_23 = vector.shape_cast %broadcast_in_dim3A_19 : vector<16xf32> to vector<16xf32>
    tpu.vector_store %arg13[%swap3A_20], %swap3A_23 {strides = array<i32>} : memref<80xf32, #tpu.memory_space<vmem>>, vector<16xf32>,
    %broadcast_in_dim3A_24 = arith.constant 1.000000e+00 : f32
    %broadcast_in_dim3A_25 = vector.broadcast %broadcast_in_dim3A_24 : f32 to vector<16xf32>
    %swap3A_26 = arith.constant 48 : index
    %swap3A_27 = tpu.vector_load %arg13[%swap3A_26] {strides = array<i32>} : memref<80xf32, #tpu.memory_space<vmem>>, vector<16xf32>,
    %swap3A_28 = vector.shape_cast %swap3A_27 : vector<16xf32> to vector<16xf32>
    %swap3A_29 = vector.shape_cast %broadcast_in_dim3A_25 : vector<16xf32> to vector<16xf32>
    tpu.vector_store %arg13[%swap3A_26], %swap3A_29 {strides = array<i32>} : memref<80xf32, #tpu.memory_space<vmem>>, vector<16xf32>,
    %broadcast_in_dim3A_30 = arith.constant 1.000000e+00 : f32
    %broadcast_in_dim3A_31 = vector.broadcast %broadcast_in_dim3A_30 : f32 to vector<16xf32>
    %swap3A_32 = arith.constant 64 : index
    %swap3A_33 = tpu.vector_load %arg13[%swap3A_32] {strides = array<i32>} : memref<80xf32, #tpu.memory_space<vmem>>, vector<16xf32>,
    %swap3A_34 = vector.shape_cast %swap3A_33 : vector<16xf32> to vector<16xf32>
    %swap3A_35 = vector.shape_cast %broadcast_in_dim3A_31 : vector<16xf32> to vector<16xf32>
    tpu.vector_store %arg13[%swap3A_32], %swap3A_35 {strides = array<i32>} : memref<80xf32, #tpu.memory_space<vmem>>, vector<16xf32>,
    %mul3A_36 = arith.constant 640 : i32
    %mul3A_37 = arith.muli %arg1, %mul3A_36 : i32
    %add3A_38 = arith.constant 0 : i32
    %add3A_39 = arith.addi %mul3A_37, %add3A_38 : i32
    "tpu.region"() ({
      %run_scoped3A_133 = tpu.sem_alloc : memref<!tpu.dma_semaphore, #tpu.memory_space<semaphore_mem>>
      %dma_start3A = arith.constant 0 : i32
      %dma_start3A_134 = tpu.memref_slice %arg14[%add3A_39, %dma_start3A] : memref<10240x128xf32, #tpu.memory_space<vmem_shared>> -> memref<80x128xf32, #tpu.memory_space<vmem_shared>>
      %dma_start3A_135 = arith.constant 0 : i32
      %dma_start3A_136 = tpu.memref_slice %arg14[%add3A_39, %dma_start3A_135] : memref<10240x128xf32, #tpu.memory_space<vmem_shared>> -> memref<80x128xf32, #tpu.memory_space<vmem_shared>>
      tpu.enqueue_dma source(%arg9 : memref<80x128xf32, #tpu.memory_space<vmem>>) target(%dma_start3A_136 : memref<80x128xf32, #tpu.memory_space<vmem_shared>>) target_semaphore(%run_scoped3A_133 : memref<!tpu.dma_semaphore, #tpu.memory_space<semaphore_mem>>)
      %dma_wait3A = arith.constant 0 : i32
      %dma_wait3A_137 = tpu.memref_slice %arg14[%add3A_39, %dma_wait3A] : memref<10240x128xf32, #tpu.memory_space<vmem_shared>> -> memref<80x128xf32, #tpu.memory_space<vmem_shared>>
      %dma_wait3A_138 = arith.constant 0 : i32
      %dma_wait3A_139 = tpu.memref_slice %arg14[%add3A_39, %dma_wait3A_138] : memref<10240x128xf32, #tpu.memory_space<vmem_shared>> -> memref<80x128xf32, #tpu.memory_space<vmem_shared>>
      tpu.wait_dma2 semaphore(%run_scoped3A_133 : memref<!tpu.dma_semaphore, #tpu.memory_space<semaphore_mem>>) src(%arg9 : memref<80x128xf32, #tpu.memory_space<vmem>>) dst(%dma_wait3A_139 : memref<80x128xf32, #tpu.memory_space<vmem_shared>>)
      tpu.yield
    }) : () -> ()
    %add3A_40 = arith.constant 80 : i32
    %add3A_41 = arith.addi %mul3A_37, %add3A_40 : i32
    "tpu.region"() ({
      %run_scoped3A_133 = tpu.sem_alloc : memref<!tpu.dma_semaphore, #tpu.memory_space<semaphore_mem>>
      %dma_start3A = arith.constant 0 : i32
      %dma_start3A_134 = tpu.memref_slice %arg14[%add3A_41, %dma_start3A] : memref<10240x128xf32, #tpu.memory_space<vmem_shared>> -> memref<80x128xf32, #tpu.memory_space<vmem_shared>>
      %dma_start3A_135 = arith.constant 0 : i32
      %dma_start3A_136 = tpu.memref_slice %arg14[%add3A_41, %dma_start3A_135] : memref<10240x128xf32, #tpu.memory_space<vmem_shared>> -> memref<80x128xf32, #tpu.memory_space<vmem_shared>>
      tpu.enqueue_dma source(%arg9 : memref<80x128xf32, #tpu.memory_space<vmem>>) target(%dma_start3A_136 : memref<80x128xf32, #tpu.memory_space<vmem_shared>>) target_semaphore(%run_scoped3A_133 : memref<!tpu.dma_semaphore, #tpu.memory_space<semaphore_mem>>)
      %dma_wait3A = arith.constant 0 : i32
      %dma_wait3A_137 = tpu.memref_slice %arg14[%add3A_41, %dma_wait3A] : memref<10240x128xf32, #tpu.memory_space<vmem_shared>> -> memref<80x128xf32, #tpu.memory_space<vmem_shared>>
      %dma_wait3A_138 = arith.constant 0 : i32
      %dma_wait3A_139 = tpu.memref_slice %arg14[%add3A_41, %dma_wait3A_138] : memref<10240x128xf32, #tpu.memory_space<vmem_shared>> -> memref<80x128xf32, #tpu.memory_space<vmem_shared>>
      tpu.wait_dma2 semaphore(%run_scoped3A_133 : memref<!tpu.dma_semaphore, #tpu.memory_space<semaphore_mem>>) src(%arg9 : memref<80x128xf32, #tpu.memory_space<vmem>>) dst(%dma_wait3A_139 : memref<80x128xf32, #tpu.memory_space<vmem_shared>>)
      tpu.yield
    }) : () -> ()
    %add3A_42 = arith.constant 160 : i32
    %add3A_43 = arith.addi %mul3A_37, %add3A_42 : i32
    "tpu.region"() ({
      %run_scoped3A_133 = tpu.sem_alloc : memref<!tpu.dma_semaphore, #tpu.memory_space<semaphore_mem>>
      %dma_start3A = arith.constant 0 : i32
      %dma_start3A_134 = tpu.memref_slice %arg14[%add3A_43, %dma_start3A] : memref<10240x128xf32, #tpu.memory_space<vmem_shared>> -> memref<80x128xf32, #tpu.memory_space<vmem_shared>>
      %dma_start3A_135 = arith.constant 0 : i32
      %dma_start3A_136 = tpu.memref_slice %arg14[%add3A_43, %dma_start3A_135] : memref<10240x128xf32, #tpu.memory_space<vmem_shared>> -> memref<80x128xf32, #tpu.memory_space<vmem_shared>>
      tpu.enqueue_dma source(%arg9 : memref<80x128xf32, #tpu.memory_space<vmem>>) target(%dma_start3A_136 : memref<80x128xf32, #tpu.memory_space<vmem_shared>>) target_semaphore(%run_scoped3A_133 : memref<!tpu.dma_semaphore, #tpu.memory_space<semaphore_mem>>)
      %dma_wait3A = arith.constant 0 : i32
      %dma_wait3A_137 = tpu.memref_slice %arg14[%add3A_43, %dma_wait3A] : memref<10240x128xf32, #tpu.memory_space<vmem_shared>> -> memref<80x128xf32, #tpu.memory_space<vmem_shared>>
      %dma_wait3A_138 = arith.constant 0 : i32
      %dma_wait3A_139 = tpu.memref_slice %arg14[%add3A_43, %dma_wait3A_138] : memref<10240x128xf32, #tpu.memory_space<vmem_shared>> -> memref<80x128xf32, #tpu.memory_space<vmem_shared>>
      tpu.wait_dma2 semaphore(%run_scoped3A_133 : memref<!tpu.dma_semaphore, #tpu.memory_space<semaphore_mem>>) src(%arg9 : memref<80x128xf32, #tpu.memory_space<vmem>>) dst(%dma_wait3A_139 : memref<80x128xf32, #tpu.memory_space<vmem_shared>>)
      tpu.yield
    }) : () -> ()
    %add3A_44 = arith.constant 240 : i32
    %add3A_45 = arith.addi %mul3A_37, %add3A_44 : i32
    "tpu.region"() ({
      %run_scoped3A_133 = tpu.sem_alloc : memref<!tpu.dma_semaphore, #tpu.memory_space<semaphore_mem>>
      %dma_start3A = arith.constant 0 : i32
      %dma_start3A_134 = tpu.memref_slice %arg14[%add3A_45, %dma_start3A] : memref<10240x128xf32, #tpu.memory_space<vmem_shared>> -> memref<80x128xf32, #tpu.memory_space<vmem_shared>>
      %dma_start3A_135 = arith.constant 0 : i32
      %dma_start3A_136 = tpu.memref_slice %arg14[%add3A_45, %dma_start3A_135] : memref<10240x128xf32, #tpu.memory_space<vmem_shared>> -> memref<80x128xf32, #tpu.memory_space<vmem_shared>>
      tpu.enqueue_dma source(%arg9 : memref<80x128xf32, #tpu.memory_space<vmem>>) target(%dma_start3A_136 : memref<80x128xf32, #tpu.memory_space<vmem_shared>>) target_semaphore(%run_scoped3A_133 : memref<!tpu.dma_semaphore, #tpu.memory_space<semaphore_mem>>)
      %dma_wait3A = arith.constant 0 : i32
      %dma_wait3A_137 = tpu.memref_slice %arg14[%add3A_45, %dma_wait3A] : memref<10240x128xf32, #tpu.memory_space<vmem_shared>> -> memref<80x128xf32, #tpu.memory_space<vmem_shared>>
      %dma_wait3A_138 = arith.constant 0 : i32
      %dma_wait3A_139 = tpu.memref_slice %arg14[%add3A_45, %dma_wait3A_138] : memref<10240x128xf32, #tpu.memory_space<vmem_shared>> -> memref<80x128xf32, #tpu.memory_space<vmem_shared>>
      tpu.wait_dma2 semaphore(%run_scoped3A_133 : memref<!tpu.dma_semaphore, #tpu.memory_space<semaphore_mem>>) src(%arg9 : memref<80x128xf32, #tpu.memory_space<vmem>>) dst(%dma_wait3A_139 : memref<80x128xf32, #tpu.memory_space<vmem_shared>>)
      tpu.yield
    }) : () -> ()
    %add3A_46 = arith.constant 320 : i32
    %add3A_47 = arith.addi %mul3A_37, %add3A_46 : i32
    "tpu.region"() ({
      %run_scoped3A_133 = tpu.sem_alloc : memref<!tpu.dma_semaphore, #tpu.memory_space<semaphore_mem>>
      %dma_start3A = arith.constant 0 : i32
      %dma_start3A_134 = tpu.memref_slice %arg14[%add3A_47, %dma_start3A] : memref<10240x128xf32, #tpu.memory_space<vmem_shared>> -> memref<80x128xf32, #tpu.memory_space<vmem_shared>>
      %dma_start3A_135 = arith.constant 0 : i32
      %dma_start3A_136 = tpu.memref_slice %arg14[%add3A_47, %dma_start3A_135] : memref<10240x128xf32, #tpu.memory_space<vmem_shared>> -> memref<80x128xf32, #tpu.memory_space<vmem_shared>>
      tpu.enqueue_dma source(%arg9 : memref<80x128xf32, #tpu.memory_space<vmem>>) target(%dma_start3A_136 : memref<80x128xf32, #tpu.memory_space<vmem_shared>>) target_semaphore(%run_scoped3A_133 : memref<!tpu.dma_semaphore, #tpu.memory_space<semaphore_mem>>)
      %dma_wait3A = arith.constant 0 : i32
      %dma_wait3A_137 = tpu.memref_slice %arg14[%add3A_47, %dma_wait3A] : memref<10240x128xf32, #tpu.memory_space<vmem_shared>> -> memref<80x128xf32, #tpu.memory_space<vmem_shared>>
      %dma_wait3A_138 = arith.constant 0 : i32
      %dma_wait3A_139 = tpu.memref_slice %arg14[%add3A_47, %dma_wait3A_138] : memref<10240x128xf32, #tpu.memory_space<vmem_shared>> -> memref<80x128xf32, #tpu.memory_space<vmem_shared>>
      tpu.wait_dma2 semaphore(%run_scoped3A_133 : memref<!tpu.dma_semaphore, #tpu.memory_space<semaphore_mem>>) src(%arg9 : memref<80x128xf32, #tpu.memory_space<vmem>>) dst(%dma_wait3A_139 : memref<80x128xf32, #tpu.memory_space<vmem_shared>>)
      tpu.yield
    }) : () -> ()
    %add3A_48 = arith.constant 400 : i32
    %add3A_49 = arith.addi %mul3A_37, %add3A_48 : i32
    "tpu.region"() ({
      %run_scoped3A_133 = tpu.sem_alloc : memref<!tpu.dma_semaphore, #tpu.memory_space<semaphore_mem>>
      %dma_start3A = arith.constant 0 : i32
      %dma_start3A_134 = tpu.memref_slice %arg14[%add3A_49, %dma_start3A] : memref<10240x128xf32, #tpu.memory_space<vmem_shared>> -> memref<80x128xf32, #tpu.memory_space<vmem_shared>>
      %dma_start3A_135 = arith.constant 0 : i32
      %dma_start3A_136 = tpu.memref_slice %arg14[%add3A_49, %dma_start3A_135] : memref<10240x128xf32, #tpu.memory_space<vmem_shared>> -> memref<80x128xf32, #tpu.memory_space<vmem_shared>>
      tpu.enqueue_dma source(%arg9 : memref<80x128xf32, #tpu.memory_space<vmem>>) target(%dma_start3A_136 : memref<80x128xf32, #tpu.memory_space<vmem_shared>>) target_semaphore(%run_scoped3A_133 : memref<!tpu.dma_semaphore, #tpu.memory_space<semaphore_mem>>)
      %dma_wait3A = arith.constant 0 : i32
      %dma_wait3A_137 = tpu.memref_slice %arg14[%add3A_49, %dma_wait3A] : memref<10240x128xf32, #tpu.memory_space<vmem_shared>> -> memref<80x128xf32, #tpu.memory_space<vmem_shared>>
      %dma_wait3A_138 = arith.constant 0 : i32
      %dma_wait3A_139 = tpu.memref_slice %arg14[%add3A_49, %dma_wait3A_138] : memref<10240x128xf32, #tpu.memory_space<vmem_shared>> -> memref<80x128xf32, #tpu.memory_space<vmem_shared>>
      tpu.wait_dma2 semaphore(%run_scoped3A_133 : memref<!tpu.dma_semaphore, #tpu.memory_space<semaphore_mem>>) src(%arg9 : memref<80x128xf32, #tpu.memory_space<vmem>>) dst(%dma_wait3A_139 : memref<80x128xf32, #tpu.memory_space<vmem_shared>>)
      tpu.yield
    }) : () -> ()
    %add3A_50 = arith.constant 480 : i32
    %add3A_51 = arith.addi %mul3A_37, %add3A_50 : i32
    "tpu.region"() ({
      %run_scoped3A_133 = tpu.sem_alloc : memref<!tpu.dma_semaphore, #tpu.memory_space<semaphore_mem>>
      %dma_start3A = arith.constant 0 : i32
      %dma_start3A_134 = tpu.memref_slice %arg14[%add3A_51, %dma_start3A] : memref<10240x128xf32, #tpu.memory_space<vmem_shared>> -> memref<80x128xf32, #tpu.memory_space<vmem_shared>>
      %dma_start3A_135 = arith.constant 0 : i32
      %dma_start3A_136 = tpu.memref_slice %arg14[%add3A_51, %dma_start3A_135] : memref<10240x128xf32, #tpu.memory_space<vmem_shared>> -> memref<80x128xf32, #tpu.memory_space<vmem_shared>>
      tpu.enqueue_dma source(%arg9 : memref<80x128xf32, #tpu.memory_space<vmem>>) target(%dma_start3A_136 : memref<80x128xf32, #tpu.memory_space<vmem_shared>>) target_semaphore(%run_scoped3A_133 : memref<!tpu.dma_semaphore, #tpu.memory_space<semaphore_mem>>)
      %dma_wait3A = arith.constant 0 : i32
      %dma_wait3A_137 = tpu.memref_slice %arg14[%add3A_51, %dma_wait3A] : memref<10240x128xf32, #tpu.memory_space<vmem_shared>> -> memref<80x128xf32, #tpu.memory_space<vmem_shared>>
      %dma_wait3A_138 = arith.constant 0 : i32
      %dma_wait3A_139 = tpu.memref_slice %arg14[%add3A_51, %dma_wait3A_138] : memref<10240x128xf32, #tpu.memory_space<vmem_shared>> -> memref<80x128xf32, #tpu.memory_space<vmem_shared>>
      tpu.wait_dma2 semaphore(%run_scoped3A_133 : memref<!tpu.dma_semaphore, #tpu.memory_space<semaphore_mem>>) src(%arg9 : memref<80x128xf32, #tpu.memory_space<vmem>>) dst(%dma_wait3A_139 : memref<80x128xf32, #tpu.memory_space<vmem_shared>>)
      tpu.yield
    }) : () -> ()
    %add3A_52 = arith.constant 560 : i32
    %add3A_53 = arith.addi %mul3A_37, %add3A_52 : i32
    "tpu.region"() ({
      %run_scoped3A_133 = tpu.sem_alloc : memref<!tpu.dma_semaphore, #tpu.memory_space<semaphore_mem>>
      %dma_start3A = arith.constant 0 : i32
      %dma_start3A_134 = tpu.memref_slice %arg14[%add3A_53, %dma_start3A] : memref<10240x128xf32, #tpu.memory_space<vmem_shared>> -> memref<80x128xf32, #tpu.memory_space<vmem_shared>>
      %dma_start3A_135 = arith.constant 0 : i32
      %dma_start3A_136 = tpu.memref_slice %arg14[%add3A_53, %dma_start3A_135] : memref<10240x128xf32, #tpu.memory_space<vmem_shared>> -> memref<80x128xf32, #tpu.memory_space<vmem_shared>>
      tpu.enqueue_dma source(%arg9 : memref<80x128xf32, #tpu.memory_space<vmem>>) target(%dma_start3A_136 : memref<80x128xf32, #tpu.memory_space<vmem_shared>>) target_semaphore(%run_scoped3A_133 : memref<!tpu.dma_semaphore, #tpu.memory_space<semaphore_mem>>)
      %dma_wait3A = arith.constant 0 : i32
      %dma_wait3A_137 = tpu.memref_slice %arg14[%add3A_53, %dma_wait3A] : memref<10240x128xf32, #tpu.memory_space<vmem_shared>> -> memref<80x128xf32, #tpu.memory_space<vmem_shared>>
      %dma_wait3A_138 = arith.constant 0 : i32
      %dma_wait3A_139 = tpu.memref_slice %arg14[%add3A_53, %dma_wait3A_138] : memref<10240x128xf32, #tpu.memory_space<vmem_shared>> -> memref<80x128xf32, #tpu.memory_space<vmem_shared>>
      tpu.wait_dma2 semaphore(%run_scoped3A_133 : memref<!tpu.dma_semaphore, #tpu.memory_space<semaphore_mem>>) src(%arg9 : memref<80x128xf32, #tpu.memory_space<vmem>>) dst(%dma_wait3A_139 : memref<80x128xf32, #tpu.memory_space<vmem_shared>>)
      tpu.yield
    }) : () -> ()
    %add3A_54 = arith.constant 0 : i32
    %add3A_55 = arith.addi %mul3A_37, %add3A_54 : i32
    %run_scoped3A = arith.constant 0 : i32
    "tpu.region"() ({
      %run_scoped3A_133 = tpu.sem_alloc : memref<!tpu.dma_semaphore, #tpu.memory_space<semaphore_mem>>
      %dma_start3A = arith.constant 0 : i32
      %dma_start3A_134 = tpu.memref_slice %arg9[%run_scoped3A, %dma_start3A] : memref<80x128xf32, #tpu.memory_space<vmem>> -> memref<1x128xf32, #tpu.memory_space<vmem>>
      %dma_start3A_135 = tpu.memref_squeeze %dma_start3A_134 : memref<1x128xf32, #tpu.memory_space<vmem>> -> memref<128xf32, #tpu.memory_space<vmem>>
      %dma_start3A_136 = tpu.memref_slice %arg15[%add3A_55] : memref<10240xf32, #tpu.memory_space<vmem_shared>> -> memref<128xf32, #tpu.memory_space<vmem_shared>>
      %dma_start3A_137 = tpu.memref_slice %arg15[%add3A_55] : memref<10240xf32, #tpu.memory_space<vmem_shared>> -> memref<128xf32, #tpu.memory_space<vmem_shared>>
      %dma_start3A_138 = arith.constant 0 : i32
      %dma_start3A_139 = tpu.memref_slice %arg9[%run_scoped3A, %dma_start3A_138] : memref<80x128xf32, #tpu.memory_space<vmem>> -> memref<1x128xf32, #tpu.memory_space<vmem>>
      %dma_start3A_140 = tpu.memref_squeeze %dma_start3A_139 : memref<1x128xf32, #tpu.memory_space<vmem>> -> memref<128xf32, #tpu.memory_space<vmem>>
      tpu.enqueue_dma source(%dma_start3A_140 : memref<128xf32, #tpu.memory_space<vmem>>) target(%dma_start3A_137 : memref<128xf32, #tpu.memory_space<vmem_shared>>) target_semaphore(%run_scoped3A_133 : memref<!tpu.dma_semaphore, #tpu.memory_space<semaphore_mem>>)
      %dma_wait3A = arith.constant 0 : i32
      %dma_wait3A_141 = tpu.memref_slice %arg9[%run_scoped3A, %dma_wait3A] : memref<80x128xf32, #tpu.memory_space<vmem>> -> memref<1x128xf32, #tpu.memory_space<vmem>>
      %dma_wait3A_142 = tpu.memref_squeeze %dma_wait3A_141 : memref<1x128xf32, #tpu.memory_space<vmem>> -> memref<128xf32, #tpu.memory_space<vmem>>
      %dma_wait3A_143 = tpu.memref_slice %arg15[%add3A_55] : memref<10240xf32, #tpu.memory_space<vmem_shared>> -> memref<128xf32, #tpu.memory_space<vmem_shared>>
      %dma_wait3A_144 = tpu.memref_slice %arg15[%add3A_55] : memref<10240xf32, #tpu.memory_space<vmem_shared>> -> memref<128xf32, #tpu.memory_space<vmem_shared>>
      %dma_wait3A_145 = arith.constant 0 : i32
      %dma_wait3A_146 = tpu.memref_slice %arg9[%run_scoped3A, %dma_wait3A_145] : memref<80x128xf32, #tpu.memory_space<vmem>> -> memref<1x128xf32, #tpu.memory_space<vmem>>
      %dma_wait3A_147 = tpu.memref_squeeze %dma_wait3A_146 : memref<1x128xf32, #tpu.memory_space<vmem>> -> memref<128xf32, #tpu.memory_space<vmem>>
      tpu.wait_dma2 semaphore(%run_scoped3A_133 : memref<!tpu.dma_semaphore, #tpu.memory_space<semaphore_mem>>) src(%dma_wait3A_147 : memref<128xf32, #tpu.memory_space<vmem>>) dst(%dma_wait3A_144 : memref<128xf32, #tpu.memory_space<vmem_shared>>)
      tpu.yield
    }) : () -> ()
    %add3A_56 = arith.constant 128 : i32
    %add3A_57 = arith.addi %mul3A_37, %add3A_56 : i32
    %run_scoped3A_58 = arith.constant 0 : i32
    "tpu.region"() ({
      %run_scoped3A_133 = tpu.sem_alloc : memref<!tpu.dma_semaphore, #tpu.memory_space<semaphore_mem>>
      %dma_start3A = arith.constant 0 : i32
      %dma_start3A_134 = tpu.memref_slice %arg9[%run_scoped3A_58, %dma_start3A] : memref<80x128xf32, #tpu.memory_space<vmem>> -> memref<1x128xf32, #tpu.memory_space<vmem>>
      %dma_start3A_135 = tpu.memref_squeeze %dma_start3A_134 : memref<1x128xf32, #tpu.memory_space<vmem>> -> memref<128xf32, #tpu.memory_space<vmem>>
      %dma_start3A_136 = tpu.memref_slice %arg15[%add3A_57] : memref<10240xf32, #tpu.memory_space<vmem_shared>> -> memref<128xf32, #tpu.memory_space<vmem_shared>>
      %dma_start3A_137 = tpu.memref_slice %arg15[%add3A_57] : memref<10240xf32, #tpu.memory_space<vmem_shared>> -> memref<128xf32, #tpu.memory_space<vmem_shared>>
      %dma_start3A_138 = arith.constant 0 : i32
      %dma_start3A_139 = tpu.memref_slice %arg9[%run_scoped3A_58, %dma_start3A_138] : memref<80x128xf32, #tpu.memory_space<vmem>> -> memref<1x128xf32, #tpu.memory_space<vmem>>
      %dma_start3A_140 = tpu.memref_squeeze %dma_start3A_139 : memref<1x128xf32, #tpu.memory_space<vmem>> -> memref<128xf32, #tpu.memory_space<vmem>>
      tpu.enqueue_dma source(%dma_start3A_140 : memref<128xf32, #tpu.memory_space<vmem>>) target(%dma_start3A_137 : memref<128xf32, #tpu.memory_space<vmem_shared>>) target_semaphore(%run_scoped3A_133 : memref<!tpu.dma_semaphore, #tpu.memory_space<semaphore_mem>>)
      %dma_wait3A = arith.constant 0 : i32
      %dma_wait3A_141 = tpu.memref_slice %arg9[%run_scoped3A_58, %dma_wait3A] : memref<80x128xf32, #tpu.memory_space<vmem>> -> memref<1x128xf32, #tpu.memory_space<vmem>>
      %dma_wait3A_142 = tpu.memref_squeeze %dma_wait3A_141 : memref<1x128xf32, #tpu.memory_space<vmem>> -> memref<128xf32, #tpu.memory_space<vmem>>
      %dma_wait3A_143 = tpu.memref_slice %arg15[%add3A_57] : memref<10240xf32, #tpu.memory_space<vmem_shared>> -> memref<128xf32, #tpu.memory_space<vmem_shared>>
      %dma_wait3A_144 = tpu.memref_slice %arg15[%add3A_57] : memref<10240xf32, #tpu.memory_space<vmem_shared>> -> memref<128xf32, #tpu.memory_space<vmem_shared>>
      %dma_wait3A_145 = arith.constant 0 : i32
      %dma_wait3A_146 = tpu.memref_slice %arg9[%run_scoped3A_58, %dma_wait3A_145] : memref<80x128xf32, #tpu.memory_space<vmem>> -> memref<1x128xf32, #tpu.memory_space<vmem>>
      %dma_wait3A_147 = tpu.memref_squeeze %dma_wait3A_146 : memref<1x128xf32, #tpu.memory_space<vmem>> -> memref<128xf32, #tpu.memory_space<vmem>>
      tpu.wait_dma2 semaphore(%run_scoped3A_133 : memref<!tpu.dma_semaphore, #tpu.memory_space<semaphore_mem>>) src(%dma_wait3A_147 : memref<128xf32, #tpu.memory_space<vmem>>) dst(%dma_wait3A_144 : memref<128xf32, #tpu.memory_space<vmem_shared>>)
      tpu.yield
    }) : () -> ()
    %add3A_59 = arith.constant 256 : i32
    %add3A_60 = arith.addi %mul3A_37, %add3A_59 : i32
    %run_scoped3A_61 = arith.constant 0 : i32
    "tpu.region"() ({
      %run_scoped3A_133 = tpu.sem_alloc : memref<!tpu.dma_semaphore, #tpu.memory_space<semaphore_mem>>
      %dma_start3A = arith.constant 0 : i32
      %dma_start3A_134 = tpu.memref_slice %arg9[%run_scoped3A_61, %dma_start3A] : memref<80x128xf32, #tpu.memory_space<vmem>> -> memref<1x128xf32, #tpu.memory_space<vmem>>
      %dma_start3A_135 = tpu.memref_squeeze %dma_start3A_134 : memref<1x128xf32, #tpu.memory_space<vmem>> -> memref<128xf32, #tpu.memory_space<vmem>>
      %dma_start3A_136 = tpu.memref_slice %arg15[%add3A_60] : memref<10240xf32, #tpu.memory_space<vmem_shared>> -> memref<128xf32, #tpu.memory_space<vmem_shared>>
      %dma_start3A_137 = tpu.memref_slice %arg15[%add3A_60] : memref<10240xf32, #tpu.memory_space<vmem_shared>> -> memref<128xf32, #tpu.memory_space<vmem_shared>>
      %dma_start3A_138 = arith.constant 0 : i32
      %dma_start3A_139 = tpu.memref_slice %arg9[%run_scoped3A_61, %dma_start3A_138] : memref<80x128xf32, #tpu.memory_space<vmem>> -> memref<1x128xf32, #tpu.memory_space<vmem>>
      %dma_start3A_140 = tpu.memref_squeeze %dma_start3A_139 : memref<1x128xf32, #tpu.memory_space<vmem>> -> memref<128xf32, #tpu.memory_space<vmem>>
      tpu.enqueue_dma source(%dma_start3A_140 : memref<128xf32, #tpu.memory_space<vmem>>) target(%dma_start3A_137 : memref<128xf32, #tpu.memory_space<vmem_shared>>) target_semaphore(%run_scoped3A_133 : memref<!tpu.dma_semaphore, #tpu.memory_space<semaphore_mem>>)
      %dma_wait3A = arith.constant 0 : i32
      %dma_wait3A_141 = tpu.memref_slice %arg9[%run_scoped3A_61, %dma_wait3A] : memref<80x128xf32, #tpu.memory_space<vmem>> -> memref<1x128xf32, #tpu.memory_space<vmem>>
      %dma_wait3A_142 = tpu.memref_squeeze %dma_wait3A_141 : memref<1x128xf32, #tpu.memory_space<vmem>> -> memref<128xf32, #tpu.memory_space<vmem>>
      %dma_wait3A_143 = tpu.memref_slice %arg15[%add3A_60] : memref<10240xf32, #tpu.memory_space<vmem_shared>> -> memref<128xf32, #tpu.memory_space<vmem_shared>>
      %dma_wait3A_144 = tpu.memref_slice %arg15[%add3A_60] : memref<10240xf32, #tpu.memory_space<vmem_shared>> -> memref<128xf32, #tpu.memory_space<vmem_shared>>
      %dma_wait3A_145 = arith.constant 0 : i32
      %dma_wait3A_146 = tpu.memref_slice %arg9[%run_scoped3A_61, %dma_wait3A_145] : memref<80x128xf32, #tpu.memory_space<vmem>> -> memref<1x128xf32, #tpu.memory_space<vmem>>
      %dma_wait3A_147 = tpu.memref_squeeze %dma_wait3A_146 : memref<1x128xf32, #tpu.memory_space<vmem>> -> memref<128xf32, #tpu.memory_space<vmem>>
      tpu.wait_dma2 semaphore(%run_scoped3A_133 : memref<!tpu.dma_semaphore, #tpu.memory_space<semaphore_mem>>) src(%dma_wait3A_147 : memref<128xf32, #tpu.memory_space<vmem>>) dst(%dma_wait3A_144 : memref<128xf32, #tpu.memory_space<vmem_shared>>)
      tpu.yield
    }) : () -> ()
    %add3A_62 = arith.constant 384 : i32
    %add3A_63 = arith.addi %mul3A_37, %add3A_62 : i32
    %run_scoped3A_64 = arith.constant 0 : i32
    "tpu.region"() ({
      %run_scoped3A_133 = tpu.sem_alloc : memref<!tpu.dma_semaphore, #tpu.memory_space<semaphore_mem>>
      %dma_start3A = arith.constant 0 : i32
      %dma_start3A_134 = tpu.memref_slice %arg9[%run_scoped3A_64, %dma_start3A] : memref<80x128xf32, #tpu.memory_space<vmem>> -> memref<1x128xf32, #tpu.memory_space<vmem>>
      %dma_start3A_135 = tpu.memref_squeeze %dma_start3A_134 : memref<1x128xf32, #tpu.memory_space<vmem>> -> memref<128xf32, #tpu.memory_space<vmem>>
      %dma_start3A_136 = tpu.memref_slice %arg15[%add3A_63] : memref<10240xf32, #tpu.memory_space<vmem_shared>> -> memref<128xf32, #tpu.memory_space<vmem_shared>>
      %dma_start3A_137 = tpu.memref_slice %arg15[%add3A_63] : memref<10240xf32, #tpu.memory_space<vmem_shared>> -> memref<128xf32, #tpu.memory_space<vmem_shared>>
      %dma_start3A_138 = arith.constant 0 : i32
      %dma_start3A_139 = tpu.memref_slice %arg9[%run_scoped3A_64, %dma_start3A_138] : memref<80x128xf32, #tpu.memory_space<vmem>> -> memref<1x128xf32, #tpu.memory_space<vmem>>
      %dma_start3A_140 = tpu.memref_squeeze %dma_start3A_139 : memref<1x128xf32, #tpu.memory_space<vmem>> -> memref<128xf32, #tpu.memory_space<vmem>>
      tpu.enqueue_dma source(%dma_start3A_140 : memref<128xf32, #tpu.memory_space<vmem>>) target(%dma_start3A_137 : memref<128xf32, #tpu.memory_space<vmem_shared>>) target_semaphore(%run_scoped3A_133 : memref<!tpu.dma_semaphore, #tpu.memory_space<semaphore_mem>>)
      %dma_wait3A = arith.constant 0 : i32
      %dma_wait3A_141 = tpu.memref_slice %arg9[%run_scoped3A_64, %dma_wait3A] : memref<80x128xf32, #tpu.memory_space<vmem>> -> memref<1x128xf32, #tpu.memory_space<vmem>>
      %dma_wait3A_142 = tpu.memref_squeeze %dma_wait3A_141 : memref<1x128xf32, #tpu.memory_space<vmem>> -> memref<128xf32, #tpu.memory_space<vmem>>
      %dma_wait3A_143 = tpu.memref_slice %arg15[%add3A_63] : memref<10240xf32, #tpu.memory_space<vmem_shared>> -> memref<128xf32, #tpu.memory_space<vmem_shared>>
      %dma_wait3A_144 = tpu.memref_slice %arg15[%add3A_63] : memref<10240xf32, #tpu.memory_space<vmem_shared>> -> memref<128xf32, #tpu.memory_space<vmem_shared>>
      %dma_wait3A_145 = arith.constant 0 : i32
      %dma_wait3A_146 = tpu.memref_slice %arg9[%run_scoped3A_64, %dma_wait3A_145] : memref<80x128xf32, #tpu.memory_space<vmem>> -> memref<1x128xf32, #tpu.memory_space<vmem>>
      %dma_wait3A_147 = tpu.memref_squeeze %dma_wait3A_146 : memref<1x128xf32, #tpu.memory_space<vmem>> -> memref<128xf32, #tpu.memory_space<vmem>>
      tpu.wait_dma2 semaphore(%run_scoped3A_133 : memref<!tpu.dma_semaphore, #tpu.memory_space<semaphore_mem>>) src(%dma_wait3A_147 : memref<128xf32, #tpu.memory_space<vmem>>) dst(%dma_wait3A_144 : memref<128xf32, #tpu.memory_space<vmem_shared>>)
      tpu.yield
    }) : () -> ()
    %add3A_65 = arith.constant 512 : i32
    %add3A_66 = arith.addi %mul3A_37, %add3A_65 : i32
    %run_scoped3A_67 = arith.constant 0 : i32
    "tpu.region"() ({
      %run_scoped3A_133 = tpu.sem_alloc : memref<!tpu.dma_semaphore, #tpu.memory_space<semaphore_mem>>
      %dma_start3A = arith.constant 0 : i32
      %dma_start3A_134 = tpu.memref_slice %arg9[%run_scoped3A_67, %dma_start3A] : memref<80x128xf32, #tpu.memory_space<vmem>> -> memref<1x128xf32, #tpu.memory_space<vmem>>
      %dma_start3A_135 = tpu.memref_squeeze %dma_start3A_134 : memref<1x128xf32, #tpu.memory_space<vmem>> -> memref<128xf32, #tpu.memory_space<vmem>>
      %dma_start3A_136 = tpu.memref_slice %arg15[%add3A_66] : memref<10240xf32, #tpu.memory_space<vmem_shared>> -> memref<128xf32, #tpu.memory_space<vmem_shared>>
      %dma_start3A_137 = tpu.memref_slice %arg15[%add3A_66] : memref<10240xf32, #tpu.memory_space<vmem_shared>> -> memref<128xf32, #tpu.memory_space<vmem_shared>>
      %dma_start3A_138 = arith.constant 0 : i32
      %dma_start3A_139 = tpu.memref_slice %arg9[%run_scoped3A_67, %dma_start3A_138] : memref<80x128xf32, #tpu.memory_space<vmem>> -> memref<1x128xf32, #tpu.memory_space<vmem>>
      %dma_start3A_140 = tpu.memref_squeeze %dma_start3A_139 : memref<1x128xf32, #tpu.memory_space<vmem>> -> memref<128xf32, #tpu.memory_space<vmem>>
      tpu.enqueue_dma source(%dma_start3A_140 : memref<128xf32, #tpu.memory_space<vmem>>) target(%dma_start3A_137 : memref<128xf32, #tpu.memory_space<vmem_shared>>) target_semaphore(%run_scoped3A_133 : memref<!tpu.dma_semaphore, #tpu.memory_space<semaphore_mem>>)
      %dma_wait3A = arith.constant 0 : i32
      %dma_wait3A_141 = tpu.memref_slice %arg9[%run_scoped3A_67, %dma_wait3A] : memref<80x128xf32, #tpu.memory_space<vmem>> -> memref<1x128xf32, #tpu.memory_space<vmem>>
      %dma_wait3A_142 = tpu.memref_squeeze %dma_wait3A_141 : memref<1x128xf32, #tpu.memory_space<vmem>> -> memref<128xf32, #tpu.memory_space<vmem>>
      %dma_wait3A_143 = tpu.memref_slice %arg15[%add3A_66] : memref<10240xf32, #tpu.memory_space<vmem_shared>> -> memref<128xf32, #tpu.memory_space<vmem_shared>>
      %dma_wait3A_144 = tpu.memref_slice %arg15[%add3A_66] : memref<10240xf32, #tpu.memory_space<vmem_shared>> -> memref<128xf32, #tpu.memory_space<vmem_shared>>
      %dma_wait3A_145 = arith.constant 0 : i32
      %dma_wait3A_146 = tpu.memref_slice %arg9[%run_scoped3A_67, %dma_wait3A_145] : memref<80x128xf32, #tpu.memory_space<vmem>> -> memref<1x128xf32, #tpu.memory_space<vmem>>
      %dma_wait3A_147 = tpu.memref_squeeze %dma_wait3A_146 : memref<1x128xf32, #tpu.memory_space<vmem>> -> memref<128xf32, #tpu.memory_space<vmem>>
      tpu.wait_dma2 semaphore(%run_scoped3A_133 : memref<!tpu.dma_semaphore, #tpu.memory_space<semaphore_mem>>) src(%dma_wait3A_147 : memref<128xf32, #tpu.memory_space<vmem>>) dst(%dma_wait3A_144 : memref<128xf32, #tpu.memory_space<vmem_shared>>)
      tpu.yield
    }) : () -> ()
    %run_scoped3A_68 = arith.constant 0 : i32
    "tpu.region"() ({
      %run_scoped3A_133 = tpu.sem_alloc : memref<!tpu.dma_semaphore, #tpu.memory_space<semaphore_mem>>
      %dma_start3A = arith.constant 0 : i32
      %dma_start3A_134 = arith.constant 0 : i32
      %dma_start3A_135 = arith.constant 0 : i32
      %dma_start3A_136 = tpu.memref_slice %arg2[%add3A, %dma_start3A, %dma_start3A_134, %dma_start3A_135] : memref<32x8x16x80xi32, #tpu.memory_space<hbm>> -> memref<1x8x16x80xi32, #tpu.memory_space<hbm>>
      %dma_start3A_137 = tpu.memref_squeeze %dma_start3A_136 : memref<1x8x16x80xi32, #tpu.memory_space<hbm>> -> memref<8x16x80xi32, #tpu.memory_space<hbm>>
      %dma_start3A_138 = arith.constant 0 : i32
      %dma_start3A_139 = arith.constant 0 : i32
      %dma_start3A_140 = tpu.memref_slice %dma_start3A_137[%run_scoped3A_68, %dma_start3A_138, %dma_start3A_139] : memref<8x16x80xi32, #tpu.memory_space<hbm>> -> memref<1x16x80xi32, #tpu.memory_space<hbm>>
      %dma_start3A_141 = tpu.memref_squeeze %dma_start3A_140 : memref<1x16x80xi32, #tpu.memory_space<hbm>> -> memref<16x80xi32, #tpu.memory_space<hbm>>
      %dma_start3A_142 = arith.constant 0 : i32
      %dma_start3A_143 = arith.constant 0 : i32
      %dma_start3A_144 = arith.constant 0 : i32
      %dma_start3A_145 = tpu.memref_slice %arg2[%add3A, %dma_start3A_142, %dma_start3A_143, %dma_start3A_144] : memref<32x8x16x80xi32, #tpu.memory_space<hbm>> -> memref<1x8x16x80xi32, #tpu.memory_space<hbm>>
      %dma_start3A_146 = tpu.memref_squeeze %dma_start3A_145 : memref<1x8x16x80xi32, #tpu.memory_space<hbm>> -> memref<8x16x80xi32, #tpu.memory_space<hbm>>
      %dma_start3A_147 = arith.constant 0 : i32
      %dma_start3A_148 = arith.constant 0 : i32
      %dma_start3A_149 = tpu.memref_slice %dma_start3A_146[%run_scoped3A_68, %dma_start3A_147, %dma_start3A_148] : memref<8x16x80xi32, #tpu.memory_space<hbm>> -> memref<1x16x80xi32, #tpu.memory_space<hbm>>
      %dma_start3A_150 = tpu.memref_squeeze %dma_start3A_149 : memref<1x16x80xi32, #tpu.memory_space<hbm>> -> memref<16x80xi32, #tpu.memory_space<hbm>>
      tpu.enqueue_dma source(%dma_start3A_150 : memref<16x80xi32, #tpu.memory_space<hbm>>) target(%arg7 : memref<16x80xi32, #tpu.memory_space<vmem>>) target_semaphore(%run_scoped3A_133 : memref<!tpu.dma_semaphore, #tpu.memory_space<semaphore_mem>>)
      %dma_wait3A = arith.constant 0 : i32
      %dma_wait3A_151 = arith.constant 0 : i32
      %dma_wait3A_152 = arith.constant 0 : i32
      %dma_wait3A_153 = tpu.memref_slice %arg2[%add3A, %dma_wait3A, %dma_wait3A_151, %dma_wait3A_152] : memref<32x8x16x80xi32, #tpu.memory_space<hbm>> -> memref<1x8x16x80xi32, #tpu.memory_space<hbm>>
      %dma_wait3A_154 = tpu.memref_squeeze %dma_wait3A_153 : memref<1x8x16x80xi32, #tpu.memory_space<hbm>> -> memref<8x16x80xi32, #tpu.memory_space<hbm>>
      %dma_wait3A_155 = arith.constant 0 : i32
      %dma_wait3A_156 = arith.constant 0 : i32
      %dma_wait3A_157 = tpu.memref_slice %dma_wait3A_154[%run_scoped3A_68, %dma_wait3A_155, %dma_wait3A_156] : memref<8x16x80xi32, #tpu.memory_space<hbm>> -> memref<1x16x80xi32, #tpu.memory_space<hbm>>
      %dma_wait3A_158 = tpu.memref_squeeze %dma_wait3A_157 : memref<1x16x80xi32, #tpu.memory_space<hbm>> -> memref<16x80xi32, #tpu.memory_space<hbm>>
      %dma_wait3A_159 = arith.constant 0 : i32
      %dma_wait3A_160 = arith.constant 0 : i32
      %dma_wait3A_161 = arith.constant 0 : i32
      %dma_wait3A_162 = tpu.memref_slice %arg2[%add3A, %dma_wait3A_159, %dma_wait3A_160, %dma_wait3A_161] : memref<32x8x16x80xi32, #tpu.memory_space<hbm>> -> memref<1x8x16x80xi32, #tpu.memory_space<hbm>>
      %dma_wait3A_163 = tpu.memref_squeeze %dma_wait3A_162 : memref<1x8x16x80xi32, #tpu.memory_space<hbm>> -> memref<8x16x80xi32, #tpu.memory_space<hbm>>
      %dma_wait3A_164 = arith.constant 0 : i32
      %dma_wait3A_165 = arith.constant 0 : i32
      %dma_wait3A_166 = tpu.memref_slice %dma_wait3A_163[%run_scoped3A_68, %dma_wait3A_164, %dma_wait3A_165] : memref<8x16x80xi32, #tpu.memory_space<hbm>> -> memref<1x16x80xi32, #tpu.memory_space<hbm>>
      %dma_wait3A_167 = tpu.memref_squeeze %dma_wait3A_166 : memref<1x16x80xi32, #tpu.memory_space<hbm>> -> memref<16x80xi32, #tpu.memory_space<hbm>>
      tpu.wait_dma2 semaphore(%run_scoped3A_133 : memref<!tpu.dma_semaphore, #tpu.memory_space<semaphore_mem>>) src(%dma_wait3A_167 : memref<16x80xi32, #tpu.memory_space<hbm>>) dst(%arg7 : memref<16x80xi32, #tpu.memory_space<vmem>>)
      tpu.yield
    }) : () -> ()
    %run_scoped3A_69 = arith.constant 0 : i32
    "tpu.region"() ({
      %run_scoped3A_133 = tpu.sem_alloc : memref<!tpu.dma_semaphore, #tpu.memory_space<semaphore_mem>>
      %dma_start3A = arith.constant 0 : i32
      %dma_start3A_134 = arith.constant 0 : i32
      %dma_start3A_135 = arith.constant 0 : i32
      %dma_start3A_136 = tpu.memref_slice %arg3[%add3A, %dma_start3A, %dma_start3A_134, %dma_start3A_135] : memref<32x8x16x80xi32, #tpu.memory_space<hbm>> -> memref<1x8x16x80xi32, #tpu.memory_space<hbm>>
      %dma_start3A_137 = tpu.memref_squeeze %dma_start3A_136 : memref<1x8x16x80xi32, #tpu.memory_space<hbm>> -> memref<8x16x80xi32, #tpu.memory_space<hbm>>
      %dma_start3A_138 = arith.constant 0 : i32
      %dma_start3A_139 = arith.constant 0 : i32
      %dma_start3A_140 = tpu.memref_slice %dma_start3A_137[%run_scoped3A_69, %dma_start3A_138, %dma_start3A_139] : memref<8x16x80xi32, #tpu.memory_space<hbm>> -> memref<1x16x80xi32, #tpu.memory_space<hbm>>
      %dma_start3A_141 = tpu.memref_squeeze %dma_start3A_140 : memref<1x16x80xi32, #tpu.memory_space<hbm>> -> memref<16x80xi32, #tpu.memory_space<hbm>>
      %dma_start3A_142 = arith.constant 0 : i32
      %dma_start3A_143 = arith.constant 0 : i32
      %dma_start3A_144 = arith.constant 0 : i32
      %dma_start3A_145 = tpu.memref_slice %arg3[%add3A, %dma_start3A_142, %dma_start3A_143, %dma_start3A_144] : memref<32x8x16x80xi32, #tpu.memory_space<hbm>> -> memref<1x8x16x80xi32, #tpu.memory_space<hbm>>
      %dma_start3A_146 = tpu.memref_squeeze %dma_start3A_145 : memref<1x8x16x80xi32, #tpu.memory_space<hbm>> -> memref<8x16x80xi32, #tpu.memory_space<hbm>>
      %dma_start3A_147 = arith.constant 0 : i32
      %dma_start3A_148 = arith.constant 0 : i32
      %dma_start3A_149 = tpu.memref_slice %dma_start3A_146[%run_scoped3A_69, %dma_start3A_147, %dma_start3A_148] : memref<8x16x80xi32, #tpu.memory_space<hbm>> -> memref<1x16x80xi32, #tpu.memory_space<hbm>>
      %dma_start3A_150 = tpu.memref_squeeze %dma_start3A_149 : memref<1x16x80xi32, #tpu.memory_space<hbm>> -> memref<16x80xi32, #tpu.memory_space<hbm>>
      tpu.enqueue_dma source(%dma_start3A_150 : memref<16x80xi32, #tpu.memory_space<hbm>>) target(%arg8 : memref<16x80xi32, #tpu.memory_space<vmem>>) target_semaphore(%run_scoped3A_133 : memref<!tpu.dma_semaphore, #tpu.memory_space<semaphore_mem>>)
      %dma_wait3A = arith.constant 0 : i32
      %dma_wait3A_151 = arith.constant 0 : i32
      %dma_wait3A_152 = arith.constant 0 : i32
      %dma_wait3A_153 = tpu.memref_slice %arg3[%add3A, %dma_wait3A, %dma_wait3A_151, %dma_wait3A_152] : memref<32x8x16x80xi32, #tpu.memory_space<hbm>> -> memref<1x8x16x80xi32, #tpu.memory_space<hbm>>
      %dma_wait3A_154 = tpu.memref_squeeze %dma_wait3A_153 : memref<1x8x16x80xi32, #tpu.memory_space<hbm>> -> memref<8x16x80xi32, #tpu.memory_space<hbm>>
      %dma_wait3A_155 = arith.constant 0 : i32
      %dma_wait3A_156 = arith.constant 0 : i32
      %dma_wait3A_157 = tpu.memref_slice %dma_wait3A_154[%run_scoped3A_69, %dma_wait3A_155, %dma_wait3A_156] : memref<8x16x80xi32, #tpu.memory_space<hbm>> -> memref<1x16x80xi32, #tpu.memory_space<hbm>>
      %dma_wait3A_158 = tpu.memref_squeeze %dma_wait3A_157 : memref<1x16x80xi32, #tpu.memory_space<hbm>> -> memref<16x80xi32, #tpu.memory_space<hbm>>
      %dma_wait3A_159 = arith.constant 0 : i32
      %dma_wait3A_160 = arith.constant 0 : i32
      %dma_wait3A_161 = arith.constant 0 : i32
      %dma_wait3A_162 = tpu.memref_slice %arg3[%add3A, %dma_wait3A_159, %dma_wait3A_160, %dma_wait3A_161] : memref<32x8x16x80xi32, #tpu.memory_space<hbm>> -> memref<1x8x16x80xi32, #tpu.memory_space<hbm>>
      %dma_wait3A_163 = tpu.memref_squeeze %dma_wait3A_162 : memref<1x8x16x80xi32, #tpu.memory_space<hbm>> -> memref<8x16x80xi32, #tpu.memory_space<hbm>>
      %dma_wait3A_164 = arith.constant 0 : i32
      %dma_wait3A_165 = arith.constant 0 : i32
      %dma_wait3A_166 = tpu.memref_slice %dma_wait3A_163[%run_scoped3A_69, %dma_wait3A_164, %dma_wait3A_165] : memref<8x16x80xi32, #tpu.memory_space<hbm>> -> memref<1x16x80xi32, #tpu.memory_space<hbm>>
      %dma_wait3A_167 = tpu.memref_squeeze %dma_wait3A_166 : memref<1x16x80xi32, #tpu.memory_space<hbm>> -> memref<16x80xi32, #tpu.memory_space<hbm>>
      tpu.wait_dma2 semaphore(%run_scoped3A_133 : memref<!tpu.dma_semaphore, #tpu.memory_space<semaphore_mem>>) src(%dma_wait3A_167 : memref<16x80xi32, #tpu.memory_space<hbm>>) dst(%arg8 : memref<16x80xi32, #tpu.memory_space<vmem>>)
      tpu.yield
    }) : () -> ()
    %barrier3A = arith.constant 0 : index
    tpu.barrier barrier_id(%barrier3A)
    %scan3A_70 = arith.constant 0 : i32
    %scan3A_71 = arith.constant 0 : i32
    %scan3A_72 = arith.constant 4 : i32
    %scan3A_73 = arith.addi %scan3A_71, %scan3A_72 : i32
    %scan3A_74 = arith.constant 1 : i32
    scf.for %scan3A_133 = %scan3A_71 to %scan3A_73 step %scan3A_74  : i32 {
      %mul3A_134 = arith.constant 4 : i32
      %mul3A_135 = arith.muli %mul3A_134, %scan3A_133 : i32
      %add3A_136 = arith.constant 0 : i32
      %add3A_137 = arith.addi %mul3A_135, %add3A_136 : i32
      %dma_start3A = arith.constant 0 : i32
      %dma_start3A_138 = tpu.memref_slice %arg7[%add3A_137, %dma_start3A] : memref<16x80xi32, #tpu.memory_space<vmem>> -> memref<1x80xi32, #tpu.memory_space<vmem>>
      %dma_start3A_139 = tpu.memref_squeeze %dma_start3A_138 : memref<1x80xi32, #tpu.memory_space<vmem>> -> memref<80xi32, #tpu.memory_space<vmem>>
      %dma_start3A_140 = arith.constant 0 : i32
      %dma_start3A_141 = arith.constant 0 : i32
      %dma_start3A_142 = tpu.memref_slice %arg4[%dma_start3A_140, %dma_start3A_141] : memref<10000x128xf32, #tpu.memory_space<hbm>> -> memref<10000x128xf32, #tpu.memory_space<hbm>>
      tpu.enqueue_indirect_dma source(%dma_start3A_142 : memref<10000x128xf32, #tpu.memory_space<hbm>>) target(%arg9 : memref<80x128xf32, #tpu.memory_space<vmem>>) offsets(%dma_start3A_139 : memref<80xi32, #tpu.memory_space<vmem>>) semaphore(%arg16 : memref<!tpu.dma_semaphore, #tpu.memory_space<semaphore_mem>>)
      %add3A_143 = arith.constant 1 : i32
      %add3A_144 = arith.addi %mul3A_135, %add3A_143 : i32
      %dma_start3A_145 = arith.constant 0 : i32
      %dma_start3A_146 = tpu.memref_slice %arg7[%add3A_144, %dma_start3A_145] : memref<16x80xi32, #tpu.memory_space<vmem>> -> memref<1x80xi32, #tpu.memory_space<vmem>>
      %dma_start3A_147 = tpu.memref_squeeze %dma_start3A_146 : memref<1x80xi32, #tpu.memory_space<vmem>> -> memref<80xi32, #tpu.memory_space<vmem>>
      %dma_start3A_148 = arith.constant 0 : i32
      %dma_start3A_149 = arith.constant 0 : i32
      %dma_start3A_150 = tpu.memref_slice %arg4[%dma_start3A_148, %dma_start3A_149] : memref<10000x128xf32, #tpu.memory_space<hbm>> -> memref<10000x128xf32, #tpu.memory_space<hbm>>
      tpu.enqueue_indirect_dma source(%dma_start3A_150 : memref<10000x128xf32, #tpu.memory_space<hbm>>) target(%arg10 : memref<80x128xf32, #tpu.memory_space<vmem>>) offsets(%dma_start3A_147 : memref<80xi32, #tpu.memory_space<vmem>>) semaphore(%arg16 : memref<!tpu.dma_semaphore, #tpu.memory_space<semaphore_mem>>)
      %add3A_151 = arith.constant 2 : i32
      %add3A_152 = arith.addi %mul3A_135, %add3A_151 : i32
      %dma_start3A_153 = arith.constant 0 : i32
      %dma_start3A_154 = tpu.memref_slice %arg7[%add3A_152, %dma_start3A_153] : memref<16x80xi32, #tpu.memory_space<vmem>> -> memref<1x80xi32, #tpu.memory_space<vmem>>
      %dma_start3A_155 = tpu.memref_squeeze %dma_start3A_154 : memref<1x80xi32, #tpu.memory_space<vmem>> -> memref<80xi32, #tpu.memory_space<vmem>>
      %dma_start3A_156 = arith.constant 0 : i32
      %dma_start3A_157 = arith.constant 0 : i32
      %dma_start3A_158 = tpu.memref_slice %arg4[%dma_start3A_156, %dma_start3A_157] : memref<10000x128xf32, #tpu.memory_space<hbm>> -> memref<10000x128xf32, #tpu.memory_space<hbm>>
      tpu.enqueue_indirect_dma source(%dma_start3A_158 : memref<10000x128xf32, #tpu.memory_space<hbm>>) target(%arg11 : memref<80x128xf32, #tpu.memory_space<vmem>>) offsets(%dma_start3A_155 : memref<80xi32, #tpu.memory_space<vmem>>) semaphore(%arg16 : memref<!tpu.dma_semaphore, #tpu.memory_space<semaphore_mem>>)
      %add3A_159 = arith.constant 3 : i32
      %add3A_160 = arith.addi %mul3A_135, %add3A_159 : i32
      %dma_start3A_161 = arith.constant 0 : i32
      %dma_start3A_162 = tpu.memref_slice %arg7[%add3A_160, %dma_start3A_161] : memref<16x80xi32, #tpu.memory_space<vmem>> -> memref<1x80xi32, #tpu.memory_space<vmem>>
      %dma_start3A_163 = tpu.memref_squeeze %dma_start3A_162 : memref<1x80xi32, #tpu.memory_space<vmem>> -> memref<80xi32, #tpu.memory_space<vmem>>
      %dma_start3A_164 = arith.constant 0 : i32
      %dma_start3A_165 = arith.constant 0 : i32
      %dma_start3A_166 = tpu.memref_slice %arg4[%dma_start3A_164, %dma_start3A_165] : memref<10000x128xf32, #tpu.memory_space<hbm>> -> memref<10000x128xf32, #tpu.memory_space<hbm>>
      tpu.enqueue_indirect_dma source(%dma_start3A_166 : memref<10000x128xf32, #tpu.memory_space<hbm>>) target(%arg12 : memref<80x128xf32, #tpu.memory_space<vmem>>) offsets(%dma_start3A_163 : memref<80xi32, #tpu.memory_space<vmem>>) semaphore(%arg16 : memref<!tpu.dma_semaphore, #tpu.memory_space<semaphore_mem>>)
      %dma_wait3A = arith.constant 0 : i32
      %dma_wait3A_167 = tpu.memref_slice %arg7[%add3A_137, %dma_wait3A] : memref<16x80xi32, #tpu.memory_space<vmem>> -> memref<1x80xi32, #tpu.memory_space<vmem>>
      %dma_wait3A_168 = tpu.memref_squeeze %dma_wait3A_167 : memref<1x80xi32, #tpu.memory_space<vmem>> -> memref<80xi32, #tpu.memory_space<vmem>>
      %dma_wait3A_169 = arith.constant 0 : i32
      %dma_wait3A_170 = arith.constant 0 : i32
      %dma_wait3A_171 = tpu.memref_slice %arg4[%dma_wait3A_169, %dma_wait3A_170] : memref<10000x128xf32, #tpu.memory_space<hbm>> -> memref<10000x128xf32, #tpu.memory_space<hbm>>
      tpu.wait_indirect_dma semaphore(%arg16 : memref<!tpu.dma_semaphore, #tpu.memory_space<semaphore_mem>>) src(%dma_wait3A_171 : memref<10000x128xf32, #tpu.memory_space<hbm>>) dst(%arg9 : memref<80x128xf32, #tpu.memory_space<vmem>>)
      %dma_wait3A_172 = arith.constant 0 : i32
      %dma_wait3A_173 = tpu.memref_slice %arg7[%add3A_144, %dma_wait3A_172] : memref<16x80xi32, #tpu.memory_space<vmem>> -> memref<1x80xi32, #tpu.memory_space<vmem>>
      %dma_wait3A_174 = tpu.memref_squeeze %dma_wait3A_173 : memref<1x80xi32, #tpu.memory_space<vmem>> -> memref<80xi32, #tpu.memory_space<vmem>>
      %dma_wait3A_175 = arith.constant 0 : i32
      %dma_wait3A_176 = arith.constant 0 : i32
      %dma_wait3A_177 = tpu.memref_slice %arg4[%dma_wait3A_175, %dma_wait3A_176] : memref<10000x128xf32, #tpu.memory_space<hbm>> -> memref<10000x128xf32, #tpu.memory_space<hbm>>
      tpu.wait_indirect_dma semaphore(%arg16 : memref<!tpu.dma_semaphore, #tpu.memory_space<semaphore_mem>>) src(%dma_wait3A_177 : memref<10000x128xf32, #tpu.memory_space<hbm>>) dst(%arg10 : memref<80x128xf32, #tpu.memory_space<vmem>>)
      %dma_wait3A_178 = arith.constant 0 : i32
      %dma_wait3A_179 = tpu.memref_slice %arg7[%add3A_152, %dma_wait3A_178] : memref<16x80xi32, #tpu.memory_space<vmem>> -> memref<1x80xi32, #tpu.memory_space<vmem>>
      %dma_wait3A_180 = tpu.memref_squeeze %dma_wait3A_179 : memref<1x80xi32, #tpu.memory_space<vmem>> -> memref<80xi32, #tpu.memory_space<vmem>>
      %dma_wait3A_181 = arith.constant 0 : i32
      %dma_wait3A_182 = arith.constant 0 : i32
      %dma_wait3A_183 = tpu.memref_slice %arg4[%dma_wait3A_181, %dma_wait3A_182] : memref<10000x128xf32, #tpu.memory_space<hbm>> -> memref<10000x128xf32, #tpu.memory_space<hbm>>
      tpu.wait_indirect_dma semaphore(%arg16 : memref<!tpu.dma_semaphore, #tpu.memory_space<semaphore_mem>>) src(%dma_wait3A_183 : memref<10000x128xf32, #tpu.memory_space<hbm>>) dst(%arg11 : memref<80x128xf32, #tpu.memory_space<vmem>>)
      %dma_wait3A_184 = arith.constant 0 : i32
      %dma_wait3A_185 = tpu.memref_slice %arg7[%add3A_160, %dma_wait3A_184] : memref<16x80xi32, #tpu.memory_space<vmem>> -> memref<1x80xi32, #tpu.memory_space<vmem>>
      %dma_wait3A_186 = tpu.memref_squeeze %dma_wait3A_185 : memref<1x80xi32, #tpu.memory_space<vmem>> -> memref<80xi32, #tpu.memory_space<vmem>>
      %dma_wait3A_187 = arith.constant 0 : i32
      %dma_wait3A_188 = arith.constant 0 : i32
      %dma_wait3A_189 = tpu.memref_slice %arg4[%dma_wait3A_187, %dma_wait3A_188] : memref<10000x128xf32, #tpu.memory_space<hbm>> -> memref<10000x128xf32, #tpu.memory_space<hbm>>
      tpu.wait_indirect_dma semaphore(%arg16 : memref<!tpu.dma_semaphore, #tpu.memory_space<semaphore_mem>>) src(%dma_wait3A_189 : memref<10000x128xf32, #tpu.memory_space<hbm>>) dst(%arg12 : memref<80x128xf32, #tpu.memory_space<vmem>>)
      %add3A_190 = arith.constant 0 : i32
      %add3A_191 = arith.addi %mul3A_135, %add3A_190 : i32
      "tpu.region"() ({
        %run_scoped3A_206 = tpu.sem_alloc : memref<!tpu.dma_semaphore, #tpu.memory_space<semaphore_mem>>
        %dma_start3A_207 = arith.constant 0 : i32
        %dma_start3A_208 = tpu.memref_slice %arg8[%add3A_191, %dma_start3A_207] : memref<16x80xi32, #tpu.memory_space<vmem>> -> memref<1x80xi32, #tpu.memory_space<vmem>>
        %dma_start3A_209 = tpu.memref_squeeze %dma_start3A_208 : memref<1x80xi32, #tpu.memory_space<vmem>> -> memref<80xi32, #tpu.memory_space<vmem>>
        %dma_start3A_210 = arith.constant 0 : i32
        %dma_start3A_211 = arith.constant 0 : i32
        %dma_start3A_212 = tpu.memref_slice %arg14[%dma_start3A_210, %dma_start3A_211] : memref<10240x128xf32, #tpu.memory_space<vmem_shared>> -> memref<10240x128xf32, #tpu.memory_space<vmem_shared>>
        tpu.enqueue_indirect_dma source(%arg9 : memref<80x128xf32, #tpu.memory_space<vmem>>) target(%dma_start3A_212 : memref<10240x128xf32, #tpu.memory_space<vmem_shared>>) offsets(%dma_start3A_209 : memref<80xi32, #tpu.memory_space<vmem>>) semaphore(%run_scoped3A_206 : memref<!tpu.dma_semaphore, #tpu.memory_space<semaphore_mem>>) {add = true}
        %dma_wait3A_213 = arith.constant 0 : i32
        %dma_wait3A_214 = tpu.memref_slice %arg8[%add3A_191, %dma_wait3A_213] : memref<16x80xi32, #tpu.memory_space<vmem>> -> memref<1x80xi32, #tpu.memory_space<vmem>>
        %dma_wait3A_215 = tpu.memref_squeeze %dma_wait3A_214 : memref<1x80xi32, #tpu.memory_space<vmem>> -> memref<80xi32, #tpu.memory_space<vmem>>
        %dma_wait3A_216 = arith.constant 0 : i32
        %dma_wait3A_217 = arith.constant 0 : i32
        %dma_wait3A_218 = tpu.memref_slice %arg14[%dma_wait3A_216, %dma_wait3A_217] : memref<10240x128xf32, #tpu.memory_space<vmem_shared>> -> memref<10240x128xf32, #tpu.memory_space<vmem_shared>>
        tpu.wait_indirect_dma semaphore(%run_scoped3A_206 : memref<!tpu.dma_semaphore, #tpu.memory_space<semaphore_mem>>) src(%arg9 : memref<80x128xf32, #tpu.memory_space<vmem>>) dst(%dma_wait3A_218 : memref<10240x128xf32, #tpu.memory_space<vmem_shared>>)
        tpu.yield
      }) : () -> ()
      %add3A_192 = arith.constant 0 : i32
      %add3A_193 = arith.addi %mul3A_135, %add3A_192 : i32
      "tpu.region"() ({
        %run_scoped3A_206 = tpu.sem_alloc : memref<!tpu.dma_semaphore, #tpu.memory_space<semaphore_mem>>
        %dma_start3A_207 = arith.constant 0 : i32
        %dma_start3A_208 = tpu.memref_slice %arg8[%add3A_193, %dma_start3A_207] : memref<16x80xi32, #tpu.memory_space<vmem>> -> memref<1x80xi32, #tpu.memory_space<vmem>>
        %dma_start3A_209 = tpu.memref_squeeze %dma_start3A_208 : memref<1x80xi32, #tpu.memory_space<vmem>> -> memref<80xi32, #tpu.memory_space<vmem>>
        %dma_start3A_210 = arith.constant 0 : i32
        %dma_start3A_211 = tpu.memref_slice %arg15[%dma_start3A_210] : memref<10240xf32, #tpu.memory_space<vmem_shared>> -> memref<10240xf32, #tpu.memory_space<vmem_shared>>
        tpu.enqueue_indirect_dma source(%arg13 : memref<80xf32, #tpu.memory_space<vmem>>) target(%dma_start3A_211 : memref<10240xf32, #tpu.memory_space<vmem_shared>>) offsets(%dma_start3A_209 : memref<80xi32, #tpu.memory_space<vmem>>) semaphore(%run_scoped3A_206 : memref<!tpu.dma_semaphore, #tpu.memory_space<semaphore_mem>>) {add = true}
        %dma_wait3A_212 = arith.constant 0 : i32
        %dma_wait3A_213 = tpu.memref_slice %arg8[%add3A_193, %dma_wait3A_212] : memref<16x80xi32, #tpu.memory_space<vmem>> -> memref<1x80xi32, #tpu.memory_space<vmem>>
        %dma_wait3A_214 = tpu.memref_squeeze %dma_wait3A_213 : memref<1x80xi32, #tpu.memory_space<vmem>> -> memref<80xi32, #tpu.memory_space<vmem>>
        %dma_wait3A_215 = arith.constant 0 : i32
        %dma_wait3A_216 = tpu.memref_slice %arg15[%dma_wait3A_215] : memref<10240xf32, #tpu.memory_space<vmem_shared>> -> memref<10240xf32, #tpu.memory_space<vmem_shared>>
        tpu.wait_indirect_dma semaphore(%run_scoped3A_206 : memref<!tpu.dma_semaphore, #tpu.memory_space<semaphore_mem>>) src(%arg13 : memref<80xf32, #tpu.memory_space<vmem>>) dst(%dma_wait3A_216 : memref<10240xf32, #tpu.memory_space<vmem_shared>>)
        tpu.yield
      }) : () -> ()
      %add3A_194 = arith.constant 1 : i32
      %add3A_195 = arith.addi %mul3A_135, %add3A_194 : i32
      "tpu.region"() ({
        %run_scoped3A_206 = tpu.sem_alloc : memref<!tpu.dma_semaphore, #tpu.memory_space<semaphore_mem>>
        %dma_start3A_207 = arith.constant 0 : i32
        %dma_start3A_208 = tpu.memref_slice %arg8[%add3A_195, %dma_start3A_207] : memref<16x80xi32, #tpu.memory_space<vmem>> -> memref<1x80xi32, #tpu.memory_space<vmem>>
        %dma_start3A_209 = tpu.memref_squeeze %dma_start3A_208 : memref<1x80xi32, #tpu.memory_space<vmem>> -> memref<80xi32, #tpu.memory_space<vmem>>
        %dma_start3A_210 = arith.constant 0 : i32
        %dma_start3A_211 = arith.constant 0 : i32
        %dma_start3A_212 = tpu.memref_slice %arg14[%dma_start3A_210, %dma_start3A_211] : memref<10240x128xf32, #tpu.memory_space<vmem_shared>> -> memref<10240x128xf32, #tpu.memory_space<vmem_shared>>
        tpu.enqueue_indirect_dma source(%arg10 : memref<80x128xf32, #tpu.memory_space<vmem>>) target(%dma_start3A_212 : memref<10240x128xf32, #tpu.memory_space<vmem_shared>>) offsets(%dma_start3A_209 : memref<80xi32, #tpu.memory_space<vmem>>) semaphore(%run_scoped3A_206 : memref<!tpu.dma_semaphore, #tpu.memory_space<semaphore_mem>>) {add = true}
        %dma_wait3A_213 = arith.constant 0 : i32
        %dma_wait3A_214 = tpu.memref_slice %arg8[%add3A_195, %dma_wait3A_213] : memref<16x80xi32, #tpu.memory_space<vmem>> -> memref<1x80xi32, #tpu.memory_space<vmem>>
        %dma_wait3A_215 = tpu.memref_squeeze %dma_wait3A_214 : memref<1x80xi32, #tpu.memory_space<vmem>> -> memref<80xi32, #tpu.memory_space<vmem>>
        %dma_wait3A_216 = arith.constant 0 : i32
        %dma_wait3A_217 = arith.constant 0 : i32
        %dma_wait3A_218 = tpu.memref_slice %arg14[%dma_wait3A_216, %dma_wait3A_217] : memref<10240x128xf32, #tpu.memory_space<vmem_shared>> -> memref<10240x128xf32, #tpu.memory_space<vmem_shared>>
        tpu.wait_indirect_dma semaphore(%run_scoped3A_206 : memref<!tpu.dma_semaphore, #tpu.memory_space<semaphore_mem>>) src(%arg10 : memref<80x128xf32, #tpu.memory_space<vmem>>) dst(%dma_wait3A_218 : memref<10240x128xf32, #tpu.memory_space<vmem_shared>>)
        tpu.yield
      }) : () -> ()
      %add3A_196 = arith.constant 1 : i32
      %add3A_197 = arith.addi %mul3A_135, %add3A_196 : i32
      "tpu.region"() ({
        %run_scoped3A_206 = tpu.sem_alloc : memref<!tpu.dma_semaphore, #tpu.memory_space<semaphore_mem>>
        %dma_start3A_207 = arith.constant 0 : i32
        %dma_start3A_208 = tpu.memref_slice %arg8[%add3A_197, %dma_start3A_207] : memref<16x80xi32, #tpu.memory_space<vmem>> -> memref<1x80xi32, #tpu.memory_space<vmem>>
        %dma_start3A_209 = tpu.memref_squeeze %dma_start3A_208 : memref<1x80xi32, #tpu.memory_space<vmem>> -> memref<80xi32, #tpu.memory_space<vmem>>
        %dma_start3A_210 = arith.constant 0 : i32
        %dma_start3A_211 = tpu.memref_slice %arg15[%dma_start3A_210] : memref<10240xf32, #tpu.memory_space<vmem_shared>> -> memref<10240xf32, #tpu.memory_space<vmem_shared>>
        tpu.enqueue_indirect_dma source(%arg13 : memref<80xf32, #tpu.memory_space<vmem>>) target(%dma_start3A_211 : memref<10240xf32, #tpu.memory_space<vmem_shared>>) offsets(%dma_start3A_209 : memref<80xi32, #tpu.memory_space<vmem>>) semaphore(%run_scoped3A_206 : memref<!tpu.dma_semaphore, #tpu.memory_space<semaphore_mem>>) {add = true}
        %dma_wait3A_212 = arith.constant 0 : i32
        %dma_wait3A_213 = tpu.memref_slice %arg8[%add3A_197, %dma_wait3A_212] : memref<16x80xi32, #tpu.memory_space<vmem>> -> memref<1x80xi32, #tpu.memory_space<vmem>>
        %dma_wait3A_214 = tpu.memref_squeeze %dma_wait3A_213 : memref<1x80xi32, #tpu.memory_space<vmem>> -> memref<80xi32, #tpu.memory_space<vmem>>
        %dma_wait3A_215 = arith.constant 0 : i32
        %dma_wait3A_216 = tpu.memref_slice %arg15[%dma_wait3A_215] : memref<10240xf32, #tpu.memory_space<vmem_shared>> -> memref<10240xf32, #tpu.memory_space<vmem_shared>>
        tpu.wait_indirect_dma semaphore(%run_scoped3A_206 : memref<!tpu.dma_semaphore, #tpu.memory_space<semaphore_mem>>) src(%arg13 : memref<80xf32, #tpu.memory_space<vmem>>) dst(%dma_wait3A_216 : memref<10240xf32, #tpu.memory_space<vmem_shared>>)
        tpu.yield
      }) : () -> ()
      %add3A_198 = arith.constant 2 : i32
      %add3A_199 = arith.addi %mul3A_135, %add3A_198 : i32
      "tpu.region"() ({
        %run_scoped3A_206 = tpu.sem_alloc : memref<!tpu.dma_semaphore, #tpu.memory_space<semaphore_mem>>
        %dma_start3A_207 = arith.constant 0 : i32
        %dma_start3A_208 = tpu.memref_slice %arg8[%add3A_199, %dma_start3A_207] : memref<16x80xi32, #tpu.memory_space<vmem>> -> memref<1x80xi32, #tpu.memory_space<vmem>>
        %dma_start3A_209 = tpu.memref_squeeze %dma_start3A_208 : memref<1x80xi32, #tpu.memory_space<vmem>> -> memref<80xi32, #tpu.memory_space<vmem>>
        %dma_start3A_210 = arith.constant 0 : i32
        %dma_start3A_211 = arith.constant 0 : i32
        %dma_start3A_212 = tpu.memref_slice %arg14[%dma_start3A_210, %dma_start3A_211] : memref<10240x128xf32, #tpu.memory_space<vmem_shared>> -> memref<10240x128xf32, #tpu.memory_space<vmem_shared>>
        tpu.enqueue_indirect_dma source(%arg11 : memref<80x128xf32, #tpu.memory_space<vmem>>) target(%dma_start3A_212 : memref<10240x128xf32, #tpu.memory_space<vmem_shared>>) offsets(%dma_start3A_209 : memref<80xi32, #tpu.memory_space<vmem>>) semaphore(%run_scoped3A_206 : memref<!tpu.dma_semaphore, #tpu.memory_space<semaphore_mem>>) {add = true}
        %dma_wait3A_213 = arith.constant 0 : i32
        %dma_wait3A_214 = tpu.memref_slice %arg8[%add3A_199, %dma_wait3A_213] : memref<16x80xi32, #tpu.memory_space<vmem>> -> memref<1x80xi32, #tpu.memory_space<vmem>>
        %dma_wait3A_215 = tpu.memref_squeeze %dma_wait3A_214 : memref<1x80xi32, #tpu.memory_space<vmem>> -> memref<80xi32, #tpu.memory_space<vmem>>
        %dma_wait3A_216 = arith.constant 0 : i32
        %dma_wait3A_217 = arith.constant 0 : i32
        %dma_wait3A_218 = tpu.memref_slice %arg14[%dma_wait3A_216, %dma_wait3A_217] : memref<10240x128xf32, #tpu.memory_space<vmem_shared>> -> memref<10240x128xf32, #tpu.memory_space<vmem_shared>>
        tpu.wait_indirect_dma semaphore(%run_scoped3A_206 : memref<!tpu.dma_semaphore, #tpu.memory_space<semaphore_mem>>) src(%arg11 : memref<80x128xf32, #tpu.memory_space<vmem>>) dst(%dma_wait3A_218 : memref<10240x128xf32, #tpu.memory_space<vmem_shared>>)
        tpu.yield
      }) : () -> ()
      %add3A_200 = arith.constant 2 : i32
      %add3A_201 = arith.addi %mul3A_135, %add3A_200 : i32
      "tpu.region"() ({
        %run_scoped3A_206 = tpu.sem_alloc : memref<!tpu.dma_semaphore, #tpu.memory_space<semaphore_mem>>
        %dma_start3A_207 = arith.constant 0 : i32
        %dma_start3A_208 = tpu.memref_slice %arg8[%add3A_201, %dma_start3A_207] : memref<16x80xi32, #tpu.memory_space<vmem>> -> memref<1x80xi32, #tpu.memory_space<vmem>>
        %dma_start3A_209 = tpu.memref_squeeze %dma_start3A_208 : memref<1x80xi32, #tpu.memory_space<vmem>> -> memref<80xi32, #tpu.memory_space<vmem>>
        %dma_start3A_210 = arith.constant 0 : i32
        %dma_start3A_211 = tpu.memref_slice %arg15[%dma_start3A_210] : memref<10240xf32, #tpu.memory_space<vmem_shared>> -> memref<10240xf32, #tpu.memory_space<vmem_shared>>
        tpu.enqueue_indirect_dma source(%arg13 : memref<80xf32, #tpu.memory_space<vmem>>) target(%dma_start3A_211 : memref<10240xf32, #tpu.memory_space<vmem_shared>>) offsets(%dma_start3A_209 : memref<80xi32, #tpu.memory_space<vmem>>) semaphore(%run_scoped3A_206 : memref<!tpu.dma_semaphore, #tpu.memory_space<semaphore_mem>>) {add = true}
        %dma_wait3A_212 = arith.constant 0 : i32
        %dma_wait3A_213 = tpu.memref_slice %arg8[%add3A_201, %dma_wait3A_212] : memref<16x80xi32, #tpu.memory_space<vmem>> -> memref<1x80xi32, #tpu.memory_space<vmem>>
        %dma_wait3A_214 = tpu.memref_squeeze %dma_wait3A_213 : memref<1x80xi32, #tpu.memory_space<vmem>> -> memref<80xi32, #tpu.memory_space<vmem>>
        %dma_wait3A_215 = arith.constant 0 : i32
        %dma_wait3A_216 = tpu.memref_slice %arg15[%dma_wait3A_215] : memref<10240xf32, #tpu.memory_space<vmem_shared>> -> memref<10240xf32, #tpu.memory_space<vmem_shared>>
        tpu.wait_indirect_dma semaphore(%run_scoped3A_206 : memref<!tpu.dma_semaphore, #tpu.memory_space<semaphore_mem>>) src(%arg13 : memref<80xf32, #tpu.memory_space<vmem>>) dst(%dma_wait3A_216 : memref<10240xf32, #tpu.memory_space<vmem_shared>>)
        tpu.yield
      }) : () -> ()
      %add3A_202 = arith.constant 3 : i32
      %add3A_203 = arith.addi %mul3A_135, %add3A_202 : i32
      "tpu.region"() ({
        %run_scoped3A_206 = tpu.sem_alloc : memref<!tpu.dma_semaphore, #tpu.memory_space<semaphore_mem>>
        %dma_start3A_207 = arith.constant 0 : i32
        %dma_start3A_208 = tpu.memref_slice %arg8[%add3A_203, %dma_start3A_207] : memref<16x80xi32, #tpu.memory_space<vmem>> -> memref<1x80xi32, #tpu.memory_space<vmem>>
        %dma_start3A_209 = tpu.memref_squeeze %dma_start3A_208 : memref<1x80xi32, #tpu.memory_space<vmem>> -> memref<80xi32, #tpu.memory_space<vmem>>
        %dma_start3A_210 = arith.constant 0 : i32
        %dma_start3A_211 = arith.constant 0 : i32
        %dma_start3A_212 = tpu.memref_slice %arg14[%dma_start3A_210, %dma_start3A_211] : memref<10240x128xf32, #tpu.memory_space<vmem_shared>> -> memref<10240x128xf32, #tpu.memory_space<vmem_shared>>
        tpu.enqueue_indirect_dma source(%arg12 : memref<80x128xf32, #tpu.memory_space<vmem>>) target(%dma_start3A_212 : memref<10240x128xf32, #tpu.memory_space<vmem_shared>>) offsets(%dma_start3A_209 : memref<80xi32, #tpu.memory_space<vmem>>) semaphore(%run_scoped3A_206 : memref<!tpu.dma_semaphore, #tpu.memory_space<semaphore_mem>>) {add = true}
        %dma_wait3A_213 = arith.constant 0 : i32
        %dma_wait3A_214 = tpu.memref_slice %arg8[%add3A_203, %dma_wait3A_213] : memref<16x80xi32, #tpu.memory_space<vmem>> -> memref<1x80xi32, #tpu.memory_space<vmem>>
        %dma_wait3A_215 = tpu.memref_squeeze %dma_wait3A_214 : memref<1x80xi32, #tpu.memory_space<vmem>> -> memref<80xi32, #tpu.memory_space<vmem>>
        %dma_wait3A_216 = arith.constant 0 : i32
        %dma_wait3A_217 = arith.constant 0 : i32
        %dma_wait3A_218 = tpu.memref_slice %arg14[%dma_wait3A_216, %dma_wait3A_217] : memref<10240x128xf32, #tpu.memory_space<vmem_shared>> -> memref<10240x128xf32, #tpu.memory_space<vmem_shared>>
        tpu.wait_indirect_dma semaphore(%run_scoped3A_206 : memref<!tpu.dma_semaphore, #tpu.memory_space<semaphore_mem>>) src(%arg12 : memref<80x128xf32, #tpu.memory_space<vmem>>) dst(%dma_wait3A_218 : memref<10240x128xf32, #tpu.memory_space<vmem_shared>>)
        tpu.yield
      }) : () -> ()
      %add3A_204 = arith.constant 3 : i32
      %add3A_205 = arith.addi %mul3A_135, %add3A_204 : i32
      "tpu.region"() ({
        %run_scoped3A_206 = tpu.sem_alloc : memref<!tpu.dma_semaphore, #tpu.memory_space<semaphore_mem>>
        %dma_start3A_207 = arith.constant 0 : i32
        %dma_start3A_208 = tpu.memref_slice %arg8[%add3A_205, %dma_start3A_207] : memref<16x80xi32, #tpu.memory_space<vmem>> -> memref<1x80xi32, #tpu.memory_space<vmem>>
        %dma_start3A_209 = tpu.memref_squeeze %dma_start3A_208 : memref<1x80xi32, #tpu.memory_space<vmem>> -> memref<80xi32, #tpu.memory_space<vmem>>
        %dma_start3A_210 = arith.constant 0 : i32
        %dma_start3A_211 = tpu.memref_slice %arg15[%dma_start3A_210] : memref<10240xf32, #tpu.memory_space<vmem_shared>> -> memref<10240xf32, #tpu.memory_space<vmem_shared>>
        tpu.enqueue_indirect_dma source(%arg13 : memref<80xf32, #tpu.memory_space<vmem>>) target(%dma_start3A_211 : memref<10240xf32, #tpu.memory_space<vmem_shared>>) offsets(%dma_start3A_209 : memref<80xi32, #tpu.memory_space<vmem>>) semaphore(%run_scoped3A_206 : memref<!tpu.dma_semaphore, #tpu.memory_space<semaphore_mem>>) {add = true}
        %dma_wait3A_212 = arith.constant 0 : i32
        %dma_wait3A_213 = tpu.memref_slice %arg8[%add3A_205, %dma_wait3A_212] : memref<16x80xi32, #tpu.memory_space<vmem>> -> memref<1x80xi32, #tpu.memory_space<vmem>>
        %dma_wait3A_214 = tpu.memref_squeeze %dma_wait3A_213 : memref<1x80xi32, #tpu.memory_space<vmem>> -> memref<80xi32, #tpu.memory_space<vmem>>
        %dma_wait3A_215 = arith.constant 0 : i32
        %dma_wait3A_216 = tpu.memref_slice %arg15[%dma_wait3A_215] : memref<10240xf32, #tpu.memory_space<vmem_shared>> -> memref<10240xf32, #tpu.memory_space<vmem_shared>>
        tpu.wait_indirect_dma semaphore(%run_scoped3A_206 : memref<!tpu.dma_semaphore, #tpu.memory_space<semaphore_mem>>) src(%arg13 : memref<80xf32, #tpu.memory_space<vmem>>) dst(%dma_wait3A_216 : memref<10240xf32, #tpu.memory_space<vmem_shared>>)
        tpu.yield
      }) : () -> ()
    }
    %scan3A_75 = arith.constant 4 : i32
    %run_scoped3A_76 = arith.constant 1 : i32
    "tpu.region"() ({
      %run_scoped3A_133 = tpu.sem_alloc : memref<!tpu.dma_semaphore, #tpu.memory_space<semaphore_mem>>
      %dma_start3A = arith.constant 0 : i32
      %dma_start3A_134 = arith.constant 0 : i32
      %dma_start3A_135 = arith.constant 0 : i32
      %dma_start3A_136 = tpu.memref_slice %arg2[%add3A, %dma_start3A, %dma_start3A_134, %dma_start3A_135] : memref<32x8x16x80xi32, #tpu.memory_space<hbm>> -> memref<1x8x16x80xi32, #tpu.memory_space<hbm>>
      %dma_start3A_137 = tpu.memref_squeeze %dma_start3A_136 : memref<1x8x16x80xi32, #tpu.memory_space<hbm>> -> memref<8x16x80xi32, #tpu.memory_space<hbm>>
      %dma_start3A_138 = arith.constant 0 : i32
      %dma_start3A_139 = arith.constant 0 : i32
      %dma_start3A_140 = tpu.memref_slice %dma_start3A_137[%run_scoped3A_76, %dma_start3A_138, %dma_start3A_139] : memref<8x16x80xi32, #tpu.memory_space<hbm>> -> memref<1x16x80xi32, #tpu.memory_space<hbm>>
      %dma_start3A_141 = tpu.memref_squeeze %dma_start3A_140 : memref<1x16x80xi32, #tpu.memory_space<hbm>> -> memref<16x80xi32, #tpu.memory_space<hbm>>
      %dma_start3A_142 = arith.constant 0 : i32
      %dma_start3A_143 = arith.constant 0 : i32
      %dma_start3A_144 = arith.constant 0 : i32
      %dma_start3A_145 = tpu.memref_slice %arg2[%add3A, %dma_start3A_142, %dma_start3A_143, %dma_start3A_144] : memref<32x8x16x80xi32, #tpu.memory_space<hbm>> -> memref<1x8x16x80xi32, #tpu.memory_space<hbm>>
      %dma_start3A_146 = tpu.memref_squeeze %dma_start3A_145 : memref<1x8x16x80xi32, #tpu.memory_space<hbm>> -> memref<8x16x80xi32, #tpu.memory_space<hbm>>
      %dma_start3A_147 = arith.constant 0 : i32
      %dma_start3A_148 = arith.constant 0 : i32
      %dma_start3A_149 = tpu.memref_slice %dma_start3A_146[%run_scoped3A_76, %dma_start3A_147, %dma_start3A_148] : memref<8x16x80xi32, #tpu.memory_space<hbm>> -> memref<1x16x80xi32, #tpu.memory_space<hbm>>
      %dma_start3A_150 = tpu.memref_squeeze %dma_start3A_149 : memref<1x16x80xi32, #tpu.memory_space<hbm>> -> memref<16x80xi32, #tpu.memory_space<hbm>>
      tpu.enqueue_dma source(%dma_start3A_150 : memref<16x80xi32, #tpu.memory_space<hbm>>) target(%arg7 : memref<16x80xi32, #tpu.memory_space<vmem>>) target_semaphore(%run_scoped3A_133 : memref<!tpu.dma_semaphore, #tpu.memory_space<semaphore_mem>>)
      %dma_wait3A = arith.constant 0 : i32
      %dma_wait3A_151 = arith.constant 0 : i32
      %dma_wait3A_152 = arith.constant 0 : i32
      %dma_wait3A_153 = tpu.memref_slice %arg2[%add3A, %dma_wait3A, %dma_wait3A_151, %dma_wait3A_152] : memref<32x8x16x80xi32, #tpu.memory_space<hbm>> -> memref<1x8x16x80xi32, #tpu.memory_space<hbm>>
      %dma_wait3A_154 = tpu.memref_squeeze %dma_wait3A_153 : memref<1x8x16x80xi32, #tpu.memory_space<hbm>> -> memref<8x16x80xi32, #tpu.memory_space<hbm>>
      %dma_wait3A_155 = arith.constant 0 : i32
      %dma_wait3A_156 = arith.constant 0 : i32
      %dma_wait3A_157 = tpu.memref_slice %dma_wait3A_154[%run_scoped3A_76, %dma_wait3A_155, %dma_wait3A_156] : memref<8x16x80xi32, #tpu.memory_space<hbm>> -> memref<1x16x80xi32, #tpu.memory_space<hbm>>
      %dma_wait3A_158 = tpu.memref_squeeze %dma_wait3A_157 : memref<1x16x80xi32, #tpu.memory_space<hbm>> -> memref<16x80xi32, #tpu.memory_space<hbm>>
      %dma_wait3A_159 = arith.constant 0 : i32
      %dma_wait3A_160 = arith.constant 0 : i32
      %dma_wait3A_161 = arith.constant 0 : i32
      %dma_wait3A_162 = tpu.memref_slice %arg2[%add3A, %dma_wait3A_159, %dma_wait3A_160, %dma_wait3A_161] : memref<32x8x16x80xi32, #tpu.memory_space<hbm>> -> memref<1x8x16x80xi32, #tpu.memory_space<hbm>>
      %dma_wait3A_163 = tpu.memref_squeeze %dma_wait3A_162 : memref<1x8x16x80xi32, #tpu.memory_space<hbm>> -> memref<8x16x80xi32, #tpu.memory_space<hbm>>
      %dma_wait3A_164 = arith.constant 0 : i32
      %dma_wait3A_165 = arith.constant 0 : i32
      %dma_wait3A_166 = tpu.memref_slice %dma_wait3A_163[%run_scoped3A_76, %dma_wait3A_164, %dma_wait3A_165] : memref<8x16x80xi32, #tpu.memory_space<hbm>> -> memref<1x16x80xi32, #tpu.memory_space<hbm>>
      %dma_wait3A_167 = tpu.memref_squeeze %dma_wait3A_166 : memref<1x16x80xi32, #tpu.memory_space<hbm>> -> memref<16x80xi32, #tpu.memory_space<hbm>>
      tpu.wait_dma2 semaphore(%run_scoped3A_133 : memref<!tpu.dma_semaphore, #tpu.memory_space<semaphore_mem>>) src(%dma_wait3A_167 : memref<16x80xi32, #tpu.memory_space<hbm>>) dst(%arg7 : memref<16x80xi32, #tpu.memory_space<vmem>>)
      tpu.yield
    }) : () -> ()
    %run_scoped3A_77 = arith.constant 1 : i32
    "tpu.region"() ({
      %run_scoped3A_133 = tpu.sem_alloc : memref<!tpu.dma_semaphore, #tpu.memory_space<semaphore_mem>>
      %dma_start3A = arith.constant 0 : i32
      %dma_start3A_134 = arith.constant 0 : i32
      %dma_start3A_135 = arith.constant 0 : i32
      %dma_start3A_136 = tpu.memref_slice %arg3[%add3A, %dma_start3A, %dma_start3A_134, %dma_start3A_135] : memref<32x8x16x80xi32, #tpu.memory_space<hbm>> -> memref<1x8x16x80xi32, #tpu.memory_space<hbm>>
      %dma_start3A_137 = tpu.memref_squeeze %dma_start3A_136 : memref<1x8x16x80xi32, #tpu.memory_space<hbm>> -> memref<8x16x80xi32, #tpu.memory_space<hbm>>
      %dma_start3A_138 = arith.constant 0 : i32
      %dma_start3A_139 = arith.constant 0 : i32
      %dma_start3A_140 = tpu.memref_slice %dma_start3A_137[%run_scoped3A_77, %dma_start3A_138, %dma_start3A_139] : memref<8x16x80xi32, #tpu.memory_space<hbm>> -> memref<1x16x80xi32, #tpu.memory_space<hbm>>
      %dma_start3A_141 = tpu.memref_squeeze %dma_start3A_140 : memref<1x16x80xi32, #tpu.memory_space<hbm>> -> memref<16x80xi32, #tpu.memory_space<hbm>>
      %dma_start3A_142 = arith.constant 0 : i32
      %dma_start3A_143 = arith.constant 0 : i32
      %dma_start3A_144 = arith.constant 0 : i32
      %dma_start3A_145 = tpu.memref_slice %arg3[%add3A, %dma_start3A_142, %dma_start3A_143, %dma_start3A_144] : memref<32x8x16x80xi32, #tpu.memory_space<hbm>> -> memref<1x8x16x80xi32, #tpu.memory_space<hbm>>
      %dma_start3A_146 = tpu.memref_squeeze %dma_start3A_145 : memref<1x8x16x80xi32, #tpu.memory_space<hbm>> -> memref<8x16x80xi32, #tpu.memory_space<hbm>>
      %dma_start3A_147 = arith.constant 0 : i32
      %dma_start3A_148 = arith.constant 0 : i32
      %dma_start3A_149 = tpu.memref_slice %dma_start3A_146[%run_scoped3A_77, %dma_start3A_147, %dma_start3A_148] : memref<8x16x80xi32, #tpu.memory_space<hbm>> -> memref<1x16x80xi32, #tpu.memory_space<hbm>>
      %dma_start3A_150 = tpu.memref_squeeze %dma_start3A_149 : memref<1x16x80xi32, #tpu.memory_space<hbm>> -> memref<16x80xi32, #tpu.memory_space<hbm>>
      tpu.enqueue_dma source(%dma_start3A_150 : memref<16x80xi32, #tpu.memory_space<hbm>>) target(%arg8 : memref<16x80xi32, #tpu.memory_space<vmem>>) target_semaphore(%run_scoped3A_133 : memref<!tpu.dma_semaphore, #tpu.memory_space<semaphore_mem>>)
      %dma_wait3A = arith.constant 0 : i32
      %dma_wait3A_151 = arith.constant 0 : i32
      %dma_wait3A_152 = arith.constant 0 : i32
      %dma_wait3A_153 = tpu.memref_slice %arg3[%add3A, %dma_wait3A, %dma_wait3A_151, %dma_wait3A_152] : memref<32x8x16x80xi32, #tpu.memory_space<hbm>> -> memref<1x8x16x80xi32, #tpu.memory_space<hbm>>
      %dma_wait3A_154 = tpu.memref_squeeze %dma_wait3A_153 : memref<1x8x16x80xi32, #tpu.memory_space<hbm>> -> memref<8x16x80xi32, #tpu.memory_space<hbm>>
      %dma_wait3A_155 = arith.constant 0 : i32
      %dma_wait3A_156 = arith.constant 0 : i32
      %dma_wait3A_157 = tpu.memref_slice %dma_wait3A_154[%run_scoped3A_77, %dma_wait3A_155, %dma_wait3A_156] : memref<8x16x80xi32, #tpu.memory_space<hbm>> -> memref<1x16x80xi32, #tpu.memory_space<hbm>>
      %dma_wait3A_158 = tpu.memref_squeeze %dma_wait3A_157 : memref<1x16x80xi32, #tpu.memory_space<hbm>> -> memref<16x80xi32, #tpu.memory_space<hbm>>
      %dma_wait3A_159 = arith.constant 0 : i32
      %dma_wait3A_160 = arith.constant 0 : i32
      %dma_wait3A_161 = arith.constant 0 : i32
      %dma_wait3A_162 = tpu.memref_slice %arg3[%add3A, %dma_wait3A_159, %dma_wait3A_160, %dma_wait3A_161] : memref<32x8x16x80xi32, #tpu.memory_space<hbm>> -> memref<1x8x16x80xi32, #tpu.memory_space<hbm>>
      %dma_wait3A_163 = tpu.memref_squeeze %dma_wait3A_162 : memref<1x8x16x80xi32, #tpu.memory_space<hbm>> -> memref<8x16x80xi32, #tpu.memory_space<hbm>>
      %dma_wait3A_164 = arith.constant 0 : i32
      %dma_wait3A_165 = arith.constant 0 : i32
      %dma_wait3A_166 = tpu.memref_slice %dma_wait3A_163[%run_scoped3A_77, %dma_wait3A_164, %dma_wait3A_165] : memref<8x16x80xi32, #tpu.memory_space<hbm>> -> memref<1x16x80xi32, #tpu.memory_space<hbm>>
      %dma_wait3A_167 = tpu.memref_squeeze %dma_wait3A_166 : memref<1x16x80xi32, #tpu.memory_space<hbm>> -> memref<16x80xi32, #tpu.memory_space<hbm>>
      tpu.wait_dma2 semaphore(%run_scoped3A_133 : memref<!tpu.dma_semaphore, #tpu.memory_space<semaphore_mem>>) src(%dma_wait3A_167 : memref<16x80xi32, #tpu.memory_space<hbm>>) dst(%arg8 : memref<16x80xi32, #tpu.memory_space<vmem>>)
      tpu.yield
    }) : () -> ()
    %scan3A_78 = arith.constant 0 : i32
    %scan3A_79 = arith.constant 0 : i32
    %scan3A_80 = arith.constant 4 : i32
    %scan3A_81 = arith.addi %scan3A_79, %scan3A_80 : i32
    %scan3A_82 = arith.constant 1 : i32
    scf.for %scan3A_133 = %scan3A_79 to %scan3A_81 step %scan3A_82  : i32 {
      %mul3A_134 = arith.constant 4 : i32
      %mul3A_135 = arith.muli %mul3A_134, %scan3A_133 : i32
      %add3A_136 = arith.constant 0 : i32
      %add3A_137 = arith.addi %mul3A_135, %add3A_136 : i32
      %dma_start3A = arith.constant 0 : i32
      %dma_start3A_138 = tpu.memref_slice %arg7[%add3A_137, %dma_start3A] : memref<16x80xi32, #tpu.memory_space<vmem>> -> memref<1x80xi32, #tpu.memory_space<vmem>>
      %dma_start3A_139 = tpu.memref_squeeze %dma_start3A_138 : memref<1x80xi32, #tpu.memory_space<vmem>> -> memref<80xi32, #tpu.memory_space<vmem>>
      %dma_start3A_140 = arith.constant 0 : i32
      %dma_start3A_141 = arith.constant 0 : i32
      %dma_start3A_142 = tpu.memref_slice %arg4[%dma_start3A_140, %dma_start3A_141] : memref<10000x128xf32, #tpu.memory_space<hbm>> -> memref<10000x128xf32, #tpu.memory_space<hbm>>
      tpu.enqueue_indirect_dma source(%dma_start3A_142 : memref<10000x128xf32, #tpu.memory_space<hbm>>) target(%arg9 : memref<80x128xf32, #tpu.memory_space<vmem>>) offsets(%dma_start3A_139 : memref<80xi32, #tpu.memory_space<vmem>>) semaphore(%arg16 : memref<!tpu.dma_semaphore, #tpu.memory_space<semaphore_mem>>)
      %add3A_143 = arith.constant 1 : i32
      %add3A_144 = arith.addi %mul3A_135, %add3A_143 : i32
      %dma_start3A_145 = arith.constant 0 : i32
      %dma_start3A_146 = tpu.memref_slice %arg7[%add3A_144, %dma_start3A_145] : memref<16x80xi32, #tpu.memory_space<vmem>> -> memref<1x80xi32, #tpu.memory_space<vmem>>
      %dma_start3A_147 = tpu.memref_squeeze %dma_start3A_146 : memref<1x80xi32, #tpu.memory_space<vmem>> -> memref<80xi32, #tpu.memory_space<vmem>>
      %dma_start3A_148 = arith.constant 0 : i32
      %dma_start3A_149 = arith.constant 0 : i32
      %dma_start3A_150 = tpu.memref_slice %arg4[%dma_start3A_148, %dma_start3A_149] : memref<10000x128xf32, #tpu.memory_space<hbm>> -> memref<10000x128xf32, #tpu.memory_space<hbm>>
      tpu.enqueue_indirect_dma source(%dma_start3A_150 : memref<10000x128xf32, #tpu.memory_space<hbm>>) target(%arg10 : memref<80x128xf32, #tpu.memory_space<vmem>>) offsets(%dma_start3A_147 : memref<80xi32, #tpu.memory_space<vmem>>) semaphore(%arg16 : memref<!tpu.dma_semaphore, #tpu.memory_space<semaphore_mem>>)
      %add3A_151 = arith.constant 2 : i32
      %add3A_152 = arith.addi %mul3A_135, %add3A_151 : i32
      %dma_start3A_153 = arith.constant 0 : i32
      %dma_start3A_154 = tpu.memref_slice %arg7[%add3A_152, %dma_start3A_153] : memref<16x80xi32, #tpu.memory_space<vmem>> -> memref<1x80xi32, #tpu.memory_space<vmem>>
      %dma_start3A_155 = tpu.memref_squeeze %dma_start3A_154 : memref<1x80xi32, #tpu.memory_space<vmem>> -> memref<80xi32, #tpu.memory_space<vmem>>
      %dma_start3A_156 = arith.constant 0 : i32
      %dma_start3A_157 = arith.constant 0 : i32
      %dma_start3A_158 = tpu.memref_slice %arg4[%dma_start3A_156, %dma_start3A_157] : memref<10000x128xf32, #tpu.memory_space<hbm>> -> memref<10000x128xf32, #tpu.memory_space<hbm>>
      tpu.enqueue_indirect_dma source(%dma_start3A_158 : memref<10000x128xf32, #tpu.memory_space<hbm>>) target(%arg11 : memref<80x128xf32, #tpu.memory_space<vmem>>) offsets(%dma_start3A_155 : memref<80xi32, #tpu.memory_space<vmem>>) semaphore(%arg16 : memref<!tpu.dma_semaphore, #tpu.memory_space<semaphore_mem>>)
      %add3A_159 = arith.constant 3 : i32
      %add3A_160 = arith.addi %mul3A_135, %add3A_159 : i32
      %dma_start3A_161 = arith.constant 0 : i32
      %dma_start3A_162 = tpu.memref_slice %arg7[%add3A_160, %dma_start3A_161] : memref<16x80xi32, #tpu.memory_space<vmem>> -> memref<1x80xi32, #tpu.memory_space<vmem>>
      %dma_start3A_163 = tpu.memref_squeeze %dma_start3A_162 : memref<1x80xi32, #tpu.memory_space<vmem>> -> memref<80xi32, #tpu.memory_space<vmem>>
      %dma_start3A_164 = arith.constant 0 : i32
      %dma_start3A_165 = arith.constant 0 : i32
      %dma_start3A_166 = tpu.memref_slice %arg4[%dma_start3A_164, %dma_start3A_165] : memref<10000x128xf32, #tpu.memory_space<hbm>> -> memref<10000x128xf32, #tpu.memory_space<hbm>>
      tpu.enqueue_indirect_dma source(%dma_start3A_166 : memref<10000x128xf32, #tpu.memory_space<hbm>>) target(%arg12 : memref<80x128xf32, #tpu.memory_space<vmem>>) offsets(%dma_start3A_163 : memref<80xi32, #tpu.memory_space<vmem>>) semaphore(%arg16 : memref<!tpu.dma_semaphore, #tpu.memory_space<semaphore_mem>>)
      %dma_wait3A = arith.constant 0 : i32
      %dma_wait3A_167 = tpu.memref_slice %arg7[%add3A_137, %dma_wait3A] : memref<16x80xi32, #tpu.memory_space<vmem>> -> memref<1x80xi32, #tpu.memory_space<vmem>>
      %dma_wait3A_168 = tpu.memref_squeeze %dma_wait3A_167 : memref<1x80xi32, #tpu.memory_space<vmem>> -> memref<80xi32, #tpu.memory_space<vmem>>
      %dma_wait3A_169 = arith.constant 0 : i32
      %dma_wait3A_170 = arith.constant 0 : i32
      %dma_wait3A_171 = tpu.memref_slice %arg4[%dma_wait3A_169, %dma_wait3A_170] : memref<10000x128xf32, #tpu.memory_space<hbm>> -> memref<10000x128xf32, #tpu.memory_space<hbm>>
      tpu.wait_indirect_dma semaphore(%arg16 : memref<!tpu.dma_semaphore, #tpu.memory_space<semaphore_mem>>) src(%dma_wait3A_171 : memref<10000x128xf32, #tpu.memory_space<hbm>>) dst(%arg9 : memref<80x128xf32, #tpu.memory_space<vmem>>)
      %dma_wait3A_172 = arith.constant 0 : i32
      %dma_wait3A_173 = tpu.memref_slice %arg7[%add3A_144, %dma_wait3A_172] : memref<16x80xi32, #tpu.memory_space<vmem>> -> memref<1x80xi32, #tpu.memory_space<vmem>>
      %dma_wait3A_174 = tpu.memref_squeeze %dma_wait3A_173 : memref<1x80xi32, #tpu.memory_space<vmem>> -> memref<80xi32, #tpu.memory_space<vmem>>
      %dma_wait3A_175 = arith.constant 0 : i32
      %dma_wait3A_176 = arith.constant 0 : i32
      %dma_wait3A_177 = tpu.memref_slice %arg4[%dma_wait3A_175, %dma_wait3A_176] : memref<10000x128xf32, #tpu.memory_space<hbm>> -> memref<10000x128xf32, #tpu.memory_space<hbm>>
      tpu.wait_indirect_dma semaphore(%arg16 : memref<!tpu.dma_semaphore, #tpu.memory_space<semaphore_mem>>) src(%dma_wait3A_177 : memref<10000x128xf32, #tpu.memory_space<hbm>>) dst(%arg10 : memref<80x128xf32, #tpu.memory_space<vmem>>)
      %dma_wait3A_178 = arith.constant 0 : i32
      %dma_wait3A_179 = tpu.memref_slice %arg7[%add3A_152, %dma_wait3A_178] : memref<16x80xi32, #tpu.memory_space<vmem>> -> memref<1x80xi32, #tpu.memory_space<vmem>>
      %dma_wait3A_180 = tpu.memref_squeeze %dma_wait3A_179 : memref<1x80xi32, #tpu.memory_space<vmem>> -> memref<80xi32, #tpu.memory_space<vmem>>
      %dma_wait3A_181 = arith.constant 0 : i32
      %dma_wait3A_182 = arith.constant 0 : i32
      %dma_wait3A_183 = tpu.memref_slice %arg4[%dma_wait3A_181, %dma_wait3A_182] : memref<10000x128xf32, #tpu.memory_space<hbm>> -> memref<10000x128xf32, #tpu.memory_space<hbm>>
      tpu.wait_indirect_dma semaphore(%arg16 : memref<!tpu.dma_semaphore, #tpu.memory_space<semaphore_mem>>) src(%dma_wait3A_183 : memref<10000x128xf32, #tpu.memory_space<hbm>>) dst(%arg11 : memref<80x128xf32, #tpu.memory_space<vmem>>)
      %dma_wait3A_184 = arith.constant 0 : i32
      %dma_wait3A_185 = tpu.memref_slice %arg7[%add3A_160, %dma_wait3A_184] : memref<16x80xi32, #tpu.memory_space<vmem>> -> memref<1x80xi32, #tpu.memory_space<vmem>>
      %dma_wait3A_186 = tpu.memref_squeeze %dma_wait3A_185 : memref<1x80xi32, #tpu.memory_space<vmem>> -> memref<80xi32, #tpu.memory_space<vmem>>
      %dma_wait3A_187 = arith.constant 0 : i32
      %dma_wait3A_188 = arith.constant 0 : i32
      %dma_wait3A_189 = tpu.memref_slice %arg4[%dma_wait3A_187, %dma_wait3A_188] : memref<10000x128xf32, #tpu.memory_space<hbm>> -> memref<10000x128xf32, #tpu.memory_space<hbm>>
      tpu.wait_indirect_dma semaphore(%arg16 : memref<!tpu.dma_semaphore, #tpu.memory_space<semaphore_mem>>) src(%dma_wait3A_189 : memref<10000x128xf32, #tpu.memory_space<hbm>>) dst(%arg12 : memref<80x128xf32, #tpu.memory_space<vmem>>)
      %add3A_190 = arith.constant 0 : i32
      %add3A_191 = arith.addi %mul3A_135, %add3A_190 : i32
      "tpu.region"() ({
        %run_scoped3A_206 = tpu.sem_alloc : memref<!tpu.dma_semaphore, #tpu.memory_space<semaphore_mem>>
        %dma_start3A_207 = arith.constant 0 : i32
        %dma_start3A_208 = tpu.memref_slice %arg8[%add3A_191, %dma_start3A_207] : memref<16x80xi32, #tpu.memory_space<vmem>> -> memref<1x80xi32, #tpu.memory_space<vmem>>
        %dma_start3A_209 = tpu.memref_squeeze %dma_start3A_208 : memref<1x80xi32, #tpu.memory_space<vmem>> -> memref<80xi32, #tpu.memory_space<vmem>>
        %dma_start3A_210 = arith.constant 0 : i32
        %dma_start3A_211 = arith.constant 0 : i32
        %dma_start3A_212 = tpu.memref_slice %arg14[%dma_start3A_210, %dma_start3A_211] : memref<10240x128xf32, #tpu.memory_space<vmem_shared>> -> memref<10240x128xf32, #tpu.memory_space<vmem_shared>>
        tpu.enqueue_indirect_dma source(%arg9 : memref<80x128xf32, #tpu.memory_space<vmem>>) target(%dma_start3A_212 : memref<10240x128xf32, #tpu.memory_space<vmem_shared>>) offsets(%dma_start3A_209 : memref<80xi32, #tpu.memory_space<vmem>>) semaphore(%run_scoped3A_206 : memref<!tpu.dma_semaphore, #tpu.memory_space<semaphore_mem>>) {add = true}
        %dma_wait3A_213 = arith.constant 0 : i32
        %dma_wait3A_214 = tpu.memref_slice %arg8[%add3A_191, %dma_wait3A_213] : memref<16x80xi32, #tpu.memory_space<vmem>> -> memref<1x80xi32, #tpu.memory_space<vmem>>
        %dma_wait3A_215 = tpu.memref_squeeze %dma_wait3A_214 : memref<1x80xi32, #tpu.memory_space<vmem>> -> memref<80xi32, #tpu.memory_space<vmem>>
        %dma_wait3A_216 = arith.constant 0 : i32
        %dma_wait3A_217 = arith.constant 0 : i32
        %dma_wait3A_218 = tpu.memref_slice %arg14[%dma_wait3A_216, %dma_wait3A_217] : memref<10240x128xf32, #tpu.memory_space<vmem_shared>> -> memref<10240x128xf32, #tpu.memory_space<vmem_shared>>
        tpu.wait_indirect_dma semaphore(%run_scoped3A_206 : memref<!tpu.dma_semaphore, #tpu.memory_space<semaphore_mem>>) src(%arg9 : memref<80x128xf32, #tpu.memory_space<vmem>>) dst(%dma_wait3A_218 : memref<10240x128xf32, #tpu.memory_space<vmem_shared>>)
        tpu.yield
      }) : () -> ()
      %add3A_192 = arith.constant 0 : i32
      %add3A_193 = arith.addi %mul3A_135, %add3A_192 : i32
      "tpu.region"() ({
        %run_scoped3A_206 = tpu.sem_alloc : memref<!tpu.dma_semaphore, #tpu.memory_space<semaphore_mem>>
        %dma_start3A_207 = arith.constant 0 : i32
        %dma_start3A_208 = tpu.memref_slice %arg8[%add3A_193, %dma_start3A_207] : memref<16x80xi32, #tpu.memory_space<vmem>> -> memref<1x80xi32, #tpu.memory_space<vmem>>
        %dma_start3A_209 = tpu.memref_squeeze %dma_start3A_208 : memref<1x80xi32, #tpu.memory_space<vmem>> -> memref<80xi32, #tpu.memory_space<vmem>>
        %dma_start3A_210 = arith.constant 0 : i32
        %dma_start3A_211 = tpu.memref_slice %arg15[%dma_start3A_210] : memref<10240xf32, #tpu.memory_space<vmem_shared>> -> memref<10240xf32, #tpu.memory_space<vmem_shared>>
        tpu.enqueue_indirect_dma source(%arg13 : memref<80xf32, #tpu.memory_space<vmem>>) target(%dma_start3A_211 : memref<10240xf32, #tpu.memory_space<vmem_shared>>) offsets(%dma_start3A_209 : memref<80xi32, #tpu.memory_space<vmem>>) semaphore(%run_scoped3A_206 : memref<!tpu.dma_semaphore, #tpu.memory_space<semaphore_mem>>) {add = true}
        %dma_wait3A_212 = arith.constant 0 : i32
        %dma_wait3A_213 = tpu.memref_slice %arg8[%add3A_193, %dma_wait3A_212] : memref<16x80xi32, #tpu.memory_space<vmem>> -> memref<1x80xi32, #tpu.memory_space<vmem>>
        %dma_wait3A_214 = tpu.memref_squeeze %dma_wait3A_213 : memref<1x80xi32, #tpu.memory_space<vmem>> -> memref<80xi32, #tpu.memory_space<vmem>>
        %dma_wait3A_215 = arith.constant 0 : i32
        %dma_wait3A_216 = tpu.memref_slice %arg15[%dma_wait3A_215] : memref<10240xf32, #tpu.memory_space<vmem_shared>> -> memref<10240xf32, #tpu.memory_space<vmem_shared>>
        tpu.wait_indirect_dma semaphore(%run_scoped3A_206 : memref<!tpu.dma_semaphore, #tpu.memory_space<semaphore_mem>>) src(%arg13 : memref<80xf32, #tpu.memory_space<vmem>>) dst(%dma_wait3A_216 : memref<10240xf32, #tpu.memory_space<vmem_shared>>)
        tpu.yield
      }) : () -> ()
      %add3A_194 = arith.constant 1 : i32
      %add3A_195 = arith.addi %mul3A_135, %add3A_194 : i32
      "tpu.region"() ({
        %run_scoped3A_206 = tpu.sem_alloc : memref<!tpu.dma_semaphore, #tpu.memory_space<semaphore_mem>>
        %dma_start3A_207 = arith.constant 0 : i32
        %dma_start3A_208 = tpu.memref_slice %arg8[%add3A_195, %dma_start3A_207] : memref<16x80xi32, #tpu.memory_space<vmem>> -> memref<1x80xi32, #tpu.memory_space<vmem>>
        %dma_start3A_209 = tpu.memref_squeeze %dma_start3A_208 : memref<1x80xi32, #tpu.memory_space<vmem>> -> memref<80xi32, #tpu.memory_space<vmem>>
        %dma_start3A_210 = arith.constant 0 : i32
        %dma_start3A_211 = arith.constant 0 : i32
        %dma_start3A_212 = tpu.memref_slice %arg14[%dma_start3A_210, %dma_start3A_211] : memref<10240x128xf32, #tpu.memory_space<vmem_shared>> -> memref<10240x128xf32, #tpu.memory_space<vmem_shared>>
        tpu.enqueue_indirect_dma source(%arg10 : memref<80x128xf32, #tpu.memory_space<vmem>>) target(%dma_start3A_212 : memref<10240x128xf32, #tpu.memory_space<vmem_shared>>) offsets(%dma_start3A_209 : memref<80xi32, #tpu.memory_space<vmem>>) semaphore(%run_scoped3A_206 : memref<!tpu.dma_semaphore, #tpu.memory_space<semaphore_mem>>) {add = true}
        %dma_wait3A_213 = arith.constant 0 : i32
        %dma_wait3A_214 = tpu.memref_slice %arg8[%add3A_195, %dma_wait3A_213] : memref<16x80xi32, #tpu.memory_space<vmem>> -> memref<1x80xi32, #tpu.memory_space<vmem>>
        %dma_wait3A_215 = tpu.memref_squeeze %dma_wait3A_214 : memref<1x80xi32, #tpu.memory_space<vmem>> -> memref<80xi32, #tpu.memory_space<vmem>>
        %dma_wait3A_216 = arith.constant 0 : i32
        %dma_wait3A_217 = arith.constant 0 : i32
        %dma_wait3A_218 = tpu.memref_slice %arg14[%dma_wait3A_216, %dma_wait3A_217] : memref<10240x128xf32, #tpu.memory_space<vmem_shared>> -> memref<10240x128xf32, #tpu.memory_space<vmem_shared>>
        tpu.wait_indirect_dma semaphore(%run_scoped3A_206 : memref<!tpu.dma_semaphore, #tpu.memory_space<semaphore_mem>>) src(%arg10 : memref<80x128xf32, #tpu.memory_space<vmem>>) dst(%dma_wait3A_218 : memref<10240x128xf32, #tpu.memory_space<vmem_shared>>)
        tpu.yield
      }) : () -> ()
      %add3A_196 = arith.constant 1 : i32
      %add3A_197 = arith.addi %mul3A_135, %add3A_196 : i32
      "tpu.region"() ({
        %run_scoped3A_206 = tpu.sem_alloc : memref<!tpu.dma_semaphore, #tpu.memory_space<semaphore_mem>>
        %dma_start3A_207 = arith.constant 0 : i32
        %dma_start3A_208 = tpu.memref_slice %arg8[%add3A_197, %dma_start3A_207] : memref<16x80xi32, #tpu.memory_space<vmem>> -> memref<1x80xi32, #tpu.memory_space<vmem>>
        %dma_start3A_209 = tpu.memref_squeeze %dma_start3A_208 : memref<1x80xi32, #tpu.memory_space<vmem>> -> memref<80xi32, #tpu.memory_space<vmem>>
        %dma_start3A_210 = arith.constant 0 : i32
        %dma_start3A_211 = tpu.memref_slice %arg15[%dma_start3A_210] : memref<10240xf32, #tpu.memory_space<vmem_shared>> -> memref<10240xf32, #tpu.memory_space<vmem_shared>>
        tpu.enqueue_indirect_dma source(%arg13 : memref<80xf32, #tpu.memory_space<vmem>>) target(%dma_start3A_211 : memref<10240xf32, #tpu.memory_space<vmem_shared>>) offsets(%dma_start3A_209 : memref<80xi32, #tpu.memory_space<vmem>>) semaphore(%run_scoped3A_206 : memref<!tpu.dma_semaphore, #tpu.memory_space<semaphore_mem>>) {add = true}
        %dma_wait3A_212 = arith.constant 0 : i32
        %dma_wait3A_213 = tpu.memref_slice %arg8[%add3A_197, %dma_wait3A_212] : memref<16x80xi32, #tpu.memory_space<vmem>> -> memref<1x80xi32, #tpu.memory_space<vmem>>
        %dma_wait3A_214 = tpu.memref_squeeze %dma_wait3A_213 : memref<1x80xi32, #tpu.memory_space<vmem>> -> memref<80xi32, #tpu.memory_space<vmem>>
        %dma_wait3A_215 = arith.constant 0 : i32
        %dma_wait3A_216 = tpu.memref_slice %arg15[%dma_wait3A_215] : memref<10240xf32, #tpu.memory_space<vmem_shared>> -> memref<10240xf32, #tpu.memory_space<vmem_shared>>
        tpu.wait_indirect_dma semaphore(%run_scoped3A_206 : memref<!tpu.dma_semaphore, #tpu.memory_space<semaphore_mem>>) src(%arg13 : memref<80xf32, #tpu.memory_space<vmem>>) dst(%dma_wait3A_216 : memref<10240xf32, #tpu.memory_space<vmem_shared>>)
        tpu.yield
      }) : () -> ()
      %add3A_198 = arith.constant 2 : i32
      %add3A_199 = arith.addi %mul3A_135, %add3A_198 : i32
      "tpu.region"() ({
        %run_scoped3A_206 = tpu.sem_alloc : memref<!tpu.dma_semaphore, #tpu.memory_space<semaphore_mem>>
        %dma_start3A_207 = arith.constant 0 : i32
        %dma_start3A_208 = tpu.memref_slice %arg8[%add3A_199, %dma_start3A_207] : memref<16x80xi32, #tpu.memory_space<vmem>> -> memref<1x80xi32, #tpu.memory_space<vmem>>
        %dma_start3A_209 = tpu.memref_squeeze %dma_start3A_208 : memref<1x80xi32, #tpu.memory_space<vmem>> -> memref<80xi32, #tpu.memory_space<vmem>>
        %dma_start3A_210 = arith.constant 0 : i32
        %dma_start3A_211 = arith.constant 0 : i32
        %dma_start3A_212 = tpu.memref_slice %arg14[%dma_start3A_210, %dma_start3A_211] : memref<10240x128xf32, #tpu.memory_space<vmem_shared>> -> memref<10240x128xf32, #tpu.memory_space<vmem_shared>>
        tpu.enqueue_indirect_dma source(%arg11 : memref<80x128xf32, #tpu.memory_space<vmem>>) target(%dma_start3A_212 : memref<10240x128xf32, #tpu.memory_space<vmem_shared>>) offsets(%dma_start3A_209 : memref<80xi32, #tpu.memory_space<vmem>>) semaphore(%run_scoped3A_206 : memref<!tpu.dma_semaphore, #tpu.memory_space<semaphore_mem>>) {add = true}
        %dma_wait3A_213 = arith.constant 0 : i32
        %dma_wait3A_214 = tpu.memref_slice %arg8[%add3A_199, %dma_wait3A_213] : memref<16x80xi32, #tpu.memory_space<vmem>> -> memref<1x80xi32, #tpu.memory_space<vmem>>
        %dma_wait3A_215 = tpu.memref_squeeze %dma_wait3A_214 : memref<1x80xi32, #tpu.memory_space<vmem>> -> memref<80xi32, #tpu.memory_space<vmem>>
        %dma_wait3A_216 = arith.constant 0 : i32
        %dma_wait3A_217 = arith.constant 0 : i32
        %dma_wait3A_218 = tpu.memref_slice %arg14[%dma_wait3A_216, %dma_wait3A_217] : memref<10240x128xf32, #tpu.memory_space<vmem_shared>> -> memref<10240x128xf32, #tpu.memory_space<vmem_shared>>
        tpu.wait_indirect_dma semaphore(%run_scoped3A_206 : memref<!tpu.dma_semaphore, #tpu.memory_space<semaphore_mem>>) src(%arg11 : memref<80x128xf32, #tpu.memory_space<vmem>>) dst(%dma_wait3A_218 : memref<10240x128xf32, #tpu.memory_space<vmem_shared>>)
        tpu.yield
      }) : () -> ()
      %add3A_200 = arith.constant 2 : i32
      %add3A_201 = arith.addi %mul3A_135, %add3A_200 : i32
      "tpu.region"() ({
        %run_scoped3A_206 = tpu.sem_alloc : memref<!tpu.dma_semaphore, #tpu.memory_space<semaphore_mem>>
        %dma_start3A_207 = arith.constant 0 : i32
        %dma_start3A_208 = tpu.memref_slice %arg8[%add3A_201, %dma_start3A_207] : memref<16x80xi32, #tpu.memory_space<vmem>> -> memref<1x80xi32, #tpu.memory_space<vmem>>
        %dma_start3A_209 = tpu.memref_squeeze %dma_start3A_208 : memref<1x80xi32, #tpu.memory_space<vmem>> -> memref<80xi32, #tpu.memory_space<vmem>>
        %dma_start3A_210 = arith.constant 0 : i32
        %dma_start3A_211 = tpu.memref_slice %arg15[%dma_start3A_210] : memref<10240xf32, #tpu.memory_space<vmem_shared>> -> memref<10240xf32, #tpu.memory_space<vmem_shared>>
        tpu.enqueue_indirect_dma source(%arg13 : memref<80xf32, #tpu.memory_space<vmem>>) target(%dma_start3A_211 : memref<10240xf32, #tpu.memory_space<vmem_shared>>) offsets(%dma_start3A_209 : memref<80xi32, #tpu.memory_space<vmem>>) semaphore(%run_scoped3A_206 : memref<!tpu.dma_semaphore, #tpu.memory_space<semaphore_mem>>) {add = true}
        %dma_wait3A_212 = arith.constant 0 : i32
        %dma_wait3A_213 = tpu.memref_slice %arg8[%add3A_201, %dma_wait3A_212] : memref<16x80xi32, #tpu.memory_space<vmem>> -> memref<1x80xi32, #tpu.memory_space<vmem>>
        %dma_wait3A_214 = tpu.memref_squeeze %dma_wait3A_213 : memref<1x80xi32, #tpu.memory_space<vmem>> -> memref<80xi32, #tpu.memory_space<vmem>>
        %dma_wait3A_215 = arith.constant 0 : i32
        %dma_wait3A_216 = tpu.memref_slice %arg15[%dma_wait3A_215] : memref<10240xf32, #tpu.memory_space<vmem_shared>> -> memref<10240xf32, #tpu.memory_space<vmem_shared>>
        tpu.wait_indirect_dma semaphore(%run_scoped3A_206 : memref<!tpu.dma_semaphore, #tpu.memory_space<semaphore_mem>>) src(%arg13 : memref<80xf32, #tpu.memory_space<vmem>>) dst(%dma_wait3A_216 : memref<10240xf32, #tpu.memory_space<vmem_shared>>)
        tpu.yield
      }) : () -> ()
      %add3A_202 = arith.constant 3 : i32
      %add3A_203 = arith.addi %mul3A_135, %add3A_202 : i32
      "tpu.region"() ({
        %run_scoped3A_206 = tpu.sem_alloc : memref<!tpu.dma_semaphore, #tpu.memory_space<semaphore_mem>>
        %dma_start3A_207 = arith.constant 0 : i32
        %dma_start3A_208 = tpu.memref_slice %arg8[%add3A_203, %dma_start3A_207] : memref<16x80xi32, #tpu.memory_space<vmem>> -> memref<1x80xi32, #tpu.memory_space<vmem>>
        %dma_start3A_209 = tpu.memref_squeeze %dma_start3A_208 : memref<1x80xi32, #tpu.memory_space<vmem>> -> memref<80xi32, #tpu.memory_space<vmem>>
        %dma_start3A_210 = arith.constant 0 : i32
        %dma_start3A_211 = arith.constant 0 : i32
        %dma_start3A_212 = tpu.memref_slice %arg14[%dma_start3A_210, %dma_start3A_211] : memref<10240x128xf32, #tpu.memory_space<vmem_shared>> -> memref<10240x128xf32, #tpu.memory_space<vmem_shared>>
        tpu.enqueue_indirect_dma source(%arg12 : memref<80x128xf32, #tpu.memory_space<vmem>>) target(%dma_start3A_212 : memref<10240x128xf32, #tpu.memory_space<vmem_shared>>) offsets(%dma_start3A_209 : memref<80xi32, #tpu.memory_space<vmem>>) semaphore(%run_scoped3A_206 : memref<!tpu.dma_semaphore, #tpu.memory_space<semaphore_mem>>) {add = true}
        %dma_wait3A_213 = arith.constant 0 : i32
        %dma_wait3A_214 = tpu.memref_slice %arg8[%add3A_203, %dma_wait3A_213] : memref<16x80xi32, #tpu.memory_space<vmem>> -> memref<1x80xi32, #tpu.memory_space<vmem>>
        %dma_wait3A_215 = tpu.memref_squeeze %dma_wait3A_214 : memref<1x80xi32, #tpu.memory_space<vmem>> -> memref<80xi32, #tpu.memory_space<vmem>>
        %dma_wait3A_216 = arith.constant 0 : i32
        %dma_wait3A_217 = arith.constant 0 : i32
        %dma_wait3A_218 = tpu.memref_slice %arg14[%dma_wait3A_216, %dma_wait3A_217] : memref<10240x128xf32, #tpu.memory_space<vmem_shared>> -> memref<10240x128xf32, #tpu.memory_space<vmem_shared>>
        tpu.wait_indirect_dma semaphore(%run_scoped3A_206 : memref<!tpu.dma_semaphore, #tpu.memory_space<semaphore_mem>>) src(%arg12 : memref<80x128xf32, #tpu.memory_space<vmem>>) dst(%dma_wait3A_218 : memref<10240x128xf32, #tpu.memory_space<vmem_shared>>)
        tpu.yield
      }) : () -> ()
      %add3A_204 = arith.constant 3 : i32
      %add3A_205 = arith.addi %mul3A_135, %add3A_204 : i32
      "tpu.region"() ({
        %run_scoped3A_206 = tpu.sem_alloc : memref<!tpu.dma_semaphore, #tpu.memory_space<semaphore_mem>>
        %dma_start3A_207 = arith.constant 0 : i32
        %dma_start3A_208 = tpu.memref_slice %arg8[%add3A_205, %dma_start3A_207] : memref<16x80xi32, #tpu.memory_space<vmem>> -> memref<1x80xi32, #tpu.memory_space<vmem>>
        %dma_start3A_209 = tpu.memref_squeeze %dma_start3A_208 : memref<1x80xi32, #tpu.memory_space<vmem>> -> memref<80xi32, #tpu.memory_space<vmem>>
        %dma_start3A_210 = arith.constant 0 : i32
        %dma_start3A_211 = tpu.memref_slice %arg15[%dma_start3A_210] : memref<10240xf32, #tpu.memory_space<vmem_shared>> -> memref<10240xf32, #tpu.memory_space<vmem_shared>>
        tpu.enqueue_indirect_dma source(%arg13 : memref<80xf32, #tpu.memory_space<vmem>>) target(%dma_start3A_211 : memref<10240xf32, #tpu.memory_space<vmem_shared>>) offsets(%dma_start3A_209 : memref<80xi32, #tpu.memory_space<vmem>>) semaphore(%run_scoped3A_206 : memref<!tpu.dma_semaphore, #tpu.memory_space<semaphore_mem>>) {add = true}
        %dma_wait3A_212 = arith.constant 0 : i32
        %dma_wait3A_213 = tpu.memref_slice %arg8[%add3A_205, %dma_wait3A_212] : memref<16x80xi32, #tpu.memory_space<vmem>> -> memref<1x80xi32, #tpu.memory_space<vmem>>
        %dma_wait3A_214 = tpu.memref_squeeze %dma_wait3A_213 : memref<1x80xi32, #tpu.memory_space<vmem>> -> memref<80xi32, #tpu.memory_space<vmem>>
        %dma_wait3A_215 = arith.constant 0 : i32
        %dma_wait3A_216 = tpu.memref_slice %arg15[%dma_wait3A_215] : memref<10240xf32, #tpu.memory_space<vmem_shared>> -> memref<10240xf32, #tpu.memory_space<vmem_shared>>
        tpu.wait_indirect_dma semaphore(%run_scoped3A_206 : memref<!tpu.dma_semaphore, #tpu.memory_space<semaphore_mem>>) src(%arg13 : memref<80xf32, #tpu.memory_space<vmem>>) dst(%dma_wait3A_216 : memref<10240xf32, #tpu.memory_space<vmem_shared>>)
        tpu.yield
      }) : () -> ()
    }
    %scan3A_83 = arith.constant 4 : i32
    %run_scoped3A_84 = arith.constant 2 : i32
    "tpu.region"() ({
      %run_scoped3A_133 = tpu.sem_alloc : memref<!tpu.dma_semaphore, #tpu.memory_space<semaphore_mem>>
      %dma_start3A = arith.constant 0 : i32
      %dma_start3A_134 = arith.constant 0 : i32
      %dma_start3A_135 = arith.constant 0 : i32
      %dma_start3A_136 = tpu.memref_slice %arg2[%add3A, %dma_start3A, %dma_start3A_134, %dma_start3A_135] : memref<32x8x16x80xi32, #tpu.memory_space<hbm>> -> memref<1x8x16x80xi32, #tpu.memory_space<hbm>>
      %dma_start3A_137 = tpu.memref_squeeze %dma_start3A_136 : memref<1x8x16x80xi32, #tpu.memory_space<hbm>> -> memref<8x16x80xi32, #tpu.memory_space<hbm>>
      %dma_start3A_138 = arith.constant 0 : i32
      %dma_start3A_139 = arith.constant 0 : i32
      %dma_start3A_140 = tpu.memref_slice %dma_start3A_137[%run_scoped3A_84, %dma_start3A_138, %dma_start3A_139] : memref<8x16x80xi32, #tpu.memory_space<hbm>> -> memref<1x16x80xi32, #tpu.memory_space<hbm>>
      %dma_start3A_141 = tpu.memref_squeeze %dma_start3A_140 : memref<1x16x80xi32, #tpu.memory_space<hbm>> -> memref<16x80xi32, #tpu.memory_space<hbm>>
      %dma_start3A_142 = arith.constant 0 : i32
      %dma_start3A_143 = arith.constant 0 : i32
      %dma_start3A_144 = arith.constant 0 : i32
      %dma_start3A_145 = tpu.memref_slice %arg2[%add3A, %dma_start3A_142, %dma_start3A_143, %dma_start3A_144] : memref<32x8x16x80xi32, #tpu.memory_space<hbm>> -> memref<1x8x16x80xi32, #tpu.memory_space<hbm>>
      %dma_start3A_146 = tpu.memref_squeeze %dma_start3A_145 : memref<1x8x16x80xi32, #tpu.memory_space<hbm>> -> memref<8x16x80xi32, #tpu.memory_space<hbm>>
      %dma_start3A_147 = arith.constant 0 : i32
      %dma_start3A_148 = arith.constant 0 : i32
      %dma_start3A_149 = tpu.memref_slice %dma_start3A_146[%run_scoped3A_84, %dma_start3A_147, %dma_start3A_148] : memref<8x16x80xi32, #tpu.memory_space<hbm>> -> memref<1x16x80xi32, #tpu.memory_space<hbm>>
      %dma_start3A_150 = tpu.memref_squeeze %dma_start3A_149 : memref<1x16x80xi32, #tpu.memory_space<hbm>> -> memref<16x80xi32, #tpu.memory_space<hbm>>
      tpu.enqueue_dma source(%dma_start3A_150 : memref<16x80xi32, #tpu.memory_space<hbm>>) target(%arg7 : memref<16x80xi32, #tpu.memory_space<vmem>>) target_semaphore(%run_scoped3A_133 : memref<!tpu.dma_semaphore, #tpu.memory_space<semaphore_mem>>)
      %dma_wait3A = arith.constant 0 : i32
      %dma_wait3A_151 = arith.constant 0 : i32
      %dma_wait3A_152 = arith.constant 0 : i32
      %dma_wait3A_153 = tpu.memref_slice %arg2[%add3A, %dma_wait3A, %dma_wait3A_151, %dma_wait3A_152] : memref<32x8x16x80xi32, #tpu.memory_space<hbm>> -> memref<1x8x16x80xi32, #tpu.memory_space<hbm>>
      %dma_wait3A_154 = tpu.memref_squeeze %dma_wait3A_153 : memref<1x8x16x80xi32, #tpu.memory_space<hbm>> -> memref<8x16x80xi32, #tpu.memory_space<hbm>>
      %dma_wait3A_155 = arith.constant 0 : i32
      %dma_wait3A_156 = arith.constant 0 : i32
      %dma_wait3A_157 = tpu.memref_slice %dma_wait3A_154[%run_scoped3A_84, %dma_wait3A_155, %dma_wait3A_156] : memref<8x16x80xi32, #tpu.memory_space<hbm>> -> memref<1x16x80xi32, #tpu.memory_space<hbm>>
      %dma_wait3A_158 = tpu.memref_squeeze %dma_wait3A_157 : memref<1x16x80xi32, #tpu.memory_space<hbm>> -> memref<16x80xi32, #tpu.memory_space<hbm>>
      %dma_wait3A_159 = arith.constant 0 : i32
      %dma_wait3A_160 = arith.constant 0 : i32
      %dma_wait3A_161 = arith.constant 0 : i32
      %dma_wait3A_162 = tpu.memref_slice %arg2[%add3A, %dma_wait3A_159, %dma_wait3A_160, %dma_wait3A_161] : memref<32x8x16x80xi32, #tpu.memory_space<hbm>> -> memref<1x8x16x80xi32, #tpu.memory_space<hbm>>
      %dma_wait3A_163 = tpu.memref_squeeze %dma_wait3A_162 : memref<1x8x16x80xi32, #tpu.memory_space<hbm>> -> memref<8x16x80xi32, #tpu.memory_space<hbm>>
      %dma_wait3A_164 = arith.constant 0 : i32
      %dma_wait3A_165 = arith.constant 0 : i32
      %dma_wait3A_166 = tpu.memref_slice %dma_wait3A_163[%run_scoped3A_84, %dma_wait3A_164, %dma_wait3A_165] : memref<8x16x80xi32, #tpu.memory_space<hbm>> -> memref<1x16x80xi32, #tpu.memory_space<hbm>>
      %dma_wait3A_167 = tpu.memref_squeeze %dma_wait3A_166 : memref<1x16x80xi32, #tpu.memory_space<hbm>> -> memref<16x80xi32, #tpu.memory_space<hbm>>
      tpu.wait_dma2 semaphore(%run_scoped3A_133 : memref<!tpu.dma_semaphore, #tpu.memory_space<semaphore_mem>>) src(%dma_wait3A_167 : memref<16x80xi32, #tpu.memory_space<hbm>>) dst(%arg7 : memref<16x80xi32, #tpu.memory_space<vmem>>)
      tpu.yield
    }) : () -> ()
    %run_scoped3A_85 = arith.constant 2 : i32
    "tpu.region"() ({
      %run_scoped3A_133 = tpu.sem_alloc : memref<!tpu.dma_semaphore, #tpu.memory_space<semaphore_mem>>
      %dma_start3A = arith.constant 0 : i32
      %dma_start3A_134 = arith.constant 0 : i32
      %dma_start3A_135 = arith.constant 0 : i32
      %dma_start3A_136 = tpu.memref_slice %arg3[%add3A, %dma_start3A, %dma_start3A_134, %dma_start3A_135] : memref<32x8x16x80xi32, #tpu.memory_space<hbm>> -> memref<1x8x16x80xi32, #tpu.memory_space<hbm>>
      %dma_start3A_137 = tpu.memref_squeeze %dma_start3A_136 : memref<1x8x16x80xi32, #tpu.memory_space<hbm>> -> memref<8x16x80xi32, #tpu.memory_space<hbm>>
      %dma_start3A_138 = arith.constant 0 : i32
      %dma_start3A_139 = arith.constant 0 : i32
      %dma_start3A_140 = tpu.memref_slice %dma_start3A_137[%run_scoped3A_85, %dma_start3A_138, %dma_start3A_139] : memref<8x16x80xi32, #tpu.memory_space<hbm>> -> memref<1x16x80xi32, #tpu.memory_space<hbm>>
      %dma_start3A_141 = tpu.memref_squeeze %dma_start3A_140 : memref<1x16x80xi32, #tpu.memory_space<hbm>> -> memref<16x80xi32, #tpu.memory_space<hbm>>
      %dma_start3A_142 = arith.constant 0 : i32
      %dma_start3A_143 = arith.constant 0 : i32
      %dma_start3A_144 = arith.constant 0 : i32
      %dma_start3A_145 = tpu.memref_slice %arg3[%add3A, %dma_start3A_142, %dma_start3A_143, %dma_start3A_144] : memref<32x8x16x80xi32, #tpu.memory_space<hbm>> -> memref<1x8x16x80xi32, #tpu.memory_space<hbm>>
      %dma_start3A_146 = tpu.memref_squeeze %dma_start3A_145 : memref<1x8x16x80xi32, #tpu.memory_space<hbm>> -> memref<8x16x80xi32, #tpu.memory_space<hbm>>
      %dma_start3A_147 = arith.constant 0 : i32
      %dma_start3A_148 = arith.constant 0 : i32
      %dma_start3A_149 = tpu.memref_slice %dma_start3A_146[%run_scoped3A_85, %dma_start3A_147, %dma_start3A_148] : memref<8x16x80xi32, #tpu.memory_space<hbm>> -> memref<1x16x80xi32, #tpu.memory_space<hbm>>
      %dma_start3A_150 = tpu.memref_squeeze %dma_start3A_149 : memref<1x16x80xi32, #tpu.memory_space<hbm>> -> memref<16x80xi32, #tpu.memory_space<hbm>>
      tpu.enqueue_dma source(%dma_start3A_150 : memref<16x80xi32, #tpu.memory_space<hbm>>) target(%arg8 : memref<16x80xi32, #tpu.memory_space<vmem>>) target_semaphore(%run_scoped3A_133 : memref<!tpu.dma_semaphore, #tpu.memory_space<semaphore_mem>>)
      %dma_wait3A = arith.constant 0 : i32
      %dma_wait3A_151 = arith.constant 0 : i32
      %dma_wait3A_152 = arith.constant 0 : i32
      %dma_wait3A_153 = tpu.memref_slice %arg3[%add3A, %dma_wait3A, %dma_wait3A_151, %dma_wait3A_152] : memref<32x8x16x80xi32, #tpu.memory_space<hbm>> -> memref<1x8x16x80xi32, #tpu.memory_space<hbm>>
      %dma_wait3A_154 = tpu.memref_squeeze %dma_wait3A_153 : memref<1x8x16x80xi32, #tpu.memory_space<hbm>> -> memref<8x16x80xi32, #tpu.memory_space<hbm>>
      %dma_wait3A_155 = arith.constant 0 : i32
      %dma_wait3A_156 = arith.constant 0 : i32
      %dma_wait3A_157 = tpu.memref_slice %dma_wait3A_154[%run_scoped3A_85, %dma_wait3A_155, %dma_wait3A_156] : memref<8x16x80xi32, #tpu.memory_space<hbm>> -> memref<1x16x80xi32, #tpu.memory_space<hbm>>
      %dma_wait3A_158 = tpu.memref_squeeze %dma_wait3A_157 : memref<1x16x80xi32, #tpu.memory_space<hbm>> -> memref<16x80xi32, #tpu.memory_space<hbm>>
      %dma_wait3A_159 = arith.constant 0 : i32
      %dma_wait3A_160 = arith.constant 0 : i32
      %dma_wait3A_161 = arith.constant 0 : i32
      %dma_wait3A_162 = tpu.memref_slice %arg3[%add3A, %dma_wait3A_159, %dma_wait3A_160, %dma_wait3A_161] : memref<32x8x16x80xi32, #tpu.memory_space<hbm>> -> memref<1x8x16x80xi32, #tpu.memory_space<hbm>>
      %dma_wait3A_163 = tpu.memref_squeeze %dma_wait3A_162 : memref<1x8x16x80xi32, #tpu.memory_space<hbm>> -> memref<8x16x80xi32, #tpu.memory_space<hbm>>
      %dma_wait3A_164 = arith.constant 0 : i32
      %dma_wait3A_165 = arith.constant 0 : i32
      %dma_wait3A_166 = tpu.memref_slice %dma_wait3A_163[%run_scoped3A_85, %dma_wait3A_164, %dma_wait3A_165] : memref<8x16x80xi32, #tpu.memory_space<hbm>> -> memref<1x16x80xi32, #tpu.memory_space<hbm>>
      %dma_wait3A_167 = tpu.memref_squeeze %dma_wait3A_166 : memref<1x16x80xi32, #tpu.memory_space<hbm>> -> memref<16x80xi32, #tpu.memory_space<hbm>>
      tpu.wait_dma2 semaphore(%run_scoped3A_133 : memref<!tpu.dma_semaphore, #tpu.memory_space<semaphore_mem>>) src(%dma_wait3A_167 : memref<16x80xi32, #tpu.memory_space<hbm>>) dst(%arg8 : memref<16x80xi32, #tpu.memory_space<vmem>>)
      tpu.yield
    }) : () -> ()
    %scan3A_86 = arith.constant 0 : i32
    %scan3A_87 = arith.constant 0 : i32
    %scan3A_88 = arith.constant 4 : i32
    %scan3A_89 = arith.addi %scan3A_87, %scan3A_88 : i32
    %scan3A_90 = arith.constant 1 : i32
    scf.for %scan3A_133 = %scan3A_87 to %scan3A_89 step %scan3A_90  : i32 {
      %mul3A_134 = arith.constant 4 : i32
      %mul3A_135 = arith.muli %mul3A_134, %scan3A_133 : i32
      %add3A_136 = arith.constant 0 : i32
      %add3A_137 = arith.addi %mul3A_135, %add3A_136 : i32
      %dma_start3A = arith.constant 0 : i32
      %dma_start3A_138 = tpu.memref_slice %arg7[%add3A_137, %dma_start3A] : memref<16x80xi32, #tpu.memory_space<vmem>> -> memref<1x80xi32, #tpu.memory_space<vmem>>
      %dma_start3A_139 = tpu.memref_squeeze %dma_start3A_138 : memref<1x80xi32, #tpu.memory_space<vmem>> -> memref<80xi32, #tpu.memory_space<vmem>>
      %dma_start3A_140 = arith.constant 0 : i32
      %dma_start3A_141 = arith.constant 0 : i32
      %dma_start3A_142 = tpu.memref_slice %arg4[%dma_start3A_140, %dma_start3A_141] : memref<10000x128xf32, #tpu.memory_space<hbm>> -> memref<10000x128xf32, #tpu.memory_space<hbm>>
      tpu.enqueue_indirect_dma source(%dma_start3A_142 : memref<10000x128xf32, #tpu.memory_space<hbm>>) target(%arg9 : memref<80x128xf32, #tpu.memory_space<vmem>>) offsets(%dma_start3A_139 : memref<80xi32, #tpu.memory_space<vmem>>) semaphore(%arg16 : memref<!tpu.dma_semaphore, #tpu.memory_space<semaphore_mem>>)
      %add3A_143 = arith.constant 1 : i32
      %add3A_144 = arith.addi %mul3A_135, %add3A_143 : i32
      %dma_start3A_145 = arith.constant 0 : i32
      %dma_start3A_146 = tpu.memref_slice %arg7[%add3A_144, %dma_start3A_145] : memref<16x80xi32, #tpu.memory_space<vmem>> -> memref<1x80xi32, #tpu.memory_space<vmem>>
      %dma_start3A_147 = tpu.memref_squeeze %dma_start3A_146 : memref<1x80xi32, #tpu.memory_space<vmem>> -> memref<80xi32, #tpu.memory_space<vmem>>
      %dma_start3A_148 = arith.constant 0 : i32
      %dma_start3A_149 = arith.constant 0 : i32
      %dma_start3A_150 = tpu.memref_slice %arg4[%dma_start3A_148, %dma_start3A_149] : memref<10000x128xf32, #tpu.memory_space<hbm>> -> memref<10000x128xf32, #tpu.memory_space<hbm>>
      tpu.enqueue_indirect_dma source(%dma_start3A_150 : memref<10000x128xf32, #tpu.memory_space<hbm>>) target(%arg10 : memref<80x128xf32, #tpu.memory_space<vmem>>) offsets(%dma_start3A_147 : memref<80xi32, #tpu.memory_space<vmem>>) semaphore(%arg16 : memref<!tpu.dma_semaphore, #tpu.memory_space<semaphore_mem>>)
      %add3A_151 = arith.constant 2 : i32
      %add3A_152 = arith.addi %mul3A_135, %add3A_151 : i32
      %dma_start3A_153 = arith.constant 0 : i32
      %dma_start3A_154 = tpu.memref_slice %arg7[%add3A_152, %dma_start3A_153] : memref<16x80xi32, #tpu.memory_space<vmem>> -> memref<1x80xi32, #tpu.memory_space<vmem>>
      %dma_start3A_155 = tpu.memref_squeeze %dma_start3A_154 : memref<1x80xi32, #tpu.memory_space<vmem>> -> memref<80xi32, #tpu.memory_space<vmem>>
      %dma_start3A_156 = arith.constant 0 : i32
      %dma_start3A_157 = arith.constant 0 : i32
      %dma_start3A_158 = tpu.memref_slice %arg4[%dma_start3A_156, %dma_start3A_157] : memref<10000x128xf32, #tpu.memory_space<hbm>> -> memref<10000x128xf32, #tpu.memory_space<hbm>>
      tpu.enqueue_indirect_dma source(%dma_start3A_158 : memref<10000x128xf32, #tpu.memory_space<hbm>>) target(%arg11 : memref<80x128xf32, #tpu.memory_space<vmem>>) offsets(%dma_start3A_155 : memref<80xi32, #tpu.memory_space<vmem>>) semaphore(%arg16 : memref<!tpu.dma_semaphore, #tpu.memory_space<semaphore_mem>>)
      %add3A_159 = arith.constant 3 : i32
      %add3A_160 = arith.addi %mul3A_135, %add3A_159 : i32
      %dma_start3A_161 = arith.constant 0 : i32
      %dma_start3A_162 = tpu.memref_slice %arg7[%add3A_160, %dma_start3A_161] : memref<16x80xi32, #tpu.memory_space<vmem>> -> memref<1x80xi32, #tpu.memory_space<vmem>>
      %dma_start3A_163 = tpu.memref_squeeze %dma_start3A_162 : memref<1x80xi32, #tpu.memory_space<vmem>> -> memref<80xi32, #tpu.memory_space<vmem>>
      %dma_start3A_164 = arith.constant 0 : i32
      %dma_start3A_165 = arith.constant 0 : i32
      %dma_start3A_166 = tpu.memref_slice %arg4[%dma_start3A_164, %dma_start3A_165] : memref<10000x128xf32, #tpu.memory_space<hbm>> -> memref<10000x128xf32, #tpu.memory_space<hbm>>
      tpu.enqueue_indirect_dma source(%dma_start3A_166 : memref<10000x128xf32, #tpu.memory_space<hbm>>) target(%arg12 : memref<80x128xf32, #tpu.memory_space<vmem>>) offsets(%dma_start3A_163 : memref<80xi32, #tpu.memory_space<vmem>>) semaphore(%arg16 : memref<!tpu.dma_semaphore, #tpu.memory_space<semaphore_mem>>)
      %dma_wait3A = arith.constant 0 : i32
      %dma_wait3A_167 = tpu.memref_slice %arg7[%add3A_137, %dma_wait3A] : memref<16x80xi32, #tpu.memory_space<vmem>> -> memref<1x80xi32, #tpu.memory_space<vmem>>
      %dma_wait3A_168 = tpu.memref_squeeze %dma_wait3A_167 : memref<1x80xi32, #tpu.memory_space<vmem>> -> memref<80xi32, #tpu.memory_space<vmem>>
      %dma_wait3A_169 = arith.constant 0 : i32
      %dma_wait3A_170 = arith.constant 0 : i32
      %dma_wait3A_171 = tpu.memref_slice %arg4[%dma_wait3A_169, %dma_wait3A_170] : memref<10000x128xf32, #tpu.memory_space<hbm>> -> memref<10000x128xf32, #tpu.memory_space<hbm>>
      tpu.wait_indirect_dma semaphore(%arg16 : memref<!tpu.dma_semaphore, #tpu.memory_space<semaphore_mem>>) src(%dma_wait3A_171 : memref<10000x128xf32, #tpu.memory_space<hbm>>) dst(%arg9 : memref<80x128xf32, #tpu.memory_space<vmem>>)
      %dma_wait3A_172 = arith.constant 0 : i32
      %dma_wait3A_173 = tpu.memref_slice %arg7[%add3A_144, %dma_wait3A_172] : memref<16x80xi32, #tpu.memory_space<vmem>> -> memref<1x80xi32, #tpu.memory_space<vmem>>
      %dma_wait3A_174 = tpu.memref_squeeze %dma_wait3A_173 : memref<1x80xi32, #tpu.memory_space<vmem>> -> memref<80xi32, #tpu.memory_space<vmem>>
      %dma_wait3A_175 = arith.constant 0 : i32
      %dma_wait3A_176 = arith.constant 0 : i32
      %dma_wait3A_177 = tpu.memref_slice %arg4[%dma_wait3A_175, %dma_wait3A_176] : memref<10000x128xf32, #tpu.memory_space<hbm>> -> memref<10000x128xf32, #tpu.memory_space<hbm>>
      tpu.wait_indirect_dma semaphore(%arg16 : memref<!tpu.dma_semaphore, #tpu.memory_space<semaphore_mem>>) src(%dma_wait3A_177 : memref<10000x128xf32, #tpu.memory_space<hbm>>) dst(%arg10 : memref<80x128xf32, #tpu.memory_space<vmem>>)
      %dma_wait3A_178 = arith.constant 0 : i32
      %dma_wait3A_179 = tpu.memref_slice %arg7[%add3A_152, %dma_wait3A_178] : memref<16x80xi32, #tpu.memory_space<vmem>> -> memref<1x80xi32, #tpu.memory_space<vmem>>
      %dma_wait3A_180 = tpu.memref_squeeze %dma_wait3A_179 : memref<1x80xi32, #tpu.memory_space<vmem>> -> memref<80xi32, #tpu.memory_space<vmem>>
      %dma_wait3A_181 = arith.constant 0 : i32
      %dma_wait3A_182 = arith.constant 0 : i32
      %dma_wait3A_183 = tpu.memref_slice %arg4[%dma_wait3A_181, %dma_wait3A_182] : memref<10000x128xf32, #tpu.memory_space<hbm>> -> memref<10000x128xf32, #tpu.memory_space<hbm>>
      tpu.wait_indirect_dma semaphore(%arg16 : memref<!tpu.dma_semaphore, #tpu.memory_space<semaphore_mem>>) src(%dma_wait3A_183 : memref<10000x128xf32, #tpu.memory_space<hbm>>) dst(%arg11 : memref<80x128xf32, #tpu.memory_space<vmem>>)
      %dma_wait3A_184 = arith.constant 0 : i32
      %dma_wait3A_185 = tpu.memref_slice %arg7[%add3A_160, %dma_wait3A_184] : memref<16x80xi32, #tpu.memory_space<vmem>> -> memref<1x80xi32, #tpu.memory_space<vmem>>
      %dma_wait3A_186 = tpu.memref_squeeze %dma_wait3A_185 : memref<1x80xi32, #tpu.memory_space<vmem>> -> memref<80xi32, #tpu.memory_space<vmem>>
      %dma_wait3A_187 = arith.constant 0 : i32
      %dma_wait3A_188 = arith.constant 0 : i32
      %dma_wait3A_189 = tpu.memref_slice %arg4[%dma_wait3A_187, %dma_wait3A_188] : memref<10000x128xf32, #tpu.memory_space<hbm>> -> memref<10000x128xf32, #tpu.memory_space<hbm>>
      tpu.wait_indirect_dma semaphore(%arg16 : memref<!tpu.dma_semaphore, #tpu.memory_space<semaphore_mem>>) src(%dma_wait3A_189 : memref<10000x128xf32, #tpu.memory_space<hbm>>) dst(%arg12 : memref<80x128xf32, #tpu.memory_space<vmem>>)
      %add3A_190 = arith.constant 0 : i32
      %add3A_191 = arith.addi %mul3A_135, %add3A_190 : i32
      "tpu.region"() ({
        %run_scoped3A_206 = tpu.sem_alloc : memref<!tpu.dma_semaphore, #tpu.memory_space<semaphore_mem>>
        %dma_start3A_207 = arith.constant 0 : i32
        %dma_start3A_208 = tpu.memref_slice %arg8[%add3A_191, %dma_start3A_207] : memref<16x80xi32, #tpu.memory_space<vmem>> -> memref<1x80xi32, #tpu.memory_space<vmem>>
        %dma_start3A_209 = tpu.memref_squeeze %dma_start3A_208 : memref<1x80xi32, #tpu.memory_space<vmem>> -> memref<80xi32, #tpu.memory_space<vmem>>
        %dma_start3A_210 = arith.constant 0 : i32
        %dma_start3A_211 = arith.constant 0 : i32
        %dma_start3A_212 = tpu.memref_slice %arg14[%dma_start3A_210, %dma_start3A_211] : memref<10240x128xf32, #tpu.memory_space<vmem_shared>> -> memref<10240x128xf32, #tpu.memory_space<vmem_shared>>
        tpu.enqueue_indirect_dma source(%arg9 : memref<80x128xf32, #tpu.memory_space<vmem>>) target(%dma_start3A_212 : memref<10240x128xf32, #tpu.memory_space<vmem_shared>>) offsets(%dma_start3A_209 : memref<80xi32, #tpu.memory_space<vmem>>) semaphore(%run_scoped3A_206 : memref<!tpu.dma_semaphore, #tpu.memory_space<semaphore_mem>>) {add = true}
        %dma_wait3A_213 = arith.constant 0 : i32
        %dma_wait3A_214 = tpu.memref_slice %arg8[%add3A_191, %dma_wait3A_213] : memref<16x80xi32, #tpu.memory_space<vmem>> -> memref<1x80xi32, #tpu.memory_space<vmem>>
        %dma_wait3A_215 = tpu.memref_squeeze %dma_wait3A_214 : memref<1x80xi32, #tpu.memory_space<vmem>> -> memref<80xi32, #tpu.memory_space<vmem>>
        %dma_wait3A_216 = arith.constant 0 : i32
        %dma_wait3A_217 = arith.constant 0 : i32
        %dma_wait3A_218 = tpu.memref_slice %arg14[%dma_wait3A_216, %dma_wait3A_217] : memref<10240x128xf32, #tpu.memory_space<vmem_shared>> -> memref<10240x128xf32, #tpu.memory_space<vmem_shared>>
        tpu.wait_indirect_dma semaphore(%run_scoped3A_206 : memref<!tpu.dma_semaphore, #tpu.memory_space<semaphore_mem>>) src(%arg9 : memref<80x128xf32, #tpu.memory_space<vmem>>) dst(%dma_wait3A_218 : memref<10240x128xf32, #tpu.memory_space<vmem_shared>>)
        tpu.yield
      }) : () -> ()
      %add3A_192 = arith.constant 0 : i32
      %add3A_193 = arith.addi %mul3A_135, %add3A_192 : i32
      "tpu.region"() ({
        %run_scoped3A_206 = tpu.sem_alloc : memref<!tpu.dma_semaphore, #tpu.memory_space<semaphore_mem>>
        %dma_start3A_207 = arith.constant 0 : i32
        %dma_start3A_208 = tpu.memref_slice %arg8[%add3A_193, %dma_start3A_207] : memref<16x80xi32, #tpu.memory_space<vmem>> -> memref<1x80xi32, #tpu.memory_space<vmem>>
        %dma_start3A_209 = tpu.memref_squeeze %dma_start3A_208 : memref<1x80xi32, #tpu.memory_space<vmem>> -> memref<80xi32, #tpu.memory_space<vmem>>
        %dma_start3A_210 = arith.constant 0 : i32
        %dma_start3A_211 = tpu.memref_slice %arg15[%dma_start3A_210] : memref<10240xf32, #tpu.memory_space<vmem_shared>> -> memref<10240xf32, #tpu.memory_space<vmem_shared>>
        tpu.enqueue_indirect_dma source(%arg13 : memref<80xf32, #tpu.memory_space<vmem>>) target(%dma_start3A_211 : memref<10240xf32, #tpu.memory_space<vmem_shared>>) offsets(%dma_start3A_209 : memref<80xi32, #tpu.memory_space<vmem>>) semaphore(%run_scoped3A_206 : memref<!tpu.dma_semaphore, #tpu.memory_space<semaphore_mem>>) {add = true}
        %dma_wait3A_212 = arith.constant 0 : i32
        %dma_wait3A_213 = tpu.memref_slice %arg8[%add3A_193, %dma_wait3A_212] : memref<16x80xi32, #tpu.memory_space<vmem>> -> memref<1x80xi32, #tpu.memory_space<vmem>>
        %dma_wait3A_214 = tpu.memref_squeeze %dma_wait3A_213 : memref<1x80xi32, #tpu.memory_space<vmem>> -> memref<80xi32, #tpu.memory_space<vmem>>
        %dma_wait3A_215 = arith.constant 0 : i32
        %dma_wait3A_216 = tpu.memref_slice %arg15[%dma_wait3A_215] : memref<10240xf32, #tpu.memory_space<vmem_shared>> -> memref<10240xf32, #tpu.memory_space<vmem_shared>>
        tpu.wait_indirect_dma semaphore(%run_scoped3A_206 : memref<!tpu.dma_semaphore, #tpu.memory_space<semaphore_mem>>) src(%arg13 : memref<80xf32, #tpu.memory_space<vmem>>) dst(%dma_wait3A_216 : memref<10240xf32, #tpu.memory_space<vmem_shared>>)
        tpu.yield
      }) : () -> ()
      %add3A_194 = arith.constant 1 : i32
      %add3A_195 = arith.addi %mul3A_135, %add3A_194 : i32
      "tpu.region"() ({
        %run_scoped3A_206 = tpu.sem_alloc : memref<!tpu.dma_semaphore, #tpu.memory_space<semaphore_mem>>
        %dma_start3A_207 = arith.constant 0 : i32
        %dma_start3A_208 = tpu.memref_slice %arg8[%add3A_195, %dma_start3A_207] : memref<16x80xi32, #tpu.memory_space<vmem>> -> memref<1x80xi32, #tpu.memory_space<vmem>>
        %dma_start3A_209 = tpu.memref_squeeze %dma_start3A_208 : memref<1x80xi32, #tpu.memory_space<vmem>> -> memref<80xi32, #tpu.memory_space<vmem>>
        %dma_start3A_210 = arith.constant 0 : i32
        %dma_start3A_211 = arith.constant 0 : i32
        %dma_start3A_212 = tpu.memref_slice %arg14[%dma_start3A_210, %dma_start3A_211] : memref<10240x128xf32, #tpu.memory_space<vmem_shared>> -> memref<10240x128xf32, #tpu.memory_space<vmem_shared>>
        tpu.enqueue_indirect_dma source(%arg10 : memref<80x128xf32, #tpu.memory_space<vmem>>) target(%dma_start3A_212 : memref<10240x128xf32, #tpu.memory_space<vmem_shared>>) offsets(%dma_start3A_209 : memref<80xi32, #tpu.memory_space<vmem>>) semaphore(%run_scoped3A_206 : memref<!tpu.dma_semaphore, #tpu.memory_space<semaphore_mem>>) {add = true}
        %dma_wait3A_213 = arith.constant 0 : i32
        %dma_wait3A_214 = tpu.memref_slice %arg8[%add3A_195, %dma_wait3A_213] : memref<16x80xi32, #tpu.memory_space<vmem>> -> memref<1x80xi32, #tpu.memory_space<vmem>>
        %dma_wait3A_215 = tpu.memref_squeeze %dma_wait3A_214 : memref<1x80xi32, #tpu.memory_space<vmem>> -> memref<80xi32, #tpu.memory_space<vmem>>
        %dma_wait3A_216 = arith.constant 0 : i32
        %dma_wait3A_217 = arith.constant 0 : i32
        %dma_wait3A_218 = tpu.memref_slice %arg14[%dma_wait3A_216, %dma_wait3A_217] : memref<10240x128xf32, #tpu.memory_space<vmem_shared>> -> memref<10240x128xf32, #tpu.memory_space<vmem_shared>>
        tpu.wait_indirect_dma semaphore(%run_scoped3A_206 : memref<!tpu.dma_semaphore, #tpu.memory_space<semaphore_mem>>) src(%arg10 : memref<80x128xf32, #tpu.memory_space<vmem>>) dst(%dma_wait3A_218 : memref<10240x128xf32, #tpu.memory_space<vmem_shared>>)
        tpu.yield
      }) : () -> ()
      %add3A_196 = arith.constant 1 : i32
      %add3A_197 = arith.addi %mul3A_135, %add3A_196 : i32
      "tpu.region"() ({
        %run_scoped3A_206 = tpu.sem_alloc : memref<!tpu.dma_semaphore, #tpu.memory_space<semaphore_mem>>
        %dma_start3A_207 = arith.constant 0 : i32
        %dma_start3A_208 = tpu.memref_slice %arg8[%add3A_197, %dma_start3A_207] : memref<16x80xi32, #tpu.memory_space<vmem>> -> memref<1x80xi32, #tpu.memory_space<vmem>>
        %dma_start3A_209 = tpu.memref_squeeze %dma_start3A_208 : memref<1x80xi32, #tpu.memory_space<vmem>> -> memref<80xi32, #tpu.memory_space<vmem>>
        %dma_start3A_210 = arith.constant 0 : i32
        %dma_start3A_211 = tpu.memref_slice %arg15[%dma_start3A_210] : memref<10240xf32, #tpu.memory_space<vmem_shared>> -> memref<10240xf32, #tpu.memory_space<vmem_shared>>
        tpu.enqueue_indirect_dma source(%arg13 : memref<80xf32, #tpu.memory_space<vmem>>) target(%dma_start3A_211 : memref<10240xf32, #tpu.memory_space<vmem_shared>>) offsets(%dma_start3A_209 : memref<80xi32, #tpu.memory_space<vmem>>) semaphore(%run_scoped3A_206 : memref<!tpu.dma_semaphore, #tpu.memory_space<semaphore_mem>>) {add = true}
        %dma_wait3A_212 = arith.constant 0 : i32
        %dma_wait3A_213 = tpu.memref_slice %arg8[%add3A_197, %dma_wait3A_212] : memref<16x80xi32, #tpu.memory_space<vmem>> -> memref<1x80xi32, #tpu.memory_space<vmem>>
        %dma_wait3A_214 = tpu.memref_squeeze %dma_wait3A_213 : memref<1x80xi32, #tpu.memory_space<vmem>> -> memref<80xi32, #tpu.memory_space<vmem>>
        %dma_wait3A_215 = arith.constant 0 : i32
        %dma_wait3A_216 = tpu.memref_slice %arg15[%dma_wait3A_215] : memref<10240xf32, #tpu.memory_space<vmem_shared>> -> memref<10240xf32, #tpu.memory_space<vmem_shared>>
        tpu.wait_indirect_dma semaphore(%run_scoped3A_206 : memref<!tpu.dma_semaphore, #tpu.memory_space<semaphore_mem>>) src(%arg13 : memref<80xf32, #tpu.memory_space<vmem>>) dst(%dma_wait3A_216 : memref<10240xf32, #tpu.memory_space<vmem_shared>>)
        tpu.yield
      }) : () -> ()
      %add3A_198 = arith.constant 2 : i32
      %add3A_199 = arith.addi %mul3A_135, %add3A_198 : i32
      "tpu.region"() ({
        %run_scoped3A_206 = tpu.sem_alloc : memref<!tpu.dma_semaphore, #tpu.memory_space<semaphore_mem>>
        %dma_start3A_207 = arith.constant 0 : i32
        %dma_start3A_208 = tpu.memref_slice %arg8[%add3A_199, %dma_start3A_207] : memref<16x80xi32, #tpu.memory_space<vmem>> -> memref<1x80xi32, #tpu.memory_space<vmem>>
        %dma_start3A_209 = tpu.memref_squeeze %dma_start3A_208 : memref<1x80xi32, #tpu.memory_space<vmem>> -> memref<80xi32, #tpu.memory_space<vmem>>
        %dma_start3A_210 = arith.constant 0 : i32
        %dma_start3A_211 = arith.constant 0 : i32
        %dma_start3A_212 = tpu.memref_slice %arg14[%dma_start3A_210, %dma_start3A_211] : memref<10240x128xf32, #tpu.memory_space<vmem_shared>> -> memref<10240x128xf32, #tpu.memory_space<vmem_shared>>
        tpu.enqueue_indirect_dma source(%arg11 : memref<80x128xf32, #tpu.memory_space<vmem>>) target(%dma_start3A_212 : memref<10240x128xf32, #tpu.memory_space<vmem_shared>>) offsets(%dma_start3A_209 : memref<80xi32, #tpu.memory_space<vmem>>) semaphore(%run_scoped3A_206 : memref<!tpu.dma_semaphore, #tpu.memory_space<semaphore_mem>>) {add = true}
        %dma_wait3A_213 = arith.constant 0 : i32
        %dma_wait3A_214 = tpu.memref_slice %arg8[%add3A_199, %dma_wait3A_213] : memref<16x80xi32, #tpu.memory_space<vmem>> -> memref<1x80xi32, #tpu.memory_space<vmem>>
        %dma_wait3A_215 = tpu.memref_squeeze %dma_wait3A_214 : memref<1x80xi32, #tpu.memory_space<vmem>> -> memref<80xi32, #tpu.memory_space<vmem>>
        %dma_wait3A_216 = arith.constant 0 : i32
        %dma_wait3A_217 = arith.constant 0 : i32
        %dma_wait3A_218 = tpu.memref_slice %arg14[%dma_wait3A_216, %dma_wait3A_217] : memref<10240x128xf32, #tpu.memory_space<vmem_shared>> -> memref<10240x128xf32, #tpu.memory_space<vmem_shared>>
        tpu.wait_indirect_dma semaphore(%run_scoped3A_206 : memref<!tpu.dma_semaphore, #tpu.memory_space<semaphore_mem>>) src(%arg11 : memref<80x128xf32, #tpu.memory_space<vmem>>) dst(%dma_wait3A_218 : memref<10240x128xf32, #tpu.memory_space<vmem_shared>>)
        tpu.yield
      }) : () -> ()
      %add3A_200 = arith.constant 2 : i32
      %add3A_201 = arith.addi %mul3A_135, %add3A_200 : i32
      "tpu.region"() ({
        %run_scoped3A_206 = tpu.sem_alloc : memref<!tpu.dma_semaphore, #tpu.memory_space<semaphore_mem>>
        %dma_start3A_207 = arith.constant 0 : i32
        %dma_start3A_208 = tpu.memref_slice %arg8[%add3A_201, %dma_start3A_207] : memref<16x80xi32, #tpu.memory_space<vmem>> -> memref<1x80xi32, #tpu.memory_space<vmem>>
        %dma_start3A_209 = tpu.memref_squeeze %dma_start3A_208 : memref<1x80xi32, #tpu.memory_space<vmem>> -> memref<80xi32, #tpu.memory_space<vmem>>
        %dma_start3A_210 = arith.constant 0 : i32
        %dma_start3A_211 = tpu.memref_slice %arg15[%dma_start3A_210] : memref<10240xf32, #tpu.memory_space<vmem_shared>> -> memref<10240xf32, #tpu.memory_space<vmem_shared>>
        tpu.enqueue_indirect_dma source(%arg13 : memref<80xf32, #tpu.memory_space<vmem>>) target(%dma_start3A_211 : memref<10240xf32, #tpu.memory_space<vmem_shared>>) offsets(%dma_start3A_209 : memref<80xi32, #tpu.memory_space<vmem>>) semaphore(%run_scoped3A_206 : memref<!tpu.dma_semaphore, #tpu.memory_space<semaphore_mem>>) {add = true}
        %dma_wait3A_212 = arith.constant 0 : i32
        %dma_wait3A_213 = tpu.memref_slice %arg8[%add3A_201, %dma_wait3A_212] : memref<16x80xi32, #tpu.memory_space<vmem>> -> memref<1x80xi32, #tpu.memory_space<vmem>>
        %dma_wait3A_214 = tpu.memref_squeeze %dma_wait3A_213 : memref<1x80xi32, #tpu.memory_space<vmem>> -> memref<80xi32, #tpu.memory_space<vmem>>
        %dma_wait3A_215 = arith.constant 0 : i32
        %dma_wait3A_216 = tpu.memref_slice %arg15[%dma_wait3A_215] : memref<10240xf32, #tpu.memory_space<vmem_shared>> -> memref<10240xf32, #tpu.memory_space<vmem_shared>>
        tpu.wait_indirect_dma semaphore(%run_scoped3A_206 : memref<!tpu.dma_semaphore, #tpu.memory_space<semaphore_mem>>) src(%arg13 : memref<80xf32, #tpu.memory_space<vmem>>) dst(%dma_wait3A_216 : memref<10240xf32, #tpu.memory_space<vmem_shared>>)
        tpu.yield
      }) : () -> ()
      %add3A_202 = arith.constant 3 : i32
      %add3A_203 = arith.addi %mul3A_135, %add3A_202 : i32
      "tpu.region"() ({
        %run_scoped3A_206 = tpu.sem_alloc : memref<!tpu.dma_semaphore, #tpu.memory_space<semaphore_mem>>
        %dma_start3A_207 = arith.constant 0 : i32
        %dma_start3A_208 = tpu.memref_slice %arg8[%add3A_203, %dma_start3A_207] : memref<16x80xi32, #tpu.memory_space<vmem>> -> memref<1x80xi32, #tpu.memory_space<vmem>>
        %dma_start3A_209 = tpu.memref_squeeze %dma_start3A_208 : memref<1x80xi32, #tpu.memory_space<vmem>> -> memref<80xi32, #tpu.memory_space<vmem>>
        %dma_start3A_210 = arith.constant 0 : i32
        %dma_start3A_211 = arith.constant 0 : i32
        %dma_start3A_212 = tpu.memref_slice %arg14[%dma_start3A_210, %dma_start3A_211] : memref<10240x128xf32, #tpu.memory_space<vmem_shared>> -> memref<10240x128xf32, #tpu.memory_space<vmem_shared>>
        tpu.enqueue_indirect_dma source(%arg12 : memref<80x128xf32, #tpu.memory_space<vmem>>) target(%dma_start3A_212 : memref<10240x128xf32, #tpu.memory_space<vmem_shared>>) offsets(%dma_start3A_209 : memref<80xi32, #tpu.memory_space<vmem>>) semaphore(%run_scoped3A_206 : memref<!tpu.dma_semaphore, #tpu.memory_space<semaphore_mem>>) {add = true}
        %dma_wait3A_213 = arith.constant 0 : i32
        %dma_wait3A_214 = tpu.memref_slice %arg8[%add3A_203, %dma_wait3A_213] : memref<16x80xi32, #tpu.memory_space<vmem>> -> memref<1x80xi32, #tpu.memory_space<vmem>>
        %dma_wait3A_215 = tpu.memref_squeeze %dma_wait3A_214 : memref<1x80xi32, #tpu.memory_space<vmem>> -> memref<80xi32, #tpu.memory_space<vmem>>
        %dma_wait3A_216 = arith.constant 0 : i32
        %dma_wait3A_217 = arith.constant 0 : i32
        %dma_wait3A_218 = tpu.memref_slice %arg14[%dma_wait3A_216, %dma_wait3A_217] : memref<10240x128xf32, #tpu.memory_space<vmem_shared>> -> memref<10240x128xf32, #tpu.memory_space<vmem_shared>>
        tpu.wait_indirect_dma semaphore(%run_scoped3A_206 : memref<!tpu.dma_semaphore, #tpu.memory_space<semaphore_mem>>) src(%arg12 : memref<80x128xf32, #tpu.memory_space<vmem>>) dst(%dma_wait3A_218 : memref<10240x128xf32, #tpu.memory_space<vmem_shared>>)
        tpu.yield
      }) : () -> ()
      %add3A_204 = arith.constant 3 : i32
      %add3A_205 = arith.addi %mul3A_135, %add3A_204 : i32
      "tpu.region"() ({
        %run_scoped3A_206 = tpu.sem_alloc : memref<!tpu.dma_semaphore, #tpu.memory_space<semaphore_mem>>
        %dma_start3A_207 = arith.constant 0 : i32
        %dma_start3A_208 = tpu.memref_slice %arg8[%add3A_205, %dma_start3A_207] : memref<16x80xi32, #tpu.memory_space<vmem>> -> memref<1x80xi32, #tpu.memory_space<vmem>>
        %dma_start3A_209 = tpu.memref_squeeze %dma_start3A_208 : memref<1x80xi32, #tpu.memory_space<vmem>> -> memref<80xi32, #tpu.memory_space<vmem>>
        %dma_start3A_210 = arith.constant 0 : i32
        %dma_start3A_211 = tpu.memref_slice %arg15[%dma_start3A_210] : memref<10240xf32, #tpu.memory_space<vmem_shared>> -> memref<10240xf32, #tpu.memory_space<vmem_shared>>
        tpu.enqueue_indirect_dma source(%arg13 : memref<80xf32, #tpu.memory_space<vmem>>) target(%dma_start3A_211 : memref<10240xf32, #tpu.memory_space<vmem_shared>>) offsets(%dma_start3A_209 : memref<80xi32, #tpu.memory_space<vmem>>) semaphore(%run_scoped3A_206 : memref<!tpu.dma_semaphore, #tpu.memory_space<semaphore_mem>>) {add = true}
        %dma_wait3A_212 = arith.constant 0 : i32
        %dma_wait3A_213 = tpu.memref_slice %arg8[%add3A_205, %dma_wait3A_212] : memref<16x80xi32, #tpu.memory_space<vmem>> -> memref<1x80xi32, #tpu.memory_space<vmem>>
        %dma_wait3A_214 = tpu.memref_squeeze %dma_wait3A_213 : memref<1x80xi32, #tpu.memory_space<vmem>> -> memref<80xi32, #tpu.memory_space<vmem>>
        %dma_wait3A_215 = arith.constant 0 : i32
        %dma_wait3A_216 = tpu.memref_slice %arg15[%dma_wait3A_215] : memref<10240xf32, #tpu.memory_space<vmem_shared>> -> memref<10240xf32, #tpu.memory_space<vmem_shared>>
        tpu.wait_indirect_dma semaphore(%run_scoped3A_206 : memref<!tpu.dma_semaphore, #tpu.memory_space<semaphore_mem>>) src(%arg13 : memref<80xf32, #tpu.memory_space<vmem>>) dst(%dma_wait3A_216 : memref<10240xf32, #tpu.memory_space<vmem_shared>>)
        tpu.yield
      }) : () -> ()
    }
    %scan3A_91 = arith.constant 4 : i32
    %run_scoped3A_92 = arith.constant 3 : i32
    "tpu.region"() ({
      %run_scoped3A_133 = tpu.sem_alloc : memref<!tpu.dma_semaphore, #tpu.memory_space<semaphore_mem>>
      %dma_start3A = arith.constant 0 : i32
      %dma_start3A_134 = arith.constant 0 : i32
      %dma_start3A_135 = arith.constant 0 : i32
      %dma_start3A_136 = tpu.memref_slice %arg2[%add3A, %dma_start3A, %dma_start3A_134, %dma_start3A_135] : memref<32x8x16x80xi32, #tpu.memory_space<hbm>> -> memref<1x8x16x80xi32, #tpu.memory_space<hbm>>
      %dma_start3A_137 = tpu.memref_squeeze %dma_start3A_136 : memref<1x8x16x80xi32, #tpu.memory_space<hbm>> -> memref<8x16x80xi32, #tpu.memory_space<hbm>>
      %dma_start3A_138 = arith.constant 0 : i32
      %dma_start3A_139 = arith.constant 0 : i32
      %dma_start3A_140 = tpu.memref_slice %dma_start3A_137[%run_scoped3A_92, %dma_start3A_138, %dma_start3A_139] : memref<8x16x80xi32, #tpu.memory_space<hbm>> -> memref<1x16x80xi32, #tpu.memory_space<hbm>>
      %dma_start3A_141 = tpu.memref_squeeze %dma_start3A_140 : memref<1x16x80xi32, #tpu.memory_space<hbm>> -> memref<16x80xi32, #tpu.memory_space<hbm>>
      %dma_start3A_142 = arith.constant 0 : i32
      %dma_start3A_143 = arith.constant 0 : i32
      %dma_start3A_144 = arith.constant 0 : i32
      %dma_start3A_145 = tpu.memref_slice %arg2[%add3A, %dma_start3A_142, %dma_start3A_143, %dma_start3A_144] : memref<32x8x16x80xi32, #tpu.memory_space<hbm>> -> memref<1x8x16x80xi32, #tpu.memory_space<hbm>>
      %dma_start3A_146 = tpu.memref_squeeze %dma_start3A_145 : memref<1x8x16x80xi32, #tpu.memory_space<hbm>> -> memref<8x16x80xi32, #tpu.memory_space<hbm>>
      %dma_start3A_147 = arith.constant 0 : i32
      %dma_start3A_148 = arith.constant 0 : i32
      %dma_start3A_149 = tpu.memref_slice %dma_start3A_146[%run_scoped3A_92, %dma_start3A_147, %dma_start3A_148] : memref<8x16x80xi32, #tpu.memory_space<hbm>> -> memref<1x16x80xi32, #tpu.memory_space<hbm>>
      %dma_start3A_150 = tpu.memref_squeeze %dma_start3A_149 : memref<1x16x80xi32, #tpu.memory_space<hbm>> -> memref<16x80xi32, #tpu.memory_space<hbm>>
      tpu.enqueue_dma source(%dma_start3A_150 : memref<16x80xi32, #tpu.memory_space<hbm>>) target(%arg7 : memref<16x80xi32, #tpu.memory_space<vmem>>) target_semaphore(%run_scoped3A_133 : memref<!tpu.dma_semaphore, #tpu.memory_space<semaphore_mem>>)
      %dma_wait3A = arith.constant 0 : i32
      %dma_wait3A_151 = arith.constant 0 : i32
      %dma_wait3A_152 = arith.constant 0 : i32
      %dma_wait3A_153 = tpu.memref_slice %arg2[%add3A, %dma_wait3A, %dma_wait3A_151, %dma_wait3A_152] : memref<32x8x16x80xi32, #tpu.memory_space<hbm>> -> memref<1x8x16x80xi32, #tpu.memory_space<hbm>>
      %dma_wait3A_154 = tpu.memref_squeeze %dma_wait3A_153 : memref<1x8x16x80xi32, #tpu.memory_space<hbm>> -> memref<8x16x80xi32, #tpu.memory_space<hbm>>
      %dma_wait3A_155 = arith.constant 0 : i32
      %dma_wait3A_156 = arith.constant 0 : i32
      %dma_wait3A_157 = tpu.memref_slice %dma_wait3A_154[%run_scoped3A_92, %dma_wait3A_155, %dma_wait3A_156] : memref<8x16x80xi32, #tpu.memory_space<hbm>> -> memref<1x16x80xi32, #tpu.memory_space<hbm>>
      %dma_wait3A_158 = tpu.memref_squeeze %dma_wait3A_157 : memref<1x16x80xi32, #tpu.memory_space<hbm>> -> memref<16x80xi32, #tpu.memory_space<hbm>>
      %dma_wait3A_159 = arith.constant 0 : i32
      %dma_wait3A_160 = arith.constant 0 : i32
      %dma_wait3A_161 = arith.constant 0 : i32
      %dma_wait3A_162 = tpu.memref_slice %arg2[%add3A, %dma_wait3A_159, %dma_wait3A_160, %dma_wait3A_161] : memref<32x8x16x80xi32, #tpu.memory_space<hbm>> -> memref<1x8x16x80xi32, #tpu.memory_space<hbm>>
      %dma_wait3A_163 = tpu.memref_squeeze %dma_wait3A_162 : memref<1x8x16x80xi32, #tpu.memory_space<hbm>> -> memref<8x16x80xi32, #tpu.memory_space<hbm>>
      %dma_wait3A_164 = arith.constant 0 : i32
      %dma_wait3A_165 = arith.constant 0 : i32
      %dma_wait3A_166 = tpu.memref_slice %dma_wait3A_163[%run_scoped3A_92, %dma_wait3A_164, %dma_wait3A_165] : memref<8x16x80xi32, #tpu.memory_space<hbm>> -> memref<1x16x80xi32, #tpu.memory_space<hbm>>
      %dma_wait3A_167 = tpu.memref_squeeze %dma_wait3A_166 : memref<1x16x80xi32, #tpu.memory_space<hbm>> -> memref<16x80xi32, #tpu.memory_space<hbm>>
      tpu.wait_dma2 semaphore(%run_scoped3A_133 : memref<!tpu.dma_semaphore, #tpu.memory_space<semaphore_mem>>) src(%dma_wait3A_167 : memref<16x80xi32, #tpu.memory_space<hbm>>) dst(%arg7 : memref<16x80xi32, #tpu.memory_space<vmem>>)
      tpu.yield
    }) : () -> ()
    %run_scoped3A_93 = arith.constant 3 : i32
    "tpu.region"() ({
      %run_scoped3A_133 = tpu.sem_alloc : memref<!tpu.dma_semaphore, #tpu.memory_space<semaphore_mem>>
      %dma_start3A = arith.constant 0 : i32
      %dma_start3A_134 = arith.constant 0 : i32
      %dma_start3A_135 = arith.constant 0 : i32
      %dma_start3A_136 = tpu.memref_slice %arg3[%add3A, %dma_start3A, %dma_start3A_134, %dma_start3A_135] : memref<32x8x16x80xi32, #tpu.memory_space<hbm>> -> memref<1x8x16x80xi32, #tpu.memory_space<hbm>>
      %dma_start3A_137 = tpu.memref_squeeze %dma_start3A_136 : memref<1x8x16x80xi32, #tpu.memory_space<hbm>> -> memref<8x16x80xi32, #tpu.memory_space<hbm>>
      %dma_start3A_138 = arith.constant 0 : i32
      %dma_start3A_139 = arith.constant 0 : i32
      %dma_start3A_140 = tpu.memref_slice %dma_start3A_137[%run_scoped3A_93, %dma_start3A_138, %dma_start3A_139] : memref<8x16x80xi32, #tpu.memory_space<hbm>> -> memref<1x16x80xi32, #tpu.memory_space<hbm>>
      %dma_start3A_141 = tpu.memref_squeeze %dma_start3A_140 : memref<1x16x80xi32, #tpu.memory_space<hbm>> -> memref<16x80xi32, #tpu.memory_space<hbm>>
      %dma_start3A_142 = arith.constant 0 : i32
      %dma_start3A_143 = arith.constant 0 : i32
      %dma_start3A_144 = arith.constant 0 : i32
      %dma_start3A_145 = tpu.memref_slice %arg3[%add3A, %dma_start3A_142, %dma_start3A_143, %dma_start3A_144] : memref<32x8x16x80xi32, #tpu.memory_space<hbm>> -> memref<1x8x16x80xi32, #tpu.memory_space<hbm>>
      %dma_start3A_146 = tpu.memref_squeeze %dma_start3A_145 : memref<1x8x16x80xi32, #tpu.memory_space<hbm>> -> memref<8x16x80xi32, #tpu.memory_space<hbm>>
      %dma_start3A_147 = arith.constant 0 : i32
      %dma_start3A_148 = arith.constant 0 : i32
      %dma_start3A_149 = tpu.memref_slice %dma_start3A_146[%run_scoped3A_93, %dma_start3A_147, %dma_start3A_148] : memref<8x16x80xi32, #tpu.memory_space<hbm>> -> memref<1x16x80xi32, #tpu.memory_space<hbm>>
      %dma_start3A_150 = tpu.memref_squeeze %dma_start3A_149 : memref<1x16x80xi32, #tpu.memory_space<hbm>> -> memref<16x80xi32, #tpu.memory_space<hbm>>
      tpu.enqueue_dma source(%dma_start3A_150 : memref<16x80xi32, #tpu.memory_space<hbm>>) target(%arg8 : memref<16x80xi32, #tpu.memory_space<vmem>>) target_semaphore(%run_scoped3A_133 : memref<!tpu.dma_semaphore, #tpu.memory_space<semaphore_mem>>)
      %dma_wait3A = arith.constant 0 : i32
      %dma_wait3A_151 = arith.constant 0 : i32
      %dma_wait3A_152 = arith.constant 0 : i32
      %dma_wait3A_153 = tpu.memref_slice %arg3[%add3A, %dma_wait3A, %dma_wait3A_151, %dma_wait3A_152] : memref<32x8x16x80xi32, #tpu.memory_space<hbm>> -> memref<1x8x16x80xi32, #tpu.memory_space<hbm>>
      %dma_wait3A_154 = tpu.memref_squeeze %dma_wait3A_153 : memref<1x8x16x80xi32, #tpu.memory_space<hbm>> -> memref<8x16x80xi32, #tpu.memory_space<hbm>>
      %dma_wait3A_155 = arith.constant 0 : i32
      %dma_wait3A_156 = arith.constant 0 : i32
      %dma_wait3A_157 = tpu.memref_slice %dma_wait3A_154[%run_scoped3A_93, %dma_wait3A_155, %dma_wait3A_156] : memref<8x16x80xi32, #tpu.memory_space<hbm>> -> memref<1x16x80xi32, #tpu.memory_space<hbm>>
      %dma_wait3A_158 = tpu.memref_squeeze %dma_wait3A_157 : memref<1x16x80xi32, #tpu.memory_space<hbm>> -> memref<16x80xi32, #tpu.memory_space<hbm>>
      %dma_wait3A_159 = arith.constant 0 : i32
      %dma_wait3A_160 = arith.constant 0 : i32
      %dma_wait3A_161 = arith.constant 0 : i32
      %dma_wait3A_162 = tpu.memref_slice %arg3[%add3A, %dma_wait3A_159, %dma_wait3A_160, %dma_wait3A_161] : memref<32x8x16x80xi32, #tpu.memory_space<hbm>> -> memref<1x8x16x80xi32, #tpu.memory_space<hbm>>
      %dma_wait3A_163 = tpu.memref_squeeze %dma_wait3A_162 : memref<1x8x16x80xi32, #tpu.memory_space<hbm>> -> memref<8x16x80xi32, #tpu.memory_space<hbm>>
      %dma_wait3A_164 = arith.constant 0 : i32
      %dma_wait3A_165 = arith.constant 0 : i32
      %dma_wait3A_166 = tpu.memref_slice %dma_wait3A_163[%run_scoped3A_93, %dma_wait3A_164, %dma_wait3A_165] : memref<8x16x80xi32, #tpu.memory_space<hbm>> -> memref<1x16x80xi32, #tpu.memory_space<hbm>>
      %dma_wait3A_167 = tpu.memref_squeeze %dma_wait3A_166 : memref<1x16x80xi32, #tpu.memory_space<hbm>> -> memref<16x80xi32, #tpu.memory_space<hbm>>
      tpu.wait_dma2 semaphore(%run_scoped3A_133 : memref<!tpu.dma_semaphore, #tpu.memory_space<semaphore_mem>>) src(%dma_wait3A_167 : memref<16x80xi32, #tpu.memory_space<hbm>>) dst(%arg8 : memref<16x80xi32, #tpu.memory_space<vmem>>)
      tpu.yield
    }) : () -> ()
    %scan3A_94 = arith.constant 0 : i32
    %scan3A_95 = arith.constant 0 : i32
    %scan3A_96 = arith.constant 4 : i32
    %scan3A_97 = arith.addi %scan3A_95, %scan3A_96 : i32
    %scan3A_98 = arith.constant 1 : i32
    scf.for %scan3A_133 = %scan3A_95 to %scan3A_97 step %scan3A_98  : i32 {
      %mul3A_134 = arith.constant 4 : i32
      %mul3A_135 = arith.muli %mul3A_134, %scan3A_133 : i32
      %add3A_136 = arith.constant 0 : i32
      %add3A_137 = arith.addi %mul3A_135, %add3A_136 : i32
      %dma_start3A = arith.constant 0 : i32
      %dma_start3A_138 = tpu.memref_slice %arg7[%add3A_137, %dma_start3A] : memref<16x80xi32, #tpu.memory_space<vmem>> -> memref<1x80xi32, #tpu.memory_space<vmem>>
      %dma_start3A_139 = tpu.memref_squeeze %dma_start3A_138 : memref<1x80xi32, #tpu.memory_space<vmem>> -> memref<80xi32, #tpu.memory_space<vmem>>
      %dma_start3A_140 = arith.constant 0 : i32
      %dma_start3A_141 = arith.constant 0 : i32
      %dma_start3A_142 = tpu.memref_slice %arg4[%dma_start3A_140, %dma_start3A_141] : memref<10000x128xf32, #tpu.memory_space<hbm>> -> memref<10000x128xf32, #tpu.memory_space<hbm>>
      tpu.enqueue_indirect_dma source(%dma_start3A_142 : memref<10000x128xf32, #tpu.memory_space<hbm>>) target(%arg9 : memref<80x128xf32, #tpu.memory_space<vmem>>) offsets(%dma_start3A_139 : memref<80xi32, #tpu.memory_space<vmem>>) semaphore(%arg16 : memref<!tpu.dma_semaphore, #tpu.memory_space<semaphore_mem>>)
      %add3A_143 = arith.constant 1 : i32
      %add3A_144 = arith.addi %mul3A_135, %add3A_143 : i32
      %dma_start3A_145 = arith.constant 0 : i32
      %dma_start3A_146 = tpu.memref_slice %arg7[%add3A_144, %dma_start3A_145] : memref<16x80xi32, #tpu.memory_space<vmem>> -> memref<1x80xi32, #tpu.memory_space<vmem>>
      %dma_start3A_147 = tpu.memref_squeeze %dma_start3A_146 : memref<1x80xi32, #tpu.memory_space<vmem>> -> memref<80xi32, #tpu.memory_space<vmem>>
      %dma_start3A_148 = arith.constant 0 : i32
      %dma_start3A_149 = arith.constant 0 : i32
      %dma_start3A_150 = tpu.memref_slice %arg4[%dma_start3A_148, %dma_start3A_149] : memref<10000x128xf32, #tpu.memory_space<hbm>> -> memref<10000x128xf32, #tpu.memory_space<hbm>>
      tpu.enqueue_indirect_dma source(%dma_start3A_150 : memref<10000x128xf32, #tpu.memory_space<hbm>>) target(%arg10 : memref<80x128xf32, #tpu.memory_space<vmem>>) offsets(%dma_start3A_147 : memref<80xi32, #tpu.memory_space<vmem>>) semaphore(%arg16 : memref<!tpu.dma_semaphore, #tpu.memory_space<semaphore_mem>>)
      %add3A_151 = arith.constant 2 : i32
      %add3A_152 = arith.addi %mul3A_135, %add3A_151 : i32
      %dma_start3A_153 = arith.constant 0 : i32
      %dma_start3A_154 = tpu.memref_slice %arg7[%add3A_152, %dma_start3A_153] : memref<16x80xi32, #tpu.memory_space<vmem>> -> memref<1x80xi32, #tpu.memory_space<vmem>>
      %dma_start3A_155 = tpu.memref_squeeze %dma_start3A_154 : memref<1x80xi32, #tpu.memory_space<vmem>> -> memref<80xi32, #tpu.memory_space<vmem>>
      %dma_start3A_156 = arith.constant 0 : i32
      %dma_start3A_157 = arith.constant 0 : i32
      %dma_start3A_158 = tpu.memref_slice %arg4[%dma_start3A_156, %dma_start3A_157] : memref<10000x128xf32, #tpu.memory_space<hbm>> -> memref<10000x128xf32, #tpu.memory_space<hbm>>
      tpu.enqueue_indirect_dma source(%dma_start3A_158 : memref<10000x128xf32, #tpu.memory_space<hbm>>) target(%arg11 : memref<80x128xf32, #tpu.memory_space<vmem>>) offsets(%dma_start3A_155 : memref<80xi32, #tpu.memory_space<vmem>>) semaphore(%arg16 : memref<!tpu.dma_semaphore, #tpu.memory_space<semaphore_mem>>)
      %add3A_159 = arith.constant 3 : i32
      %add3A_160 = arith.addi %mul3A_135, %add3A_159 : i32
      %dma_start3A_161 = arith.constant 0 : i32
      %dma_start3A_162 = tpu.memref_slice %arg7[%add3A_160, %dma_start3A_161] : memref<16x80xi32, #tpu.memory_space<vmem>> -> memref<1x80xi32, #tpu.memory_space<vmem>>
      %dma_start3A_163 = tpu.memref_squeeze %dma_start3A_162 : memref<1x80xi32, #tpu.memory_space<vmem>> -> memref<80xi32, #tpu.memory_space<vmem>>
      %dma_start3A_164 = arith.constant 0 : i32
      %dma_start3A_165 = arith.constant 0 : i32
      %dma_start3A_166 = tpu.memref_slice %arg4[%dma_start3A_164, %dma_start3A_165] : memref<10000x128xf32, #tpu.memory_space<hbm>> -> memref<10000x128xf32, #tpu.memory_space<hbm>>
      tpu.enqueue_indirect_dma source(%dma_start3A_166 : memref<10000x128xf32, #tpu.memory_space<hbm>>) target(%arg12 : memref<80x128xf32, #tpu.memory_space<vmem>>) offsets(%dma_start3A_163 : memref<80xi32, #tpu.memory_space<vmem>>) semaphore(%arg16 : memref<!tpu.dma_semaphore, #tpu.memory_space<semaphore_mem>>)
      %dma_wait3A = arith.constant 0 : i32
      %dma_wait3A_167 = tpu.memref_slice %arg7[%add3A_137, %dma_wait3A] : memref<16x80xi32, #tpu.memory_space<vmem>> -> memref<1x80xi32, #tpu.memory_space<vmem>>
      %dma_wait3A_168 = tpu.memref_squeeze %dma_wait3A_167 : memref<1x80xi32, #tpu.memory_space<vmem>> -> memref<80xi32, #tpu.memory_space<vmem>>
      %dma_wait3A_169 = arith.constant 0 : i32
      %dma_wait3A_170 = arith.constant 0 : i32
      %dma_wait3A_171 = tpu.memref_slice %arg4[%dma_wait3A_169, %dma_wait3A_170] : memref<10000x128xf32, #tpu.memory_space<hbm>> -> memref<10000x128xf32, #tpu.memory_space<hbm>>
      tpu.wait_indirect_dma semaphore(%arg16 : memref<!tpu.dma_semaphore, #tpu.memory_space<semaphore_mem>>) src(%dma_wait3A_171 : memref<10000x128xf32, #tpu.memory_space<hbm>>) dst(%arg9 : memref<80x128xf32, #tpu.memory_space<vmem>>)
      %dma_wait3A_172 = arith.constant 0 : i32
      %dma_wait3A_173 = tpu.memref_slice %arg7[%add3A_144, %dma_wait3A_172] : memref<16x80xi32, #tpu.memory_space<vmem>> -> memref<1x80xi32, #tpu.memory_space<vmem>>
      %dma_wait3A_174 = tpu.memref_squeeze %dma_wait3A_173 : memref<1x80xi32, #tpu.memory_space<vmem>> -> memref<80xi32, #tpu.memory_space<vmem>>
      %dma_wait3A_175 = arith.constant 0 : i32
      %dma_wait3A_176 = arith.constant 0 : i32
      %dma_wait3A_177 = tpu.memref_slice %arg4[%dma_wait3A_175, %dma_wait3A_176] : memref<10000x128xf32, #tpu.memory_space<hbm>> -> memref<10000x128xf32, #tpu.memory_space<hbm>>
      tpu.wait_indirect_dma semaphore(%arg16 : memref<!tpu.dma_semaphore, #tpu.memory_space<semaphore_mem>>) src(%dma_wait3A_177 : memref<10000x128xf32, #tpu.memory_space<hbm>>) dst(%arg10 : memref<80x128xf32, #tpu.memory_space<vmem>>)
      %dma_wait3A_178 = arith.constant 0 : i32
      %dma_wait3A_179 = tpu.memref_slice %arg7[%add3A_152, %dma_wait3A_178] : memref<16x80xi32, #tpu.memory_space<vmem>> -> memref<1x80xi32, #tpu.memory_space<vmem>>
      %dma_wait3A_180 = tpu.memref_squeeze %dma_wait3A_179 : memref<1x80xi32, #tpu.memory_space<vmem>> -> memref<80xi32, #tpu.memory_space<vmem>>
      %dma_wait3A_181 = arith.constant 0 : i32
      %dma_wait3A_182 = arith.constant 0 : i32
      %dma_wait3A_183 = tpu.memref_slice %arg4[%dma_wait3A_181, %dma_wait3A_182] : memref<10000x128xf32, #tpu.memory_space<hbm>> -> memref<10000x128xf32, #tpu.memory_space<hbm>>
      tpu.wait_indirect_dma semaphore(%arg16 : memref<!tpu.dma_semaphore, #tpu.memory_space<semaphore_mem>>) src(%dma_wait3A_183 : memref<10000x128xf32, #tpu.memory_space<hbm>>) dst(%arg11 : memref<80x128xf32, #tpu.memory_space<vmem>>)
      %dma_wait3A_184 = arith.constant 0 : i32
      %dma_wait3A_185 = tpu.memref_slice %arg7[%add3A_160, %dma_wait3A_184] : memref<16x80xi32, #tpu.memory_space<vmem>> -> memref<1x80xi32, #tpu.memory_space<vmem>>
      %dma_wait3A_186 = tpu.memref_squeeze %dma_wait3A_185 : memref<1x80xi32, #tpu.memory_space<vmem>> -> memref<80xi32, #tpu.memory_space<vmem>>
      %dma_wait3A_187 = arith.constant 0 : i32
      %dma_wait3A_188 = arith.constant 0 : i32
      %dma_wait3A_189 = tpu.memref_slice %arg4[%dma_wait3A_187, %dma_wait3A_188] : memref<10000x128xf32, #tpu.memory_space<hbm>> -> memref<10000x128xf32, #tpu.memory_space<hbm>>
      tpu.wait_indirect_dma semaphore(%arg16 : memref<!tpu.dma_semaphore, #tpu.memory_space<semaphore_mem>>) src(%dma_wait3A_189 : memref<10000x128xf32, #tpu.memory_space<hbm>>) dst(%arg12 : memref<80x128xf32, #tpu.memory_space<vmem>>)
      %add3A_190 = arith.constant 0 : i32
      %add3A_191 = arith.addi %mul3A_135, %add3A_190 : i32
      "tpu.region"() ({
        %run_scoped3A_206 = tpu.sem_alloc : memref<!tpu.dma_semaphore, #tpu.memory_space<semaphore_mem>>
        %dma_start3A_207 = arith.constant 0 : i32
        %dma_start3A_208 = tpu.memref_slice %arg8[%add3A_191, %dma_start3A_207] : memref<16x80xi32, #tpu.memory_space<vmem>> -> memref<1x80xi32, #tpu.memory_space<vmem>>
        %dma_start3A_209 = tpu.memref_squeeze %dma_start3A_208 : memref<1x80xi32, #tpu.memory_space<vmem>> -> memref<80xi32, #tpu.memory_space<vmem>>
        %dma_start3A_210 = arith.constant 0 : i32
        %dma_start3A_211 = arith.constant 0 : i32
        %dma_start3A_212 = tpu.memref_slice %arg14[%dma_start3A_210, %dma_start3A_211] : memref<10240x128xf32, #tpu.memory_space<vmem_shared>> -> memref<10240x128xf32, #tpu.memory_space<vmem_shared>>
        tpu.enqueue_indirect_dma source(%arg9 : memref<80x128xf32, #tpu.memory_space<vmem>>) target(%dma_start3A_212 : memref<10240x128xf32, #tpu.memory_space<vmem_shared>>) offsets(%dma_start3A_209 : memref<80xi32, #tpu.memory_space<vmem>>) semaphore(%run_scoped3A_206 : memref<!tpu.dma_semaphore, #tpu.memory_space<semaphore_mem>>) {add = true}
        %dma_wait3A_213 = arith.constant 0 : i32
        %dma_wait3A_214 = tpu.memref_slice %arg8[%add3A_191, %dma_wait3A_213] : memref<16x80xi32, #tpu.memory_space<vmem>> -> memref<1x80xi32, #tpu.memory_space<vmem>>
        %dma_wait3A_215 = tpu.memref_squeeze %dma_wait3A_214 : memref<1x80xi32, #tpu.memory_space<vmem>> -> memref<80xi32, #tpu.memory_space<vmem>>
        %dma_wait3A_216 = arith.constant 0 : i32
        %dma_wait3A_217 = arith.constant 0 : i32
        %dma_wait3A_218 = tpu.memref_slice %arg14[%dma_wait3A_216, %dma_wait3A_217] : memref<10240x128xf32, #tpu.memory_space<vmem_shared>> -> memref<10240x128xf32, #tpu.memory_space<vmem_shared>>
        tpu.wait_indirect_dma semaphore(%run_scoped3A_206 : memref<!tpu.dma_semaphore, #tpu.memory_space<semaphore_mem>>) src(%arg9 : memref<80x128xf32, #tpu.memory_space<vmem>>) dst(%dma_wait3A_218 : memref<10240x128xf32, #tpu.memory_space<vmem_shared>>)
        tpu.yield
      }) : () -> ()
      %add3A_192 = arith.constant 0 : i32
      %add3A_193 = arith.addi %mul3A_135, %add3A_192 : i32
      "tpu.region"() ({
        %run_scoped3A_206 = tpu.sem_alloc : memref<!tpu.dma_semaphore, #tpu.memory_space<semaphore_mem>>
        %dma_start3A_207 = arith.constant 0 : i32
        %dma_start3A_208 = tpu.memref_slice %arg8[%add3A_193, %dma_start3A_207] : memref<16x80xi32, #tpu.memory_space<vmem>> -> memref<1x80xi32, #tpu.memory_space<vmem>>
        %dma_start3A_209 = tpu.memref_squeeze %dma_start3A_208 : memref<1x80xi32, #tpu.memory_space<vmem>> -> memref<80xi32, #tpu.memory_space<vmem>>
        %dma_start3A_210 = arith.constant 0 : i32
        %dma_start3A_211 = tpu.memref_slice %arg15[%dma_start3A_210] : memref<10240xf32, #tpu.memory_space<vmem_shared>> -> memref<10240xf32, #tpu.memory_space<vmem_shared>>
        tpu.enqueue_indirect_dma source(%arg13 : memref<80xf32, #tpu.memory_space<vmem>>) target(%dma_start3A_211 : memref<10240xf32, #tpu.memory_space<vmem_shared>>) offsets(%dma_start3A_209 : memref<80xi32, #tpu.memory_space<vmem>>) semaphore(%run_scoped3A_206 : memref<!tpu.dma_semaphore, #tpu.memory_space<semaphore_mem>>) {add = true}
        %dma_wait3A_212 = arith.constant 0 : i32
        %dma_wait3A_213 = tpu.memref_slice %arg8[%add3A_193, %dma_wait3A_212] : memref<16x80xi32, #tpu.memory_space<vmem>> -> memref<1x80xi32, #tpu.memory_space<vmem>>
        %dma_wait3A_214 = tpu.memref_squeeze %dma_wait3A_213 : memref<1x80xi32, #tpu.memory_space<vmem>> -> memref<80xi32, #tpu.memory_space<vmem>>
        %dma_wait3A_215 = arith.constant 0 : i32
        %dma_wait3A_216 = tpu.memref_slice %arg15[%dma_wait3A_215] : memref<10240xf32, #tpu.memory_space<vmem_shared>> -> memref<10240xf32, #tpu.memory_space<vmem_shared>>
        tpu.wait_indirect_dma semaphore(%run_scoped3A_206 : memref<!tpu.dma_semaphore, #tpu.memory_space<semaphore_mem>>) src(%arg13 : memref<80xf32, #tpu.memory_space<vmem>>) dst(%dma_wait3A_216 : memref<10240xf32, #tpu.memory_space<vmem_shared>>)
        tpu.yield
      }) : () -> ()
      %add3A_194 = arith.constant 1 : i32
      %add3A_195 = arith.addi %mul3A_135, %add3A_194 : i32
      "tpu.region"() ({
        %run_scoped3A_206 = tpu.sem_alloc : memref<!tpu.dma_semaphore, #tpu.memory_space<semaphore_mem>>
        %dma_start3A_207 = arith.constant 0 : i32
        %dma_start3A_208 = tpu.memref_slice %arg8[%add3A_195, %dma_start3A_207] : memref<16x80xi32, #tpu.memory_space<vmem>> -> memref<1x80xi32, #tpu.memory_space<vmem>>
        %dma_start3A_209 = tpu.memref_squeeze %dma_start3A_208 : memref<1x80xi32, #tpu.memory_space<vmem>> -> memref<80xi32, #tpu.memory_space<vmem>>
        %dma_start3A_210 = arith.constant 0 : i32
        %dma_start3A_211 = arith.constant 0 : i32
        %dma_start3A_212 = tpu.memref_slice %arg14[%dma_start3A_210, %dma_start3A_211] : memref<10240x128xf32, #tpu.memory_space<vmem_shared>> -> memref<10240x128xf32, #tpu.memory_space<vmem_shared>>
        tpu.enqueue_indirect_dma source(%arg10 : memref<80x128xf32, #tpu.memory_space<vmem>>) target(%dma_start3A_212 : memref<10240x128xf32, #tpu.memory_space<vmem_shared>>) offsets(%dma_start3A_209 : memref<80xi32, #tpu.memory_space<vmem>>) semaphore(%run_scoped3A_206 : memref<!tpu.dma_semaphore, #tpu.memory_space<semaphore_mem>>) {add = true}
        %dma_wait3A_213 = arith.constant 0 : i32
        %dma_wait3A_214 = tpu.memref_slice %arg8[%add3A_195, %dma_wait3A_213] : memref<16x80xi32, #tpu.memory_space<vmem>> -> memref<1x80xi32, #tpu.memory_space<vmem>>
        %dma_wait3A_215 = tpu.memref_squeeze %dma_wait3A_214 : memref<1x80xi32, #tpu.memory_space<vmem>> -> memref<80xi32, #tpu.memory_space<vmem>>
        %dma_wait3A_216 = arith.constant 0 : i32
        %dma_wait3A_217 = arith.constant 0 : i32
        %dma_wait3A_218 = tpu.memref_slice %arg14[%dma_wait3A_216, %dma_wait3A_217] : memref<10240x128xf32, #tpu.memory_space<vmem_shared>> -> memref<10240x128xf32, #tpu.memory_space<vmem_shared>>
        tpu.wait_indirect_dma semaphore(%run_scoped3A_206 : memref<!tpu.dma_semaphore, #tpu.memory_space<semaphore_mem>>) src(%arg10 : memref<80x128xf32, #tpu.memory_space<vmem>>) dst(%dma_wait3A_218 : memref<10240x128xf32, #tpu.memory_space<vmem_shared>>)
        tpu.yield
      }) : () -> ()
      %add3A_196 = arith.constant 1 : i32
      %add3A_197 = arith.addi %mul3A_135, %add3A_196 : i32
      "tpu.region"() ({
        %run_scoped3A_206 = tpu.sem_alloc : memref<!tpu.dma_semaphore, #tpu.memory_space<semaphore_mem>>
        %dma_start3A_207 = arith.constant 0 : i32
        %dma_start3A_208 = tpu.memref_slice %arg8[%add3A_197, %dma_start3A_207] : memref<16x80xi32, #tpu.memory_space<vmem>> -> memref<1x80xi32, #tpu.memory_space<vmem>>
        %dma_start3A_209 = tpu.memref_squeeze %dma_start3A_208 : memref<1x80xi32, #tpu.memory_space<vmem>> -> memref<80xi32, #tpu.memory_space<vmem>>
        %dma_start3A_210 = arith.constant 0 : i32
        %dma_start3A_211 = tpu.memref_slice %arg15[%dma_start3A_210] : memref<10240xf32, #tpu.memory_space<vmem_shared>> -> memref<10240xf32, #tpu.memory_space<vmem_shared>>
        tpu.enqueue_indirect_dma source(%arg13 : memref<80xf32, #tpu.memory_space<vmem>>) target(%dma_start3A_211 : memref<10240xf32, #tpu.memory_space<vmem_shared>>) offsets(%dma_start3A_209 : memref<80xi32, #tpu.memory_space<vmem>>) semaphore(%run_scoped3A_206 : memref<!tpu.dma_semaphore, #tpu.memory_space<semaphore_mem>>) {add = true}
        %dma_wait3A_212 = arith.constant 0 : i32
        %dma_wait3A_213 = tpu.memref_slice %arg8[%add3A_197, %dma_wait3A_212] : memref<16x80xi32, #tpu.memory_space<vmem>> -> memref<1x80xi32, #tpu.memory_space<vmem>>
        %dma_wait3A_214 = tpu.memref_squeeze %dma_wait3A_213 : memref<1x80xi32, #tpu.memory_space<vmem>> -> memref<80xi32, #tpu.memory_space<vmem>>
        %dma_wait3A_215 = arith.constant 0 : i32
        %dma_wait3A_216 = tpu.memref_slice %arg15[%dma_wait3A_215] : memref<10240xf32, #tpu.memory_space<vmem_shared>> -> memref<10240xf32, #tpu.memory_space<vmem_shared>>
        tpu.wait_indirect_dma semaphore(%run_scoped3A_206 : memref<!tpu.dma_semaphore, #tpu.memory_space<semaphore_mem>>) src(%arg13 : memref<80xf32, #tpu.memory_space<vmem>>) dst(%dma_wait3A_216 : memref<10240xf32, #tpu.memory_space<vmem_shared>>)
        tpu.yield
      }) : () -> ()
      %add3A_198 = arith.constant 2 : i32
      %add3A_199 = arith.addi %mul3A_135, %add3A_198 : i32
      "tpu.region"() ({
        %run_scoped3A_206 = tpu.sem_alloc : memref<!tpu.dma_semaphore, #tpu.memory_space<semaphore_mem>>
        %dma_start3A_207 = arith.constant 0 : i32
        %dma_start3A_208 = tpu.memref_slice %arg8[%add3A_199, %dma_start3A_207] : memref<16x80xi32, #tpu.memory_space<vmem>> -> memref<1x80xi32, #tpu.memory_space<vmem>>
        %dma_start3A_209 = tpu.memref_squeeze %dma_start3A_208 : memref<1x80xi32, #tpu.memory_space<vmem>> -> memref<80xi32, #tpu.memory_space<vmem>>
        %dma_start3A_210 = arith.constant 0 : i32
        %dma_start3A_211 = arith.constant 0 : i32
        %dma_start3A_212 = tpu.memref_slice %arg14[%dma_start3A_210, %dma_start3A_211] : memref<10240x128xf32, #tpu.memory_space<vmem_shared>> -> memref<10240x128xf32, #tpu.memory_space<vmem_shared>>
        tpu.enqueue_indirect_dma source(%arg11 : memref<80x128xf32, #tpu.memory_space<vmem>>) target(%dma_start3A_212 : memref<10240x128xf32, #tpu.memory_space<vmem_shared>>) offsets(%dma_start3A_209 : memref<80xi32, #tpu.memory_space<vmem>>) semaphore(%run_scoped3A_206 : memref<!tpu.dma_semaphore, #tpu.memory_space<semaphore_mem>>) {add = true}
        %dma_wait3A_213 = arith.constant 0 : i32
        %dma_wait3A_214 = tpu.memref_slice %arg8[%add3A_199, %dma_wait3A_213] : memref<16x80xi32, #tpu.memory_space<vmem>> -> memref<1x80xi32, #tpu.memory_space<vmem>>
        %dma_wait3A_215 = tpu.memref_squeeze %dma_wait3A_214 : memref<1x80xi32, #tpu.memory_space<vmem>> -> memref<80xi32, #tpu.memory_space<vmem>>
        %dma_wait3A_216 = arith.constant 0 : i32
        %dma_wait3A_217 = arith.constant 0 : i32
        %dma_wait3A_218 = tpu.memref_slice %arg14[%dma_wait3A_216, %dma_wait3A_217] : memref<10240x128xf32, #tpu.memory_space<vmem_shared>> -> memref<10240x128xf32, #tpu.memory_space<vmem_shared>>
        tpu.wait_indirect_dma semaphore(%run_scoped3A_206 : memref<!tpu.dma_semaphore, #tpu.memory_space<semaphore_mem>>) src(%arg11 : memref<80x128xf32, #tpu.memory_space<vmem>>) dst(%dma_wait3A_218 : memref<10240x128xf32, #tpu.memory_space<vmem_shared>>)
        tpu.yield
      }) : () -> ()
      %add3A_200 = arith.constant 2 : i32
      %add3A_201 = arith.addi %mul3A_135, %add3A_200 : i32
      "tpu.region"() ({
        %run_scoped3A_206 = tpu.sem_alloc : memref<!tpu.dma_semaphore, #tpu.memory_space<semaphore_mem>>
        %dma_start3A_207 = arith.constant 0 : i32
        %dma_start3A_208 = tpu.memref_slice %arg8[%add3A_201, %dma_start3A_207] : memref<16x80xi32, #tpu.memory_space<vmem>> -> memref<1x80xi32, #tpu.memory_space<vmem>>
        %dma_start3A_209 = tpu.memref_squeeze %dma_start3A_208 : memref<1x80xi32, #tpu.memory_space<vmem>> -> memref<80xi32, #tpu.memory_space<vmem>>
        %dma_start3A_210 = arith.constant 0 : i32
        %dma_start3A_211 = tpu.memref_slice %arg15[%dma_start3A_210] : memref<10240xf32, #tpu.memory_space<vmem_shared>> -> memref<10240xf32, #tpu.memory_space<vmem_shared>>
        tpu.enqueue_indirect_dma source(%arg13 : memref<80xf32, #tpu.memory_space<vmem>>) target(%dma_start3A_211 : memref<10240xf32, #tpu.memory_space<vmem_shared>>) offsets(%dma_start3A_209 : memref<80xi32, #tpu.memory_space<vmem>>) semaphore(%run_scoped3A_206 : memref<!tpu.dma_semaphore, #tpu.memory_space<semaphore_mem>>) {add = true}
        %dma_wait3A_212 = arith.constant 0 : i32
        %dma_wait3A_213 = tpu.memref_slice %arg8[%add3A_201, %dma_wait3A_212] : memref<16x80xi32, #tpu.memory_space<vmem>> -> memref<1x80xi32, #tpu.memory_space<vmem>>
        %dma_wait3A_214 = tpu.memref_squeeze %dma_wait3A_213 : memref<1x80xi32, #tpu.memory_space<vmem>> -> memref<80xi32, #tpu.memory_space<vmem>>
        %dma_wait3A_215 = arith.constant 0 : i32
        %dma_wait3A_216 = tpu.memref_slice %arg15[%dma_wait3A_215] : memref<10240xf32, #tpu.memory_space<vmem_shared>> -> memref<10240xf32, #tpu.memory_space<vmem_shared>>
        tpu.wait_indirect_dma semaphore(%run_scoped3A_206 : memref<!tpu.dma_semaphore, #tpu.memory_space<semaphore_mem>>) src(%arg13 : memref<80xf32, #tpu.memory_space<vmem>>) dst(%dma_wait3A_216 : memref<10240xf32, #tpu.memory_space<vmem_shared>>)
        tpu.yield
      }) : () -> ()
      %add3A_202 = arith.constant 3 : i32
      %add3A_203 = arith.addi %mul3A_135, %add3A_202 : i32
      "tpu.region"() ({
        %run_scoped3A_206 = tpu.sem_alloc : memref<!tpu.dma_semaphore, #tpu.memory_space<semaphore_mem>>
        %dma_start3A_207 = arith.constant 0 : i32
        %dma_start3A_208 = tpu.memref_slice %arg8[%add3A_203, %dma_start3A_207] : memref<16x80xi32, #tpu.memory_space<vmem>> -> memref<1x80xi32, #tpu.memory_space<vmem>>
        %dma_start3A_209 = tpu.memref_squeeze %dma_start3A_208 : memref<1x80xi32, #tpu.memory_space<vmem>> -> memref<80xi32, #tpu.memory_space<vmem>>
        %dma_start3A_210 = arith.constant 0 : i32
        %dma_start3A_211 = arith.constant 0 : i32
        %dma_start3A_212 = tpu.memref_slice %arg14[%dma_start3A_210, %dma_start3A_211] : memref<10240x128xf32, #tpu.memory_space<vmem_shared>> -> memref<10240x128xf32, #tpu.memory_space<vmem_shared>>
        tpu.enqueue_indirect_dma source(%arg12 : memref<80x128xf32, #tpu.memory_space<vmem>>) target(%dma_start3A_212 : memref<10240x128xf32, #tpu.memory_space<vmem_shared>>) offsets(%dma_start3A_209 : memref<80xi32, #tpu.memory_space<vmem>>) semaphore(%run_scoped3A_206 : memref<!tpu.dma_semaphore, #tpu.memory_space<semaphore_mem>>) {add = true}
        %dma_wait3A_213 = arith.constant 0 : i32
        %dma_wait3A_214 = tpu.memref_slice %arg8[%add3A_203, %dma_wait3A_213] : memref<16x80xi32, #tpu.memory_space<vmem>> -> memref<1x80xi32, #tpu.memory_space<vmem>>
        %dma_wait3A_215 = tpu.memref_squeeze %dma_wait3A_214 : memref<1x80xi32, #tpu.memory_space<vmem>> -> memref<80xi32, #tpu.memory_space<vmem>>
        %dma_wait3A_216 = arith.constant 0 : i32
        %dma_wait3A_217 = arith.constant 0 : i32
        %dma_wait3A_218 = tpu.memref_slice %arg14[%dma_wait3A_216, %dma_wait3A_217] : memref<10240x128xf32, #tpu.memory_space<vmem_shared>> -> memref<10240x128xf32, #tpu.memory_space<vmem_shared>>
        tpu.wait_indirect_dma semaphore(%run_scoped3A_206 : memref<!tpu.dma_semaphore, #tpu.memory_space<semaphore_mem>>) src(%arg12 : memref<80x128xf32, #tpu.memory_space<vmem>>) dst(%dma_wait3A_218 : memref<10240x128xf32, #tpu.memory_space<vmem_shared>>)
        tpu.yield
      }) : () -> ()
      %add3A_204 = arith.constant 3 : i32
      %add3A_205 = arith.addi %mul3A_135, %add3A_204 : i32
      "tpu.region"() ({
        %run_scoped3A_206 = tpu.sem_alloc : memref<!tpu.dma_semaphore, #tpu.memory_space<semaphore_mem>>
        %dma_start3A_207 = arith.constant 0 : i32
        %dma_start3A_208 = tpu.memref_slice %arg8[%add3A_205, %dma_start3A_207] : memref<16x80xi32, #tpu.memory_space<vmem>> -> memref<1x80xi32, #tpu.memory_space<vmem>>
        %dma_start3A_209 = tpu.memref_squeeze %dma_start3A_208 : memref<1x80xi32, #tpu.memory_space<vmem>> -> memref<80xi32, #tpu.memory_space<vmem>>
        %dma_start3A_210 = arith.constant 0 : i32
        %dma_start3A_211 = tpu.memref_slice %arg15[%dma_start3A_210] : memref<10240xf32, #tpu.memory_space<vmem_shared>> -> memref<10240xf32, #tpu.memory_space<vmem_shared>>
        tpu.enqueue_indirect_dma source(%arg13 : memref<80xf32, #tpu.memory_space<vmem>>) target(%dma_start3A_211 : memref<10240xf32, #tpu.memory_space<vmem_shared>>) offsets(%dma_start3A_209 : memref<80xi32, #tpu.memory_space<vmem>>) semaphore(%run_scoped3A_206 : memref<!tpu.dma_semaphore, #tpu.memory_space<semaphore_mem>>) {add = true}
        %dma_wait3A_212 = arith.constant 0 : i32
        %dma_wait3A_213 = tpu.memref_slice %arg8[%add3A_205, %dma_wait3A_212] : memref<16x80xi32, #tpu.memory_space<vmem>> -> memref<1x80xi32, #tpu.memory_space<vmem>>
        %dma_wait3A_214 = tpu.memref_squeeze %dma_wait3A_213 : memref<1x80xi32, #tpu.memory_space<vmem>> -> memref<80xi32, #tpu.memory_space<vmem>>
        %dma_wait3A_215 = arith.constant 0 : i32
        %dma_wait3A_216 = tpu.memref_slice %arg15[%dma_wait3A_215] : memref<10240xf32, #tpu.memory_space<vmem_shared>> -> memref<10240xf32, #tpu.memory_space<vmem_shared>>
        tpu.wait_indirect_dma semaphore(%run_scoped3A_206 : memref<!tpu.dma_semaphore, #tpu.memory_space<semaphore_mem>>) src(%arg13 : memref<80xf32, #tpu.memory_space<vmem>>) dst(%dma_wait3A_216 : memref<10240xf32, #tpu.memory_space<vmem_shared>>)
        tpu.yield
      }) : () -> ()
    }
    %scan3A_99 = arith.constant 4 : i32
    %run_scoped3A_100 = arith.constant 4 : i32
    "tpu.region"() ({
      %run_scoped3A_133 = tpu.sem_alloc : memref<!tpu.dma_semaphore, #tpu.memory_space<semaphore_mem>>
      %dma_start3A = arith.constant 0 : i32
      %dma_start3A_134 = arith.constant 0 : i32
      %dma_start3A_135 = arith.constant 0 : i32
      %dma_start3A_136 = tpu.memref_slice %arg2[%add3A, %dma_start3A, %dma_start3A_134, %dma_start3A_135] : memref<32x8x16x80xi32, #tpu.memory_space<hbm>> -> memref<1x8x16x80xi32, #tpu.memory_space<hbm>>
      %dma_start3A_137 = tpu.memref_squeeze %dma_start3A_136 : memref<1x8x16x80xi32, #tpu.memory_space<hbm>> -> memref<8x16x80xi32, #tpu.memory_space<hbm>>
      %dma_start3A_138 = arith.constant 0 : i32
      %dma_start3A_139 = arith.constant 0 : i32
      %dma_start3A_140 = tpu.memref_slice %dma_start3A_137[%run_scoped3A_100, %dma_start3A_138, %dma_start3A_139] : memref<8x16x80xi32, #tpu.memory_space<hbm>> -> memref<1x16x80xi32, #tpu.memory_space<hbm>>
      %dma_start3A_141 = tpu.memref_squeeze %dma_start3A_140 : memref<1x16x80xi32, #tpu.memory_space<hbm>> -> memref<16x80xi32, #tpu.memory_space<hbm>>
      %dma_start3A_142 = arith.constant 0 : i32
      %dma_start3A_143 = arith.constant 0 : i32
      %dma_start3A_144 = arith.constant 0 : i32
      %dma_start3A_145 = tpu.memref_slice %arg2[%add3A, %dma_start3A_142, %dma_start3A_143, %dma_start3A_144] : memref<32x8x16x80xi32, #tpu.memory_space<hbm>> -> memref<1x8x16x80xi32, #tpu.memory_space<hbm>>
      %dma_start3A_146 = tpu.memref_squeeze %dma_start3A_145 : memref<1x8x16x80xi32, #tpu.memory_space<hbm>> -> memref<8x16x80xi32, #tpu.memory_space<hbm>>
      %dma_start3A_147 = arith.constant 0 : i32
      %dma_start3A_148 = arith.constant 0 : i32
      %dma_start3A_149 = tpu.memref_slice %dma_start3A_146[%run_scoped3A_100, %dma_start3A_147, %dma_start3A_148] : memref<8x16x80xi32, #tpu.memory_space<hbm>> -> memref<1x16x80xi32, #tpu.memory_space<hbm>>
      %dma_start3A_150 = tpu.memref_squeeze %dma_start3A_149 : memref<1x16x80xi32, #tpu.memory_space<hbm>> -> memref<16x80xi32, #tpu.memory_space<hbm>>
      tpu.enqueue_dma source(%dma_start3A_150 : memref<16x80xi32, #tpu.memory_space<hbm>>) target(%arg7 : memref<16x80xi32, #tpu.memory_space<vmem>>) target_semaphore(%run_scoped3A_133 : memref<!tpu.dma_semaphore, #tpu.memory_space<semaphore_mem>>)
      %dma_wait3A = arith.constant 0 : i32
      %dma_wait3A_151 = arith.constant 0 : i32
      %dma_wait3A_152 = arith.constant 0 : i32
      %dma_wait3A_153 = tpu.memref_slice %arg2[%add3A, %dma_wait3A, %dma_wait3A_151, %dma_wait3A_152] : memref<32x8x16x80xi32, #tpu.memory_space<hbm>> -> memref<1x8x16x80xi32, #tpu.memory_space<hbm>>
      %dma_wait3A_154 = tpu.memref_squeeze %dma_wait3A_153 : memref<1x8x16x80xi32, #tpu.memory_space<hbm>> -> memref<8x16x80xi32, #tpu.memory_space<hbm>>
      %dma_wait3A_155 = arith.constant 0 : i32
      %dma_wait3A_156 = arith.constant 0 : i32
      %dma_wait3A_157 = tpu.memref_slice %dma_wait3A_154[%run_scoped3A_100, %dma_wait3A_155, %dma_wait3A_156] : memref<8x16x80xi32, #tpu.memory_space<hbm>> -> memref<1x16x80xi32, #tpu.memory_space<hbm>>
      %dma_wait3A_158 = tpu.memref_squeeze %dma_wait3A_157 : memref<1x16x80xi32, #tpu.memory_space<hbm>> -> memref<16x80xi32, #tpu.memory_space<hbm>>
      %dma_wait3A_159 = arith.constant 0 : i32
      %dma_wait3A_160 = arith.constant 0 : i32
      %dma_wait3A_161 = arith.constant 0 : i32
      %dma_wait3A_162 = tpu.memref_slice %arg2[%add3A, %dma_wait3A_159, %dma_wait3A_160, %dma_wait3A_161] : memref<32x8x16x80xi32, #tpu.memory_space<hbm>> -> memref<1x8x16x80xi32, #tpu.memory_space<hbm>>
      %dma_wait3A_163 = tpu.memref_squeeze %dma_wait3A_162 : memref<1x8x16x80xi32, #tpu.memory_space<hbm>> -> memref<8x16x80xi32, #tpu.memory_space<hbm>>
      %dma_wait3A_164 = arith.constant 0 : i32
      %dma_wait3A_165 = arith.constant 0 : i32
      %dma_wait3A_166 = tpu.memref_slice %dma_wait3A_163[%run_scoped3A_100, %dma_wait3A_164, %dma_wait3A_165] : memref<8x16x80xi32, #tpu.memory_space<hbm>> -> memref<1x16x80xi32, #tpu.memory_space<hbm>>
      %dma_wait3A_167 = tpu.memref_squeeze %dma_wait3A_166 : memref<1x16x80xi32, #tpu.memory_space<hbm>> -> memref<16x80xi32, #tpu.memory_space<hbm>>
      tpu.wait_dma2 semaphore(%run_scoped3A_133 : memref<!tpu.dma_semaphore, #tpu.memory_space<semaphore_mem>>) src(%dma_wait3A_167 : memref<16x80xi32, #tpu.memory_space<hbm>>) dst(%arg7 : memref<16x80xi32, #tpu.memory_space<vmem>>)
      tpu.yield
    }) : () -> ()
    %run_scoped3A_101 = arith.constant 4 : i32
    "tpu.region"() ({
      %run_scoped3A_133 = tpu.sem_alloc : memref<!tpu.dma_semaphore, #tpu.memory_space<semaphore_mem>>
      %dma_start3A = arith.constant 0 : i32
      %dma_start3A_134 = arith.constant 0 : i32
      %dma_start3A_135 = arith.constant 0 : i32
      %dma_start3A_136 = tpu.memref_slice %arg3[%add3A, %dma_start3A, %dma_start3A_134, %dma_start3A_135] : memref<32x8x16x80xi32, #tpu.memory_space<hbm>> -> memref<1x8x16x80xi32, #tpu.memory_space<hbm>>
      %dma_start3A_137 = tpu.memref_squeeze %dma_start3A_136 : memref<1x8x16x80xi32, #tpu.memory_space<hbm>> -> memref<8x16x80xi32, #tpu.memory_space<hbm>>
      %dma_start3A_138 = arith.constant 0 : i32
      %dma_start3A_139 = arith.constant 0 : i32
      %dma_start3A_140 = tpu.memref_slice %dma_start3A_137[%run_scoped3A_101, %dma_start3A_138, %dma_start3A_139] : memref<8x16x80xi32, #tpu.memory_space<hbm>> -> memref<1x16x80xi32, #tpu.memory_space<hbm>>
      %dma_start3A_141 = tpu.memref_squeeze %dma_start3A_140 : memref<1x16x80xi32, #tpu.memory_space<hbm>> -> memref<16x80xi32, #tpu.memory_space<hbm>>
      %dma_start3A_142 = arith.constant 0 : i32
      %dma_start3A_143 = arith.constant 0 : i32
      %dma_start3A_144 = arith.constant 0 : i32
      %dma_start3A_145 = tpu.memref_slice %arg3[%add3A, %dma_start3A_142, %dma_start3A_143, %dma_start3A_144] : memref<32x8x16x80xi32, #tpu.memory_space<hbm>> -> memref<1x8x16x80xi32, #tpu.memory_space<hbm>>
      %dma_start3A_146 = tpu.memref_squeeze %dma_start3A_145 : memref<1x8x16x80xi32, #tpu.memory_space<hbm>> -> memref<8x16x80xi32, #tpu.memory_space<hbm>>
      %dma_start3A_147 = arith.constant 0 : i32
      %dma_start3A_148 = arith.constant 0 : i32
      %dma_start3A_149 = tpu.memref_slice %dma_start3A_146[%run_scoped3A_101, %dma_start3A_147, %dma_start3A_148] : memref<8x16x80xi32, #tpu.memory_space<hbm>> -> memref<1x16x80xi32, #tpu.memory_space<hbm>>
      %dma_start3A_150 = tpu.memref_squeeze %dma_start3A_149 : memref<1x16x80xi32, #tpu.memory_space<hbm>> -> memref<16x80xi32, #tpu.memory_space<hbm>>
      tpu.enqueue_dma source(%dma_start3A_150 : memref<16x80xi32, #tpu.memory_space<hbm>>) target(%arg8 : memref<16x80xi32, #tpu.memory_space<vmem>>) target_semaphore(%run_scoped3A_133 : memref<!tpu.dma_semaphore, #tpu.memory_space<semaphore_mem>>)
      %dma_wait3A = arith.constant 0 : i32
      %dma_wait3A_151 = arith.constant 0 : i32
      %dma_wait3A_152 = arith.constant 0 : i32
      %dma_wait3A_153 = tpu.memref_slice %arg3[%add3A, %dma_wait3A, %dma_wait3A_151, %dma_wait3A_152] : memref<32x8x16x80xi32, #tpu.memory_space<hbm>> -> memref<1x8x16x80xi32, #tpu.memory_space<hbm>>
      %dma_wait3A_154 = tpu.memref_squeeze %dma_wait3A_153 : memref<1x8x16x80xi32, #tpu.memory_space<hbm>> -> memref<8x16x80xi32, #tpu.memory_space<hbm>>
      %dma_wait3A_155 = arith.constant 0 : i32
      %dma_wait3A_156 = arith.constant 0 : i32
      %dma_wait3A_157 = tpu.memref_slice %dma_wait3A_154[%run_scoped3A_101, %dma_wait3A_155, %dma_wait3A_156] : memref<8x16x80xi32, #tpu.memory_space<hbm>> -> memref<1x16x80xi32, #tpu.memory_space<hbm>>
      %dma_wait3A_158 = tpu.memref_squeeze %dma_wait3A_157 : memref<1x16x80xi32, #tpu.memory_space<hbm>> -> memref<16x80xi32, #tpu.memory_space<hbm>>
      %dma_wait3A_159 = arith.constant 0 : i32
      %dma_wait3A_160 = arith.constant 0 : i32
      %dma_wait3A_161 = arith.constant 0 : i32
      %dma_wait3A_162 = tpu.memref_slice %arg3[%add3A, %dma_wait3A_159, %dma_wait3A_160, %dma_wait3A_161] : memref<32x8x16x80xi32, #tpu.memory_space<hbm>> -> memref<1x8x16x80xi32, #tpu.memory_space<hbm>>
      %dma_wait3A_163 = tpu.memref_squeeze %dma_wait3A_162 : memref<1x8x16x80xi32, #tpu.memory_space<hbm>> -> memref<8x16x80xi32, #tpu.memory_space<hbm>>
      %dma_wait3A_164 = arith.constant 0 : i32
      %dma_wait3A_165 = arith.constant 0 : i32
      %dma_wait3A_166 = tpu.memref_slice %dma_wait3A_163[%run_scoped3A_101, %dma_wait3A_164, %dma_wait3A_165] : memref<8x16x80xi32, #tpu.memory_space<hbm>> -> memref<1x16x80xi32, #tpu.memory_space<hbm>>
      %dma_wait3A_167 = tpu.memref_squeeze %dma_wait3A_166 : memref<1x16x80xi32, #tpu.memory_space<hbm>> -> memref<16x80xi32, #tpu.memory_space<hbm>>
      tpu.wait_dma2 semaphore(%run_scoped3A_133 : memref<!tpu.dma_semaphore, #tpu.memory_space<semaphore_mem>>) src(%dma_wait3A_167 : memref<16x80xi32, #tpu.memory_space<hbm>>) dst(%arg8 : memref<16x80xi32, #tpu.memory_space<vmem>>)
      tpu.yield
    }) : () -> ()
    %scan3A_102 = arith.constant 0 : i32
    %scan3A_103 = arith.constant 0 : i32
    %scan3A_104 = arith.constant 4 : i32
    %scan3A_105 = arith.addi %scan3A_103, %scan3A_104 : i32
    %scan3A_106 = arith.constant 1 : i32
    scf.for %scan3A_133 = %scan3A_103 to %scan3A_105 step %scan3A_106  : i32 {
      %mul3A_134 = arith.constant 4 : i32
      %mul3A_135 = arith.muli %mul3A_134, %scan3A_133 : i32
      %add3A_136 = arith.constant 0 : i32
      %add3A_137 = arith.addi %mul3A_135, %add3A_136 : i32
      %dma_start3A = arith.constant 0 : i32
      %dma_start3A_138 = tpu.memref_slice %arg7[%add3A_137, %dma_start3A] : memref<16x80xi32, #tpu.memory_space<vmem>> -> memref<1x80xi32, #tpu.memory_space<vmem>>
      %dma_start3A_139 = tpu.memref_squeeze %dma_start3A_138 : memref<1x80xi32, #tpu.memory_space<vmem>> -> memref<80xi32, #tpu.memory_space<vmem>>
      %dma_start3A_140 = arith.constant 0 : i32
      %dma_start3A_141 = arith.constant 0 : i32
      %dma_start3A_142 = tpu.memref_slice %arg4[%dma_start3A_140, %dma_start3A_141] : memref<10000x128xf32, #tpu.memory_space<hbm>> -> memref<10000x128xf32, #tpu.memory_space<hbm>>
      tpu.enqueue_indirect_dma source(%dma_start3A_142 : memref<10000x128xf32, #tpu.memory_space<hbm>>) target(%arg9 : memref<80x128xf32, #tpu.memory_space<vmem>>) offsets(%dma_start3A_139 : memref<80xi32, #tpu.memory_space<vmem>>) semaphore(%arg16 : memref<!tpu.dma_semaphore, #tpu.memory_space<semaphore_mem>>)
      %add3A_143 = arith.constant 1 : i32
      %add3A_144 = arith.addi %mul3A_135, %add3A_143 : i32
      %dma_start3A_145 = arith.constant 0 : i32
      %dma_start3A_146 = tpu.memref_slice %arg7[%add3A_144, %dma_start3A_145] : memref<16x80xi32, #tpu.memory_space<vmem>> -> memref<1x80xi32, #tpu.memory_space<vmem>>
      %dma_start3A_147 = tpu.memref_squeeze %dma_start3A_146 : memref<1x80xi32, #tpu.memory_space<vmem>> -> memref<80xi32, #tpu.memory_space<vmem>>
      %dma_start3A_148 = arith.constant 0 : i32
      %dma_start3A_149 = arith.constant 0 : i32
      %dma_start3A_150 = tpu.memref_slice %arg4[%dma_start3A_148, %dma_start3A_149] : memref<10000x128xf32, #tpu.memory_space<hbm>> -> memref<10000x128xf32, #tpu.memory_space<hbm>>
      tpu.enqueue_indirect_dma source(%dma_start3A_150 : memref<10000x128xf32, #tpu.memory_space<hbm>>) target(%arg10 : memref<80x128xf32, #tpu.memory_space<vmem>>) offsets(%dma_start3A_147 : memref<80xi32, #tpu.memory_space<vmem>>) semaphore(%arg16 : memref<!tpu.dma_semaphore, #tpu.memory_space<semaphore_mem>>)
      %add3A_151 = arith.constant 2 : i32
      %add3A_152 = arith.addi %mul3A_135, %add3A_151 : i32
      %dma_start3A_153 = arith.constant 0 : i32
      %dma_start3A_154 = tpu.memref_slice %arg7[%add3A_152, %dma_start3A_153] : memref<16x80xi32, #tpu.memory_space<vmem>> -> memref<1x80xi32, #tpu.memory_space<vmem>>
      %dma_start3A_155 = tpu.memref_squeeze %dma_start3A_154 : memref<1x80xi32, #tpu.memory_space<vmem>> -> memref<80xi32, #tpu.memory_space<vmem>>
      %dma_start3A_156 = arith.constant 0 : i32
      %dma_start3A_157 = arith.constant 0 : i32
      %dma_start3A_158 = tpu.memref_slice %arg4[%dma_start3A_156, %dma_start3A_157] : memref<10000x128xf32, #tpu.memory_space<hbm>> -> memref<10000x128xf32, #tpu.memory_space<hbm>>
      tpu.enqueue_indirect_dma source(%dma_start3A_158 : memref<10000x128xf32, #tpu.memory_space<hbm>>) target(%arg11 : memref<80x128xf32, #tpu.memory_space<vmem>>) offsets(%dma_start3A_155 : memref<80xi32, #tpu.memory_space<vmem>>) semaphore(%arg16 : memref<!tpu.dma_semaphore, #tpu.memory_space<semaphore_mem>>)
      %add3A_159 = arith.constant 3 : i32
      %add3A_160 = arith.addi %mul3A_135, %add3A_159 : i32
      %dma_start3A_161 = arith.constant 0 : i32
      %dma_start3A_162 = tpu.memref_slice %arg7[%add3A_160, %dma_start3A_161] : memref<16x80xi32, #tpu.memory_space<vmem>> -> memref<1x80xi32, #tpu.memory_space<vmem>>
      %dma_start3A_163 = tpu.memref_squeeze %dma_start3A_162 : memref<1x80xi32, #tpu.memory_space<vmem>> -> memref<80xi32, #tpu.memory_space<vmem>>
      %dma_start3A_164 = arith.constant 0 : i32
      %dma_start3A_165 = arith.constant 0 : i32
      %dma_start3A_166 = tpu.memref_slice %arg4[%dma_start3A_164, %dma_start3A_165] : memref<10000x128xf32, #tpu.memory_space<hbm>> -> memref<10000x128xf32, #tpu.memory_space<hbm>>
      tpu.enqueue_indirect_dma source(%dma_start3A_166 : memref<10000x128xf32, #tpu.memory_space<hbm>>) target(%arg12 : memref<80x128xf32, #tpu.memory_space<vmem>>) offsets(%dma_start3A_163 : memref<80xi32, #tpu.memory_space<vmem>>) semaphore(%arg16 : memref<!tpu.dma_semaphore, #tpu.memory_space<semaphore_mem>>)
      %dma_wait3A = arith.constant 0 : i32
      %dma_wait3A_167 = tpu.memref_slice %arg7[%add3A_137, %dma_wait3A] : memref<16x80xi32, #tpu.memory_space<vmem>> -> memref<1x80xi32, #tpu.memory_space<vmem>>
      %dma_wait3A_168 = tpu.memref_squeeze %dma_wait3A_167 : memref<1x80xi32, #tpu.memory_space<vmem>> -> memref<80xi32, #tpu.memory_space<vmem>>
      %dma_wait3A_169 = arith.constant 0 : i32
      %dma_wait3A_170 = arith.constant 0 : i32
      %dma_wait3A_171 = tpu.memref_slice %arg4[%dma_wait3A_169, %dma_wait3A_170] : memref<10000x128xf32, #tpu.memory_space<hbm>> -> memref<10000x128xf32, #tpu.memory_space<hbm>>
      tpu.wait_indirect_dma semaphore(%arg16 : memref<!tpu.dma_semaphore, #tpu.memory_space<semaphore_mem>>) src(%dma_wait3A_171 : memref<10000x128xf32, #tpu.memory_space<hbm>>) dst(%arg9 : memref<80x128xf32, #tpu.memory_space<vmem>>)
      %dma_wait3A_172 = arith.constant 0 : i32
      %dma_wait3A_173 = tpu.memref_slice %arg7[%add3A_144, %dma_wait3A_172] : memref<16x80xi32, #tpu.memory_space<vmem>> -> memref<1x80xi32, #tpu.memory_space<vmem>>
      %dma_wait3A_174 = tpu.memref_squeeze %dma_wait3A_173 : memref<1x80xi32, #tpu.memory_space<vmem>> -> memref<80xi32, #tpu.memory_space<vmem>>
      %dma_wait3A_175 = arith.constant 0 : i32
      %dma_wait3A_176 = arith.constant 0 : i32
      %dma_wait3A_177 = tpu.memref_slice %arg4[%dma_wait3A_175, %dma_wait3A_176] : memref<10000x128xf32, #tpu.memory_space<hbm>> -> memref<10000x128xf32, #tpu.memory_space<hbm>>
      tpu.wait_indirect_dma semaphore(%arg16 : memref<!tpu.dma_semaphore, #tpu.memory_space<semaphore_mem>>) src(%dma_wait3A_177 : memref<10000x128xf32, #tpu.memory_space<hbm>>) dst(%arg10 : memref<80x128xf32, #tpu.memory_space<vmem>>)
      %dma_wait3A_178 = arith.constant 0 : i32
      %dma_wait3A_179 = tpu.memref_slice %arg7[%add3A_152, %dma_wait3A_178] : memref<16x80xi32, #tpu.memory_space<vmem>> -> memref<1x80xi32, #tpu.memory_space<vmem>>
      %dma_wait3A_180 = tpu.memref_squeeze %dma_wait3A_179 : memref<1x80xi32, #tpu.memory_space<vmem>> -> memref<80xi32, #tpu.memory_space<vmem>>
      %dma_wait3A_181 = arith.constant 0 : i32
      %dma_wait3A_182 = arith.constant 0 : i32
      %dma_wait3A_183 = tpu.memref_slice %arg4[%dma_wait3A_181, %dma_wait3A_182] : memref<10000x128xf32, #tpu.memory_space<hbm>> -> memref<10000x128xf32, #tpu.memory_space<hbm>>
      tpu.wait_indirect_dma semaphore(%arg16 : memref<!tpu.dma_semaphore, #tpu.memory_space<semaphore_mem>>) src(%dma_wait3A_183 : memref<10000x128xf32, #tpu.memory_space<hbm>>) dst(%arg11 : memref<80x128xf32, #tpu.memory_space<vmem>>)
      %dma_wait3A_184 = arith.constant 0 : i32
      %dma_wait3A_185 = tpu.memref_slice %arg7[%add3A_160, %dma_wait3A_184] : memref<16x80xi32, #tpu.memory_space<vmem>> -> memref<1x80xi32, #tpu.memory_space<vmem>>
      %dma_wait3A_186 = tpu.memref_squeeze %dma_wait3A_185 : memref<1x80xi32, #tpu.memory_space<vmem>> -> memref<80xi32, #tpu.memory_space<vmem>>
      %dma_wait3A_187 = arith.constant 0 : i32
      %dma_wait3A_188 = arith.constant 0 : i32
      %dma_wait3A_189 = tpu.memref_slice %arg4[%dma_wait3A_187, %dma_wait3A_188] : memref<10000x128xf32, #tpu.memory_space<hbm>> -> memref<10000x128xf32, #tpu.memory_space<hbm>>
      tpu.wait_indirect_dma semaphore(%arg16 : memref<!tpu.dma_semaphore, #tpu.memory_space<semaphore_mem>>) src(%dma_wait3A_189 : memref<10000x128xf32, #tpu.memory_space<hbm>>) dst(%arg12 : memref<80x128xf32, #tpu.memory_space<vmem>>)
      %add3A_190 = arith.constant 0 : i32
      %add3A_191 = arith.addi %mul3A_135, %add3A_190 : i32
      "tpu.region"() ({
        %run_scoped3A_206 = tpu.sem_alloc : memref<!tpu.dma_semaphore, #tpu.memory_space<semaphore_mem>>
        %dma_start3A_207 = arith.constant 0 : i32
        %dma_start3A_208 = tpu.memref_slice %arg8[%add3A_191, %dma_start3A_207] : memref<16x80xi32, #tpu.memory_space<vmem>> -> memref<1x80xi32, #tpu.memory_space<vmem>>
        %dma_start3A_209 = tpu.memref_squeeze %dma_start3A_208 : memref<1x80xi32, #tpu.memory_space<vmem>> -> memref<80xi32, #tpu.memory_space<vmem>>
        %dma_start3A_210 = arith.constant 0 : i32
        %dma_start3A_211 = arith.constant 0 : i32
        %dma_start3A_212 = tpu.memref_slice %arg14[%dma_start3A_210, %dma_start3A_211] : memref<10240x128xf32, #tpu.memory_space<vmem_shared>> -> memref<10240x128xf32, #tpu.memory_space<vmem_shared>>
        tpu.enqueue_indirect_dma source(%arg9 : memref<80x128xf32, #tpu.memory_space<vmem>>) target(%dma_start3A_212 : memref<10240x128xf32, #tpu.memory_space<vmem_shared>>) offsets(%dma_start3A_209 : memref<80xi32, #tpu.memory_space<vmem>>) semaphore(%run_scoped3A_206 : memref<!tpu.dma_semaphore, #tpu.memory_space<semaphore_mem>>) {add = true}
        %dma_wait3A_213 = arith.constant 0 : i32
        %dma_wait3A_214 = tpu.memref_slice %arg8[%add3A_191, %dma_wait3A_213] : memref<16x80xi32, #tpu.memory_space<vmem>> -> memref<1x80xi32, #tpu.memory_space<vmem>>
        %dma_wait3A_215 = tpu.memref_squeeze %dma_wait3A_214 : memref<1x80xi32, #tpu.memory_space<vmem>> -> memref<80xi32, #tpu.memory_space<vmem>>
        %dma_wait3A_216 = arith.constant 0 : i32
        %dma_wait3A_217 = arith.constant 0 : i32
        %dma_wait3A_218 = tpu.memref_slice %arg14[%dma_wait3A_216, %dma_wait3A_217] : memref<10240x128xf32, #tpu.memory_space<vmem_shared>> -> memref<10240x128xf32, #tpu.memory_space<vmem_shared>>
        tpu.wait_indirect_dma semaphore(%run_scoped3A_206 : memref<!tpu.dma_semaphore, #tpu.memory_space<semaphore_mem>>) src(%arg9 : memref<80x128xf32, #tpu.memory_space<vmem>>) dst(%dma_wait3A_218 : memref<10240x128xf32, #tpu.memory_space<vmem_shared>>)
        tpu.yield
      }) : () -> ()
      %add3A_192 = arith.constant 0 : i32
      %add3A_193 = arith.addi %mul3A_135, %add3A_192 : i32
      "tpu.region"() ({
        %run_scoped3A_206 = tpu.sem_alloc : memref<!tpu.dma_semaphore, #tpu.memory_space<semaphore_mem>>
        %dma_start3A_207 = arith.constant 0 : i32
        %dma_start3A_208 = tpu.memref_slice %arg8[%add3A_193, %dma_start3A_207] : memref<16x80xi32, #tpu.memory_space<vmem>> -> memref<1x80xi32, #tpu.memory_space<vmem>>
        %dma_start3A_209 = tpu.memref_squeeze %dma_start3A_208 : memref<1x80xi32, #tpu.memory_space<vmem>> -> memref<80xi32, #tpu.memory_space<vmem>>
        %dma_start3A_210 = arith.constant 0 : i32
        %dma_start3A_211 = tpu.memref_slice %arg15[%dma_start3A_210] : memref<10240xf32, #tpu.memory_space<vmem_shared>> -> memref<10240xf32, #tpu.memory_space<vmem_shared>>
        tpu.enqueue_indirect_dma source(%arg13 : memref<80xf32, #tpu.memory_space<vmem>>) target(%dma_start3A_211 : memref<10240xf32, #tpu.memory_space<vmem_shared>>) offsets(%dma_start3A_209 : memref<80xi32, #tpu.memory_space<vmem>>) semaphore(%run_scoped3A_206 : memref<!tpu.dma_semaphore, #tpu.memory_space<semaphore_mem>>) {add = true}
        %dma_wait3A_212 = arith.constant 0 : i32
        %dma_wait3A_213 = tpu.memref_slice %arg8[%add3A_193, %dma_wait3A_212] : memref<16x80xi32, #tpu.memory_space<vmem>> -> memref<1x80xi32, #tpu.memory_space<vmem>>
        %dma_wait3A_214 = tpu.memref_squeeze %dma_wait3A_213 : memref<1x80xi32, #tpu.memory_space<vmem>> -> memref<80xi32, #tpu.memory_space<vmem>>
        %dma_wait3A_215 = arith.constant 0 : i32
        %dma_wait3A_216 = tpu.memref_slice %arg15[%dma_wait3A_215] : memref<10240xf32, #tpu.memory_space<vmem_shared>> -> memref<10240xf32, #tpu.memory_space<vmem_shared>>
        tpu.wait_indirect_dma semaphore(%run_scoped3A_206 : memref<!tpu.dma_semaphore, #tpu.memory_space<semaphore_mem>>) src(%arg13 : memref<80xf32, #tpu.memory_space<vmem>>) dst(%dma_wait3A_216 : memref<10240xf32, #tpu.memory_space<vmem_shared>>)
        tpu.yield
      }) : () -> ()
      %add3A_194 = arith.constant 1 : i32
      %add3A_195 = arith.addi %mul3A_135, %add3A_194 : i32
      "tpu.region"() ({
        %run_scoped3A_206 = tpu.sem_alloc : memref<!tpu.dma_semaphore, #tpu.memory_space<semaphore_mem>>
        %dma_start3A_207 = arith.constant 0 : i32
        %dma_start3A_208 = tpu.memref_slice %arg8[%add3A_195, %dma_start3A_207] : memref<16x80xi32, #tpu.memory_space<vmem>> -> memref<1x80xi32, #tpu.memory_space<vmem>>
        %dma_start3A_209 = tpu.memref_squeeze %dma_start3A_208 : memref<1x80xi32, #tpu.memory_space<vmem>> -> memref<80xi32, #tpu.memory_space<vmem>>
        %dma_start3A_210 = arith.constant 0 : i32
        %dma_start3A_211 = arith.constant 0 : i32
        %dma_start3A_212 = tpu.memref_slice %arg14[%dma_start3A_210, %dma_start3A_211] : memref<10240x128xf32, #tpu.memory_space<vmem_shared>> -> memref<10240x128xf32, #tpu.memory_space<vmem_shared>>
        tpu.enqueue_indirect_dma source(%arg10 : memref<80x128xf32, #tpu.memory_space<vmem>>) target(%dma_start3A_212 : memref<10240x128xf32, #tpu.memory_space<vmem_shared>>) offsets(%dma_start3A_209 : memref<80xi32, #tpu.memory_space<vmem>>) semaphore(%run_scoped3A_206 : memref<!tpu.dma_semaphore, #tpu.memory_space<semaphore_mem>>) {add = true}
        %dma_wait3A_213 = arith.constant 0 : i32
        %dma_wait3A_214 = tpu.memref_slice %arg8[%add3A_195, %dma_wait3A_213] : memref<16x80xi32, #tpu.memory_space<vmem>> -> memref<1x80xi32, #tpu.memory_space<vmem>>
        %dma_wait3A_215 = tpu.memref_squeeze %dma_wait3A_214 : memref<1x80xi32, #tpu.memory_space<vmem>> -> memref<80xi32, #tpu.memory_space<vmem>>
        %dma_wait3A_216 = arith.constant 0 : i32
        %dma_wait3A_217 = arith.constant 0 : i32
        %dma_wait3A_218 = tpu.memref_slice %arg14[%dma_wait3A_216, %dma_wait3A_217] : memref<10240x128xf32, #tpu.memory_space<vmem_shared>> -> memref<10240x128xf32, #tpu.memory_space<vmem_shared>>
        tpu.wait_indirect_dma semaphore(%run_scoped3A_206 : memref<!tpu.dma_semaphore, #tpu.memory_space<semaphore_mem>>) src(%arg10 : memref<80x128xf32, #tpu.memory_space<vmem>>) dst(%dma_wait3A_218 : memref<10240x128xf32, #tpu.memory_space<vmem_shared>>)
        tpu.yield
      }) : () -> ()
      %add3A_196 = arith.constant 1 : i32
      %add3A_197 = arith.addi %mul3A_135, %add3A_196 : i32
      "tpu.region"() ({
        %run_scoped3A_206 = tpu.sem_alloc : memref<!tpu.dma_semaphore, #tpu.memory_space<semaphore_mem>>
        %dma_start3A_207 = arith.constant 0 : i32
        %dma_start3A_208 = tpu.memref_slice %arg8[%add3A_197, %dma_start3A_207] : memref<16x80xi32, #tpu.memory_space<vmem>> -> memref<1x80xi32, #tpu.memory_space<vmem>>
        %dma_start3A_209 = tpu.memref_squeeze %dma_start3A_208 : memref<1x80xi32, #tpu.memory_space<vmem>> -> memref<80xi32, #tpu.memory_space<vmem>>
        %dma_start3A_210 = arith.constant 0 : i32
        %dma_start3A_211 = tpu.memref_slice %arg15[%dma_start3A_210] : memref<10240xf32, #tpu.memory_space<vmem_shared>> -> memref<10240xf32, #tpu.memory_space<vmem_shared>>
        tpu.enqueue_indirect_dma source(%arg13 : memref<80xf32, #tpu.memory_space<vmem>>) target(%dma_start3A_211 : memref<10240xf32, #tpu.memory_space<vmem_shared>>) offsets(%dma_start3A_209 : memref<80xi32, #tpu.memory_space<vmem>>) semaphore(%run_scoped3A_206 : memref<!tpu.dma_semaphore, #tpu.memory_space<semaphore_mem>>) {add = true}
        %dma_wait3A_212 = arith.constant 0 : i32
        %dma_wait3A_213 = tpu.memref_slice %arg8[%add3A_197, %dma_wait3A_212] : memref<16x80xi32, #tpu.memory_space<vmem>> -> memref<1x80xi32, #tpu.memory_space<vmem>>
        %dma_wait3A_214 = tpu.memref_squeeze %dma_wait3A_213 : memref<1x80xi32, #tpu.memory_space<vmem>> -> memref<80xi32, #tpu.memory_space<vmem>>
        %dma_wait3A_215 = arith.constant 0 : i32
        %dma_wait3A_216 = tpu.memref_slice %arg15[%dma_wait3A_215] : memref<10240xf32, #tpu.memory_space<vmem_shared>> -> memref<10240xf32, #tpu.memory_space<vmem_shared>>
        tpu.wait_indirect_dma semaphore(%run_scoped3A_206 : memref<!tpu.dma_semaphore, #tpu.memory_space<semaphore_mem>>) src(%arg13 : memref<80xf32, #tpu.memory_space<vmem>>) dst(%dma_wait3A_216 : memref<10240xf32, #tpu.memory_space<vmem_shared>>)
        tpu.yield
      }) : () -> ()
      %add3A_198 = arith.constant 2 : i32
      %add3A_199 = arith.addi %mul3A_135, %add3A_198 : i32
      "tpu.region"() ({
        %run_scoped3A_206 = tpu.sem_alloc : memref<!tpu.dma_semaphore, #tpu.memory_space<semaphore_mem>>
        %dma_start3A_207 = arith.constant 0 : i32
        %dma_start3A_208 = tpu.memref_slice %arg8[%add3A_199, %dma_start3A_207] : memref<16x80xi32, #tpu.memory_space<vmem>> -> memref<1x80xi32, #tpu.memory_space<vmem>>
        %dma_start3A_209 = tpu.memref_squeeze %dma_start3A_208 : memref<1x80xi32, #tpu.memory_space<vmem>> -> memref<80xi32, #tpu.memory_space<vmem>>
        %dma_start3A_210 = arith.constant 0 : i32
        %dma_start3A_211 = arith.constant 0 : i32
        %dma_start3A_212 = tpu.memref_slice %arg14[%dma_start3A_210, %dma_start3A_211] : memref<10240x128xf32, #tpu.memory_space<vmem_shared>> -> memref<10240x128xf32, #tpu.memory_space<vmem_shared>>
        tpu.enqueue_indirect_dma source(%arg11 : memref<80x128xf32, #tpu.memory_space<vmem>>) target(%dma_start3A_212 : memref<10240x128xf32, #tpu.memory_space<vmem_shared>>) offsets(%dma_start3A_209 : memref<80xi32, #tpu.memory_space<vmem>>) semaphore(%run_scoped3A_206 : memref<!tpu.dma_semaphore, #tpu.memory_space<semaphore_mem>>) {add = true}
        %dma_wait3A_213 = arith.constant 0 : i32
        %dma_wait3A_214 = tpu.memref_slice %arg8[%add3A_199, %dma_wait3A_213] : memref<16x80xi32, #tpu.memory_space<vmem>> -> memref<1x80xi32, #tpu.memory_space<vmem>>
        %dma_wait3A_215 = tpu.memref_squeeze %dma_wait3A_214 : memref<1x80xi32, #tpu.memory_space<vmem>> -> memref<80xi32, #tpu.memory_space<vmem>>
        %dma_wait3A_216 = arith.constant 0 : i32
        %dma_wait3A_217 = arith.constant 0 : i32
        %dma_wait3A_218 = tpu.memref_slice %arg14[%dma_wait3A_216, %dma_wait3A_217] : memref<10240x128xf32, #tpu.memory_space<vmem_shared>> -> memref<10240x128xf32, #tpu.memory_space<vmem_shared>>
        tpu.wait_indirect_dma semaphore(%run_scoped3A_206 : memref<!tpu.dma_semaphore, #tpu.memory_space<semaphore_mem>>) src(%arg11 : memref<80x128xf32, #tpu.memory_space<vmem>>) dst(%dma_wait3A_218 : memref<10240x128xf32, #tpu.memory_space<vmem_shared>>)
        tpu.yield
      }) : () -> ()
      %add3A_200 = arith.constant 2 : i32
      %add3A_201 = arith.addi %mul3A_135, %add3A_200 : i32
      "tpu.region"() ({
        %run_scoped3A_206 = tpu.sem_alloc : memref<!tpu.dma_semaphore, #tpu.memory_space<semaphore_mem>>
        %dma_start3A_207 = arith.constant 0 : i32
        %dma_start3A_208 = tpu.memref_slice %arg8[%add3A_201, %dma_start3A_207] : memref<16x80xi32, #tpu.memory_space<vmem>> -> memref<1x80xi32, #tpu.memory_space<vmem>>
        %dma_start3A_209 = tpu.memref_squeeze %dma_start3A_208 : memref<1x80xi32, #tpu.memory_space<vmem>> -> memref<80xi32, #tpu.memory_space<vmem>>
        %dma_start3A_210 = arith.constant 0 : i32
        %dma_start3A_211 = tpu.memref_slice %arg15[%dma_start3A_210] : memref<10240xf32, #tpu.memory_space<vmem_shared>> -> memref<10240xf32, #tpu.memory_space<vmem_shared>>
        tpu.enqueue_indirect_dma source(%arg13 : memref<80xf32, #tpu.memory_space<vmem>>) target(%dma_start3A_211 : memref<10240xf32, #tpu.memory_space<vmem_shared>>) offsets(%dma_start3A_209 : memref<80xi32, #tpu.memory_space<vmem>>) semaphore(%run_scoped3A_206 : memref<!tpu.dma_semaphore, #tpu.memory_space<semaphore_mem>>) {add = true}
        %dma_wait3A_212 = arith.constant 0 : i32
        %dma_wait3A_213 = tpu.memref_slice %arg8[%add3A_201, %dma_wait3A_212] : memref<16x80xi32, #tpu.memory_space<vmem>> -> memref<1x80xi32, #tpu.memory_space<vmem>>
        %dma_wait3A_214 = tpu.memref_squeeze %dma_wait3A_213 : memref<1x80xi32, #tpu.memory_space<vmem>> -> memref<80xi32, #tpu.memory_space<vmem>>
        %dma_wait3A_215 = arith.constant 0 : i32
        %dma_wait3A_216 = tpu.memref_slice %arg15[%dma_wait3A_215] : memref<10240xf32, #tpu.memory_space<vmem_shared>> -> memref<10240xf32, #tpu.memory_space<vmem_shared>>
        tpu.wait_indirect_dma semaphore(%run_scoped3A_206 : memref<!tpu.dma_semaphore, #tpu.memory_space<semaphore_mem>>) src(%arg13 : memref<80xf32, #tpu.memory_space<vmem>>) dst(%dma_wait3A_216 : memref<10240xf32, #tpu.memory_space<vmem_shared>>)
        tpu.yield
      }) : () -> ()
      %add3A_202 = arith.constant 3 : i32
      %add3A_203 = arith.addi %mul3A_135, %add3A_202 : i32
      "tpu.region"() ({
        %run_scoped3A_206 = tpu.sem_alloc : memref<!tpu.dma_semaphore, #tpu.memory_space<semaphore_mem>>
        %dma_start3A_207 = arith.constant 0 : i32
        %dma_start3A_208 = tpu.memref_slice %arg8[%add3A_203, %dma_start3A_207] : memref<16x80xi32, #tpu.memory_space<vmem>> -> memref<1x80xi32, #tpu.memory_space<vmem>>
        %dma_start3A_209 = tpu.memref_squeeze %dma_start3A_208 : memref<1x80xi32, #tpu.memory_space<vmem>> -> memref<80xi32, #tpu.memory_space<vmem>>
        %dma_start3A_210 = arith.constant 0 : i32
        %dma_start3A_211 = arith.constant 0 : i32
        %dma_start3A_212 = tpu.memref_slice %arg14[%dma_start3A_210, %dma_start3A_211] : memref<10240x128xf32, #tpu.memory_space<vmem_shared>> -> memref<10240x128xf32, #tpu.memory_space<vmem_shared>>
        tpu.enqueue_indirect_dma source(%arg12 : memref<80x128xf32, #tpu.memory_space<vmem>>) target(%dma_start3A_212 : memref<10240x128xf32, #tpu.memory_space<vmem_shared>>) offsets(%dma_start3A_209 : memref<80xi32, #tpu.memory_space<vmem>>) semaphore(%run_scoped3A_206 : memref<!tpu.dma_semaphore, #tpu.memory_space<semaphore_mem>>) {add = true}
        %dma_wait3A_213 = arith.constant 0 : i32
        %dma_wait3A_214 = tpu.memref_slice %arg8[%add3A_203, %dma_wait3A_213] : memref<16x80xi32, #tpu.memory_space<vmem>> -> memref<1x80xi32, #tpu.memory_space<vmem>>
        %dma_wait3A_215 = tpu.memref_squeeze %dma_wait3A_214 : memref<1x80xi32, #tpu.memory_space<vmem>> -> memref<80xi32, #tpu.memory_space<vmem>>
        %dma_wait3A_216 = arith.constant 0 : i32
        %dma_wait3A_217 = arith.constant 0 : i32
        %dma_wait3A_218 = tpu.memref_slice %arg14[%dma_wait3A_216, %dma_wait3A_217] : memref<10240x128xf32, #tpu.memory_space<vmem_shared>> -> memref<10240x128xf32, #tpu.memory_space<vmem_shared>>
        tpu.wait_indirect_dma semaphore(%run_scoped3A_206 : memref<!tpu.dma_semaphore, #tpu.memory_space<semaphore_mem>>) src(%arg12 : memref<80x128xf32, #tpu.memory_space<vmem>>) dst(%dma_wait3A_218 : memref<10240x128xf32, #tpu.memory_space<vmem_shared>>)
        tpu.yield
      }) : () -> ()
      %add3A_204 = arith.constant 3 : i32
      %add3A_205 = arith.addi %mul3A_135, %add3A_204 : i32
      "tpu.region"() ({
        %run_scoped3A_206 = tpu.sem_alloc : memref<!tpu.dma_semaphore, #tpu.memory_space<semaphore_mem>>
        %dma_start3A_207 = arith.constant 0 : i32
        %dma_start3A_208 = tpu.memref_slice %arg8[%add3A_205, %dma_start3A_207] : memref<16x80xi32, #tpu.memory_space<vmem>> -> memref<1x80xi32, #tpu.memory_space<vmem>>
        %dma_start3A_209 = tpu.memref_squeeze %dma_start3A_208 : memref<1x80xi32, #tpu.memory_space<vmem>> -> memref<80xi32, #tpu.memory_space<vmem>>
        %dma_start3A_210 = arith.constant 0 : i32
        %dma_start3A_211 = tpu.memref_slice %arg15[%dma_start3A_210] : memref<10240xf32, #tpu.memory_space<vmem_shared>> -> memref<10240xf32, #tpu.memory_space<vmem_shared>>
        tpu.enqueue_indirect_dma source(%arg13 : memref<80xf32, #tpu.memory_space<vmem>>) target(%dma_start3A_211 : memref<10240xf32, #tpu.memory_space<vmem_shared>>) offsets(%dma_start3A_209 : memref<80xi32, #tpu.memory_space<vmem>>) semaphore(%run_scoped3A_206 : memref<!tpu.dma_semaphore, #tpu.memory_space<semaphore_mem>>) {add = true}
        %dma_wait3A_212 = arith.constant 0 : i32
        %dma_wait3A_213 = tpu.memref_slice %arg8[%add3A_205, %dma_wait3A_212] : memref<16x80xi32, #tpu.memory_space<vmem>> -> memref<1x80xi32, #tpu.memory_space<vmem>>
        %dma_wait3A_214 = tpu.memref_squeeze %dma_wait3A_213 : memref<1x80xi32, #tpu.memory_space<vmem>> -> memref<80xi32, #tpu.memory_space<vmem>>
        %dma_wait3A_215 = arith.constant 0 : i32
        %dma_wait3A_216 = tpu.memref_slice %arg15[%dma_wait3A_215] : memref<10240xf32, #tpu.memory_space<vmem_shared>> -> memref<10240xf32, #tpu.memory_space<vmem_shared>>
        tpu.wait_indirect_dma semaphore(%run_scoped3A_206 : memref<!tpu.dma_semaphore, #tpu.memory_space<semaphore_mem>>) src(%arg13 : memref<80xf32, #tpu.memory_space<vmem>>) dst(%dma_wait3A_216 : memref<10240xf32, #tpu.memory_space<vmem_shared>>)
        tpu.yield
      }) : () -> ()
    }
    %scan3A_107 = arith.constant 4 : i32
    %run_scoped3A_108 = arith.constant 5 : i32
    "tpu.region"() ({
      %run_scoped3A_133 = tpu.sem_alloc : memref<!tpu.dma_semaphore, #tpu.memory_space<semaphore_mem>>
      %dma_start3A = arith.constant 0 : i32
      %dma_start3A_134 = arith.constant 0 : i32
      %dma_start3A_135 = arith.constant 0 : i32
      %dma_start3A_136 = tpu.memref_slice %arg2[%add3A, %dma_start3A, %dma_start3A_134, %dma_start3A_135] : memref<32x8x16x80xi32, #tpu.memory_space<hbm>> -> memref<1x8x16x80xi32, #tpu.memory_space<hbm>>
      %dma_start3A_137 = tpu.memref_squeeze %dma_start3A_136 : memref<1x8x16x80xi32, #tpu.memory_space<hbm>> -> memref<8x16x80xi32, #tpu.memory_space<hbm>>
      %dma_start3A_138 = arith.constant 0 : i32
      %dma_start3A_139 = arith.constant 0 : i32
      %dma_start3A_140 = tpu.memref_slice %dma_start3A_137[%run_scoped3A_108, %dma_start3A_138, %dma_start3A_139] : memref<8x16x80xi32, #tpu.memory_space<hbm>> -> memref<1x16x80xi32, #tpu.memory_space<hbm>>
      %dma_start3A_141 = tpu.memref_squeeze %dma_start3A_140 : memref<1x16x80xi32, #tpu.memory_space<hbm>> -> memref<16x80xi32, #tpu.memory_space<hbm>>
      %dma_start3A_142 = arith.constant 0 : i32
      %dma_start3A_143 = arith.constant 0 : i32
      %dma_start3A_144 = arith.constant 0 : i32
      %dma_start3A_145 = tpu.memref_slice %arg2[%add3A, %dma_start3A_142, %dma_start3A_143, %dma_start3A_144] : memref<32x8x16x80xi32, #tpu.memory_space<hbm>> -> memref<1x8x16x80xi32, #tpu.memory_space<hbm>>
      %dma_start3A_146 = tpu.memref_squeeze %dma_start3A_145 : memref<1x8x16x80xi32, #tpu.memory_space<hbm>> -> memref<8x16x80xi32, #tpu.memory_space<hbm>>
      %dma_start3A_147 = arith.constant 0 : i32
      %dma_start3A_148 = arith.constant 0 : i32
      %dma_start3A_149 = tpu.memref_slice %dma_start3A_146[%run_scoped3A_108, %dma_start3A_147, %dma_start3A_148] : memref<8x16x80xi32, #tpu.memory_space<hbm>> -> memref<1x16x80xi32, #tpu.memory_space<hbm>>
      %dma_start3A_150 = tpu.memref_squeeze %dma_start3A_149 : memref<1x16x80xi32, #tpu.memory_space<hbm>> -> memref<16x80xi32, #tpu.memory_space<hbm>>
      tpu.enqueue_dma source(%dma_start3A_150 : memref<16x80xi32, #tpu.memory_space<hbm>>) target(%arg7 : memref<16x80xi32, #tpu.memory_space<vmem>>) target_semaphore(%run_scoped3A_133 : memref<!tpu.dma_semaphore, #tpu.memory_space<semaphore_mem>>)
      %dma_wait3A = arith.constant 0 : i32
      %dma_wait3A_151 = arith.constant 0 : i32
      %dma_wait3A_152 = arith.constant 0 : i32
      %dma_wait3A_153 = tpu.memref_slice %arg2[%add3A, %dma_wait3A, %dma_wait3A_151, %dma_wait3A_152] : memref<32x8x16x80xi32, #tpu.memory_space<hbm>> -> memref<1x8x16x80xi32, #tpu.memory_space<hbm>>
      %dma_wait3A_154 = tpu.memref_squeeze %dma_wait3A_153 : memref<1x8x16x80xi32, #tpu.memory_space<hbm>> -> memref<8x16x80xi32, #tpu.memory_space<hbm>>
      %dma_wait3A_155 = arith.constant 0 : i32
      %dma_wait3A_156 = arith.constant 0 : i32
      %dma_wait3A_157 = tpu.memref_slice %dma_wait3A_154[%run_scoped3A_108, %dma_wait3A_155, %dma_wait3A_156] : memref<8x16x80xi32, #tpu.memory_space<hbm>> -> memref<1x16x80xi32, #tpu.memory_space<hbm>>
      %dma_wait3A_158 = tpu.memref_squeeze %dma_wait3A_157 : memref<1x16x80xi32, #tpu.memory_space<hbm>> -> memref<16x80xi32, #tpu.memory_space<hbm>>
      %dma_wait3A_159 = arith.constant 0 : i32
      %dma_wait3A_160 = arith.constant 0 : i32
      %dma_wait3A_161 = arith.constant 0 : i32
      %dma_wait3A_162 = tpu.memref_slice %arg2[%add3A, %dma_wait3A_159, %dma_wait3A_160, %dma_wait3A_161] : memref<32x8x16x80xi32, #tpu.memory_space<hbm>> -> memref<1x8x16x80xi32, #tpu.memory_space<hbm>>
      %dma_wait3A_163 = tpu.memref_squeeze %dma_wait3A_162 : memref<1x8x16x80xi32, #tpu.memory_space<hbm>> -> memref<8x16x80xi32, #tpu.memory_space<hbm>>
      %dma_wait3A_164 = arith.constant 0 : i32
      %dma_wait3A_165 = arith.constant 0 : i32
      %dma_wait3A_166 = tpu.memref_slice %dma_wait3A_163[%run_scoped3A_108, %dma_wait3A_164, %dma_wait3A_165] : memref<8x16x80xi32, #tpu.memory_space<hbm>> -> memref<1x16x80xi32, #tpu.memory_space<hbm>>
      %dma_wait3A_167 = tpu.memref_squeeze %dma_wait3A_166 : memref<1x16x80xi32, #tpu.memory_space<hbm>> -> memref<16x80xi32, #tpu.memory_space<hbm>>
      tpu.wait_dma2 semaphore(%run_scoped3A_133 : memref<!tpu.dma_semaphore, #tpu.memory_space<semaphore_mem>>) src(%dma_wait3A_167 : memref<16x80xi32, #tpu.memory_space<hbm>>) dst(%arg7 : memref<16x80xi32, #tpu.memory_space<vmem>>)
      tpu.yield
    }) : () -> ()
    %run_scoped3A_109 = arith.constant 5 : i32
    "tpu.region"() ({
      %run_scoped3A_133 = tpu.sem_alloc : memref<!tpu.dma_semaphore, #tpu.memory_space<semaphore_mem>>
      %dma_start3A = arith.constant 0 : i32
      %dma_start3A_134 = arith.constant 0 : i32
      %dma_start3A_135 = arith.constant 0 : i32
      %dma_start3A_136 = tpu.memref_slice %arg3[%add3A, %dma_start3A, %dma_start3A_134, %dma_start3A_135] : memref<32x8x16x80xi32, #tpu.memory_space<hbm>> -> memref<1x8x16x80xi32, #tpu.memory_space<hbm>>
      %dma_start3A_137 = tpu.memref_squeeze %dma_start3A_136 : memref<1x8x16x80xi32, #tpu.memory_space<hbm>> -> memref<8x16x80xi32, #tpu.memory_space<hbm>>
      %dma_start3A_138 = arith.constant 0 : i32
      %dma_start3A_139 = arith.constant 0 : i32
      %dma_start3A_140 = tpu.memref_slice %dma_start3A_137[%run_scoped3A_109, %dma_start3A_138, %dma_start3A_139] : memref<8x16x80xi32, #tpu.memory_space<hbm>> -> memref<1x16x80xi32, #tpu.memory_space<hbm>>
      %dma_start3A_141 = tpu.memref_squeeze %dma_start3A_140 : memref<1x16x80xi32, #tpu.memory_space<hbm>> -> memref<16x80xi32, #tpu.memory_space<hbm>>
      %dma_start3A_142 = arith.constant 0 : i32
      %dma_start3A_143 = arith.constant 0 : i32
      %dma_start3A_144 = arith.constant 0 : i32
      %dma_start3A_145 = tpu.memref_slice %arg3[%add3A, %dma_start3A_142, %dma_start3A_143, %dma_start3A_144] : memref<32x8x16x80xi32, #tpu.memory_space<hbm>> -> memref<1x8x16x80xi32, #tpu.memory_space<hbm>>
      %dma_start3A_146 = tpu.memref_squeeze %dma_start3A_145 : memref<1x8x16x80xi32, #tpu.memory_space<hbm>> -> memref<8x16x80xi32, #tpu.memory_space<hbm>>
      %dma_start3A_147 = arith.constant 0 : i32
      %dma_start3A_148 = arith.constant 0 : i32
      %dma_start3A_149 = tpu.memref_slice %dma_start3A_146[%run_scoped3A_109, %dma_start3A_147, %dma_start3A_148] : memref<8x16x80xi32, #tpu.memory_space<hbm>> -> memref<1x16x80xi32, #tpu.memory_space<hbm>>
      %dma_start3A_150 = tpu.memref_squeeze %dma_start3A_149 : memref<1x16x80xi32, #tpu.memory_space<hbm>> -> memref<16x80xi32, #tpu.memory_space<hbm>>
      tpu.enqueue_dma source(%dma_start3A_150 : memref<16x80xi32, #tpu.memory_space<hbm>>) target(%arg8 : memref<16x80xi32, #tpu.memory_space<vmem>>) target_semaphore(%run_scoped3A_133 : memref<!tpu.dma_semaphore, #tpu.memory_space<semaphore_mem>>)
      %dma_wait3A = arith.constant 0 : i32
      %dma_wait3A_151 = arith.constant 0 : i32
      %dma_wait3A_152 = arith.constant 0 : i32
      %dma_wait3A_153 = tpu.memref_slice %arg3[%add3A, %dma_wait3A, %dma_wait3A_151, %dma_wait3A_152] : memref<32x8x16x80xi32, #tpu.memory_space<hbm>> -> memref<1x8x16x80xi32, #tpu.memory_space<hbm>>
      %dma_wait3A_154 = tpu.memref_squeeze %dma_wait3A_153 : memref<1x8x16x80xi32, #tpu.memory_space<hbm>> -> memref<8x16x80xi32, #tpu.memory_space<hbm>>
      %dma_wait3A_155 = arith.constant 0 : i32
      %dma_wait3A_156 = arith.constant 0 : i32
      %dma_wait3A_157 = tpu.memref_slice %dma_wait3A_154[%run_scoped3A_109, %dma_wait3A_155, %dma_wait3A_156] : memref<8x16x80xi32, #tpu.memory_space<hbm>> -> memref<1x16x80xi32, #tpu.memory_space<hbm>>
      %dma_wait3A_158 = tpu.memref_squeeze %dma_wait3A_157 : memref<1x16x80xi32, #tpu.memory_space<hbm>> -> memref<16x80xi32, #tpu.memory_space<hbm>>
      %dma_wait3A_159 = arith.constant 0 : i32
      %dma_wait3A_160 = arith.constant 0 : i32
      %dma_wait3A_161 = arith.constant 0 : i32
      %dma_wait3A_162 = tpu.memref_slice %arg3[%add3A, %dma_wait3A_159, %dma_wait3A_160, %dma_wait3A_161] : memref<32x8x16x80xi32, #tpu.memory_space<hbm>> -> memref<1x8x16x80xi32, #tpu.memory_space<hbm>>
      %dma_wait3A_163 = tpu.memref_squeeze %dma_wait3A_162 : memref<1x8x16x80xi32, #tpu.memory_space<hbm>> -> memref<8x16x80xi32, #tpu.memory_space<hbm>>
      %dma_wait3A_164 = arith.constant 0 : i32
      %dma_wait3A_165 = arith.constant 0 : i32
      %dma_wait3A_166 = tpu.memref_slice %dma_wait3A_163[%run_scoped3A_109, %dma_wait3A_164, %dma_wait3A_165] : memref<8x16x80xi32, #tpu.memory_space<hbm>> -> memref<1x16x80xi32, #tpu.memory_space<hbm>>
      %dma_wait3A_167 = tpu.memref_squeeze %dma_wait3A_166 : memref<1x16x80xi32, #tpu.memory_space<hbm>> -> memref<16x80xi32, #tpu.memory_space<hbm>>
      tpu.wait_dma2 semaphore(%run_scoped3A_133 : memref<!tpu.dma_semaphore, #tpu.memory_space<semaphore_mem>>) src(%dma_wait3A_167 : memref<16x80xi32, #tpu.memory_space<hbm>>) dst(%arg8 : memref<16x80xi32, #tpu.memory_space<vmem>>)
      tpu.yield
    }) : () -> ()
    %scan3A_110 = arith.constant 0 : i32
    %scan3A_111 = arith.constant 0 : i32
    %scan3A_112 = arith.constant 4 : i32
    %scan3A_113 = arith.addi %scan3A_111, %scan3A_112 : i32
    %scan3A_114 = arith.constant 1 : i32
    scf.for %scan3A_133 = %scan3A_111 to %scan3A_113 step %scan3A_114  : i32 {
      %mul3A_134 = arith.constant 4 : i32
      %mul3A_135 = arith.muli %mul3A_134, %scan3A_133 : i32
      %add3A_136 = arith.constant 0 : i32
      %add3A_137 = arith.addi %mul3A_135, %add3A_136 : i32
      %dma_start3A = arith.constant 0 : i32
      %dma_start3A_138 = tpu.memref_slice %arg7[%add3A_137, %dma_start3A] : memref<16x80xi32, #tpu.memory_space<vmem>> -> memref<1x80xi32, #tpu.memory_space<vmem>>
      %dma_start3A_139 = tpu.memref_squeeze %dma_start3A_138 : memref<1x80xi32, #tpu.memory_space<vmem>> -> memref<80xi32, #tpu.memory_space<vmem>>
      %dma_start3A_140 = arith.constant 0 : i32
      %dma_start3A_141 = arith.constant 0 : i32
      %dma_start3A_142 = tpu.memref_slice %arg4[%dma_start3A_140, %dma_start3A_141] : memref<10000x128xf32, #tpu.memory_space<hbm>> -> memref<10000x128xf32, #tpu.memory_space<hbm>>
      tpu.enqueue_indirect_dma source(%dma_start3A_142 : memref<10000x128xf32, #tpu.memory_space<hbm>>) target(%arg9 : memref<80x128xf32, #tpu.memory_space<vmem>>) offsets(%dma_start3A_139 : memref<80xi32, #tpu.memory_space<vmem>>) semaphore(%arg16 : memref<!tpu.dma_semaphore, #tpu.memory_space<semaphore_mem>>)
      %add3A_143 = arith.constant 1 : i32
      %add3A_144 = arith.addi %mul3A_135, %add3A_143 : i32
      %dma_start3A_145 = arith.constant 0 : i32
      %dma_start3A_146 = tpu.memref_slice %arg7[%add3A_144, %dma_start3A_145] : memref<16x80xi32, #tpu.memory_space<vmem>> -> memref<1x80xi32, #tpu.memory_space<vmem>>
      %dma_start3A_147 = tpu.memref_squeeze %dma_start3A_146 : memref<1x80xi32, #tpu.memory_space<vmem>> -> memref<80xi32, #tpu.memory_space<vmem>>
      %dma_start3A_148 = arith.constant 0 : i32
      %dma_start3A_149 = arith.constant 0 : i32
      %dma_start3A_150 = tpu.memref_slice %arg4[%dma_start3A_148, %dma_start3A_149] : memref<10000x128xf32, #tpu.memory_space<hbm>> -> memref<10000x128xf32, #tpu.memory_space<hbm>>
      tpu.enqueue_indirect_dma source(%dma_start3A_150 : memref<10000x128xf32, #tpu.memory_space<hbm>>) target(%arg10 : memref<80x128xf32, #tpu.memory_space<vmem>>) offsets(%dma_start3A_147 : memref<80xi32, #tpu.memory_space<vmem>>) semaphore(%arg16 : memref<!tpu.dma_semaphore, #tpu.memory_space<semaphore_mem>>)
      %add3A_151 = arith.constant 2 : i32
      %add3A_152 = arith.addi %mul3A_135, %add3A_151 : i32
      %dma_start3A_153 = arith.constant 0 : i32
      %dma_start3A_154 = tpu.memref_slice %arg7[%add3A_152, %dma_start3A_153] : memref<16x80xi32, #tpu.memory_space<vmem>> -> memref<1x80xi32, #tpu.memory_space<vmem>>
      %dma_start3A_155 = tpu.memref_squeeze %dma_start3A_154 : memref<1x80xi32, #tpu.memory_space<vmem>> -> memref<80xi32, #tpu.memory_space<vmem>>
      %dma_start3A_156 = arith.constant 0 : i32
      %dma_start3A_157 = arith.constant 0 : i32
      %dma_start3A_158 = tpu.memref_slice %arg4[%dma_start3A_156, %dma_start3A_157] : memref<10000x128xf32, #tpu.memory_space<hbm>> -> memref<10000x128xf32, #tpu.memory_space<hbm>>
      tpu.enqueue_indirect_dma source(%dma_start3A_158 : memref<10000x128xf32, #tpu.memory_space<hbm>>) target(%arg11 : memref<80x128xf32, #tpu.memory_space<vmem>>) offsets(%dma_start3A_155 : memref<80xi32, #tpu.memory_space<vmem>>) semaphore(%arg16 : memref<!tpu.dma_semaphore, #tpu.memory_space<semaphore_mem>>)
      %add3A_159 = arith.constant 3 : i32
      %add3A_160 = arith.addi %mul3A_135, %add3A_159 : i32
      %dma_start3A_161 = arith.constant 0 : i32
      %dma_start3A_162 = tpu.memref_slice %arg7[%add3A_160, %dma_start3A_161] : memref<16x80xi32, #tpu.memory_space<vmem>> -> memref<1x80xi32, #tpu.memory_space<vmem>>
      %dma_start3A_163 = tpu.memref_squeeze %dma_start3A_162 : memref<1x80xi32, #tpu.memory_space<vmem>> -> memref<80xi32, #tpu.memory_space<vmem>>
      %dma_start3A_164 = arith.constant 0 : i32
      %dma_start3A_165 = arith.constant 0 : i32
      %dma_start3A_166 = tpu.memref_slice %arg4[%dma_start3A_164, %dma_start3A_165] : memref<10000x128xf32, #tpu.memory_space<hbm>> -> memref<10000x128xf32, #tpu.memory_space<hbm>>
      tpu.enqueue_indirect_dma source(%dma_start3A_166 : memref<10000x128xf32, #tpu.memory_space<hbm>>) target(%arg12 : memref<80x128xf32, #tpu.memory_space<vmem>>) offsets(%dma_start3A_163 : memref<80xi32, #tpu.memory_space<vmem>>) semaphore(%arg16 : memref<!tpu.dma_semaphore, #tpu.memory_space<semaphore_mem>>)
      %dma_wait3A = arith.constant 0 : i32
      %dma_wait3A_167 = tpu.memref_slice %arg7[%add3A_137, %dma_wait3A] : memref<16x80xi32, #tpu.memory_space<vmem>> -> memref<1x80xi32, #tpu.memory_space<vmem>>
      %dma_wait3A_168 = tpu.memref_squeeze %dma_wait3A_167 : memref<1x80xi32, #tpu.memory_space<vmem>> -> memref<80xi32, #tpu.memory_space<vmem>>
      %dma_wait3A_169 = arith.constant 0 : i32
      %dma_wait3A_170 = arith.constant 0 : i32
      %dma_wait3A_171 = tpu.memref_slice %arg4[%dma_wait3A_169, %dma_wait3A_170] : memref<10000x128xf32, #tpu.memory_space<hbm>> -> memref<10000x128xf32, #tpu.memory_space<hbm>>
      tpu.wait_indirect_dma semaphore(%arg16 : memref<!tpu.dma_semaphore, #tpu.memory_space<semaphore_mem>>) src(%dma_wait3A_171 : memref<10000x128xf32, #tpu.memory_space<hbm>>) dst(%arg9 : memref<80x128xf32, #tpu.memory_space<vmem>>)
      %dma_wait3A_172 = arith.constant 0 : i32
      %dma_wait3A_173 = tpu.memref_slice %arg7[%add3A_144, %dma_wait3A_172] : memref<16x80xi32, #tpu.memory_space<vmem>> -> memref<1x80xi32, #tpu.memory_space<vmem>>
      %dma_wait3A_174 = tpu.memref_squeeze %dma_wait3A_173 : memref<1x80xi32, #tpu.memory_space<vmem>> -> memref<80xi32, #tpu.memory_space<vmem>>
      %dma_wait3A_175 = arith.constant 0 : i32
      %dma_wait3A_176 = arith.constant 0 : i32
      %dma_wait3A_177 = tpu.memref_slice %arg4[%dma_wait3A_175, %dma_wait3A_176] : memref<10000x128xf32, #tpu.memory_space<hbm>> -> memref<10000x128xf32, #tpu.memory_space<hbm>>
      tpu.wait_indirect_dma semaphore(%arg16 : memref<!tpu.dma_semaphore, #tpu.memory_space<semaphore_mem>>) src(%dma_wait3A_177 : memref<10000x128xf32, #tpu.memory_space<hbm>>) dst(%arg10 : memref<80x128xf32, #tpu.memory_space<vmem>>)
      %dma_wait3A_178 = arith.constant 0 : i32
      %dma_wait3A_179 = tpu.memref_slice %arg7[%add3A_152, %dma_wait3A_178] : memref<16x80xi32, #tpu.memory_space<vmem>> -> memref<1x80xi32, #tpu.memory_space<vmem>>
      %dma_wait3A_180 = tpu.memref_squeeze %dma_wait3A_179 : memref<1x80xi32, #tpu.memory_space<vmem>> -> memref<80xi32, #tpu.memory_space<vmem>>
      %dma_wait3A_181 = arith.constant 0 : i32
      %dma_wait3A_182 = arith.constant 0 : i32
      %dma_wait3A_183 = tpu.memref_slice %arg4[%dma_wait3A_181, %dma_wait3A_182] : memref<10000x128xf32, #tpu.memory_space<hbm>> -> memref<10000x128xf32, #tpu.memory_space<hbm>>
      tpu.wait_indirect_dma semaphore(%arg16 : memref<!tpu.dma_semaphore, #tpu.memory_space<semaphore_mem>>) src(%dma_wait3A_183 : memref<10000x128xf32, #tpu.memory_space<hbm>>) dst(%arg11 : memref<80x128xf32, #tpu.memory_space<vmem>>)
      %dma_wait3A_184 = arith.constant 0 : i32
      %dma_wait3A_185 = tpu.memref_slice %arg7[%add3A_160, %dma_wait3A_184] : memref<16x80xi32, #tpu.memory_space<vmem>> -> memref<1x80xi32, #tpu.memory_space<vmem>>
      %dma_wait3A_186 = tpu.memref_squeeze %dma_wait3A_185 : memref<1x80xi32, #tpu.memory_space<vmem>> -> memref<80xi32, #tpu.memory_space<vmem>>
      %dma_wait3A_187 = arith.constant 0 : i32
      %dma_wait3A_188 = arith.constant 0 : i32
      %dma_wait3A_189 = tpu.memref_slice %arg4[%dma_wait3A_187, %dma_wait3A_188] : memref<10000x128xf32, #tpu.memory_space<hbm>> -> memref<10000x128xf32, #tpu.memory_space<hbm>>
      tpu.wait_indirect_dma semaphore(%arg16 : memref<!tpu.dma_semaphore, #tpu.memory_space<semaphore_mem>>) src(%dma_wait3A_189 : memref<10000x128xf32, #tpu.memory_space<hbm>>) dst(%arg12 : memref<80x128xf32, #tpu.memory_space<vmem>>)
      %add3A_190 = arith.constant 0 : i32
      %add3A_191 = arith.addi %mul3A_135, %add3A_190 : i32
      "tpu.region"() ({
        %run_scoped3A_206 = tpu.sem_alloc : memref<!tpu.dma_semaphore, #tpu.memory_space<semaphore_mem>>
        %dma_start3A_207 = arith.constant 0 : i32
        %dma_start3A_208 = tpu.memref_slice %arg8[%add3A_191, %dma_start3A_207] : memref<16x80xi32, #tpu.memory_space<vmem>> -> memref<1x80xi32, #tpu.memory_space<vmem>>
        %dma_start3A_209 = tpu.memref_squeeze %dma_start3A_208 : memref<1x80xi32, #tpu.memory_space<vmem>> -> memref<80xi32, #tpu.memory_space<vmem>>
        %dma_start3A_210 = arith.constant 0 : i32
        %dma_start3A_211 = arith.constant 0 : i32
        %dma_start3A_212 = tpu.memref_slice %arg14[%dma_start3A_210, %dma_start3A_211] : memref<10240x128xf32, #tpu.memory_space<vmem_shared>> -> memref<10240x128xf32, #tpu.memory_space<vmem_shared>>
        tpu.enqueue_indirect_dma source(%arg9 : memref<80x128xf32, #tpu.memory_space<vmem>>) target(%dma_start3A_212 : memref<10240x128xf32, #tpu.memory_space<vmem_shared>>) offsets(%dma_start3A_209 : memref<80xi32, #tpu.memory_space<vmem>>) semaphore(%run_scoped3A_206 : memref<!tpu.dma_semaphore, #tpu.memory_space<semaphore_mem>>) {add = true}
        %dma_wait3A_213 = arith.constant 0 : i32
        %dma_wait3A_214 = tpu.memref_slice %arg8[%add3A_191, %dma_wait3A_213] : memref<16x80xi32, #tpu.memory_space<vmem>> -> memref<1x80xi32, #tpu.memory_space<vmem>>
        %dma_wait3A_215 = tpu.memref_squeeze %dma_wait3A_214 : memref<1x80xi32, #tpu.memory_space<vmem>> -> memref<80xi32, #tpu.memory_space<vmem>>
        %dma_wait3A_216 = arith.constant 0 : i32
        %dma_wait3A_217 = arith.constant 0 : i32
        %dma_wait3A_218 = tpu.memref_slice %arg14[%dma_wait3A_216, %dma_wait3A_217] : memref<10240x128xf32, #tpu.memory_space<vmem_shared>> -> memref<10240x128xf32, #tpu.memory_space<vmem_shared>>
        tpu.wait_indirect_dma semaphore(%run_scoped3A_206 : memref<!tpu.dma_semaphore, #tpu.memory_space<semaphore_mem>>) src(%arg9 : memref<80x128xf32, #tpu.memory_space<vmem>>) dst(%dma_wait3A_218 : memref<10240x128xf32, #tpu.memory_space<vmem_shared>>)
        tpu.yield
      }) : () -> ()
      %add3A_192 = arith.constant 0 : i32
      %add3A_193 = arith.addi %mul3A_135, %add3A_192 : i32
      "tpu.region"() ({
        %run_scoped3A_206 = tpu.sem_alloc : memref<!tpu.dma_semaphore, #tpu.memory_space<semaphore_mem>>
        %dma_start3A_207 = arith.constant 0 : i32
        %dma_start3A_208 = tpu.memref_slice %arg8[%add3A_193, %dma_start3A_207] : memref<16x80xi32, #tpu.memory_space<vmem>> -> memref<1x80xi32, #tpu.memory_space<vmem>>
        %dma_start3A_209 = tpu.memref_squeeze %dma_start3A_208 : memref<1x80xi32, #tpu.memory_space<vmem>> -> memref<80xi32, #tpu.memory_space<vmem>>
        %dma_start3A_210 = arith.constant 0 : i32
        %dma_start3A_211 = tpu.memref_slice %arg15[%dma_start3A_210] : memref<10240xf32, #tpu.memory_space<vmem_shared>> -> memref<10240xf32, #tpu.memory_space<vmem_shared>>
        tpu.enqueue_indirect_dma source(%arg13 : memref<80xf32, #tpu.memory_space<vmem>>) target(%dma_start3A_211 : memref<10240xf32, #tpu.memory_space<vmem_shared>>) offsets(%dma_start3A_209 : memref<80xi32, #tpu.memory_space<vmem>>) semaphore(%run_scoped3A_206 : memref<!tpu.dma_semaphore, #tpu.memory_space<semaphore_mem>>) {add = true}
        %dma_wait3A_212 = arith.constant 0 : i32
        %dma_wait3A_213 = tpu.memref_slice %arg8[%add3A_193, %dma_wait3A_212] : memref<16x80xi32, #tpu.memory_space<vmem>> -> memref<1x80xi32, #tpu.memory_space<vmem>>
        %dma_wait3A_214 = tpu.memref_squeeze %dma_wait3A_213 : memref<1x80xi32, #tpu.memory_space<vmem>> -> memref<80xi32, #tpu.memory_space<vmem>>
        %dma_wait3A_215 = arith.constant 0 : i32
        %dma_wait3A_216 = tpu.memref_slice %arg15[%dma_wait3A_215] : memref<10240xf32, #tpu.memory_space<vmem_shared>> -> memref<10240xf32, #tpu.memory_space<vmem_shared>>
        tpu.wait_indirect_dma semaphore(%run_scoped3A_206 : memref<!tpu.dma_semaphore, #tpu.memory_space<semaphore_mem>>) src(%arg13 : memref<80xf32, #tpu.memory_space<vmem>>) dst(%dma_wait3A_216 : memref<10240xf32, #tpu.memory_space<vmem_shared>>)
        tpu.yield
      }) : () -> ()
      %add3A_194 = arith.constant 1 : i32
      %add3A_195 = arith.addi %mul3A_135, %add3A_194 : i32
      "tpu.region"() ({
        %run_scoped3A_206 = tpu.sem_alloc : memref<!tpu.dma_semaphore, #tpu.memory_space<semaphore_mem>>
        %dma_start3A_207 = arith.constant 0 : i32
        %dma_start3A_208 = tpu.memref_slice %arg8[%add3A_195, %dma_start3A_207] : memref<16x80xi32, #tpu.memory_space<vmem>> -> memref<1x80xi32, #tpu.memory_space<vmem>>
        %dma_start3A_209 = tpu.memref_squeeze %dma_start3A_208 : memref<1x80xi32, #tpu.memory_space<vmem>> -> memref<80xi32, #tpu.memory_space<vmem>>
        %dma_start3A_210 = arith.constant 0 : i32
        %dma_start3A_211 = arith.constant 0 : i32
        %dma_start3A_212 = tpu.memref_slice %arg14[%dma_start3A_210, %dma_start3A_211] : memref<10240x128xf32, #tpu.memory_space<vmem_shared>> -> memref<10240x128xf32, #tpu.memory_space<vmem_shared>>
        tpu.enqueue_indirect_dma source(%arg10 : memref<80x128xf32, #tpu.memory_space<vmem>>) target(%dma_start3A_212 : memref<10240x128xf32, #tpu.memory_space<vmem_shared>>) offsets(%dma_start3A_209 : memref<80xi32, #tpu.memory_space<vmem>>) semaphore(%run_scoped3A_206 : memref<!tpu.dma_semaphore, #tpu.memory_space<semaphore_mem>>) {add = true}
        %dma_wait3A_213 = arith.constant 0 : i32
        %dma_wait3A_214 = tpu.memref_slice %arg8[%add3A_195, %dma_wait3A_213] : memref<16x80xi32, #tpu.memory_space<vmem>> -> memref<1x80xi32, #tpu.memory_space<vmem>>
        %dma_wait3A_215 = tpu.memref_squeeze %dma_wait3A_214 : memref<1x80xi32, #tpu.memory_space<vmem>> -> memref<80xi32, #tpu.memory_space<vmem>>
        %dma_wait3A_216 = arith.constant 0 : i32
        %dma_wait3A_217 = arith.constant 0 : i32
        %dma_wait3A_218 = tpu.memref_slice %arg14[%dma_wait3A_216, %dma_wait3A_217] : memref<10240x128xf32, #tpu.memory_space<vmem_shared>> -> memref<10240x128xf32, #tpu.memory_space<vmem_shared>>
        tpu.wait_indirect_dma semaphore(%run_scoped3A_206 : memref<!tpu.dma_semaphore, #tpu.memory_space<semaphore_mem>>) src(%arg10 : memref<80x128xf32, #tpu.memory_space<vmem>>) dst(%dma_wait3A_218 : memref<10240x128xf32, #tpu.memory_space<vmem_shared>>)
        tpu.yield
      }) : () -> ()
      %add3A_196 = arith.constant 1 : i32
      %add3A_197 = arith.addi %mul3A_135, %add3A_196 : i32
      "tpu.region"() ({
        %run_scoped3A_206 = tpu.sem_alloc : memref<!tpu.dma_semaphore, #tpu.memory_space<semaphore_mem>>
        %dma_start3A_207 = arith.constant 0 : i32
        %dma_start3A_208 = tpu.memref_slice %arg8[%add3A_197, %dma_start3A_207] : memref<16x80xi32, #tpu.memory_space<vmem>> -> memref<1x80xi32, #tpu.memory_space<vmem>>
        %dma_start3A_209 = tpu.memref_squeeze %dma_start3A_208 : memref<1x80xi32, #tpu.memory_space<vmem>> -> memref<80xi32, #tpu.memory_space<vmem>>
        %dma_start3A_210 = arith.constant 0 : i32
        %dma_start3A_211 = tpu.memref_slice %arg15[%dma_start3A_210] : memref<10240xf32, #tpu.memory_space<vmem_shared>> -> memref<10240xf32, #tpu.memory_space<vmem_shared>>
        tpu.enqueue_indirect_dma source(%arg13 : memref<80xf32, #tpu.memory_space<vmem>>) target(%dma_start3A_211 : memref<10240xf32, #tpu.memory_space<vmem_shared>>) offsets(%dma_start3A_209 : memref<80xi32, #tpu.memory_space<vmem>>) semaphore(%run_scoped3A_206 : memref<!tpu.dma_semaphore, #tpu.memory_space<semaphore_mem>>) {add = true}
        %dma_wait3A_212 = arith.constant 0 : i32
        %dma_wait3A_213 = tpu.memref_slice %arg8[%add3A_197, %dma_wait3A_212] : memref<16x80xi32, #tpu.memory_space<vmem>> -> memref<1x80xi32, #tpu.memory_space<vmem>>
        %dma_wait3A_214 = tpu.memref_squeeze %dma_wait3A_213 : memref<1x80xi32, #tpu.memory_space<vmem>> -> memref<80xi32, #tpu.memory_space<vmem>>
        %dma_wait3A_215 = arith.constant 0 : i32
        %dma_wait3A_216 = tpu.memref_slice %arg15[%dma_wait3A_215] : memref<10240xf32, #tpu.memory_space<vmem_shared>> -> memref<10240xf32, #tpu.memory_space<vmem_shared>>
        tpu.wait_indirect_dma semaphore(%run_scoped3A_206 : memref<!tpu.dma_semaphore, #tpu.memory_space<semaphore_mem>>) src(%arg13 : memref<80xf32, #tpu.memory_space<vmem>>) dst(%dma_wait3A_216 : memref<10240xf32, #tpu.memory_space<vmem_shared>>)
        tpu.yield
      }) : () -> ()
      %add3A_198 = arith.constant 2 : i32
      %add3A_199 = arith.addi %mul3A_135, %add3A_198 : i32
      "tpu.region"() ({
        %run_scoped3A_206 = tpu.sem_alloc : memref<!tpu.dma_semaphore, #tpu.memory_space<semaphore_mem>>
        %dma_start3A_207 = arith.constant 0 : i32
        %dma_start3A_208 = tpu.memref_slice %arg8[%add3A_199, %dma_start3A_207] : memref<16x80xi32, #tpu.memory_space<vmem>> -> memref<1x80xi32, #tpu.memory_space<vmem>>
        %dma_start3A_209 = tpu.memref_squeeze %dma_start3A_208 : memref<1x80xi32, #tpu.memory_space<vmem>> -> memref<80xi32, #tpu.memory_space<vmem>>
        %dma_start3A_210 = arith.constant 0 : i32
        %dma_start3A_211 = arith.constant 0 : i32
        %dma_start3A_212 = tpu.memref_slice %arg14[%dma_start3A_210, %dma_start3A_211] : memref<10240x128xf32, #tpu.memory_space<vmem_shared>> -> memref<10240x128xf32, #tpu.memory_space<vmem_shared>>
        tpu.enqueue_indirect_dma source(%arg11 : memref<80x128xf32, #tpu.memory_space<vmem>>) target(%dma_start3A_212 : memref<10240x128xf32, #tpu.memory_space<vmem_shared>>) offsets(%dma_start3A_209 : memref<80xi32, #tpu.memory_space<vmem>>) semaphore(%run_scoped3A_206 : memref<!tpu.dma_semaphore, #tpu.memory_space<semaphore_mem>>) {add = true}
        %dma_wait3A_213 = arith.constant 0 : i32
        %dma_wait3A_214 = tpu.memref_slice %arg8[%add3A_199, %dma_wait3A_213] : memref<16x80xi32, #tpu.memory_space<vmem>> -> memref<1x80xi32, #tpu.memory_space<vmem>>
        %dma_wait3A_215 = tpu.memref_squeeze %dma_wait3A_214 : memref<1x80xi32, #tpu.memory_space<vmem>> -> memref<80xi32, #tpu.memory_space<vmem>>
        %dma_wait3A_216 = arith.constant 0 : i32
        %dma_wait3A_217 = arith.constant 0 : i32
        %dma_wait3A_218 = tpu.memref_slice %arg14[%dma_wait3A_216, %dma_wait3A_217] : memref<10240x128xf32, #tpu.memory_space<vmem_shared>> -> memref<10240x128xf32, #tpu.memory_space<vmem_shared>>
        tpu.wait_indirect_dma semaphore(%run_scoped3A_206 : memref<!tpu.dma_semaphore, #tpu.memory_space<semaphore_mem>>) src(%arg11 : memref<80x128xf32, #tpu.memory_space<vmem>>) dst(%dma_wait3A_218 : memref<10240x128xf32, #tpu.memory_space<vmem_shared>>)
        tpu.yield
      }) : () -> ()
      %add3A_200 = arith.constant 2 : i32
      %add3A_201 = arith.addi %mul3A_135, %add3A_200 : i32
      "tpu.region"() ({
        %run_scoped3A_206 = tpu.sem_alloc : memref<!tpu.dma_semaphore, #tpu.memory_space<semaphore_mem>>
        %dma_start3A_207 = arith.constant 0 : i32
        %dma_start3A_208 = tpu.memref_slice %arg8[%add3A_201, %dma_start3A_207] : memref<16x80xi32, #tpu.memory_space<vmem>> -> memref<1x80xi32, #tpu.memory_space<vmem>>
        %dma_start3A_209 = tpu.memref_squeeze %dma_start3A_208 : memref<1x80xi32, #tpu.memory_space<vmem>> -> memref<80xi32, #tpu.memory_space<vmem>>
        %dma_start3A_210 = arith.constant 0 : i32
        %dma_start3A_211 = tpu.memref_slice %arg15[%dma_start3A_210] : memref<10240xf32, #tpu.memory_space<vmem_shared>> -> memref<10240xf32, #tpu.memory_space<vmem_shared>>
        tpu.enqueue_indirect_dma source(%arg13 : memref<80xf32, #tpu.memory_space<vmem>>) target(%dma_start3A_211 : memref<10240xf32, #tpu.memory_space<vmem_shared>>) offsets(%dma_start3A_209 : memref<80xi32, #tpu.memory_space<vmem>>) semaphore(%run_scoped3A_206 : memref<!tpu.dma_semaphore, #tpu.memory_space<semaphore_mem>>) {add = true}
        %dma_wait3A_212 = arith.constant 0 : i32
        %dma_wait3A_213 = tpu.memref_slice %arg8[%add3A_201, %dma_wait3A_212] : memref<16x80xi32, #tpu.memory_space<vmem>> -> memref<1x80xi32, #tpu.memory_space<vmem>>
        %dma_wait3A_214 = tpu.memref_squeeze %dma_wait3A_213 : memref<1x80xi32, #tpu.memory_space<vmem>> -> memref<80xi32, #tpu.memory_space<vmem>>
        %dma_wait3A_215 = arith.constant 0 : i32
        %dma_wait3A_216 = tpu.memref_slice %arg15[%dma_wait3A_215] : memref<10240xf32, #tpu.memory_space<vmem_shared>> -> memref<10240xf32, #tpu.memory_space<vmem_shared>>
        tpu.wait_indirect_dma semaphore(%run_scoped3A_206 : memref<!tpu.dma_semaphore, #tpu.memory_space<semaphore_mem>>) src(%arg13 : memref<80xf32, #tpu.memory_space<vmem>>) dst(%dma_wait3A_216 : memref<10240xf32, #tpu.memory_space<vmem_shared>>)
        tpu.yield
      }) : () -> ()
      %add3A_202 = arith.constant 3 : i32
      %add3A_203 = arith.addi %mul3A_135, %add3A_202 : i32
      "tpu.region"() ({
        %run_scoped3A_206 = tpu.sem_alloc : memref<!tpu.dma_semaphore, #tpu.memory_space<semaphore_mem>>
        %dma_start3A_207 = arith.constant 0 : i32
        %dma_start3A_208 = tpu.memref_slice %arg8[%add3A_203, %dma_start3A_207] : memref<16x80xi32, #tpu.memory_space<vmem>> -> memref<1x80xi32, #tpu.memory_space<vmem>>
        %dma_start3A_209 = tpu.memref_squeeze %dma_start3A_208 : memref<1x80xi32, #tpu.memory_space<vmem>> -> memref<80xi32, #tpu.memory_space<vmem>>
        %dma_start3A_210 = arith.constant 0 : i32
        %dma_start3A_211 = arith.constant 0 : i32
        %dma_start3A_212 = tpu.memref_slice %arg14[%dma_start3A_210, %dma_start3A_211] : memref<10240x128xf32, #tpu.memory_space<vmem_shared>> -> memref<10240x128xf32, #tpu.memory_space<vmem_shared>>
        tpu.enqueue_indirect_dma source(%arg12 : memref<80x128xf32, #tpu.memory_space<vmem>>) target(%dma_start3A_212 : memref<10240x128xf32, #tpu.memory_space<vmem_shared>>) offsets(%dma_start3A_209 : memref<80xi32, #tpu.memory_space<vmem>>) semaphore(%run_scoped3A_206 : memref<!tpu.dma_semaphore, #tpu.memory_space<semaphore_mem>>) {add = true}
        %dma_wait3A_213 = arith.constant 0 : i32
        %dma_wait3A_214 = tpu.memref_slice %arg8[%add3A_203, %dma_wait3A_213] : memref<16x80xi32, #tpu.memory_space<vmem>> -> memref<1x80xi32, #tpu.memory_space<vmem>>
        %dma_wait3A_215 = tpu.memref_squeeze %dma_wait3A_214 : memref<1x80xi32, #tpu.memory_space<vmem>> -> memref<80xi32, #tpu.memory_space<vmem>>
        %dma_wait3A_216 = arith.constant 0 : i32
        %dma_wait3A_217 = arith.constant 0 : i32
        %dma_wait3A_218 = tpu.memref_slice %arg14[%dma_wait3A_216, %dma_wait3A_217] : memref<10240x128xf32, #tpu.memory_space<vmem_shared>> -> memref<10240x128xf32, #tpu.memory_space<vmem_shared>>
        tpu.wait_indirect_dma semaphore(%run_scoped3A_206 : memref<!tpu.dma_semaphore, #tpu.memory_space<semaphore_mem>>) src(%arg12 : memref<80x128xf32, #tpu.memory_space<vmem>>) dst(%dma_wait3A_218 : memref<10240x128xf32, #tpu.memory_space<vmem_shared>>)
        tpu.yield
      }) : () -> ()
      %add3A_204 = arith.constant 3 : i32
      %add3A_205 = arith.addi %mul3A_135, %add3A_204 : i32
      "tpu.region"() ({
        %run_scoped3A_206 = tpu.sem_alloc : memref<!tpu.dma_semaphore, #tpu.memory_space<semaphore_mem>>
        %dma_start3A_207 = arith.constant 0 : i32
        %dma_start3A_208 = tpu.memref_slice %arg8[%add3A_205, %dma_start3A_207] : memref<16x80xi32, #tpu.memory_space<vmem>> -> memref<1x80xi32, #tpu.memory_space<vmem>>
        %dma_start3A_209 = tpu.memref_squeeze %dma_start3A_208 : memref<1x80xi32, #tpu.memory_space<vmem>> -> memref<80xi32, #tpu.memory_space<vmem>>
        %dma_start3A_210 = arith.constant 0 : i32
        %dma_start3A_211 = tpu.memref_slice %arg15[%dma_start3A_210] : memref<10240xf32, #tpu.memory_space<vmem_shared>> -> memref<10240xf32, #tpu.memory_space<vmem_shared>>
        tpu.enqueue_indirect_dma source(%arg13 : memref<80xf32, #tpu.memory_space<vmem>>) target(%dma_start3A_211 : memref<10240xf32, #tpu.memory_space<vmem_shared>>) offsets(%dma_start3A_209 : memref<80xi32, #tpu.memory_space<vmem>>) semaphore(%run_scoped3A_206 : memref<!tpu.dma_semaphore, #tpu.memory_space<semaphore_mem>>) {add = true}
        %dma_wait3A_212 = arith.constant 0 : i32
        %dma_wait3A_213 = tpu.memref_slice %arg8[%add3A_205, %dma_wait3A_212] : memref<16x80xi32, #tpu.memory_space<vmem>> -> memref<1x80xi32, #tpu.memory_space<vmem>>
        %dma_wait3A_214 = tpu.memref_squeeze %dma_wait3A_213 : memref<1x80xi32, #tpu.memory_space<vmem>> -> memref<80xi32, #tpu.memory_space<vmem>>
        %dma_wait3A_215 = arith.constant 0 : i32
        %dma_wait3A_216 = tpu.memref_slice %arg15[%dma_wait3A_215] : memref<10240xf32, #tpu.memory_space<vmem_shared>> -> memref<10240xf32, #tpu.memory_space<vmem_shared>>
        tpu.wait_indirect_dma semaphore(%run_scoped3A_206 : memref<!tpu.dma_semaphore, #tpu.memory_space<semaphore_mem>>) src(%arg13 : memref<80xf32, #tpu.memory_space<vmem>>) dst(%dma_wait3A_216 : memref<10240xf32, #tpu.memory_space<vmem_shared>>)
        tpu.yield
      }) : () -> ()
    }
    %scan3A_115 = arith.constant 4 : i32
    %run_scoped3A_116 = arith.constant 6 : i32
    "tpu.region"() ({
      %run_scoped3A_133 = tpu.sem_alloc : memref<!tpu.dma_semaphore, #tpu.memory_space<semaphore_mem>>
      %dma_start3A = arith.constant 0 : i32
      %dma_start3A_134 = arith.constant 0 : i32
      %dma_start3A_135 = arith.constant 0 : i32
      %dma_start3A_136 = tpu.memref_slice %arg2[%add3A, %dma_start3A, %dma_start3A_134, %dma_start3A_135] : memref<32x8x16x80xi32, #tpu.memory_space<hbm>> -> memref<1x8x16x80xi32, #tpu.memory_space<hbm>>
      %dma_start3A_137 = tpu.memref_squeeze %dma_start3A_136 : memref<1x8x16x80xi32, #tpu.memory_space<hbm>> -> memref<8x16x80xi32, #tpu.memory_space<hbm>>
      %dma_start3A_138 = arith.constant 0 : i32
      %dma_start3A_139 = arith.constant 0 : i32
      %dma_start3A_140 = tpu.memref_slice %dma_start3A_137[%run_scoped3A_116, %dma_start3A_138, %dma_start3A_139] : memref<8x16x80xi32, #tpu.memory_space<hbm>> -> memref<1x16x80xi32, #tpu.memory_space<hbm>>
      %dma_start3A_141 = tpu.memref_squeeze %dma_start3A_140 : memref<1x16x80xi32, #tpu.memory_space<hbm>> -> memref<16x80xi32, #tpu.memory_space<hbm>>
      %dma_start3A_142 = arith.constant 0 : i32
      %dma_start3A_143 = arith.constant 0 : i32
      %dma_start3A_144 = arith.constant 0 : i32
      %dma_start3A_145 = tpu.memref_slice %arg2[%add3A, %dma_start3A_142, %dma_start3A_143, %dma_start3A_144] : memref<32x8x16x80xi32, #tpu.memory_space<hbm>> -> memref<1x8x16x80xi32, #tpu.memory_space<hbm>>
      %dma_start3A_146 = tpu.memref_squeeze %dma_start3A_145 : memref<1x8x16x80xi32, #tpu.memory_space<hbm>> -> memref<8x16x80xi32, #tpu.memory_space<hbm>>
      %dma_start3A_147 = arith.constant 0 : i32
      %dma_start3A_148 = arith.constant 0 : i32
      %dma_start3A_149 = tpu.memref_slice %dma_start3A_146[%run_scoped3A_116, %dma_start3A_147, %dma_start3A_148] : memref<8x16x80xi32, #tpu.memory_space<hbm>> -> memref<1x16x80xi32, #tpu.memory_space<hbm>>
      %dma_start3A_150 = tpu.memref_squeeze %dma_start3A_149 : memref<1x16x80xi32, #tpu.memory_space<hbm>> -> memref<16x80xi32, #tpu.memory_space<hbm>>
      tpu.enqueue_dma source(%dma_start3A_150 : memref<16x80xi32, #tpu.memory_space<hbm>>) target(%arg7 : memref<16x80xi32, #tpu.memory_space<vmem>>) target_semaphore(%run_scoped3A_133 : memref<!tpu.dma_semaphore, #tpu.memory_space<semaphore_mem>>)
      %dma_wait3A = arith.constant 0 : i32
      %dma_wait3A_151 = arith.constant 0 : i32
      %dma_wait3A_152 = arith.constant 0 : i32
      %dma_wait3A_153 = tpu.memref_slice %arg2[%add3A, %dma_wait3A, %dma_wait3A_151, %dma_wait3A_152] : memref<32x8x16x80xi32, #tpu.memory_space<hbm>> -> memref<1x8x16x80xi32, #tpu.memory_space<hbm>>
      %dma_wait3A_154 = tpu.memref_squeeze %dma_wait3A_153 : memref<1x8x16x80xi32, #tpu.memory_space<hbm>> -> memref<8x16x80xi32, #tpu.memory_space<hbm>>
      %dma_wait3A_155 = arith.constant 0 : i32
      %dma_wait3A_156 = arith.constant 0 : i32
      %dma_wait3A_157 = tpu.memref_slice %dma_wait3A_154[%run_scoped3A_116, %dma_wait3A_155, %dma_wait3A_156] : memref<8x16x80xi32, #tpu.memory_space<hbm>> -> memref<1x16x80xi32, #tpu.memory_space<hbm>>
      %dma_wait3A_158 = tpu.memref_squeeze %dma_wait3A_157 : memref<1x16x80xi32, #tpu.memory_space<hbm>> -> memref<16x80xi32, #tpu.memory_space<hbm>>
      %dma_wait3A_159 = arith.constant 0 : i32
      %dma_wait3A_160 = arith.constant 0 : i32
      %dma_wait3A_161 = arith.constant 0 : i32
      %dma_wait3A_162 = tpu.memref_slice %arg2[%add3A, %dma_wait3A_159, %dma_wait3A_160, %dma_wait3A_161] : memref<32x8x16x80xi32, #tpu.memory_space<hbm>> -> memref<1x8x16x80xi32, #tpu.memory_space<hbm>>
      %dma_wait3A_163 = tpu.memref_squeeze %dma_wait3A_162 : memref<1x8x16x80xi32, #tpu.memory_space<hbm>> -> memref<8x16x80xi32, #tpu.memory_space<hbm>>
      %dma_wait3A_164 = arith.constant 0 : i32
      %dma_wait3A_165 = arith.constant 0 : i32
      %dma_wait3A_166 = tpu.memref_slice %dma_wait3A_163[%run_scoped3A_116, %dma_wait3A_164, %dma_wait3A_165] : memref<8x16x80xi32, #tpu.memory_space<hbm>> -> memref<1x16x80xi32, #tpu.memory_space<hbm>>
      %dma_wait3A_167 = tpu.memref_squeeze %dma_wait3A_166 : memref<1x16x80xi32, #tpu.memory_space<hbm>> -> memref<16x80xi32, #tpu.memory_space<hbm>>
      tpu.wait_dma2 semaphore(%run_scoped3A_133 : memref<!tpu.dma_semaphore, #tpu.memory_space<semaphore_mem>>) src(%dma_wait3A_167 : memref<16x80xi32, #tpu.memory_space<hbm>>) dst(%arg7 : memref<16x80xi32, #tpu.memory_space<vmem>>)
      tpu.yield
    }) : () -> ()
    %run_scoped3A_117 = arith.constant 6 : i32
    "tpu.region"() ({
      %run_scoped3A_133 = tpu.sem_alloc : memref<!tpu.dma_semaphore, #tpu.memory_space<semaphore_mem>>
      %dma_start3A = arith.constant 0 : i32
      %dma_start3A_134 = arith.constant 0 : i32
      %dma_start3A_135 = arith.constant 0 : i32
      %dma_start3A_136 = tpu.memref_slice %arg3[%add3A, %dma_start3A, %dma_start3A_134, %dma_start3A_135] : memref<32x8x16x80xi32, #tpu.memory_space<hbm>> -> memref<1x8x16x80xi32, #tpu.memory_space<hbm>>
      %dma_start3A_137 = tpu.memref_squeeze %dma_start3A_136 : memref<1x8x16x80xi32, #tpu.memory_space<hbm>> -> memref<8x16x80xi32, #tpu.memory_space<hbm>>
      %dma_start3A_138 = arith.constant 0 : i32
      %dma_start3A_139 = arith.constant 0 : i32
      %dma_start3A_140 = tpu.memref_slice %dma_start3A_137[%run_scoped3A_117, %dma_start3A_138, %dma_start3A_139] : memref<8x16x80xi32, #tpu.memory_space<hbm>> -> memref<1x16x80xi32, #tpu.memory_space<hbm>>
      %dma_start3A_141 = tpu.memref_squeeze %dma_start3A_140 : memref<1x16x80xi32, #tpu.memory_space<hbm>> -> memref<16x80xi32, #tpu.memory_space<hbm>>
      %dma_start3A_142 = arith.constant 0 : i32
      %dma_start3A_143 = arith.constant 0 : i32
      %dma_start3A_144 = arith.constant 0 : i32
      %dma_start3A_145 = tpu.memref_slice %arg3[%add3A, %dma_start3A_142, %dma_start3A_143, %dma_start3A_144] : memref<32x8x16x80xi32, #tpu.memory_space<hbm>> -> memref<1x8x16x80xi32, #tpu.memory_space<hbm>>
      %dma_start3A_146 = tpu.memref_squeeze %dma_start3A_145 : memref<1x8x16x80xi32, #tpu.memory_space<hbm>> -> memref<8x16x80xi32, #tpu.memory_space<hbm>>
      %dma_start3A_147 = arith.constant 0 : i32
      %dma_start3A_148 = arith.constant 0 : i32
      %dma_start3A_149 = tpu.memref_slice %dma_start3A_146[%run_scoped3A_117, %dma_start3A_147, %dma_start3A_148] : memref<8x16x80xi32, #tpu.memory_space<hbm>> -> memref<1x16x80xi32, #tpu.memory_space<hbm>>
      %dma_start3A_150 = tpu.memref_squeeze %dma_start3A_149 : memref<1x16x80xi32, #tpu.memory_space<hbm>> -> memref<16x80xi32, #tpu.memory_space<hbm>>
      tpu.enqueue_dma source(%dma_start3A_150 : memref<16x80xi32, #tpu.memory_space<hbm>>) target(%arg8 : memref<16x80xi32, #tpu.memory_space<vmem>>) target_semaphore(%run_scoped3A_133 : memref<!tpu.dma_semaphore, #tpu.memory_space<semaphore_mem>>)
      %dma_wait3A = arith.constant 0 : i32
      %dma_wait3A_151 = arith.constant 0 : i32
      %dma_wait3A_152 = arith.constant 0 : i32
      %dma_wait3A_153 = tpu.memref_slice %arg3[%add3A, %dma_wait3A, %dma_wait3A_151, %dma_wait3A_152] : memref<32x8x16x80xi32, #tpu.memory_space<hbm>> -> memref<1x8x16x80xi32, #tpu.memory_space<hbm>>
      %dma_wait3A_154 = tpu.memref_squeeze %dma_wait3A_153 : memref<1x8x16x80xi32, #tpu.memory_space<hbm>> -> memref<8x16x80xi32, #tpu.memory_space<hbm>>
      %dma_wait3A_155 = arith.constant 0 : i32
      %dma_wait3A_156 = arith.constant 0 : i32
      %dma_wait3A_157 = tpu.memref_slice %dma_wait3A_154[%run_scoped3A_117, %dma_wait3A_155, %dma_wait3A_156] : memref<8x16x80xi32, #tpu.memory_space<hbm>> -> memref<1x16x80xi32, #tpu.memory_space<hbm>>
      %dma_wait3A_158 = tpu.memref_squeeze %dma_wait3A_157 : memref<1x16x80xi32, #tpu.memory_space<hbm>> -> memref<16x80xi32, #tpu.memory_space<hbm>>
      %dma_wait3A_159 = arith.constant 0 : i32
      %dma_wait3A_160 = arith.constant 0 : i32
      %dma_wait3A_161 = arith.constant 0 : i32
      %dma_wait3A_162 = tpu.memref_slice %arg3[%add3A, %dma_wait3A_159, %dma_wait3A_160, %dma_wait3A_161] : memref<32x8x16x80xi32, #tpu.memory_space<hbm>> -> memref<1x8x16x80xi32, #tpu.memory_space<hbm>>
      %dma_wait3A_163 = tpu.memref_squeeze %dma_wait3A_162 : memref<1x8x16x80xi32, #tpu.memory_space<hbm>> -> memref<8x16x80xi32, #tpu.memory_space<hbm>>
      %dma_wait3A_164 = arith.constant 0 : i32
      %dma_wait3A_165 = arith.constant 0 : i32
      %dma_wait3A_166 = tpu.memref_slice %dma_wait3A_163[%run_scoped3A_117, %dma_wait3A_164, %dma_wait3A_165] : memref<8x16x80xi32, #tpu.memory_space<hbm>> -> memref<1x16x80xi32, #tpu.memory_space<hbm>>
      %dma_wait3A_167 = tpu.memref_squeeze %dma_wait3A_166 : memref<1x16x80xi32, #tpu.memory_space<hbm>> -> memref<16x80xi32, #tpu.memory_space<hbm>>
      tpu.wait_dma2 semaphore(%run_scoped3A_133 : memref<!tpu.dma_semaphore, #tpu.memory_space<semaphore_mem>>) src(%dma_wait3A_167 : memref<16x80xi32, #tpu.memory_space<hbm>>) dst(%arg8 : memref<16x80xi32, #tpu.memory_space<vmem>>)
      tpu.yield
    }) : () -> ()
    %scan3A_118 = arith.constant 0 : i32
    %scan3A_119 = arith.constant 0 : i32
    %scan3A_120 = arith.constant 4 : i32
    %scan3A_121 = arith.addi %scan3A_119, %scan3A_120 : i32
    %scan3A_122 = arith.constant 1 : i32
    scf.for %scan3A_133 = %scan3A_119 to %scan3A_121 step %scan3A_122  : i32 {
      %mul3A_134 = arith.constant 4 : i32
      %mul3A_135 = arith.muli %mul3A_134, %scan3A_133 : i32
      %add3A_136 = arith.constant 0 : i32
      %add3A_137 = arith.addi %mul3A_135, %add3A_136 : i32
      %dma_start3A = arith.constant 0 : i32
      %dma_start3A_138 = tpu.memref_slice %arg7[%add3A_137, %dma_start3A] : memref<16x80xi32, #tpu.memory_space<vmem>> -> memref<1x80xi32, #tpu.memory_space<vmem>>
      %dma_start3A_139 = tpu.memref_squeeze %dma_start3A_138 : memref<1x80xi32, #tpu.memory_space<vmem>> -> memref<80xi32, #tpu.memory_space<vmem>>
      %dma_start3A_140 = arith.constant 0 : i32
      %dma_start3A_141 = arith.constant 0 : i32
      %dma_start3A_142 = tpu.memref_slice %arg4[%dma_start3A_140, %dma_start3A_141] : memref<10000x128xf32, #tpu.memory_space<hbm>> -> memref<10000x128xf32, #tpu.memory_space<hbm>>
      tpu.enqueue_indirect_dma source(%dma_start3A_142 : memref<10000x128xf32, #tpu.memory_space<hbm>>) target(%arg9 : memref<80x128xf32, #tpu.memory_space<vmem>>) offsets(%dma_start3A_139 : memref<80xi32, #tpu.memory_space<vmem>>) semaphore(%arg16 : memref<!tpu.dma_semaphore, #tpu.memory_space<semaphore_mem>>)
      %add3A_143 = arith.constant 1 : i32
      %add3A_144 = arith.addi %mul3A_135, %add3A_143 : i32
      %dma_start3A_145 = arith.constant 0 : i32
      %dma_start3A_146 = tpu.memref_slice %arg7[%add3A_144, %dma_start3A_145] : memref<16x80xi32, #tpu.memory_space<vmem>> -> memref<1x80xi32, #tpu.memory_space<vmem>>
      %dma_start3A_147 = tpu.memref_squeeze %dma_start3A_146 : memref<1x80xi32, #tpu.memory_space<vmem>> -> memref<80xi32, #tpu.memory_space<vmem>>
      %dma_start3A_148 = arith.constant 0 : i32
      %dma_start3A_149 = arith.constant 0 : i32
      %dma_start3A_150 = tpu.memref_slice %arg4[%dma_start3A_148, %dma_start3A_149] : memref<10000x128xf32, #tpu.memory_space<hbm>> -> memref<10000x128xf32, #tpu.memory_space<hbm>>
      tpu.enqueue_indirect_dma source(%dma_start3A_150 : memref<10000x128xf32, #tpu.memory_space<hbm>>) target(%arg10 : memref<80x128xf32, #tpu.memory_space<vmem>>) offsets(%dma_start3A_147 : memref<80xi32, #tpu.memory_space<vmem>>) semaphore(%arg16 : memref<!tpu.dma_semaphore, #tpu.memory_space<semaphore_mem>>)
      %add3A_151 = arith.constant 2 : i32
      %add3A_152 = arith.addi %mul3A_135, %add3A_151 : i32
      %dma_start3A_153 = arith.constant 0 : i32
      %dma_start3A_154 = tpu.memref_slice %arg7[%add3A_152, %dma_start3A_153] : memref<16x80xi32, #tpu.memory_space<vmem>> -> memref<1x80xi32, #tpu.memory_space<vmem>>
      %dma_start3A_155 = tpu.memref_squeeze %dma_start3A_154 : memref<1x80xi32, #tpu.memory_space<vmem>> -> memref<80xi32, #tpu.memory_space<vmem>>
      %dma_start3A_156 = arith.constant 0 : i32
      %dma_start3A_157 = arith.constant 0 : i32
      %dma_start3A_158 = tpu.memref_slice %arg4[%dma_start3A_156, %dma_start3A_157] : memref<10000x128xf32, #tpu.memory_space<hbm>> -> memref<10000x128xf32, #tpu.memory_space<hbm>>
      tpu.enqueue_indirect_dma source(%dma_start3A_158 : memref<10000x128xf32, #tpu.memory_space<hbm>>) target(%arg11 : memref<80x128xf32, #tpu.memory_space<vmem>>) offsets(%dma_start3A_155 : memref<80xi32, #tpu.memory_space<vmem>>) semaphore(%arg16 : memref<!tpu.dma_semaphore, #tpu.memory_space<semaphore_mem>>)
      %add3A_159 = arith.constant 3 : i32
      %add3A_160 = arith.addi %mul3A_135, %add3A_159 : i32
      %dma_start3A_161 = arith.constant 0 : i32
      %dma_start3A_162 = tpu.memref_slice %arg7[%add3A_160, %dma_start3A_161] : memref<16x80xi32, #tpu.memory_space<vmem>> -> memref<1x80xi32, #tpu.memory_space<vmem>>
      %dma_start3A_163 = tpu.memref_squeeze %dma_start3A_162 : memref<1x80xi32, #tpu.memory_space<vmem>> -> memref<80xi32, #tpu.memory_space<vmem>>
      %dma_start3A_164 = arith.constant 0 : i32
      %dma_start3A_165 = arith.constant 0 : i32
      %dma_start3A_166 = tpu.memref_slice %arg4[%dma_start3A_164, %dma_start3A_165] : memref<10000x128xf32, #tpu.memory_space<hbm>> -> memref<10000x128xf32, #tpu.memory_space<hbm>>
      tpu.enqueue_indirect_dma source(%dma_start3A_166 : memref<10000x128xf32, #tpu.memory_space<hbm>>) target(%arg12 : memref<80x128xf32, #tpu.memory_space<vmem>>) offsets(%dma_start3A_163 : memref<80xi32, #tpu.memory_space<vmem>>) semaphore(%arg16 : memref<!tpu.dma_semaphore, #tpu.memory_space<semaphore_mem>>)
      %dma_wait3A = arith.constant 0 : i32
      %dma_wait3A_167 = tpu.memref_slice %arg7[%add3A_137, %dma_wait3A] : memref<16x80xi32, #tpu.memory_space<vmem>> -> memref<1x80xi32, #tpu.memory_space<vmem>>
      %dma_wait3A_168 = tpu.memref_squeeze %dma_wait3A_167 : memref<1x80xi32, #tpu.memory_space<vmem>> -> memref<80xi32, #tpu.memory_space<vmem>>
      %dma_wait3A_169 = arith.constant 0 : i32
      %dma_wait3A_170 = arith.constant 0 : i32
      %dma_wait3A_171 = tpu.memref_slice %arg4[%dma_wait3A_169, %dma_wait3A_170] : memref<10000x128xf32, #tpu.memory_space<hbm>> -> memref<10000x128xf32, #tpu.memory_space<hbm>>
      tpu.wait_indirect_dma semaphore(%arg16 : memref<!tpu.dma_semaphore, #tpu.memory_space<semaphore_mem>>) src(%dma_wait3A_171 : memref<10000x128xf32, #tpu.memory_space<hbm>>) dst(%arg9 : memref<80x128xf32, #tpu.memory_space<vmem>>)
      %dma_wait3A_172 = arith.constant 0 : i32
      %dma_wait3A_173 = tpu.memref_slice %arg7[%add3A_144, %dma_wait3A_172] : memref<16x80xi32, #tpu.memory_space<vmem>> -> memref<1x80xi32, #tpu.memory_space<vmem>>
      %dma_wait3A_174 = tpu.memref_squeeze %dma_wait3A_173 : memref<1x80xi32, #tpu.memory_space<vmem>> -> memref<80xi32, #tpu.memory_space<vmem>>
      %dma_wait3A_175 = arith.constant 0 : i32
      %dma_wait3A_176 = arith.constant 0 : i32
      %dma_wait3A_177 = tpu.memref_slice %arg4[%dma_wait3A_175, %dma_wait3A_176] : memref<10000x128xf32, #tpu.memory_space<hbm>> -> memref<10000x128xf32, #tpu.memory_space<hbm>>
      tpu.wait_indirect_dma semaphore(%arg16 : memref<!tpu.dma_semaphore, #tpu.memory_space<semaphore_mem>>) src(%dma_wait3A_177 : memref<10000x128xf32, #tpu.memory_space<hbm>>) dst(%arg10 : memref<80x128xf32, #tpu.memory_space<vmem>>)
      %dma_wait3A_178 = arith.constant 0 : i32
      %dma_wait3A_179 = tpu.memref_slice %arg7[%add3A_152, %dma_wait3A_178] : memref<16x80xi32, #tpu.memory_space<vmem>> -> memref<1x80xi32, #tpu.memory_space<vmem>>
      %dma_wait3A_180 = tpu.memref_squeeze %dma_wait3A_179 : memref<1x80xi32, #tpu.memory_space<vmem>> -> memref<80xi32, #tpu.memory_space<vmem>>
      %dma_wait3A_181 = arith.constant 0 : i32
      %dma_wait3A_182 = arith.constant 0 : i32
      %dma_wait3A_183 = tpu.memref_slice %arg4[%dma_wait3A_181, %dma_wait3A_182] : memref<10000x128xf32, #tpu.memory_space<hbm>> -> memref<10000x128xf32, #tpu.memory_space<hbm>>
      tpu.wait_indirect_dma semaphore(%arg16 : memref<!tpu.dma_semaphore, #tpu.memory_space<semaphore_mem>>) src(%dma_wait3A_183 : memref<10000x128xf32, #tpu.memory_space<hbm>>) dst(%arg11 : memref<80x128xf32, #tpu.memory_space<vmem>>)
      %dma_wait3A_184 = arith.constant 0 : i32
      %dma_wait3A_185 = tpu.memref_slice %arg7[%add3A_160, %dma_wait3A_184] : memref<16x80xi32, #tpu.memory_space<vmem>> -> memref<1x80xi32, #tpu.memory_space<vmem>>
      %dma_wait3A_186 = tpu.memref_squeeze %dma_wait3A_185 : memref<1x80xi32, #tpu.memory_space<vmem>> -> memref<80xi32, #tpu.memory_space<vmem>>
      %dma_wait3A_187 = arith.constant 0 : i32
      %dma_wait3A_188 = arith.constant 0 : i32
      %dma_wait3A_189 = tpu.memref_slice %arg4[%dma_wait3A_187, %dma_wait3A_188] : memref<10000x128xf32, #tpu.memory_space<hbm>> -> memref<10000x128xf32, #tpu.memory_space<hbm>>
      tpu.wait_indirect_dma semaphore(%arg16 : memref<!tpu.dma_semaphore, #tpu.memory_space<semaphore_mem>>) src(%dma_wait3A_189 : memref<10000x128xf32, #tpu.memory_space<hbm>>) dst(%arg12 : memref<80x128xf32, #tpu.memory_space<vmem>>)
      %add3A_190 = arith.constant 0 : i32
      %add3A_191 = arith.addi %mul3A_135, %add3A_190 : i32
      "tpu.region"() ({
        %run_scoped3A_206 = tpu.sem_alloc : memref<!tpu.dma_semaphore, #tpu.memory_space<semaphore_mem>>
        %dma_start3A_207 = arith.constant 0 : i32
        %dma_start3A_208 = tpu.memref_slice %arg8[%add3A_191, %dma_start3A_207] : memref<16x80xi32, #tpu.memory_space<vmem>> -> memref<1x80xi32, #tpu.memory_space<vmem>>
        %dma_start3A_209 = tpu.memref_squeeze %dma_start3A_208 : memref<1x80xi32, #tpu.memory_space<vmem>> -> memref<80xi32, #tpu.memory_space<vmem>>
        %dma_start3A_210 = arith.constant 0 : i32
        %dma_start3A_211 = arith.constant 0 : i32
        %dma_start3A_212 = tpu.memref_slice %arg14[%dma_start3A_210, %dma_start3A_211] : memref<10240x128xf32, #tpu.memory_space<vmem_shared>> -> memref<10240x128xf32, #tpu.memory_space<vmem_shared>>
        tpu.enqueue_indirect_dma source(%arg9 : memref<80x128xf32, #tpu.memory_space<vmem>>) target(%dma_start3A_212 : memref<10240x128xf32, #tpu.memory_space<vmem_shared>>) offsets(%dma_start3A_209 : memref<80xi32, #tpu.memory_space<vmem>>) semaphore(%run_scoped3A_206 : memref<!tpu.dma_semaphore, #tpu.memory_space<semaphore_mem>>) {add = true}
        %dma_wait3A_213 = arith.constant 0 : i32
        %dma_wait3A_214 = tpu.memref_slice %arg8[%add3A_191, %dma_wait3A_213] : memref<16x80xi32, #tpu.memory_space<vmem>> -> memref<1x80xi32, #tpu.memory_space<vmem>>
        %dma_wait3A_215 = tpu.memref_squeeze %dma_wait3A_214 : memref<1x80xi32, #tpu.memory_space<vmem>> -> memref<80xi32, #tpu.memory_space<vmem>>
        %dma_wait3A_216 = arith.constant 0 : i32
        %dma_wait3A_217 = arith.constant 0 : i32
        %dma_wait3A_218 = tpu.memref_slice %arg14[%dma_wait3A_216, %dma_wait3A_217] : memref<10240x128xf32, #tpu.memory_space<vmem_shared>> -> memref<10240x128xf32, #tpu.memory_space<vmem_shared>>
        tpu.wait_indirect_dma semaphore(%run_scoped3A_206 : memref<!tpu.dma_semaphore, #tpu.memory_space<semaphore_mem>>) src(%arg9 : memref<80x128xf32, #tpu.memory_space<vmem>>) dst(%dma_wait3A_218 : memref<10240x128xf32, #tpu.memory_space<vmem_shared>>)
        tpu.yield
      }) : () -> ()
      %add3A_192 = arith.constant 0 : i32
      %add3A_193 = arith.addi %mul3A_135, %add3A_192 : i32
      "tpu.region"() ({
        %run_scoped3A_206 = tpu.sem_alloc : memref<!tpu.dma_semaphore, #tpu.memory_space<semaphore_mem>>
        %dma_start3A_207 = arith.constant 0 : i32
        %dma_start3A_208 = tpu.memref_slice %arg8[%add3A_193, %dma_start3A_207] : memref<16x80xi32, #tpu.memory_space<vmem>> -> memref<1x80xi32, #tpu.memory_space<vmem>>
        %dma_start3A_209 = tpu.memref_squeeze %dma_start3A_208 : memref<1x80xi32, #tpu.memory_space<vmem>> -> memref<80xi32, #tpu.memory_space<vmem>>
        %dma_start3A_210 = arith.constant 0 : i32
        %dma_start3A_211 = tpu.memref_slice %arg15[%dma_start3A_210] : memref<10240xf32, #tpu.memory_space<vmem_shared>> -> memref<10240xf32, #tpu.memory_space<vmem_shared>>
        tpu.enqueue_indirect_dma source(%arg13 : memref<80xf32, #tpu.memory_space<vmem>>) target(%dma_start3A_211 : memref<10240xf32, #tpu.memory_space<vmem_shared>>) offsets(%dma_start3A_209 : memref<80xi32, #tpu.memory_space<vmem>>) semaphore(%run_scoped3A_206 : memref<!tpu.dma_semaphore, #tpu.memory_space<semaphore_mem>>) {add = true}
        %dma_wait3A_212 = arith.constant 0 : i32
        %dma_wait3A_213 = tpu.memref_slice %arg8[%add3A_193, %dma_wait3A_212] : memref<16x80xi32, #tpu.memory_space<vmem>> -> memref<1x80xi32, #tpu.memory_space<vmem>>
        %dma_wait3A_214 = tpu.memref_squeeze %dma_wait3A_213 : memref<1x80xi32, #tpu.memory_space<vmem>> -> memref<80xi32, #tpu.memory_space<vmem>>
        %dma_wait3A_215 = arith.constant 0 : i32
        %dma_wait3A_216 = tpu.memref_slice %arg15[%dma_wait3A_215] : memref<10240xf32, #tpu.memory_space<vmem_shared>> -> memref<10240xf32, #tpu.memory_space<vmem_shared>>
        tpu.wait_indirect_dma semaphore(%run_scoped3A_206 : memref<!tpu.dma_semaphore, #tpu.memory_space<semaphore_mem>>) src(%arg13 : memref<80xf32, #tpu.memory_space<vmem>>) dst(%dma_wait3A_216 : memref<10240xf32, #tpu.memory_space<vmem_shared>>)
        tpu.yield
      }) : () -> ()
      %add3A_194 = arith.constant 1 : i32
      %add3A_195 = arith.addi %mul3A_135, %add3A_194 : i32
      "tpu.region"() ({
        %run_scoped3A_206 = tpu.sem_alloc : memref<!tpu.dma_semaphore, #tpu.memory_space<semaphore_mem>>
        %dma_start3A_207 = arith.constant 0 : i32
        %dma_start3A_208 = tpu.memref_slice %arg8[%add3A_195, %dma_start3A_207] : memref<16x80xi32, #tpu.memory_space<vmem>> -> memref<1x80xi32, #tpu.memory_space<vmem>>
        %dma_start3A_209 = tpu.memref_squeeze %dma_start3A_208 : memref<1x80xi32, #tpu.memory_space<vmem>> -> memref<80xi32, #tpu.memory_space<vmem>>
        %dma_start3A_210 = arith.constant 0 : i32
        %dma_start3A_211 = arith.constant 0 : i32
        %dma_start3A_212 = tpu.memref_slice %arg14[%dma_start3A_210, %dma_start3A_211] : memref<10240x128xf32, #tpu.memory_space<vmem_shared>> -> memref<10240x128xf32, #tpu.memory_space<vmem_shared>>
        tpu.enqueue_indirect_dma source(%arg10 : memref<80x128xf32, #tpu.memory_space<vmem>>) target(%dma_start3A_212 : memref<10240x128xf32, #tpu.memory_space<vmem_shared>>) offsets(%dma_start3A_209 : memref<80xi32, #tpu.memory_space<vmem>>) semaphore(%run_scoped3A_206 : memref<!tpu.dma_semaphore, #tpu.memory_space<semaphore_mem>>) {add = true}
        %dma_wait3A_213 = arith.constant 0 : i32
        %dma_wait3A_214 = tpu.memref_slice %arg8[%add3A_195, %dma_wait3A_213] : memref<16x80xi32, #tpu.memory_space<vmem>> -> memref<1x80xi32, #tpu.memory_space<vmem>>
        %dma_wait3A_215 = tpu.memref_squeeze %dma_wait3A_214 : memref<1x80xi32, #tpu.memory_space<vmem>> -> memref<80xi32, #tpu.memory_space<vmem>>
        %dma_wait3A_216 = arith.constant 0 : i32
        %dma_wait3A_217 = arith.constant 0 : i32
        %dma_wait3A_218 = tpu.memref_slice %arg14[%dma_wait3A_216, %dma_wait3A_217] : memref<10240x128xf32, #tpu.memory_space<vmem_shared>> -> memref<10240x128xf32, #tpu.memory_space<vmem_shared>>
        tpu.wait_indirect_dma semaphore(%run_scoped3A_206 : memref<!tpu.dma_semaphore, #tpu.memory_space<semaphore_mem>>) src(%arg10 : memref<80x128xf32, #tpu.memory_space<vmem>>) dst(%dma_wait3A_218 : memref<10240x128xf32, #tpu.memory_space<vmem_shared>>)
        tpu.yield
      }) : () -> ()
      %add3A_196 = arith.constant 1 : i32
      %add3A_197 = arith.addi %mul3A_135, %add3A_196 : i32
      "tpu.region"() ({
        %run_scoped3A_206 = tpu.sem_alloc : memref<!tpu.dma_semaphore, #tpu.memory_space<semaphore_mem>>
        %dma_start3A_207 = arith.constant 0 : i32
        %dma_start3A_208 = tpu.memref_slice %arg8[%add3A_197, %dma_start3A_207] : memref<16x80xi32, #tpu.memory_space<vmem>> -> memref<1x80xi32, #tpu.memory_space<vmem>>
        %dma_start3A_209 = tpu.memref_squeeze %dma_start3A_208 : memref<1x80xi32, #tpu.memory_space<vmem>> -> memref<80xi32, #tpu.memory_space<vmem>>
        %dma_start3A_210 = arith.constant 0 : i32
        %dma_start3A_211 = tpu.memref_slice %arg15[%dma_start3A_210] : memref<10240xf32, #tpu.memory_space<vmem_shared>> -> memref<10240xf32, #tpu.memory_space<vmem_shared>>
        tpu.enqueue_indirect_dma source(%arg13 : memref<80xf32, #tpu.memory_space<vmem>>) target(%dma_start3A_211 : memref<10240xf32, #tpu.memory_space<vmem_shared>>) offsets(%dma_start3A_209 : memref<80xi32, #tpu.memory_space<vmem>>) semaphore(%run_scoped3A_206 : memref<!tpu.dma_semaphore, #tpu.memory_space<semaphore_mem>>) {add = true}
        %dma_wait3A_212 = arith.constant 0 : i32
        %dma_wait3A_213 = tpu.memref_slice %arg8[%add3A_197, %dma_wait3A_212] : memref<16x80xi32, #tpu.memory_space<vmem>> -> memref<1x80xi32, #tpu.memory_space<vmem>>
        %dma_wait3A_214 = tpu.memref_squeeze %dma_wait3A_213 : memref<1x80xi32, #tpu.memory_space<vmem>> -> memref<80xi32, #tpu.memory_space<vmem>>
        %dma_wait3A_215 = arith.constant 0 : i32
        %dma_wait3A_216 = tpu.memref_slice %arg15[%dma_wait3A_215] : memref<10240xf32, #tpu.memory_space<vmem_shared>> -> memref<10240xf32, #tpu.memory_space<vmem_shared>>
        tpu.wait_indirect_dma semaphore(%run_scoped3A_206 : memref<!tpu.dma_semaphore, #tpu.memory_space<semaphore_mem>>) src(%arg13 : memref<80xf32, #tpu.memory_space<vmem>>) dst(%dma_wait3A_216 : memref<10240xf32, #tpu.memory_space<vmem_shared>>)
        tpu.yield
      }) : () -> ()
      %add3A_198 = arith.constant 2 : i32
      %add3A_199 = arith.addi %mul3A_135, %add3A_198 : i32
      "tpu.region"() ({
        %run_scoped3A_206 = tpu.sem_alloc : memref<!tpu.dma_semaphore, #tpu.memory_space<semaphore_mem>>
        %dma_start3A_207 = arith.constant 0 : i32
        %dma_start3A_208 = tpu.memref_slice %arg8[%add3A_199, %dma_start3A_207] : memref<16x80xi32, #tpu.memory_space<vmem>> -> memref<1x80xi32, #tpu.memory_space<vmem>>
        %dma_start3A_209 = tpu.memref_squeeze %dma_start3A_208 : memref<1x80xi32, #tpu.memory_space<vmem>> -> memref<80xi32, #tpu.memory_space<vmem>>
        %dma_start3A_210 = arith.constant 0 : i32
        %dma_start3A_211 = arith.constant 0 : i32
        %dma_start3A_212 = tpu.memref_slice %arg14[%dma_start3A_210, %dma_start3A_211] : memref<10240x128xf32, #tpu.memory_space<vmem_shared>> -> memref<10240x128xf32, #tpu.memory_space<vmem_shared>>
        tpu.enqueue_indirect_dma source(%arg11 : memref<80x128xf32, #tpu.memory_space<vmem>>) target(%dma_start3A_212 : memref<10240x128xf32, #tpu.memory_space<vmem_shared>>) offsets(%dma_start3A_209 : memref<80xi32, #tpu.memory_space<vmem>>) semaphore(%run_scoped3A_206 : memref<!tpu.dma_semaphore, #tpu.memory_space<semaphore_mem>>) {add = true}
        %dma_wait3A_213 = arith.constant 0 : i32
        %dma_wait3A_214 = tpu.memref_slice %arg8[%add3A_199, %dma_wait3A_213] : memref<16x80xi32, #tpu.memory_space<vmem>> -> memref<1x80xi32, #tpu.memory_space<vmem>>
        %dma_wait3A_215 = tpu.memref_squeeze %dma_wait3A_214 : memref<1x80xi32, #tpu.memory_space<vmem>> -> memref<80xi32, #tpu.memory_space<vmem>>
        %dma_wait3A_216 = arith.constant 0 : i32
        %dma_wait3A_217 = arith.constant 0 : i32
        %dma_wait3A_218 = tpu.memref_slice %arg14[%dma_wait3A_216, %dma_wait3A_217] : memref<10240x128xf32, #tpu.memory_space<vmem_shared>> -> memref<10240x128xf32, #tpu.memory_space<vmem_shared>>
        tpu.wait_indirect_dma semaphore(%run_scoped3A_206 : memref<!tpu.dma_semaphore, #tpu.memory_space<semaphore_mem>>) src(%arg11 : memref<80x128xf32, #tpu.memory_space<vmem>>) dst(%dma_wait3A_218 : memref<10240x128xf32, #tpu.memory_space<vmem_shared>>)
        tpu.yield
      }) : () -> ()
      %add3A_200 = arith.constant 2 : i32
      %add3A_201 = arith.addi %mul3A_135, %add3A_200 : i32
      "tpu.region"() ({
        %run_scoped3A_206 = tpu.sem_alloc : memref<!tpu.dma_semaphore, #tpu.memory_space<semaphore_mem>>
        %dma_start3A_207 = arith.constant 0 : i32
        %dma_start3A_208 = tpu.memref_slice %arg8[%add3A_201, %dma_start3A_207] : memref<16x80xi32, #tpu.memory_space<vmem>> -> memref<1x80xi32, #tpu.memory_space<vmem>>
        %dma_start3A_209 = tpu.memref_squeeze %dma_start3A_208 : memref<1x80xi32, #tpu.memory_space<vmem>> -> memref<80xi32, #tpu.memory_space<vmem>>
        %dma_start3A_210 = arith.constant 0 : i32
        %dma_start3A_211 = tpu.memref_slice %arg15[%dma_start3A_210] : memref<10240xf32, #tpu.memory_space<vmem_shared>> -> memref<10240xf32, #tpu.memory_space<vmem_shared>>
        tpu.enqueue_indirect_dma source(%arg13 : memref<80xf32, #tpu.memory_space<vmem>>) target(%dma_start3A_211 : memref<10240xf32, #tpu.memory_space<vmem_shared>>) offsets(%dma_start3A_209 : memref<80xi32, #tpu.memory_space<vmem>>) semaphore(%run_scoped3A_206 : memref<!tpu.dma_semaphore, #tpu.memory_space<semaphore_mem>>) {add = true}
        %dma_wait3A_212 = arith.constant 0 : i32
        %dma_wait3A_213 = tpu.memref_slice %arg8[%add3A_201, %dma_wait3A_212] : memref<16x80xi32, #tpu.memory_space<vmem>> -> memref<1x80xi32, #tpu.memory_space<vmem>>
        %dma_wait3A_214 = tpu.memref_squeeze %dma_wait3A_213 : memref<1x80xi32, #tpu.memory_space<vmem>> -> memref<80xi32, #tpu.memory_space<vmem>>
        %dma_wait3A_215 = arith.constant 0 : i32
        %dma_wait3A_216 = tpu.memref_slice %arg15[%dma_wait3A_215] : memref<10240xf32, #tpu.memory_space<vmem_shared>> -> memref<10240xf32, #tpu.memory_space<vmem_shared>>
        tpu.wait_indirect_dma semaphore(%run_scoped3A_206 : memref<!tpu.dma_semaphore, #tpu.memory_space<semaphore_mem>>) src(%arg13 : memref<80xf32, #tpu.memory_space<vmem>>) dst(%dma_wait3A_216 : memref<10240xf32, #tpu.memory_space<vmem_shared>>)
        tpu.yield
      }) : () -> ()
      %add3A_202 = arith.constant 3 : i32
      %add3A_203 = arith.addi %mul3A_135, %add3A_202 : i32
      "tpu.region"() ({
        %run_scoped3A_206 = tpu.sem_alloc : memref<!tpu.dma_semaphore, #tpu.memory_space<semaphore_mem>>
        %dma_start3A_207 = arith.constant 0 : i32
        %dma_start3A_208 = tpu.memref_slice %arg8[%add3A_203, %dma_start3A_207] : memref<16x80xi32, #tpu.memory_space<vmem>> -> memref<1x80xi32, #tpu.memory_space<vmem>>
        %dma_start3A_209 = tpu.memref_squeeze %dma_start3A_208 : memref<1x80xi32, #tpu.memory_space<vmem>> -> memref<80xi32, #tpu.memory_space<vmem>>
        %dma_start3A_210 = arith.constant 0 : i32
        %dma_start3A_211 = arith.constant 0 : i32
        %dma_start3A_212 = tpu.memref_slice %arg14[%dma_start3A_210, %dma_start3A_211] : memref<10240x128xf32, #tpu.memory_space<vmem_shared>> -> memref<10240x128xf32, #tpu.memory_space<vmem_shared>>
        tpu.enqueue_indirect_dma source(%arg12 : memref<80x128xf32, #tpu.memory_space<vmem>>) target(%dma_start3A_212 : memref<10240x128xf32, #tpu.memory_space<vmem_shared>>) offsets(%dma_start3A_209 : memref<80xi32, #tpu.memory_space<vmem>>) semaphore(%run_scoped3A_206 : memref<!tpu.dma_semaphore, #tpu.memory_space<semaphore_mem>>) {add = true}
        %dma_wait3A_213 = arith.constant 0 : i32
        %dma_wait3A_214 = tpu.memref_slice %arg8[%add3A_203, %dma_wait3A_213] : memref<16x80xi32, #tpu.memory_space<vmem>> -> memref<1x80xi32, #tpu.memory_space<vmem>>
        %dma_wait3A_215 = tpu.memref_squeeze %dma_wait3A_214 : memref<1x80xi32, #tpu.memory_space<vmem>> -> memref<80xi32, #tpu.memory_space<vmem>>
        %dma_wait3A_216 = arith.constant 0 : i32
        %dma_wait3A_217 = arith.constant 0 : i32
        %dma_wait3A_218 = tpu.memref_slice %arg14[%dma_wait3A_216, %dma_wait3A_217] : memref<10240x128xf32, #tpu.memory_space<vmem_shared>> -> memref<10240x128xf32, #tpu.memory_space<vmem_shared>>
        tpu.wait_indirect_dma semaphore(%run_scoped3A_206 : memref<!tpu.dma_semaphore, #tpu.memory_space<semaphore_mem>>) src(%arg12 : memref<80x128xf32, #tpu.memory_space<vmem>>) dst(%dma_wait3A_218 : memref<10240x128xf32, #tpu.memory_space<vmem_shared>>)
        tpu.yield
      }) : () -> ()
      %add3A_204 = arith.constant 3 : i32
      %add3A_205 = arith.addi %mul3A_135, %add3A_204 : i32
      "tpu.region"() ({
        %run_scoped3A_206 = tpu.sem_alloc : memref<!tpu.dma_semaphore, #tpu.memory_space<semaphore_mem>>
        %dma_start3A_207 = arith.constant 0 : i32
        %dma_start3A_208 = tpu.memref_slice %arg8[%add3A_205, %dma_start3A_207] : memref<16x80xi32, #tpu.memory_space<vmem>> -> memref<1x80xi32, #tpu.memory_space<vmem>>
        %dma_start3A_209 = tpu.memref_squeeze %dma_start3A_208 : memref<1x80xi32, #tpu.memory_space<vmem>> -> memref<80xi32, #tpu.memory_space<vmem>>
        %dma_start3A_210 = arith.constant 0 : i32
        %dma_start3A_211 = tpu.memref_slice %arg15[%dma_start3A_210] : memref<10240xf32, #tpu.memory_space<vmem_shared>> -> memref<10240xf32, #tpu.memory_space<vmem_shared>>
        tpu.enqueue_indirect_dma source(%arg13 : memref<80xf32, #tpu.memory_space<vmem>>) target(%dma_start3A_211 : memref<10240xf32, #tpu.memory_space<vmem_shared>>) offsets(%dma_start3A_209 : memref<80xi32, #tpu.memory_space<vmem>>) semaphore(%run_scoped3A_206 : memref<!tpu.dma_semaphore, #tpu.memory_space<semaphore_mem>>) {add = true}
        %dma_wait3A_212 = arith.constant 0 : i32
        %dma_wait3A_213 = tpu.memref_slice %arg8[%add3A_205, %dma_wait3A_212] : memref<16x80xi32, #tpu.memory_space<vmem>> -> memref<1x80xi32, #tpu.memory_space<vmem>>
        %dma_wait3A_214 = tpu.memref_squeeze %dma_wait3A_213 : memref<1x80xi32, #tpu.memory_space<vmem>> -> memref<80xi32, #tpu.memory_space<vmem>>
        %dma_wait3A_215 = arith.constant 0 : i32
        %dma_wait3A_216 = tpu.memref_slice %arg15[%dma_wait3A_215] : memref<10240xf32, #tpu.memory_space<vmem_shared>> -> memref<10240xf32, #tpu.memory_space<vmem_shared>>
        tpu.wait_indirect_dma semaphore(%run_scoped3A_206 : memref<!tpu.dma_semaphore, #tpu.memory_space<semaphore_mem>>) src(%arg13 : memref<80xf32, #tpu.memory_space<vmem>>) dst(%dma_wait3A_216 : memref<10240xf32, #tpu.memory_space<vmem_shared>>)
        tpu.yield
      }) : () -> ()
    }
    %scan3A_123 = arith.constant 4 : i32
    %run_scoped3A_124 = arith.constant 7 : i32
    "tpu.region"() ({
      %run_scoped3A_133 = tpu.sem_alloc : memref<!tpu.dma_semaphore, #tpu.memory_space<semaphore_mem>>
      %dma_start3A = arith.constant 0 : i32
      %dma_start3A_134 = arith.constant 0 : i32
      %dma_start3A_135 = arith.constant 0 : i32
      %dma_start3A_136 = tpu.memref_slice %arg2[%add3A, %dma_start3A, %dma_start3A_134, %dma_start3A_135] : memref<32x8x16x80xi32, #tpu.memory_space<hbm>> -> memref<1x8x16x80xi32, #tpu.memory_space<hbm>>
      %dma_start3A_137 = tpu.memref_squeeze %dma_start3A_136 : memref<1x8x16x80xi32, #tpu.memory_space<hbm>> -> memref<8x16x80xi32, #tpu.memory_space<hbm>>
      %dma_start3A_138 = arith.constant 0 : i32
      %dma_start3A_139 = arith.constant 0 : i32
      %dma_start3A_140 = tpu.memref_slice %dma_start3A_137[%run_scoped3A_124, %dma_start3A_138, %dma_start3A_139] : memref<8x16x80xi32, #tpu.memory_space<hbm>> -> memref<1x16x80xi32, #tpu.memory_space<hbm>>
      %dma_start3A_141 = tpu.memref_squeeze %dma_start3A_140 : memref<1x16x80xi32, #tpu.memory_space<hbm>> -> memref<16x80xi32, #tpu.memory_space<hbm>>
      %dma_start3A_142 = arith.constant 0 : i32
      %dma_start3A_143 = arith.constant 0 : i32
      %dma_start3A_144 = arith.constant 0 : i32
      %dma_start3A_145 = tpu.memref_slice %arg2[%add3A, %dma_start3A_142, %dma_start3A_143, %dma_start3A_144] : memref<32x8x16x80xi32, #tpu.memory_space<hbm>> -> memref<1x8x16x80xi32, #tpu.memory_space<hbm>>
      %dma_start3A_146 = tpu.memref_squeeze %dma_start3A_145 : memref<1x8x16x80xi32, #tpu.memory_space<hbm>> -> memref<8x16x80xi32, #tpu.memory_space<hbm>>
      %dma_start3A_147 = arith.constant 0 : i32
      %dma_start3A_148 = arith.constant 0 : i32
      %dma_start3A_149 = tpu.memref_slice %dma_start3A_146[%run_scoped3A_124, %dma_start3A_147, %dma_start3A_148] : memref<8x16x80xi32, #tpu.memory_space<hbm>> -> memref<1x16x80xi32, #tpu.memory_space<hbm>>
      %dma_start3A_150 = tpu.memref_squeeze %dma_start3A_149 : memref<1x16x80xi32, #tpu.memory_space<hbm>> -> memref<16x80xi32, #tpu.memory_space<hbm>>
      tpu.enqueue_dma source(%dma_start3A_150 : memref<16x80xi32, #tpu.memory_space<hbm>>) target(%arg7 : memref<16x80xi32, #tpu.memory_space<vmem>>) target_semaphore(%run_scoped3A_133 : memref<!tpu.dma_semaphore, #tpu.memory_space<semaphore_mem>>)
      %dma_wait3A = arith.constant 0 : i32
      %dma_wait3A_151 = arith.constant 0 : i32
      %dma_wait3A_152 = arith.constant 0 : i32
      %dma_wait3A_153 = tpu.memref_slice %arg2[%add3A, %dma_wait3A, %dma_wait3A_151, %dma_wait3A_152] : memref<32x8x16x80xi32, #tpu.memory_space<hbm>> -> memref<1x8x16x80xi32, #tpu.memory_space<hbm>>
      %dma_wait3A_154 = tpu.memref_squeeze %dma_wait3A_153 : memref<1x8x16x80xi32, #tpu.memory_space<hbm>> -> memref<8x16x80xi32, #tpu.memory_space<hbm>>
      %dma_wait3A_155 = arith.constant 0 : i32
      %dma_wait3A_156 = arith.constant 0 : i32
      %dma_wait3A_157 = tpu.memref_slice %dma_wait3A_154[%run_scoped3A_124, %dma_wait3A_155, %dma_wait3A_156] : memref<8x16x80xi32, #tpu.memory_space<hbm>> -> memref<1x16x80xi32, #tpu.memory_space<hbm>>
      %dma_wait3A_158 = tpu.memref_squeeze %dma_wait3A_157 : memref<1x16x80xi32, #tpu.memory_space<hbm>> -> memref<16x80xi32, #tpu.memory_space<hbm>>
      %dma_wait3A_159 = arith.constant 0 : i32
      %dma_wait3A_160 = arith.constant 0 : i32
      %dma_wait3A_161 = arith.constant 0 : i32
      %dma_wait3A_162 = tpu.memref_slice %arg2[%add3A, %dma_wait3A_159, %dma_wait3A_160, %dma_wait3A_161] : memref<32x8x16x80xi32, #tpu.memory_space<hbm>> -> memref<1x8x16x80xi32, #tpu.memory_space<hbm>>
      %dma_wait3A_163 = tpu.memref_squeeze %dma_wait3A_162 : memref<1x8x16x80xi32, #tpu.memory_space<hbm>> -> memref<8x16x80xi32, #tpu.memory_space<hbm>>
      %dma_wait3A_164 = arith.constant 0 : i32
      %dma_wait3A_165 = arith.constant 0 : i32
      %dma_wait3A_166 = tpu.memref_slice %dma_wait3A_163[%run_scoped3A_124, %dma_wait3A_164, %dma_wait3A_165] : memref<8x16x80xi32, #tpu.memory_space<hbm>> -> memref<1x16x80xi32, #tpu.memory_space<hbm>>
      %dma_wait3A_167 = tpu.memref_squeeze %dma_wait3A_166 : memref<1x16x80xi32, #tpu.memory_space<hbm>> -> memref<16x80xi32, #tpu.memory_space<hbm>>
      tpu.wait_dma2 semaphore(%run_scoped3A_133 : memref<!tpu.dma_semaphore, #tpu.memory_space<semaphore_mem>>) src(%dma_wait3A_167 : memref<16x80xi32, #tpu.memory_space<hbm>>) dst(%arg7 : memref<16x80xi32, #tpu.memory_space<vmem>>)
      tpu.yield
    }) : () -> ()
    %run_scoped3A_125 = arith.constant 7 : i32
    "tpu.region"() ({
      %run_scoped3A_133 = tpu.sem_alloc : memref<!tpu.dma_semaphore, #tpu.memory_space<semaphore_mem>>
      %dma_start3A = arith.constant 0 : i32
      %dma_start3A_134 = arith.constant 0 : i32
      %dma_start3A_135 = arith.constant 0 : i32
      %dma_start3A_136 = tpu.memref_slice %arg3[%add3A, %dma_start3A, %dma_start3A_134, %dma_start3A_135] : memref<32x8x16x80xi32, #tpu.memory_space<hbm>> -> memref<1x8x16x80xi32, #tpu.memory_space<hbm>>
      %dma_start3A_137 = tpu.memref_squeeze %dma_start3A_136 : memref<1x8x16x80xi32, #tpu.memory_space<hbm>> -> memref<8x16x80xi32, #tpu.memory_space<hbm>>
      %dma_start3A_138 = arith.constant 0 : i32
      %dma_start3A_139 = arith.constant 0 : i32
      %dma_start3A_140 = tpu.memref_slice %dma_start3A_137[%run_scoped3A_125, %dma_start3A_138, %dma_start3A_139] : memref<8x16x80xi32, #tpu.memory_space<hbm>> -> memref<1x16x80xi32, #tpu.memory_space<hbm>>
      %dma_start3A_141 = tpu.memref_squeeze %dma_start3A_140 : memref<1x16x80xi32, #tpu.memory_space<hbm>> -> memref<16x80xi32, #tpu.memory_space<hbm>>
      %dma_start3A_142 = arith.constant 0 : i32
      %dma_start3A_143 = arith.constant 0 : i32
      %dma_start3A_144 = arith.constant 0 : i32
      %dma_start3A_145 = tpu.memref_slice %arg3[%add3A, %dma_start3A_142, %dma_start3A_143, %dma_start3A_144] : memref<32x8x16x80xi32, #tpu.memory_space<hbm>> -> memref<1x8x16x80xi32, #tpu.memory_space<hbm>>
      %dma_start3A_146 = tpu.memref_squeeze %dma_start3A_145 : memref<1x8x16x80xi32, #tpu.memory_space<hbm>> -> memref<8x16x80xi32, #tpu.memory_space<hbm>>
      %dma_start3A_147 = arith.constant 0 : i32
      %dma_start3A_148 = arith.constant 0 : i32
      %dma_start3A_149 = tpu.memref_slice %dma_start3A_146[%run_scoped3A_125, %dma_start3A_147, %dma_start3A_148] : memref<8x16x80xi32, #tpu.memory_space<hbm>> -> memref<1x16x80xi32, #tpu.memory_space<hbm>>
      %dma_start3A_150 = tpu.memref_squeeze %dma_start3A_149 : memref<1x16x80xi32, #tpu.memory_space<hbm>> -> memref<16x80xi32, #tpu.memory_space<hbm>>
      tpu.enqueue_dma source(%dma_start3A_150 : memref<16x80xi32, #tpu.memory_space<hbm>>) target(%arg8 : memref<16x80xi32, #tpu.memory_space<vmem>>) target_semaphore(%run_scoped3A_133 : memref<!tpu.dma_semaphore, #tpu.memory_space<semaphore_mem>>)
      %dma_wait3A = arith.constant 0 : i32
      %dma_wait3A_151 = arith.constant 0 : i32
      %dma_wait3A_152 = arith.constant 0 : i32
      %dma_wait3A_153 = tpu.memref_slice %arg3[%add3A, %dma_wait3A, %dma_wait3A_151, %dma_wait3A_152] : memref<32x8x16x80xi32, #tpu.memory_space<hbm>> -> memref<1x8x16x80xi32, #tpu.memory_space<hbm>>
      %dma_wait3A_154 = tpu.memref_squeeze %dma_wait3A_153 : memref<1x8x16x80xi32, #tpu.memory_space<hbm>> -> memref<8x16x80xi32, #tpu.memory_space<hbm>>
      %dma_wait3A_155 = arith.constant 0 : i32
      %dma_wait3A_156 = arith.constant 0 : i32
      %dma_wait3A_157 = tpu.memref_slice %dma_wait3A_154[%run_scoped3A_125, %dma_wait3A_155, %dma_wait3A_156] : memref<8x16x80xi32, #tpu.memory_space<hbm>> -> memref<1x16x80xi32, #tpu.memory_space<hbm>>
      %dma_wait3A_158 = tpu.memref_squeeze %dma_wait3A_157 : memref<1x16x80xi32, #tpu.memory_space<hbm>> -> memref<16x80xi32, #tpu.memory_space<hbm>>
      %dma_wait3A_159 = arith.constant 0 : i32
      %dma_wait3A_160 = arith.constant 0 : i32
      %dma_wait3A_161 = arith.constant 0 : i32
      %dma_wait3A_162 = tpu.memref_slice %arg3[%add3A, %dma_wait3A_159, %dma_wait3A_160, %dma_wait3A_161] : memref<32x8x16x80xi32, #tpu.memory_space<hbm>> -> memref<1x8x16x80xi32, #tpu.memory_space<hbm>>
      %dma_wait3A_163 = tpu.memref_squeeze %dma_wait3A_162 : memref<1x8x16x80xi32, #tpu.memory_space<hbm>> -> memref<8x16x80xi32, #tpu.memory_space<hbm>>
      %dma_wait3A_164 = arith.constant 0 : i32
      %dma_wait3A_165 = arith.constant 0 : i32
      %dma_wait3A_166 = tpu.memref_slice %dma_wait3A_163[%run_scoped3A_125, %dma_wait3A_164, %dma_wait3A_165] : memref<8x16x80xi32, #tpu.memory_space<hbm>> -> memref<1x16x80xi32, #tpu.memory_space<hbm>>
      %dma_wait3A_167 = tpu.memref_squeeze %dma_wait3A_166 : memref<1x16x80xi32, #tpu.memory_space<hbm>> -> memref<16x80xi32, #tpu.memory_space<hbm>>
      tpu.wait_dma2 semaphore(%run_scoped3A_133 : memref<!tpu.dma_semaphore, #tpu.memory_space<semaphore_mem>>) src(%dma_wait3A_167 : memref<16x80xi32, #tpu.memory_space<hbm>>) dst(%arg8 : memref<16x80xi32, #tpu.memory_space<vmem>>)
      tpu.yield
    }) : () -> ()
    %scan3A_126 = arith.constant 0 : i32
    %scan3A_127 = arith.constant 0 : i32
    %scan3A_128 = arith.constant 4 : i32
    %scan3A_129 = arith.addi %scan3A_127, %scan3A_128 : i32
    %scan3A_130 = arith.constant 1 : i32
    scf.for %scan3A_133 = %scan3A_127 to %scan3A_129 step %scan3A_130  : i32 {
      %mul3A_134 = arith.constant 4 : i32
      %mul3A_135 = arith.muli %mul3A_134, %scan3A_133 : i32
      %add3A_136 = arith.constant 0 : i32
      %add3A_137 = arith.addi %mul3A_135, %add3A_136 : i32
      %dma_start3A = arith.constant 0 : i32
      %dma_start3A_138 = tpu.memref_slice %arg7[%add3A_137, %dma_start3A] : memref<16x80xi32, #tpu.memory_space<vmem>> -> memref<1x80xi32, #tpu.memory_space<vmem>>
      %dma_start3A_139 = tpu.memref_squeeze %dma_start3A_138 : memref<1x80xi32, #tpu.memory_space<vmem>> -> memref<80xi32, #tpu.memory_space<vmem>>
      %dma_start3A_140 = arith.constant 0 : i32
      %dma_start3A_141 = arith.constant 0 : i32
      %dma_start3A_142 = tpu.memref_slice %arg4[%dma_start3A_140, %dma_start3A_141] : memref<10000x128xf32, #tpu.memory_space<hbm>> -> memref<10000x128xf32, #tpu.memory_space<hbm>>
      tpu.enqueue_indirect_dma source(%dma_start3A_142 : memref<10000x128xf32, #tpu.memory_space<hbm>>) target(%arg9 : memref<80x128xf32, #tpu.memory_space<vmem>>) offsets(%dma_start3A_139 : memref<80xi32, #tpu.memory_space<vmem>>) semaphore(%arg16 : memref<!tpu.dma_semaphore, #tpu.memory_space<semaphore_mem>>)
      %add3A_143 = arith.constant 1 : i32
      %add3A_144 = arith.addi %mul3A_135, %add3A_143 : i32
      %dma_start3A_145 = arith.constant 0 : i32
      %dma_start3A_146 = tpu.memref_slice %arg7[%add3A_144, %dma_start3A_145] : memref<16x80xi32, #tpu.memory_space<vmem>> -> memref<1x80xi32, #tpu.memory_space<vmem>>
      %dma_start3A_147 = tpu.memref_squeeze %dma_start3A_146 : memref<1x80xi32, #tpu.memory_space<vmem>> -> memref<80xi32, #tpu.memory_space<vmem>>
      %dma_start3A_148 = arith.constant 0 : i32
      %dma_start3A_149 = arith.constant 0 : i32
      %dma_start3A_150 = tpu.memref_slice %arg4[%dma_start3A_148, %dma_start3A_149] : memref<10000x128xf32, #tpu.memory_space<hbm>> -> memref<10000x128xf32, #tpu.memory_space<hbm>>
      tpu.enqueue_indirect_dma source(%dma_start3A_150 : memref<10000x128xf32, #tpu.memory_space<hbm>>) target(%arg10 : memref<80x128xf32, #tpu.memory_space<vmem>>) offsets(%dma_start3A_147 : memref<80xi32, #tpu.memory_space<vmem>>) semaphore(%arg16 : memref<!tpu.dma_semaphore, #tpu.memory_space<semaphore_mem>>)
      %add3A_151 = arith.constant 2 : i32
      %add3A_152 = arith.addi %mul3A_135, %add3A_151 : i32
      %dma_start3A_153 = arith.constant 0 : i32
      %dma_start3A_154 = tpu.memref_slice %arg7[%add3A_152, %dma_start3A_153] : memref<16x80xi32, #tpu.memory_space<vmem>> -> memref<1x80xi32, #tpu.memory_space<vmem>>
      %dma_start3A_155 = tpu.memref_squeeze %dma_start3A_154 : memref<1x80xi32, #tpu.memory_space<vmem>> -> memref<80xi32, #tpu.memory_space<vmem>>
      %dma_start3A_156 = arith.constant 0 : i32
      %dma_start3A_157 = arith.constant 0 : i32
      %dma_start3A_158 = tpu.memref_slice %arg4[%dma_start3A_156, %dma_start3A_157] : memref<10000x128xf32, #tpu.memory_space<hbm>> -> memref<10000x128xf32, #tpu.memory_space<hbm>>
      tpu.enqueue_indirect_dma source(%dma_start3A_158 : memref<10000x128xf32, #tpu.memory_space<hbm>>) target(%arg11 : memref<80x128xf32, #tpu.memory_space<vmem>>) offsets(%dma_start3A_155 : memref<80xi32, #tpu.memory_space<vmem>>) semaphore(%arg16 : memref<!tpu.dma_semaphore, #tpu.memory_space<semaphore_mem>>)
      %add3A_159 = arith.constant 3 : i32
      %add3A_160 = arith.addi %mul3A_135, %add3A_159 : i32
      %dma_start3A_161 = arith.constant 0 : i32
      %dma_start3A_162 = tpu.memref_slice %arg7[%add3A_160, %dma_start3A_161] : memref<16x80xi32, #tpu.memory_space<vmem>> -> memref<1x80xi32, #tpu.memory_space<vmem>>
      %dma_start3A_163 = tpu.memref_squeeze %dma_start3A_162 : memref<1x80xi32, #tpu.memory_space<vmem>> -> memref<80xi32, #tpu.memory_space<vmem>>
      %dma_start3A_164 = arith.constant 0 : i32
      %dma_start3A_165 = arith.constant 0 : i32
      %dma_start3A_166 = tpu.memref_slice %arg4[%dma_start3A_164, %dma_start3A_165] : memref<10000x128xf32, #tpu.memory_space<hbm>> -> memref<10000x128xf32, #tpu.memory_space<hbm>>
      tpu.enqueue_indirect_dma source(%dma_start3A_166 : memref<10000x128xf32, #tpu.memory_space<hbm>>) target(%arg12 : memref<80x128xf32, #tpu.memory_space<vmem>>) offsets(%dma_start3A_163 : memref<80xi32, #tpu.memory_space<vmem>>) semaphore(%arg16 : memref<!tpu.dma_semaphore, #tpu.memory_space<semaphore_mem>>)
      %dma_wait3A = arith.constant 0 : i32
      %dma_wait3A_167 = tpu.memref_slice %arg7[%add3A_137, %dma_wait3A] : memref<16x80xi32, #tpu.memory_space<vmem>> -> memref<1x80xi32, #tpu.memory_space<vmem>>
      %dma_wait3A_168 = tpu.memref_squeeze %dma_wait3A_167 : memref<1x80xi32, #tpu.memory_space<vmem>> -> memref<80xi32, #tpu.memory_space<vmem>>
      %dma_wait3A_169 = arith.constant 0 : i32
      %dma_wait3A_170 = arith.constant 0 : i32
      %dma_wait3A_171 = tpu.memref_slice %arg4[%dma_wait3A_169, %dma_wait3A_170] : memref<10000x128xf32, #tpu.memory_space<hbm>> -> memref<10000x128xf32, #tpu.memory_space<hbm>>
      tpu.wait_indirect_dma semaphore(%arg16 : memref<!tpu.dma_semaphore, #tpu.memory_space<semaphore_mem>>) src(%dma_wait3A_171 : memref<10000x128xf32, #tpu.memory_space<hbm>>) dst(%arg9 : memref<80x128xf32, #tpu.memory_space<vmem>>)
      %dma_wait3A_172 = arith.constant 0 : i32
      %dma_wait3A_173 = tpu.memref_slice %arg7[%add3A_144, %dma_wait3A_172] : memref<16x80xi32, #tpu.memory_space<vmem>> -> memref<1x80xi32, #tpu.memory_space<vmem>>
      %dma_wait3A_174 = tpu.memref_squeeze %dma_wait3A_173 : memref<1x80xi32, #tpu.memory_space<vmem>> -> memref<80xi32, #tpu.memory_space<vmem>>
      %dma_wait3A_175 = arith.constant 0 : i32
      %dma_wait3A_176 = arith.constant 0 : i32
      %dma_wait3A_177 = tpu.memref_slice %arg4[%dma_wait3A_175, %dma_wait3A_176] : memref<10000x128xf32, #tpu.memory_space<hbm>> -> memref<10000x128xf32, #tpu.memory_space<hbm>>
      tpu.wait_indirect_dma semaphore(%arg16 : memref<!tpu.dma_semaphore, #tpu.memory_space<semaphore_mem>>) src(%dma_wait3A_177 : memref<10000x128xf32, #tpu.memory_space<hbm>>) dst(%arg10 : memref<80x128xf32, #tpu.memory_space<vmem>>)
      %dma_wait3A_178 = arith.constant 0 : i32
      %dma_wait3A_179 = tpu.memref_slice %arg7[%add3A_152, %dma_wait3A_178] : memref<16x80xi32, #tpu.memory_space<vmem>> -> memref<1x80xi32, #tpu.memory_space<vmem>>
      %dma_wait3A_180 = tpu.memref_squeeze %dma_wait3A_179 : memref<1x80xi32, #tpu.memory_space<vmem>> -> memref<80xi32, #tpu.memory_space<vmem>>
      %dma_wait3A_181 = arith.constant 0 : i32
      %dma_wait3A_182 = arith.constant 0 : i32
      %dma_wait3A_183 = tpu.memref_slice %arg4[%dma_wait3A_181, %dma_wait3A_182] : memref<10000x128xf32, #tpu.memory_space<hbm>> -> memref<10000x128xf32, #tpu.memory_space<hbm>>
      tpu.wait_indirect_dma semaphore(%arg16 : memref<!tpu.dma_semaphore, #tpu.memory_space<semaphore_mem>>) src(%dma_wait3A_183 : memref<10000x128xf32, #tpu.memory_space<hbm>>) dst(%arg11 : memref<80x128xf32, #tpu.memory_space<vmem>>)
      %dma_wait3A_184 = arith.constant 0 : i32
      %dma_wait3A_185 = tpu.memref_slice %arg7[%add3A_160, %dma_wait3A_184] : memref<16x80xi32, #tpu.memory_space<vmem>> -> memref<1x80xi32, #tpu.memory_space<vmem>>
      %dma_wait3A_186 = tpu.memref_squeeze %dma_wait3A_185 : memref<1x80xi32, #tpu.memory_space<vmem>> -> memref<80xi32, #tpu.memory_space<vmem>>
      %dma_wait3A_187 = arith.constant 0 : i32
      %dma_wait3A_188 = arith.constant 0 : i32
      %dma_wait3A_189 = tpu.memref_slice %arg4[%dma_wait3A_187, %dma_wait3A_188] : memref<10000x128xf32, #tpu.memory_space<hbm>> -> memref<10000x128xf32, #tpu.memory_space<hbm>>
      tpu.wait_indirect_dma semaphore(%arg16 : memref<!tpu.dma_semaphore, #tpu.memory_space<semaphore_mem>>) src(%dma_wait3A_189 : memref<10000x128xf32, #tpu.memory_space<hbm>>) dst(%arg12 : memref<80x128xf32, #tpu.memory_space<vmem>>)
      %add3A_190 = arith.constant 0 : i32
      %add3A_191 = arith.addi %mul3A_135, %add3A_190 : i32
      "tpu.region"() ({
        %run_scoped3A_206 = tpu.sem_alloc : memref<!tpu.dma_semaphore, #tpu.memory_space<semaphore_mem>>
        %dma_start3A_207 = arith.constant 0 : i32
        %dma_start3A_208 = tpu.memref_slice %arg8[%add3A_191, %dma_start3A_207] : memref<16x80xi32, #tpu.memory_space<vmem>> -> memref<1x80xi32, #tpu.memory_space<vmem>>
        %dma_start3A_209 = tpu.memref_squeeze %dma_start3A_208 : memref<1x80xi32, #tpu.memory_space<vmem>> -> memref<80xi32, #tpu.memory_space<vmem>>
        %dma_start3A_210 = arith.constant 0 : i32
        %dma_start3A_211 = arith.constant 0 : i32
        %dma_start3A_212 = tpu.memref_slice %arg14[%dma_start3A_210, %dma_start3A_211] : memref<10240x128xf32, #tpu.memory_space<vmem_shared>> -> memref<10240x128xf32, #tpu.memory_space<vmem_shared>>
        tpu.enqueue_indirect_dma source(%arg9 : memref<80x128xf32, #tpu.memory_space<vmem>>) target(%dma_start3A_212 : memref<10240x128xf32, #tpu.memory_space<vmem_shared>>) offsets(%dma_start3A_209 : memref<80xi32, #tpu.memory_space<vmem>>) semaphore(%run_scoped3A_206 : memref<!tpu.dma_semaphore, #tpu.memory_space<semaphore_mem>>) {add = true}
        %dma_wait3A_213 = arith.constant 0 : i32
        %dma_wait3A_214 = tpu.memref_slice %arg8[%add3A_191, %dma_wait3A_213] : memref<16x80xi32, #tpu.memory_space<vmem>> -> memref<1x80xi32, #tpu.memory_space<vmem>>
        %dma_wait3A_215 = tpu.memref_squeeze %dma_wait3A_214 : memref<1x80xi32, #tpu.memory_space<vmem>> -> memref<80xi32, #tpu.memory_space<vmem>>
        %dma_wait3A_216 = arith.constant 0 : i32
        %dma_wait3A_217 = arith.constant 0 : i32
        %dma_wait3A_218 = tpu.memref_slice %arg14[%dma_wait3A_216, %dma_wait3A_217] : memref<10240x128xf32, #tpu.memory_space<vmem_shared>> -> memref<10240x128xf32, #tpu.memory_space<vmem_shared>>
        tpu.wait_indirect_dma semaphore(%run_scoped3A_206 : memref<!tpu.dma_semaphore, #tpu.memory_space<semaphore_mem>>) src(%arg9 : memref<80x128xf32, #tpu.memory_space<vmem>>) dst(%dma_wait3A_218 : memref<10240x128xf32, #tpu.memory_space<vmem_shared>>)
        tpu.yield
      }) : () -> ()
      %add3A_192 = arith.constant 0 : i32
      %add3A_193 = arith.addi %mul3A_135, %add3A_192 : i32
      "tpu.region"() ({
        %run_scoped3A_206 = tpu.sem_alloc : memref<!tpu.dma_semaphore, #tpu.memory_space<semaphore_mem>>
        %dma_start3A_207 = arith.constant 0 : i32
        %dma_start3A_208 = tpu.memref_slice %arg8[%add3A_193, %dma_start3A_207] : memref<16x80xi32, #tpu.memory_space<vmem>> -> memref<1x80xi32, #tpu.memory_space<vmem>>
        %dma_start3A_209 = tpu.memref_squeeze %dma_start3A_208 : memref<1x80xi32, #tpu.memory_space<vmem>> -> memref<80xi32, #tpu.memory_space<vmem>>
        %dma_start3A_210 = arith.constant 0 : i32
        %dma_start3A_211 = tpu.memref_slice %arg15[%dma_start3A_210] : memref<10240xf32, #tpu.memory_space<vmem_shared>> -> memref<10240xf32, #tpu.memory_space<vmem_shared>>
        tpu.enqueue_indirect_dma source(%arg13 : memref<80xf32, #tpu.memory_space<vmem>>) target(%dma_start3A_211 : memref<10240xf32, #tpu.memory_space<vmem_shared>>) offsets(%dma_start3A_209 : memref<80xi32, #tpu.memory_space<vmem>>) semaphore(%run_scoped3A_206 : memref<!tpu.dma_semaphore, #tpu.memory_space<semaphore_mem>>) {add = true}
        %dma_wait3A_212 = arith.constant 0 : i32
        %dma_wait3A_213 = tpu.memref_slice %arg8[%add3A_193, %dma_wait3A_212] : memref<16x80xi32, #tpu.memory_space<vmem>> -> memref<1x80xi32, #tpu.memory_space<vmem>>
        %dma_wait3A_214 = tpu.memref_squeeze %dma_wait3A_213 : memref<1x80xi32, #tpu.memory_space<vmem>> -> memref<80xi32, #tpu.memory_space<vmem>>
        %dma_wait3A_215 = arith.constant 0 : i32
        %dma_wait3A_216 = tpu.memref_slice %arg15[%dma_wait3A_215] : memref<10240xf32, #tpu.memory_space<vmem_shared>> -> memref<10240xf32, #tpu.memory_space<vmem_shared>>
        tpu.wait_indirect_dma semaphore(%run_scoped3A_206 : memref<!tpu.dma_semaphore, #tpu.memory_space<semaphore_mem>>) src(%arg13 : memref<80xf32, #tpu.memory_space<vmem>>) dst(%dma_wait3A_216 : memref<10240xf32, #tpu.memory_space<vmem_shared>>)
        tpu.yield
      }) : () -> ()
      %add3A_194 = arith.constant 1 : i32
      %add3A_195 = arith.addi %mul3A_135, %add3A_194 : i32
      "tpu.region"() ({
        %run_scoped3A_206 = tpu.sem_alloc : memref<!tpu.dma_semaphore, #tpu.memory_space<semaphore_mem>>
        %dma_start3A_207 = arith.constant 0 : i32
        %dma_start3A_208 = tpu.memref_slice %arg8[%add3A_195, %dma_start3A_207] : memref<16x80xi32, #tpu.memory_space<vmem>> -> memref<1x80xi32, #tpu.memory_space<vmem>>
        %dma_start3A_209 = tpu.memref_squeeze %dma_start3A_208 : memref<1x80xi32, #tpu.memory_space<vmem>> -> memref<80xi32, #tpu.memory_space<vmem>>
        %dma_start3A_210 = arith.constant 0 : i32
        %dma_start3A_211 = arith.constant 0 : i32
        %dma_start3A_212 = tpu.memref_slice %arg14[%dma_start3A_210, %dma_start3A_211] : memref<10240x128xf32, #tpu.memory_space<vmem_shared>> -> memref<10240x128xf32, #tpu.memory_space<vmem_shared>>
        tpu.enqueue_indirect_dma source(%arg10 : memref<80x128xf32, #tpu.memory_space<vmem>>) target(%dma_start3A_212 : memref<10240x128xf32, #tpu.memory_space<vmem_shared>>) offsets(%dma_start3A_209 : memref<80xi32, #tpu.memory_space<vmem>>) semaphore(%run_scoped3A_206 : memref<!tpu.dma_semaphore, #tpu.memory_space<semaphore_mem>>) {add = true}
        %dma_wait3A_213 = arith.constant 0 : i32
        %dma_wait3A_214 = tpu.memref_slice %arg8[%add3A_195, %dma_wait3A_213] : memref<16x80xi32, #tpu.memory_space<vmem>> -> memref<1x80xi32, #tpu.memory_space<vmem>>
        %dma_wait3A_215 = tpu.memref_squeeze %dma_wait3A_214 : memref<1x80xi32, #tpu.memory_space<vmem>> -> memref<80xi32, #tpu.memory_space<vmem>>
        %dma_wait3A_216 = arith.constant 0 : i32
        %dma_wait3A_217 = arith.constant 0 : i32
        %dma_wait3A_218 = tpu.memref_slice %arg14[%dma_wait3A_216, %dma_wait3A_217] : memref<10240x128xf32, #tpu.memory_space<vmem_shared>> -> memref<10240x128xf32, #tpu.memory_space<vmem_shared>>
        tpu.wait_indirect_dma semaphore(%run_scoped3A_206 : memref<!tpu.dma_semaphore, #tpu.memory_space<semaphore_mem>>) src(%arg10 : memref<80x128xf32, #tpu.memory_space<vmem>>) dst(%dma_wait3A_218 : memref<10240x128xf32, #tpu.memory_space<vmem_shared>>)
        tpu.yield
      }) : () -> ()
      %add3A_196 = arith.constant 1 : i32
      %add3A_197 = arith.addi %mul3A_135, %add3A_196 : i32
      "tpu.region"() ({
        %run_scoped3A_206 = tpu.sem_alloc : memref<!tpu.dma_semaphore, #tpu.memory_space<semaphore_mem>>
        %dma_start3A_207 = arith.constant 0 : i32
        %dma_start3A_208 = tpu.memref_slice %arg8[%add3A_197, %dma_start3A_207] : memref<16x80xi32, #tpu.memory_space<vmem>> -> memref<1x80xi32, #tpu.memory_space<vmem>>
        %dma_start3A_209 = tpu.memref_squeeze %dma_start3A_208 : memref<1x80xi32, #tpu.memory_space<vmem>> -> memref<80xi32, #tpu.memory_space<vmem>>
        %dma_start3A_210 = arith.constant 0 : i32
        %dma_start3A_211 = tpu.memref_slice %arg15[%dma_start3A_210] : memref<10240xf32, #tpu.memory_space<vmem_shared>> -> memref<10240xf32, #tpu.memory_space<vmem_shared>>
        tpu.enqueue_indirect_dma source(%arg13 : memref<80xf32, #tpu.memory_space<vmem>>) target(%dma_start3A_211 : memref<10240xf32, #tpu.memory_space<vmem_shared>>) offsets(%dma_start3A_209 : memref<80xi32, #tpu.memory_space<vmem>>) semaphore(%run_scoped3A_206 : memref<!tpu.dma_semaphore, #tpu.memory_space<semaphore_mem>>) {add = true}
        %dma_wait3A_212 = arith.constant 0 : i32
        %dma_wait3A_213 = tpu.memref_slice %arg8[%add3A_197, %dma_wait3A_212] : memref<16x80xi32, #tpu.memory_space<vmem>> -> memref<1x80xi32, #tpu.memory_space<vmem>>
        %dma_wait3A_214 = tpu.memref_squeeze %dma_wait3A_213 : memref<1x80xi32, #tpu.memory_space<vmem>> -> memref<80xi32, #tpu.memory_space<vmem>>
        %dma_wait3A_215 = arith.constant 0 : i32
        %dma_wait3A_216 = tpu.memref_slice %arg15[%dma_wait3A_215] : memref<10240xf32, #tpu.memory_space<vmem_shared>> -> memref<10240xf32, #tpu.memory_space<vmem_shared>>
        tpu.wait_indirect_dma semaphore(%run_scoped3A_206 : memref<!tpu.dma_semaphore, #tpu.memory_space<semaphore_mem>>) src(%arg13 : memref<80xf32, #tpu.memory_space<vmem>>) dst(%dma_wait3A_216 : memref<10240xf32, #tpu.memory_space<vmem_shared>>)
        tpu.yield
      }) : () -> ()
      %add3A_198 = arith.constant 2 : i32
      %add3A_199 = arith.addi %mul3A_135, %add3A_198 : i32
      "tpu.region"() ({
        %run_scoped3A_206 = tpu.sem_alloc : memref<!tpu.dma_semaphore, #tpu.memory_space<semaphore_mem>>
        %dma_start3A_207 = arith.constant 0 : i32
        %dma_start3A_208 = tpu.memref_slice %arg8[%add3A_199, %dma_start3A_207] : memref<16x80xi32, #tpu.memory_space<vmem>> -> memref<1x80xi32, #tpu.memory_space<vmem>>
        %dma_start3A_209 = tpu.memref_squeeze %dma_start3A_208 : memref<1x80xi32, #tpu.memory_space<vmem>> -> memref<80xi32, #tpu.memory_space<vmem>>
        %dma_start3A_210 = arith.constant 0 : i32
        %dma_start3A_211 = arith.constant 0 : i32
        %dma_start3A_212 = tpu.memref_slice %arg14[%dma_start3A_210, %dma_start3A_211] : memref<10240x128xf32, #tpu.memory_space<vmem_shared>> -> memref<10240x128xf32, #tpu.memory_space<vmem_shared>>
        tpu.enqueue_indirect_dma source(%arg11 : memref<80x128xf32, #tpu.memory_space<vmem>>) target(%dma_start3A_212 : memref<10240x128xf32, #tpu.memory_space<vmem_shared>>) offsets(%dma_start3A_209 : memref<80xi32, #tpu.memory_space<vmem>>) semaphore(%run_scoped3A_206 : memref<!tpu.dma_semaphore, #tpu.memory_space<semaphore_mem>>) {add = true}
        %dma_wait3A_213 = arith.constant 0 : i32
        %dma_wait3A_214 = tpu.memref_slice %arg8[%add3A_199, %dma_wait3A_213] : memref<16x80xi32, #tpu.memory_space<vmem>> -> memref<1x80xi32, #tpu.memory_space<vmem>>
        %dma_wait3A_215 = tpu.memref_squeeze %dma_wait3A_214 : memref<1x80xi32, #tpu.memory_space<vmem>> -> memref<80xi32, #tpu.memory_space<vmem>>
        %dma_wait3A_216 = arith.constant 0 : i32
        %dma_wait3A_217 = arith.constant 0 : i32
        %dma_wait3A_218 = tpu.memref_slice %arg14[%dma_wait3A_216, %dma_wait3A_217] : memref<10240x128xf32, #tpu.memory_space<vmem_shared>> -> memref<10240x128xf32, #tpu.memory_space<vmem_shared>>
        tpu.wait_indirect_dma semaphore(%run_scoped3A_206 : memref<!tpu.dma_semaphore, #tpu.memory_space<semaphore_mem>>) src(%arg11 : memref<80x128xf32, #tpu.memory_space<vmem>>) dst(%dma_wait3A_218 : memref<10240x128xf32, #tpu.memory_space<vmem_shared>>)
        tpu.yield
      }) : () -> ()
      %add3A_200 = arith.constant 2 : i32
      %add3A_201 = arith.addi %mul3A_135, %add3A_200 : i32
      "tpu.region"() ({
        %run_scoped3A_206 = tpu.sem_alloc : memref<!tpu.dma_semaphore, #tpu.memory_space<semaphore_mem>>
        %dma_start3A_207 = arith.constant 0 : i32
        %dma_start3A_208 = tpu.memref_slice %arg8[%add3A_201, %dma_start3A_207] : memref<16x80xi32, #tpu.memory_space<vmem>> -> memref<1x80xi32, #tpu.memory_space<vmem>>
        %dma_start3A_209 = tpu.memref_squeeze %dma_start3A_208 : memref<1x80xi32, #tpu.memory_space<vmem>> -> memref<80xi32, #tpu.memory_space<vmem>>
        %dma_start3A_210 = arith.constant 0 : i32
        %dma_start3A_211 = tpu.memref_slice %arg15[%dma_start3A_210] : memref<10240xf32, #tpu.memory_space<vmem_shared>> -> memref<10240xf32, #tpu.memory_space<vmem_shared>>
        tpu.enqueue_indirect_dma source(%arg13 : memref<80xf32, #tpu.memory_space<vmem>>) target(%dma_start3A_211 : memref<10240xf32, #tpu.memory_space<vmem_shared>>) offsets(%dma_start3A_209 : memref<80xi32, #tpu.memory_space<vmem>>) semaphore(%run_scoped3A_206 : memref<!tpu.dma_semaphore, #tpu.memory_space<semaphore_mem>>) {add = true}
        %dma_wait3A_212 = arith.constant 0 : i32
        %dma_wait3A_213 = tpu.memref_slice %arg8[%add3A_201, %dma_wait3A_212] : memref<16x80xi32, #tpu.memory_space<vmem>> -> memref<1x80xi32, #tpu.memory_space<vmem>>
        %dma_wait3A_214 = tpu.memref_squeeze %dma_wait3A_213 : memref<1x80xi32, #tpu.memory_space<vmem>> -> memref<80xi32, #tpu.memory_space<vmem>>
        %dma_wait3A_215 = arith.constant 0 : i32
        %dma_wait3A_216 = tpu.memref_slice %arg15[%dma_wait3A_215] : memref<10240xf32, #tpu.memory_space<vmem_shared>> -> memref<10240xf32, #tpu.memory_space<vmem_shared>>
        tpu.wait_indirect_dma semaphore(%run_scoped3A_206 : memref<!tpu.dma_semaphore, #tpu.memory_space<semaphore_mem>>) src(%arg13 : memref<80xf32, #tpu.memory_space<vmem>>) dst(%dma_wait3A_216 : memref<10240xf32, #tpu.memory_space<vmem_shared>>)
        tpu.yield
      }) : () -> ()
      %add3A_202 = arith.constant 3 : i32
      %add3A_203 = arith.addi %mul3A_135, %add3A_202 : i32
      "tpu.region"() ({
        %run_scoped3A_206 = tpu.sem_alloc : memref<!tpu.dma_semaphore, #tpu.memory_space<semaphore_mem>>
        %dma_start3A_207 = arith.constant 0 : i32
        %dma_start3A_208 = tpu.memref_slice %arg8[%add3A_203, %dma_start3A_207] : memref<16x80xi32, #tpu.memory_space<vmem>> -> memref<1x80xi32, #tpu.memory_space<vmem>>
        %dma_start3A_209 = tpu.memref_squeeze %dma_start3A_208 : memref<1x80xi32, #tpu.memory_space<vmem>> -> memref<80xi32, #tpu.memory_space<vmem>>
        %dma_start3A_210 = arith.constant 0 : i32
        %dma_start3A_211 = arith.constant 0 : i32
        %dma_start3A_212 = tpu.memref_slice %arg14[%dma_start3A_210, %dma_start3A_211] : memref<10240x128xf32, #tpu.memory_space<vmem_shared>> -> memref<10240x128xf32, #tpu.memory_space<vmem_shared>>
        tpu.enqueue_indirect_dma source(%arg12 : memref<80x128xf32, #tpu.memory_space<vmem>>) target(%dma_start3A_212 : memref<10240x128xf32, #tpu.memory_space<vmem_shared>>) offsets(%dma_start3A_209 : memref<80xi32, #tpu.memory_space<vmem>>) semaphore(%run_scoped3A_206 : memref<!tpu.dma_semaphore, #tpu.memory_space<semaphore_mem>>) {add = true}
        %dma_wait3A_213 = arith.constant 0 : i32
        %dma_wait3A_214 = tpu.memref_slice %arg8[%add3A_203, %dma_wait3A_213] : memref<16x80xi32, #tpu.memory_space<vmem>> -> memref<1x80xi32, #tpu.memory_space<vmem>>
        %dma_wait3A_215 = tpu.memref_squeeze %dma_wait3A_214 : memref<1x80xi32, #tpu.memory_space<vmem>> -> memref<80xi32, #tpu.memory_space<vmem>>
        %dma_wait3A_216 = arith.constant 0 : i32
        %dma_wait3A_217 = arith.constant 0 : i32
        %dma_wait3A_218 = tpu.memref_slice %arg14[%dma_wait3A_216, %dma_wait3A_217] : memref<10240x128xf32, #tpu.memory_space<vmem_shared>> -> memref<10240x128xf32, #tpu.memory_space<vmem_shared>>
        tpu.wait_indirect_dma semaphore(%run_scoped3A_206 : memref<!tpu.dma_semaphore, #tpu.memory_space<semaphore_mem>>) src(%arg12 : memref<80x128xf32, #tpu.memory_space<vmem>>) dst(%dma_wait3A_218 : memref<10240x128xf32, #tpu.memory_space<vmem_shared>>)
        tpu.yield
      }) : () -> ()
      %add3A_204 = arith.constant 3 : i32
      %add3A_205 = arith.addi %mul3A_135, %add3A_204 : i32
      "tpu.region"() ({
        %run_scoped3A_206 = tpu.sem_alloc : memref<!tpu.dma_semaphore, #tpu.memory_space<semaphore_mem>>
        %dma_start3A_207 = arith.constant 0 : i32
        %dma_start3A_208 = tpu.memref_slice %arg8[%add3A_205, %dma_start3A_207] : memref<16x80xi32, #tpu.memory_space<vmem>> -> memref<1x80xi32, #tpu.memory_space<vmem>>
        %dma_start3A_209 = tpu.memref_squeeze %dma_start3A_208 : memref<1x80xi32, #tpu.memory_space<vmem>> -> memref<80xi32, #tpu.memory_space<vmem>>
        %dma_start3A_210 = arith.constant 0 : i32
        %dma_start3A_211 = tpu.memref_slice %arg15[%dma_start3A_210] : memref<10240xf32, #tpu.memory_space<vmem_shared>> -> memref<10240xf32, #tpu.memory_space<vmem_shared>>
        tpu.enqueue_indirect_dma source(%arg13 : memref<80xf32, #tpu.memory_space<vmem>>) target(%dma_start3A_211 : memref<10240xf32, #tpu.memory_space<vmem_shared>>) offsets(%dma_start3A_209 : memref<80xi32, #tpu.memory_space<vmem>>) semaphore(%run_scoped3A_206 : memref<!tpu.dma_semaphore, #tpu.memory_space<semaphore_mem>>) {add = true}
        %dma_wait3A_212 = arith.constant 0 : i32
        %dma_wait3A_213 = tpu.memref_slice %arg8[%add3A_205, %dma_wait3A_212] : memref<16x80xi32, #tpu.memory_space<vmem>> -> memref<1x80xi32, #tpu.memory_space<vmem>>
        %dma_wait3A_214 = tpu.memref_squeeze %dma_wait3A_213 : memref<1x80xi32, #tpu.memory_space<vmem>> -> memref<80xi32, #tpu.memory_space<vmem>>
        %dma_wait3A_215 = arith.constant 0 : i32
        %dma_wait3A_216 = tpu.memref_slice %arg15[%dma_wait3A_215] : memref<10240xf32, #tpu.memory_space<vmem_shared>> -> memref<10240xf32, #tpu.memory_space<vmem_shared>>
        tpu.wait_indirect_dma semaphore(%run_scoped3A_206 : memref<!tpu.dma_semaphore, #tpu.memory_space<semaphore_mem>>) src(%arg13 : memref<80xf32, #tpu.memory_space<vmem>>) dst(%dma_wait3A_216 : memref<10240xf32, #tpu.memory_space<vmem_shared>>)
        tpu.yield
      }) : () -> ()
    }
    %scan3A_131 = arith.constant 4 : i32
    %barrier3A_132 = arith.constant 0 : index
    tpu.barrier barrier_id(%barrier3A_132)
    "tpu.region"() ({
      %run_scoped3A_133 = tpu.sem_alloc : memref<!tpu.dma_semaphore, #tpu.memory_space<semaphore_mem>>
      %dma_start3A = arith.constant 0 : i32
      %dma_start3A_134 = arith.constant 0 : i32
      %dma_start3A_135 = tpu.memref_slice %arg5[%arg0, %dma_start3A, %dma_start3A_134] : memref<2x10240x128xf32, #tpu.memory_space<hbm>> -> memref<1x10240x128xf32, #tpu.memory_space<hbm>>
      %dma_start3A_136 = tpu.memref_squeeze %dma_start3A_135 : memref<1x10240x128xf32, #tpu.memory_space<hbm>> -> memref<10240x128xf32, #tpu.memory_space<hbm>>
      %dma_start3A_137 = arith.constant 0 : i32
      %dma_start3A_138 = tpu.memref_slice %dma_start3A_136[%mul3A_37, %dma_start3A_137] : memref<10240x128xf32, #tpu.memory_space<hbm>> -> memref<640x128xf32, #tpu.memory_space<hbm>>
      %dma_start3A_139 = arith.constant 0 : i32
      %dma_start3A_140 = tpu.memref_slice %arg14[%mul3A_37, %dma_start3A_139] : memref<10240x128xf32, #tpu.memory_space<vmem_shared>> -> memref<640x128xf32, #tpu.memory_space<vmem_shared>>
      tpu.enqueue_dma source(%dma_start3A_140 : memref<640x128xf32, #tpu.memory_space<vmem_shared>>) target(%dma_start3A_138 : memref<640x128xf32, #tpu.memory_space<hbm>>) target_semaphore(%run_scoped3A_133 : memref<!tpu.dma_semaphore, #tpu.memory_space<semaphore_mem>>)
      %dma_wait3A = arith.constant 0 : i32
      %dma_wait3A_141 = arith.constant 0 : i32
      %dma_wait3A_142 = tpu.memref_slice %arg5[%arg0, %dma_wait3A, %dma_wait3A_141] : memref<2x10240x128xf32, #tpu.memory_space<hbm>> -> memref<1x10240x128xf32, #tpu.memory_space<hbm>>
      %dma_wait3A_143 = tpu.memref_squeeze %dma_wait3A_142 : memref<1x10240x128xf32, #tpu.memory_space<hbm>> -> memref<10240x128xf32, #tpu.memory_space<hbm>>
      %dma_wait3A_144 = arith.constant 0 : i32
      %dma_wait3A_145 = tpu.memref_slice %dma_wait3A_143[%mul3A_37, %dma_wait3A_144] : memref<10240x128xf32, #tpu.memory_space<hbm>> -> memref<640x128xf32, #tpu.memory_space<hbm>>
      %dma_wait3A_146 = arith.constant 0 : i32
      %dma_wait3A_147 = tpu.memref_slice %arg14[%mul3A_37, %dma_wait3A_146] : memref<10240x128xf32, #tpu.memory_space<vmem_shared>> -> memref<640x128xf32, #tpu.memory_space<vmem_shared>>
      tpu.wait_dma2 semaphore(%run_scoped3A_133 : memref<!tpu.dma_semaphore, #tpu.memory_space<semaphore_mem>>) src(%dma_wait3A_147 : memref<640x128xf32, #tpu.memory_space<vmem_shared>>) dst(%dma_wait3A_145 : memref<640x128xf32, #tpu.memory_space<hbm>>)
      tpu.yield
    }) : () -> ()
    "tpu.region"() ({
      %run_scoped3A_133 = tpu.sem_alloc : memref<!tpu.dma_semaphore, #tpu.memory_space<semaphore_mem>>
      %dma_start3A = arith.constant 0 : i32
      %dma_start3A_134 = tpu.memref_slice %arg6[%arg0, %dma_start3A] : memref<2x10240xf32, #tpu.memory_space<hbm>> -> memref<1x10240xf32, #tpu.memory_space<hbm>>
      %dma_start3A_135 = tpu.memref_squeeze %dma_start3A_134 : memref<1x10240xf32, #tpu.memory_space<hbm>> -> memref<10240xf32, #tpu.memory_space<hbm>>
      %dma_start3A_136 = tpu.memref_slice %dma_start3A_135[%mul3A_37] : memref<10240xf32, #tpu.memory_space<hbm>> -> memref<640xf32, #tpu.memory_space<hbm>>
      %dma_start3A_137 = tpu.memref_slice %arg15[%mul3A_37] : memref<10240xf32, #tpu.memory_space<vmem_shared>> -> memref<640xf32, #tpu.memory_space<vmem_shared>>
      tpu.enqueue_dma source(%dma_start3A_137 : memref<640xf32, #tpu.memory_space<vmem_shared>>) target(%dma_start3A_136 : memref<640xf32, #tpu.memory_space<hbm>>) target_semaphore(%run_scoped3A_133 : memref<!tpu.dma_semaphore, #tpu.memory_space<semaphore_mem>>)
      %dma_wait3A = arith.constant 0 : i32
      %dma_wait3A_138 = tpu.memref_slice %arg6[%arg0, %dma_wait3A] : memref<2x10240xf32, #tpu.memory_space<hbm>> -> memref<1x10240xf32, #tpu.memory_space<hbm>>
      %dma_wait3A_139 = tpu.memref_squeeze %dma_wait3A_138 : memref<1x10240xf32, #tpu.memory_space<hbm>> -> memref<10240xf32, #tpu.memory_space<hbm>>
      %dma_wait3A_140 = tpu.memref_slice %dma_wait3A_139[%mul3A_37] : memref<10240xf32, #tpu.memory_space<hbm>> -> memref<640xf32, #tpu.memory_space<hbm>>
      %dma_wait3A_141 = tpu.memref_slice %arg15[%mul3A_37] : memref<10240xf32, #tpu.memory_space<vmem_shared>> -> memref<640xf32, #tpu.memory_space<vmem_shared>>
      tpu.wait_dma2 semaphore(%run_scoped3A_133 : memref<!tpu.dma_semaphore, #tpu.memory_space<semaphore_mem>>) src(%dma_wait3A_141 : memref<640xf32, #tpu.memory_space<vmem_shared>>) dst(%dma_wait3A_140 : memref<640xf32, #tpu.memory_space<hbm>>)
      tpu.yield
    }) : () -> ()
    return
  }
}

module attributes {stable_mosaic.version = 14 : i64} {
  func.func @body(%arg0: i32, %arg1: memref<2000x128xf32, #tpu.memory_space<vmem>>, %arg2: memref<128x128xf32, #tpu.memory_space<vmem>>, %arg3: memref<1x128xf32, #tpu.memory_space<vmem>>, %arg4: memref<128x128xf32, #tpu.memory_space<vmem>>, %arg5: memref<1x128xf32, #tpu.memory_space<vmem>>, %arg6: memref<2000x128xf32, #tpu.memory_space<vmem>>) attributes {dimension_semantics = [#tpu.dimension_semantics<arbitrary>], iteration_bounds = array<i64: 5>, scalar_prefetch = 0 : i64, scratch_operands = 0 : i64, tpu.core_type = #tpu.core_type<tc>, window_params = [{transform_indices = @transform_0, window_bounds = array<i64: 2000, 128>}, {pipeline_mode = #tpu.pipeline_mode<synchronous>, transform_indices = @transform_1, window_bounds = array<i64: 128, 128>}, {pipeline_mode = #tpu.pipeline_mode<synchronous>, transform_indices = @transform_2, window_bounds = array<i64: 1, 128>}, {pipeline_mode = #tpu.pipeline_mode<synchronous>, transform_indices = @transform_3, window_bounds = array<i64: 128, 128>}, {pipeline_mode = #tpu.pipeline_mode<synchronous>, transform_indices = @transform_4, window_bounds = array<i64: 1, 128>}, {transform_indices = @transform_5, window_bounds = array<i64: 2000, 128>}]} {
    %get3A = arith.constant 0 : index
    %get3A_0 = arith.constant 0 : index
    %get3A_1 = vector.load %arg1[%get3A, %get3A_0] : memref<2000x128xf32, #tpu.memory_space<vmem>>, vector<2000x128xf32>
    %get3A_2 = arith.constant 0 : index
    %get3A_3 = arith.constant 0 : index
    %get3A_4 = vector.load %arg2[%get3A_2, %get3A_3] : memref<128x128xf32, #tpu.memory_space<vmem>>, vector<128x128xf32>
    %dot_general3A = arith.constant dense<0.000000e+00> : vector<2000x128xf32>
    %dot_general3A_5 = tpu.matmul %get3A_1, %get3A_4, %dot_general3A {dimension_numbers = #tpu.dot_dimension_numbers<[1], [0], [0], [1], [0, 0, 1, 1], [], []>, transpose_lhs_hint = false} : vector<2000x128xf32>, vector<128x128xf32>, vector<2000x128xf32> -> vector<2000x128xf32>
    %get3A_6 = arith.constant 0 : index
    %get3A_7 = arith.constant 0 : index
    %get3A_8 = vector.load %arg3[%get3A_6, %get3A_7] : memref<1x128xf32, #tpu.memory_space<vmem>>, vector<1x128xf32>
    %add3A = vector.broadcast %get3A_8 : vector<1x128xf32> to vector<2000x128xf32>
    %add3A_9 = arith.addf %dot_general3A_5, %add3A : vector<2000x128xf32>
    %max3A = arith.constant 0.000000e+00 : f32
    %max3A_10 = vector.broadcast %max3A : f32 to vector<2000x128xf32>
    %max3A_11 = arith.maximumf %add3A_9, %max3A_10 : vector<2000x128xf32>
    %get3A_12 = arith.constant 0 : index
    %get3A_13 = arith.constant 0 : index
    %get3A_14 = vector.load %arg4[%get3A_12, %get3A_13] : memref<128x128xf32, #tpu.memory_space<vmem>>, vector<128x128xf32>
    %dot_general3A_15 = arith.constant dense<0.000000e+00> : vector<2000x128xf32>
    %dot_general3A_16 = tpu.matmul %max3A_11, %get3A_14, %dot_general3A_15 {dimension_numbers = #tpu.dot_dimension_numbers<[1], [0], [0], [1], [0, 0, 1, 1], [], []>, transpose_lhs_hint = false} : vector<2000x128xf32>, vector<128x128xf32>, vector<2000x128xf32> -> vector<2000x128xf32>
    %get3A_17 = arith.constant 0 : index
    %get3A_18 = arith.constant 0 : index
    %get3A_19 = vector.load %arg5[%get3A_17, %get3A_18] : memref<1x128xf32, #tpu.memory_space<vmem>>, vector<1x128xf32>
    %add3A_20 = vector.broadcast %get3A_19 : vector<1x128xf32> to vector<2000x128xf32>
    %add3A_21 = arith.addf %dot_general3A_16, %add3A_20 : vector<2000x128xf32>
    %swap3A = arith.constant 0 : index
    %swap3A_22 = arith.constant 0 : index
    %swap3A_23 = vector.load %arg6[%swap3A, %swap3A_22] : memref<2000x128xf32, #tpu.memory_space<vmem>>, vector<2000x128xf32>
    tpu.vector_store %arg6[%swap3A, %swap3A_22], %add3A_21 {strides = array<i32>} : memref<2000x128xf32, #tpu.memory_space<vmem>>, vector<2000x128xf32>,
    return
  }
  func.func @transform_0(%arg0: i32) -> (i32, i32) {
    %c0_i32 = arith.constant 0 : i32
    %c0_i32_0 = arith.constant 0 : i32
    return %arg0, %c0_i32 : i32, i32
  }
  func.func @transform_1(%arg0: i32) -> (i32, i32) {
    %c0_i32 = arith.constant 0 : i32
    %c0_i32_0 = arith.constant 0 : i32
    %c0_i32_1 = arith.constant 0 : i32
    return %c0_i32, %c0_i32_0 : i32, i32
  }
  func.func @transform_2(%arg0: i32) -> (i32, i32) {
    %c0_i32 = arith.constant 0 : i32
    %c0_i32_0 = arith.constant 0 : i32
    %c0_i32_1 = arith.constant 0 : i32
    return %c0_i32, %c0_i32_0 : i32, i32
  }
  func.func @transform_3(%arg0: i32) -> (i32, i32) {
    %c0_i32 = arith.constant 0 : i32
    %c0_i32_0 = arith.constant 0 : i32
    %c0_i32_1 = arith.constant 0 : i32
    return %c0_i32, %c0_i32_0 : i32, i32
  }
  func.func @transform_4(%arg0: i32) -> (i32, i32) {
    %c0_i32 = arith.constant 0 : i32
    %c0_i32_0 = arith.constant 0 : i32
    %c0_i32_1 = arith.constant 0 : i32
    return %c0_i32, %c0_i32_0 : i32, i32
  }
  func.func @transform_5(%arg0: i32) -> (i32, i32) {
    %c0_i32 = arith.constant 0 : i32
    %c0_i32_0 = arith.constant 0 : i32
    return %arg0, %c0_i32 : i32, i32
  }
}

module attributes {stable_mosaic.version = 14 : i64} {
  func.func @body(%arg0: i32, %arg1: memref<2000x128xf32, #tpu.memory_space<vmem>>, %arg2: memref<2x2000x128xf32, #tpu.memory_space<vmem>>, %arg3: memref<2x2000x1xf32, #tpu.memory_space<vmem>>, %arg4: memref<128x128xf32, #tpu.memory_space<vmem>>, %arg5: memref<1x128xf32, #tpu.memory_space<vmem>>, %arg6: memref<128x128xf32, #tpu.memory_space<vmem>>, %arg7: memref<1x128xf32, #tpu.memory_space<vmem>>, %arg8: memref<128x128xf32, #tpu.memory_space<vmem>>, %arg9: memref<128x128xf32, #tpu.memory_space<vmem>>, %arg10: memref<1x128xf32, #tpu.memory_space<vmem>>, %arg11: memref<128x64xf32, #tpu.memory_space<vmem>>, %arg12: memref<1x64xf32, #tpu.memory_space<vmem>>, %arg13: memref<2000x64xf32, #tpu.memory_space<vmem>>) attributes {dimension_semantics = [#tpu.dimension_semantics<arbitrary>], iteration_bounds = array<i64: 5>, scalar_prefetch = 0 : i64, scratch_operands = 0 : i64, tpu.core_type = #tpu.core_type<tc>, window_params = [{transform_indices = @transform_0, window_bounds = array<i64: 2000, 128>}, {transform_indices = @transform_1, window_bounds = array<i64: 2, 2000, 128>}, {transform_indices = @transform_2, window_bounds = array<i64: 2, 2000, 1>}, {pipeline_mode = #tpu.pipeline_mode<synchronous>, transform_indices = @transform_3, window_bounds = array<i64: 128, 128>}, {pipeline_mode = #tpu.pipeline_mode<synchronous>, transform_indices = @transform_4, window_bounds = array<i64: 1, 128>}, {pipeline_mode = #tpu.pipeline_mode<synchronous>, transform_indices = @transform_5, window_bounds = array<i64: 128, 128>}, {pipeline_mode = #tpu.pipeline_mode<synchronous>, transform_indices = @transform_6, window_bounds = array<i64: 1, 128>}, {pipeline_mode = #tpu.pipeline_mode<synchronous>, transform_indices = @transform_7, window_bounds = array<i64: 128, 128>}, {pipeline_mode = #tpu.pipeline_mode<synchronous>, transform_indices = @transform_8, window_bounds = array<i64: 128, 128>}, {pipeline_mode = #tpu.pipeline_mode<synchronous>, transform_indices = @transform_9, window_bounds = array<i64: 1, 128>}, {pipeline_mode = #tpu.pipeline_mode<synchronous>, transform_indices = @transform_10, window_bounds = array<i64: 128, 64>}, {pipeline_mode = #tpu.pipeline_mode<synchronous>, transform_indices = @transform_11, window_bounds = array<i64: 1, 64>}, {transform_indices = @transform_12, window_bounds = array<i64: 2000, 64>}]} {
    %get3A = arith.constant 0 : index
    %get3A_0 = arith.constant 0 : index
    %get3A_1 = arith.constant 0 : index
    %get3A_2 = vector.load %arg2[%get3A, %get3A_0, %get3A_1] : memref<2x2000x128xf32, #tpu.memory_space<vmem>>, vector<1x2000x128xf32>
    %get3A_3 = vector.shape_cast %get3A_2 : vector<1x2000x128xf32> to vector<2000x128xf32>
    %get3A_4 = arith.constant 1 : index
    %get3A_5 = arith.constant 0 : index
    %get3A_6 = arith.constant 0 : index
    %get3A_7 = vector.load %arg2[%get3A_4, %get3A_5, %get3A_6] : memref<2x2000x128xf32, #tpu.memory_space<vmem>>, vector<1x2000x128xf32>
    %get3A_8 = vector.shape_cast %get3A_7 : vector<1x2000x128xf32> to vector<2000x128xf32>
    %add3A = arith.addf %get3A_3, %get3A_8 : vector<2000x128xf32>
    %get3A_9 = arith.constant 0 : index
    %get3A_10 = arith.constant 0 : index
    %get3A_11 = arith.constant 0 : index
    %get3A_12 = vector.load %arg3[%get3A_9, %get3A_10, %get3A_11] : memref<2x2000x1xf32, #tpu.memory_space<vmem>>, vector<1x2000x1xf32>
    %get3A_13 = vector.shape_cast %get3A_12 : vector<1x2000x1xf32> to vector<2000x1xf32>
    %get3A_14 = arith.constant 1 : index
    %get3A_15 = arith.constant 0 : index
    %get3A_16 = arith.constant 0 : index
    %get3A_17 = vector.load %arg3[%get3A_14, %get3A_15, %get3A_16] : memref<2x2000x1xf32, #tpu.memory_space<vmem>>, vector<1x2000x1xf32>
    %get3A_18 = vector.shape_cast %get3A_17 : vector<1x2000x1xf32> to vector<2000x1xf32>
    %add3A_19 = arith.addf %get3A_13, %get3A_18 : vector<2000x1xf32>
    %max3A = arith.constant 1.000000e+00 : f32
    %max3A_20 = vector.broadcast %max3A : f32 to vector<2000x1xf32>
    %max3A_21 = arith.maximumf %add3A_19, %max3A_20 : vector<2000x1xf32>
    %div3A = arith.constant 1.000000e+00 : f32
    %div3A_22 = vector.broadcast %div3A : f32 to vector<2000x1xf32>
    %div3A_23 = arith.divf %div3A_22, %max3A_21 : vector<2000x1xf32>
    %mul3A = vector.broadcast %div3A_23 : vector<2000x1xf32> to vector<2000x128xf32>
    %mul3A_24 = arith.mulf %add3A, %mul3A : vector<2000x128xf32>
    %get3A_25 = arith.constant 0 : index
    %get3A_26 = arith.constant 0 : index
    %get3A_27 = vector.load %arg4[%get3A_25, %get3A_26] : memref<128x128xf32, #tpu.memory_space<vmem>>, vector<128x128xf32>
    %dot_general3A = arith.constant dense<0.000000e+00> : vector<2000x128xf32>
    %dot_general3A_28 = tpu.matmul %mul3A_24, %get3A_27, %dot_general3A {dimension_numbers = #tpu.dot_dimension_numbers<[1], [0], [0], [1], [0, 0, 1, 1], [], []>, transpose_lhs_hint = false} : vector<2000x128xf32>, vector<128x128xf32>, vector<2000x128xf32> -> vector<2000x128xf32>
    %get3A_29 = arith.constant 0 : index
    %get3A_30 = arith.constant 0 : index
    %get3A_31 = vector.load %arg5[%get3A_29, %get3A_30] : memref<1x128xf32, #tpu.memory_space<vmem>>, vector<1x128xf32>
    %add3A_32 = vector.broadcast %get3A_31 : vector<1x128xf32> to vector<2000x128xf32>
    %add3A_33 = arith.addf %dot_general3A_28, %add3A_32 : vector<2000x128xf32>
    %max3A_34 = arith.constant 0.000000e+00 : f32
    %max3A_35 = vector.broadcast %max3A_34 : f32 to vector<2000x128xf32>
    %max3A_36 = arith.maximumf %add3A_33, %max3A_35 : vector<2000x128xf32>
    %get3A_37 = arith.constant 0 : index
    %get3A_38 = arith.constant 0 : index
    %get3A_39 = vector.load %arg6[%get3A_37, %get3A_38] : memref<128x128xf32, #tpu.memory_space<vmem>>, vector<128x128xf32>
    %dot_general3A_40 = arith.constant dense<0.000000e+00> : vector<2000x128xf32>
    %dot_general3A_41 = tpu.matmul %max3A_36, %get3A_39, %dot_general3A_40 {dimension_numbers = #tpu.dot_dimension_numbers<[1], [0], [0], [1], [0, 0, 1, 1], [], []>, transpose_lhs_hint = false} : vector<2000x128xf32>, vector<128x128xf32>, vector<2000x128xf32> -> vector<2000x128xf32>
    %get3A_42 = arith.constant 0 : index
    %get3A_43 = arith.constant 0 : index
    %get3A_44 = vector.load %arg7[%get3A_42, %get3A_43] : memref<1x128xf32, #tpu.memory_space<vmem>>, vector<1x128xf32>
    %add3A_45 = vector.broadcast %get3A_44 : vector<1x128xf32> to vector<2000x128xf32>
    %add3A_46 = arith.addf %dot_general3A_41, %add3A_45 : vector<2000x128xf32>
    %get3A_47 = arith.constant 0 : index
    %get3A_48 = arith.constant 0 : index
    %get3A_49 = vector.load %arg1[%get3A_47, %get3A_48] : memref<2000x128xf32, #tpu.memory_space<vmem>>, vector<2000x128xf32>
    %get3A_50 = arith.constant 0 : index
    %get3A_51 = arith.constant 0 : index
    %get3A_52 = vector.load %arg8[%get3A_50, %get3A_51] : memref<128x128xf32, #tpu.memory_space<vmem>>, vector<128x128xf32>
    %dot_general3A_53 = arith.constant dense<0.000000e+00> : vector<2000x128xf32>
    %dot_general3A_54 = tpu.matmul %get3A_49, %get3A_52, %dot_general3A_53 {dimension_numbers = #tpu.dot_dimension_numbers<[1], [0], [0], [1], [0, 0, 1, 1], [], []>, transpose_lhs_hint = false} : vector<2000x128xf32>, vector<128x128xf32>, vector<2000x128xf32> -> vector<2000x128xf32>
    %get3A_55 = arith.constant 0 : index
    %get3A_56 = arith.constant 0 : index
    %get3A_57 = vector.load %arg9[%get3A_55, %get3A_56] : memref<128x128xf32, #tpu.memory_space<vmem>>, vector<128x128xf32>
    %dot_general3A_58 = arith.constant dense<0.000000e+00> : vector<2000x128xf32>
    %dot_general3A_59 = tpu.matmul %add3A_46, %get3A_57, %dot_general3A_58 {dimension_numbers = #tpu.dot_dimension_numbers<[1], [0], [0], [1], [0, 0, 1, 1], [], []>, transpose_lhs_hint = false} : vector<2000x128xf32>, vector<128x128xf32>, vector<2000x128xf32> -> vector<2000x128xf32>
    %add3A_60 = arith.addf %dot_general3A_54, %dot_general3A_59 : vector<2000x128xf32>
    %get3A_61 = arith.constant 0 : index
    %get3A_62 = arith.constant 0 : index
    %get3A_63 = vector.load %arg10[%get3A_61, %get3A_62] : memref<1x128xf32, #tpu.memory_space<vmem>>, vector<1x128xf32>
    %add3A_64 = vector.broadcast %get3A_63 : vector<1x128xf32> to vector<2000x128xf32>
    %add3A_65 = arith.addf %add3A_60, %add3A_64 : vector<2000x128xf32>
    %max3A_66 = arith.constant 0.000000e+00 : f32
    %max3A_67 = vector.broadcast %max3A_66 : f32 to vector<2000x128xf32>
    %max3A_68 = arith.maximumf %add3A_65, %max3A_67 : vector<2000x128xf32>
    %get3A_69 = arith.constant 0 : index
    %get3A_70 = arith.constant 0 : index
    %get3A_71 = vector.load %arg11[%get3A_69, %get3A_70] : memref<128x64xf32, #tpu.memory_space<vmem>>, vector<128x64xf32>
    %dot_general3A_72 = arith.constant dense<0.000000e+00> : vector<2000x64xf32>
    %dot_general3A_73 = tpu.matmul %max3A_68, %get3A_71, %dot_general3A_72 {dimension_numbers = #tpu.dot_dimension_numbers<[1], [0], [0], [1], [0, 0, 1, 1], [], []>, transpose_lhs_hint = false} : vector<2000x128xf32>, vector<128x64xf32>, vector<2000x64xf32> -> vector<2000x64xf32>
    %get3A_74 = arith.constant 0 : index
    %get3A_75 = arith.constant 0 : index
    %get3A_76 = vector.load %arg12[%get3A_74, %get3A_75] : memref<1x64xf32, #tpu.memory_space<vmem>>, vector<1x64xf32>
    %add3A_77 = vector.broadcast %get3A_76 : vector<1x64xf32> to vector<2000x64xf32>
    %add3A_78 = arith.addf %dot_general3A_73, %add3A_77 : vector<2000x64xf32>
    %swap3A = arith.constant 0 : index
    %swap3A_79 = arith.constant 0 : index
    %swap3A_80 = vector.load %arg13[%swap3A, %swap3A_79] : memref<2000x64xf32, #tpu.memory_space<vmem>>, vector<2000x64xf32>
    tpu.vector_store %arg13[%swap3A, %swap3A_79], %add3A_78 {strides = array<i32>} : memref<2000x64xf32, #tpu.memory_space<vmem>>, vector<2000x64xf32>,
    return
  }
  func.func @transform_0(%arg0: i32) -> (i32, i32) {
    %c0_i32 = arith.constant 0 : i32
    %c0_i32_0 = arith.constant 0 : i32
    return %arg0, %c0_i32 : i32, i32
  }
  func.func @transform_1(%arg0: i32) -> (i32, i32, i32) {
    %c0_i32 = arith.constant 0 : i32
    %c0_i32_0 = arith.constant 0 : i32
    %c0_i32_1 = arith.constant 0 : i32
    return %c0_i32, %arg0, %c0_i32_0 : i32, i32, i32
  }
  func.func @transform_2(%arg0: i32) -> (i32, i32, i32) {
    %c0_i32 = arith.constant 0 : i32
    %c0_i32_0 = arith.constant 0 : i32
    %c0_i32_1 = arith.constant 0 : i32
    return %c0_i32, %arg0, %c0_i32_0 : i32, i32, i32
  }
  func.func @transform_3(%arg0: i32) -> (i32, i32) {
    %c0_i32 = arith.constant 0 : i32
    %c0_i32_0 = arith.constant 0 : i32
    %c0_i32_1 = arith.constant 0 : i32
    return %c0_i32, %c0_i32_0 : i32, i32
  }
  func.func @transform_4(%arg0: i32) -> (i32, i32) {
    %c0_i32 = arith.constant 0 : i32
    %c0_i32_0 = arith.constant 0 : i32
    %c0_i32_1 = arith.constant 0 : i32
    return %c0_i32, %c0_i32_0 : i32, i32
  }
  func.func @transform_5(%arg0: i32) -> (i32, i32) {
    %c0_i32 = arith.constant 0 : i32
    %c0_i32_0 = arith.constant 0 : i32
    %c0_i32_1 = arith.constant 0 : i32
    return %c0_i32, %c0_i32_0 : i32, i32
  }
  func.func @transform_6(%arg0: i32) -> (i32, i32) {
    %c0_i32 = arith.constant 0 : i32
    %c0_i32_0 = arith.constant 0 : i32
    %c0_i32_1 = arith.constant 0 : i32
    return %c0_i32, %c0_i32_0 : i32, i32
  }
  func.func @transform_7(%arg0: i32) -> (i32, i32) {
    %c0_i32 = arith.constant 0 : i32
    %c0_i32_0 = arith.constant 0 : i32
    %c0_i32_1 = arith.constant 0 : i32
    return %c0_i32, %c0_i32_0 : i32, i32
  }
  func.func @transform_8(%arg0: i32) -> (i32, i32) {
    %c0_i32 = arith.constant 0 : i32
    %c0_i32_0 = arith.constant 0 : i32
    %c0_i32_1 = arith.constant 0 : i32
    return %c0_i32, %c0_i32_0 : i32, i32
  }
  func.func @transform_9(%arg0: i32) -> (i32, i32) {
    %c0_i32 = arith.constant 0 : i32
    %c0_i32_0 = arith.constant 0 : i32
    %c0_i32_1 = arith.constant 0 : i32
    return %c0_i32, %c0_i32_0 : i32, i32
  }
  func.func @transform_10(%arg0: i32) -> (i32, i32) {
    %c0_i32 = arith.constant 0 : i32
    %c0_i32_0 = arith.constant 0 : i32
    %c0_i32_1 = arith.constant 0 : i32
    return %c0_i32, %c0_i32_0 : i32, i32
  }
  func.func @transform_11(%arg0: i32) -> (i32, i32) {
    %c0_i32 = arith.constant 0 : i32
    %c0_i32_0 = arith.constant 0 : i32
    %c0_i32_1 = arith.constant 0 : i32
    return %c0_i32, %c0_i32_0 : i32, i32
  }
  func.func @transform_12(%arg0: i32) -> (i32, i32) {
    %c0_i32 = arith.constant 0 : i32
    %c0_i32_0 = arith.constant 0 : i32
    return %arg0, %c0_i32 : i32, i32
  }
}

</mosaic_0001>

<sc_bundles>
// kernel: kernel.5.cloned.1.call-start
scs
__scs_entry_jumppad:
0x0: {  	(pc) =	sbr.rel $0x88, $3  }
0x1: {  	(tag) =	ssettag $0x0;
	lr =	simm.s32 $0x1  }
0x2: {  	[smem:$0x3F93] =	sst lr;
	_ =	strace $0xD0000000  }
0x3: {  	_ = 	snop  }
0x4: {  	_ = 	snop  }
0x5: {  	_ = 	snop  }
0x6: {  	_ = 	snop  }
0x7: {  	_ = 	snop  }
__scs_overlays_trampoline_lowered:
0x8: {  	[smem:$0x3FA2] =	sst s0  }
0x9: {  	[smem:$0x3FA3] =	sst s1  }
0xa: {  	[smem:$0x3FA4] =	sst s2  }
0xb: {  	[smem:$0x3FA5] =	sst s3  }
0xc: {  	[smem:$0x3FA6] =	sst s4  }
0xd: {  	[smem:$0x3FA7] =	sst s5  }
0xe: {  	[smem:$0x3FA8] =	sst s6  }
0xf: {  	[smem:$0x3FA9] =	sst s7  }
0x10: {  	[smem:$0x3FAA] =	sst s8  }
0x11: {  	[smem:$0x3FAB] =	sst s9;
	s0 =	simm.s32 @!p0 $0x0  }
0x12: {  	s1 =	sld [smem:$0x3F91];
	s0 =	simm.s32 @p0 $0x1  }
0x13: {  	[smem:$0x3FAC] =	sst s0;
	s0 =	simm.s32 @!p1 $0x0  }
0x14: {  	s2 =	sld [smem:$0x3F90];
	s0 =	simm.s32 @p1 $0x1  }
0x15: {  	[smem:$0x3FAD] =	sst s0;
	s0 =	simm.s32 @!p2 $0x0  }
0x16: {  	s3 =	sld [smem:$0x3FDB];
	s0 =	simm.s32 @p2 $0x1  }
0x17: {  	s4 =	simm.s32 $0x1BF5;
	[smem:$0x3FAF] =	sst s0  }
0x18: {  	s0 =	sld [smem:$0x3F92];
	_ =	swait.ge [sflag:s4], $0x0  }
0x19: {  	s7 =	sld [smem:$0x3F93]  }
0x1a: {  	s8 =	sadd.s32 $0xFFFFE003, lr  }
0x1b: {  	s9 =	sadd.s32 $0xFFFFFEF7, lr;
	s5 =	simm.s32 $0xFFFFFFFF;
	p2 =	slt.u32 s8, $0xFFFFF086  }
0x1c: {  	p1 =	slt.u32 s9, $0xF7A;
	s5 =	simm.s32 @!p2 $0x0  }
0x1d: {  	s5 =	simm.s32 @p1 $0x1;
	p0 =	seq.s32 s7, s2  }
0x1e: {  	s7 =	smul.u32 @!p0 $0xF7A, s2;
	p2 =	seq.s32 @!p0 s5, $0x0  }
0x1f: {  	s9 =	smul.u32 $0xF7A, s1;
	s8 =	simm.s32 @!p0 $0x1BF5;
	p2 =	por !p2, p0  }
0x20: {  	[sflag:s8] =	ssyncset.s32 @!p0 $0xFFFFF086;
	s6 =	sadd.s32 @!p0 s3, s7;
	s7 =	simm.s32 @!p0 $0x108  }
0x21: {  	s3 =	sadd.s32 s3, s9;
	s6 =	sadd.s32 @!p0 $0x88, s6;
	s7 =	simm.s32 @p2 $0x1082  }
0x22: {  	[simem:s7], [sflag:s8] =	dma.local @!p0 [hbm:s6], $0xF7A  }
0x23: {  	s9 =	sor.u32 $0xD0000000, s2;
	s6 =	simm.s32 $0x108;
	_ =	swait.ge @!p0 [sflag:s8], $0x0  }
0x24: {  	s3 =	sadd.s32 $0x88, s3;
	s6 =	simm.s32 @!p1 $0x1082;
	[sflag:s4] =	ssyncset.s32 $0xFFFFF086  }
0x25: {  	[simem:s6], [sflag:s4] =	dma.local [hbm:s3], $0xF7A  }
0x26: {  	[smem:$0x3F93] =	sst s1;
	(tag) =	ssettag s2;
	_ =	strace s9  }
0x27: {  	s1 =	sld [smem:$0x3FA3]  }
0x28: {  	s2 =	sld [smem:$0x3FA4]  }
0x29: {  	s4 =	sld [smem:$0x3FA6]  }
0x2a: {  	p0 =	seq.s32 s5, $0x0;
	s5 =	sld [smem:$0x3FA7]  }
0x2b: {  	s6 =	sld [smem:$0x3FA8]  }
0x2c: {  	s7 =	sld [smem:$0x3FA9]  }
0x2d: {  	s3 =	simm.s32 $0x108;
	s8 =	sld [smem:$0x3FAA]  }
0x2e: {  	s3 =	simm.s32 @!p0 $0x1082;
	s9 =	sld [smem:$0x3FAB]  }
0x2f: {  	lr =	sadd.s32 s0, s3;
	s0 =	sld [smem:$0x3FA2]  }
0x30: {  	s3 =	sld [smem:$0x3FA5]  }
0x31: {  	[smem:$0x3FAE] =	sst s10  }
0x32: {  	s10 =	sld [smem:$0x3FAC];
	_ =	sdelay $0x3  }
0x33: {  	p0 =	seq.s32 s10, $0x1;
	s10 =	sld [smem:$0x3FAE];
	_ =	sdelay $0x3  }
0x34: {  	[smem:$0x3FAE] =	sst s10  }
0x35: {  	s10 =	sld [smem:$0x3FAD];
	_ =	sdelay $0x3  }
0x36: {  	p1 =	seq.s32 s10, $0x1;
	s10 =	sld [smem:$0x3FAE];
	_ =	sdelay $0x3  }
0x37: {  	[smem:$0x3FAE] =	sst s10  }
0x38: {  	s10 =	sld [smem:$0x3FAF]  }
0x39: {  	_ = 	snop;
	(pc) =	sbr.ind lr, $3  }
0x3a: {  	_ = 	snop  }
0x3b: {  	_ = 	snop  }
0x3c: {  	p2 =	seq.s32 s10, $0x1;
	s10 =	sld [smem:$0x3FAE]  }
0x3d: {  	_ =	shalt  }
0x3e: {  	_ =	shalt  }
0x3f: {  	_ =	shalt  }
0x40: {  	_ =	shalt  }
0x41: {  	_ =	shalt  }
0x42: {  	_ =	shalt  }
0x43: {  	_ =	shalt  }
0x44: {  	_ =	shalt  }
0x45: {  	_ =	shalt  }
0x46: {  	_ =	shalt  }
0x47: {  	_ =	shalt  }
0x48: {  	_ =	shalt  }
0x49: {  	_ =	shalt  }
0x4a: {  	_ =	shalt  }
0x4b: {  	_ =	shalt  }
0x4c: {  	_ =	shalt  }
0x4d: {  	_ =	shalt  }
0x4e: {  	_ =	shalt  }
0x4f: {  	_ =	shalt  }
0x50: {  	_ =	shalt  }
0x51: {  	_ =	shalt  }
0x52: {  	_ =	shalt  }
0x53: {  	_ =	shalt  }
0x54: {  	_ =	shalt  }
0x55: {  	_ =	shalt  }
0x56: {  	_ =	shalt  }
0x57: {  	_ =	shalt  }
0x58: {  	_ =	shalt  }
0x59: {  	_ =	shalt  }
0x5a: {  	_ =	shalt  }
0x5b: {  	_ =	shalt  }
0x5c: {  	_ =	shalt  }
0x5d: {  	_ =	shalt  }
0x5e: {  	_ =	shalt  }
0x5f: {  	_ =	shalt  }
0x60: {  	_ =	shalt  }
0x61: {  	_ =	shalt  }
0x62: {  	_ =	shalt  }
0x63: {  	_ =	shalt  }
0x64: {  	_ =	shalt  }
0x65: {  	_ =	shalt  }
0x66: {  	_ =	shalt  }
0x67: {  	_ =	shalt  }
0x68: {  	_ =	shalt  }
0x69: {  	_ =	shalt  }
0x6a: {  	_ =	shalt  }
0x6b: {  	_ =	shalt  }
0x6c: {  	_ =	shalt  }
0x6d: {  	_ =	shalt  }
0x6e: {  	_ =	shalt  }
0x6f: {  	_ =	shalt  }
0x70: {  	_ =	shalt  }
0x71: {  	_ =	shalt  }
0x72: {  	_ =	shalt  }
0x73: {  	_ =	shalt  }
0x74: {  	_ =	shalt  }
0x75: {  	_ =	shalt  }
0x76: {  	_ =	shalt  }
0x77: {  	_ =	shalt  }
0x78: {  	_ =	shalt  }
0x79: {  	_ =	shalt  }
0x7a: {  	_ =	shalt  }
0x7b: {  	_ =	shalt  }
0x7c: {  	_ =	shalt  }
0x7d: {  	_ =	shalt  }
0x7e: {  	_ =	shalt  }
0x7f: {  	_ =	shalt  }
0x80: {  	_ =	shalt  }
0x81: {  	_ =	shalt  }
0x82: {  	_ =	shalt  }
0x83: {  	_ =	shalt  }
0x84: {  	_ =	shalt  }
0x85: {  	_ =	shalt  }
0x86: {  	_ =	shalt  }
0x87: {  	_ =	shalt  }
.Lfunc_end0:
.L_simem_size_0:
called_computation_lowered:
.L_overlay_start_0:
0x88: {  	s2 =	sld [smem:$0x3FD9]  }
0x89: {  	s3 =	sld [smem:$0x3FFE];
	_ =	sdelay $0x1  }
0x8a: {  	s1 =	srdreg.scid  }
0x8b: {  	s0 =	sand.u32 $0x1, s1  }
0x8c: {  	s17 =	sshll.u32 s0, $0xA;
	s2 =	sadd.s32 s3, s2  }
0x8d: {  	s2 =	sadd.s32 s2, s17  }
0x8e: {  	[smem:$0x3FBA] =	sst s2  }
0x8f: {  	_ = 	snop  }
0x90: {  	s2 =	sld [smem:$0x3FC9]  }
0x91: {  	s18 =	sld [smem:$0x3FD0];
	(tm) =	ssettm $0x1  }
0x92: {  	s4 =	sld [smem:$0x3FFB];
	_ =	sdelay $0x3  }
0x93: {  	_ =	strace s4  }
0x94: {  	s4 =	sld [smem:$0x3FFC];
	_ =	sdelay $0x3  }
0x95: {  	_ =	strace s4  }
0x96: {  	s4 =	sld [smem:$0x3FFD];
	_ =	sdelay $0x3  }
0x97: {  	_ =	strace s4  }
0x98: {  	_ =	strace $0x8FFFFFFF  }
0x99: {  	s19 =	sld [smem:$0x3FDB];
	_ =	sdelay $0x1  }
0x9a: {  	s5 =	simm.s32 $_scs_section_size  }
0x9b: {  	s6 =	simm.s32 $_size__tile_overlayer_lowered;
	s7 =	simm.s32 $_tile_overlayer_lowered  }
0x9c: {  	s22 =	simm.s32 $0x1BFF;
	s21 =	sshll.u32 s7, $0x1;
	s4 =	sadd.s32 s5, s19  }
0x9d: {  	s8 =	simm.s32 $0x0;
	s20 =	sshll.u32 s6, $0x1;
	s6 =	sadd.s32 s21, s4  }
0x9e: {  	[timem:s8], [sflag:s22] =	dma.local [hbm:s6], s20  }
0x9f: {  	_ =	swait.ge [sflag:s22], s20  }
0xa0: {  	s5 =	ssub.s32 $0x0, s20;
	[sflag:s22] =	ssyncset.done $0x0  }
0xa1: {  	[sflag:s22] =	ssyncadd.s32 s5;
	_ =	sdelay $0x1  }
0xa2: {  	s23 =	simm.s32 $0x1B8B  }
0xa3: {  	_ =	swait.ge [sflag:s23], $0x1  }
0xa4: {  	[sflag:s23] =	ssyncset.done $0x0  }
0xa5: {  	s25 =	simm.s32 $0x1B8E;
	s24 =	sld [smem:$0x3FFE];
	[sflag:s23] =	ssyncadd.s32 $0xFFFFFFFF  }
0xa6: {  	s26 =	simm.s32 $execute0_lowered;
	[smem:$0x3FD2] =	sst s25  }
0xa7: {  	s6 =	sshll.u32 s26, $0x1;
	_ =	strace $0x80000046;
	[dreg:$0x1] =	wrdreg $0xFFFFFFFF  }
0xa8: {  	s28 =	simm.s32 $_size_execute0_lowered;
	s4 =	sadd.s32 s4, s6;
	[dreg:$0x0] =	wrdreg $0x0  }
0xa9: {  	s6 =	sshll.u32 s28, $0x1;
	[dreg:$0x2] =	wrdreg s4  }
0xaa: {  	[dreg:$0x3] =	wrdreg s6  }
0xab: {  	[dreg:$0x4] =	wrdreg $0xC0  }
0xac: {  	_ =	task [dreg:s8], $0x5FFFF  }
0xad: {  	[dreg:$0x1] =	wrdreg $0xFFFFFFFF  }
0xae: {  	[dreg:$0x0] =	wrdreg $0x60  }
0xaf: {  	[dreg:$0x2] =	wrdreg s18  }
0xb0: {  	[dreg:$0x3] =	wrdreg s24  }
0xb1: {  	[dreg:$0x4] =	wrdreg s2  }
0xb2: {  	[dreg:$0x5] =	wrdreg $0xB0800  }
0xb3: {  	[dreg:$0x6] =	wrdreg $0x1F0800  }
0xb4: {  	[dreg:$0x7] =	wrdreg $0x9  }
0xb5: {  	_ =	task.clear_ibuf [dreg:s8], $0x8FFFF;
	_ =	strace $0x90000046  }
0xb6: {  	s29 =	simm.s32 $0x9;
	_ =	strace $0x80000048  }
0xb7: {  	_ =	swait.ge [sflag:s29], $0x1  }
0xb8: {  	[sflag:s29] =	ssyncadd.s32 $0xFFFFFFFF  }
0xb9: {  	_ =	strace $0x90000048  }
0xba: {  	_ =	sfence  }
0xbb: {  	s30 =	sld [smem:$0x0];
	_ =	sdelay $0x2  }
0xbc: {  	s31 =	sshll.u32 s1, $0xD;
	s1 =	sshrl.u32 s1, $0x2  }
0xbd: {  	s3 =	sand.u32 $0x4000, s31;
	s1 =	sadd.s32 s1, s30  }
0xbe: {  	s0 =	sor.u32 s3, s0;
	s1 =	sshll.u32 s1, $0x11  }
0xbf: {  	s0 =	sor.u32 s1, s0  }
0xc0: {  	s0 =	sadd.s32 $0x8F2B, s0  }
0xc1: {  	[sflag:s0] =	ssyncadd.remote.s32 $0x1  }
0xc2: {  	_ =	sfence.sel $0xFFFF  }
0xc3: {  	[dreg:$0x0] =	wrdreg $0xFFFFFFFF;
	(pc) =	sbr.abs _section_cstart, $3  }
0xc4: {  	[dreg:$0x1] =	wrdreg $0xFFFFFFFF  }
0xc5: {  	_ =	task.clear_ibuf [dreg:s8], $0x2FFFF;
	_ =	strace $0x9FFFFFFF  }
0xc6: {  	(tm) =	ssettm $0x7FFFFFFF  }
0xc7: {  	_ =	shalt  }
tec
execute0_lowered:
.L_overlay_start_1:
0x0: {  	(tag) =	ssettag $0x1  }
0x1: {  	s0 =	rddreg [dreg:$0x0]  }
0x2: {  	s3 =	rddreg [dreg:$0x1]  }
0x3: {  	s1 =	rddreg [dreg:$0x2]  }
0x4: {  	s2 =	rddreg [dreg:$0x3]  }
0x5: {  	s4 =	rddreg [dreg:$0x4];
	s6 =	srdreg.scid;
	s5 =	simm.s32 $0x0  }
0x6: {  	s13 =	stileid.u32;
	s28 =	simm.s32 $0x50;
	s30 =	simm.s32 $0x3800  }
0x7: {  	s6 =	sand.u32 $0x1, s6;
	s7 =	sshll.u32 s13, $0xC;
	s26 =	smul.u32 $0x50000, s13  }
0x8: {  	[smem:$0x7FF] =	sst s5;
	s31 =	smul.u32 $0xA00, s13;
	s8 =	sshll.u32 s6, $0xB  }
0x9: {  	s25 =	smul.u32 $0x2800, s13;
	s7 =	sor.u32 s8, s7;
	s8 =	sshrl.u32 s26, $0x2  }
0xa: {  	s9 =	smul.u32 $0x28000, s6;
	_ =	strace $0x80000047;
	s14 =	sadd.s32 s8, s2  }
0xb: {  	s11 =	sshll.u32 s6, $0x4;
	s0 =	sadd.s32 s0, s7;
	[dreg:$0x6] =	wrdreg s14  }
0xc: {  	s6 =	ssub.s32 $0x2, s6;
	s12 =	sadd.s32 $0x2800, s14;
	[dreg:$0x13] =	wrdreg s0  }
0xd: {  	s29 =	sshrl.u32 s6, $0x1;
	s15 =	sadd.s32 $0x5000, s14;
	[dreg:$0x7] =	wrdreg s12  }
0xe: {  	s10 =	sadd.s32 s7, s3;
	s16 =	sadd.s32 $0x7800, s14;
	[dreg:$0x8] =	wrdreg s15  }
0xf: {  	s9 =	sadd.s32 s9, s3;
	s17 =	sadd.s32 $0xA000, s14;
	[dreg:$0x9] =	wrdreg s16  }
0x10: {  	s3 =	sadd.s32 s11, s3;
	s18 =	sadd.s32 $0xC800, s14;
	[dreg:$0xa] =	wrdreg s17  }
0x11: {  	s6 =	ssub.s32 s6, s29;
	s19 =	sadd.s32 $0xF000, s14;
	[dreg:$0xb] =	wrdreg s18  }
0x12: {  	s8 =	sshrl.u32 s31, $0x2;
	s20 =	sadd.s32 $0x11800, s14;
	[dreg:$0xd] =	wrdreg s19  }
0x13: {  	s29 =	smul.u32 $0xA0, s13;
	s8 =	sadd.s32 s8, s4;
	[dreg:$0xe] =	wrdreg s20  }
0x14: {  	s7 =	simm.s32 $0x8800;
	s24 =	sadd.s32 $0x2600, s10;
	[dreg:$0xc] =	wrdreg s8  }
0x15: {  	s26 =	sadd.s32 $0x13000, s9;
	s6 =	smax.u32 s6, $0x1;
	[dreg:$0x14] =	wrdreg s24  }
0x16: {  	s3 =	sadd.s32 $0x12600, s3;
	s21 =	sadd.s32 $0x80, s8;
	[dreg:$0x15] =	wrdreg s6  }
0x17: {  	s9 =	simm.s32 $0xB000;
	s22 =	sadd.s32 $0x100, s8;
	[dreg:$0xf] =	wrdreg s21  }
0x18: {  	s23 =	sadd.s32 $0x180, s8;
	s8 =	sadd.s32 $0x200, s8;
	[dreg:$0x10] =	wrdreg s22  }
0x19: {  	s0 =	sadd.s32 s25, s26;
	s31 =	sadd.s32 s29, s3;
	[dreg:$0x11] =	wrdreg s23  }
0x1a: {  	s25 =	simm.s32 $0x2;
	s26 =	simm.s32 $0x800;
	[dreg:$0x12] =	wrdreg s8  }
0x1b: {  	s3 =	simm.s32 $0x0;
	[dreg:$0x16] =	wrdreg s0;
	s23 =	simm.s32 $0x1000  }
0x1c: {  	v0 =	vimm.f32 $0.0e+00;
	v1 =	vimm.f32 $1.000000000e+00;
	[dreg:$0x17] =	wrdreg s31;
	s0 =	simm.s32 $0x6000;
	s8 =	simm.s32 $0x1  }
.LBB2_1:
0x1d: {  	[dreg:$0x18] =	wrdreg s3;
	s29 =	simm.s32 $0x0;
	s19 =	simm.s32 $0x200  }
.LBB2_2:
0x1e: {  	p0 =	sne.s32 s19, $0x9E00;
	[tilespmem:s29+$0x1070] =	vst v0  }
0x1f: {  	[tilespmem:s29+$0x1000] =	vst v0  }
0x20: {  	[tilespmem:s29+$0x1010] =	vst v0  }
.Ltmp0:
0x21: {  	[tilespmem:s29+$0x1020] =	vst v0;
	(pc) =	sbr.rel @p0 .LBB2_2-.Ltmp0, $4  }
0x22: {  	[tilespmem:s29+$0x1030] =	vst v0  }
0x23: {  	[tilespmem:s29+$0x1040] =	vst v0  }
0x24: {  	[tilespmem:s29+$0x1050] =	vst v0  }
0x25: {  	[tilespmem:s29+$0x1060] =	vst v0;
	s29 =	sshra.s32 s19, $0x2;
	s19 =	sadd.s32 $0x200, s19  }
0x26: {  	[tilespmem:s29+$0x1070] =	vst v0  }
0x27: {  	[tilespmem:s29+$0x1000] =	vst v0  }
0x28: {  	[tilespmem:s29+$0x1010] =	vst v0  }
0x29: {  	[tilespmem:s29+$0x1020] =	vst v0  }
0x2a: {  	[tilespmem:s29+$0x1030] =	vst v0  }
0x2b: {  	[tilespmem:s29+$0x1040] =	vst v0  }
0x2c: {  	[tilespmem:s29+$0x1050] =	vst v0  }
0x2d: {  	[tilespmem:s29+$0x1060] =	vst v0  }
0x2e: {  	[tilespmem:$0xB000] =	vst v1  }
0x2f: {  	[tilespmem:$0xB010] =	vst v1  }
0x30: {  	[tilespmem:$0xB020] =	vst v1  }
0x31: {  	[tilespmem:$0xB030] =	vst v1  }
0x32: {  	s3 =	rddreg [dreg:$0x6];
	[tilespmem:$0xB040] =	vst v1  }
0x33: {  	[spmem:s3] =	stream.linear.scatter [tilespmem:s23], [sflag:$0x2], $0x2800, $0x38;
	[tilespmem:$0x1F300] =	vst v63  }
0x34: {  	_ =	swait.ge [sflag:s25], $0x2800  }
0x35: {  	[sflag:s25] =	ssyncset.done $0x0  }
0x36: {  	s19 =	rddreg [dreg:$0x7];
	[sflag:s25] =	ssyncadd.s32 $0xFFFFD800  }
0x37: {  	[spmem:s19] =	stream.linear.scatter [tilespmem:s23], [sflag:$0x2], $0x2800, $0x38;
	[tilespmem:$0x1F300] =	vst v63  }
0x38: {  	_ =	swait.ge [sflag:s25], $0x2800  }
0x39: {  	[sflag:s25] =	ssyncset.done $0x0  }
0x3a: {  	s21 =	rddreg [dreg:$0x8];
	[sflag:s25] =	ssyncadd.s32 $0xFFFFD800  }
0x3b: {  	[spmem:s21] =	stream.linear.scatter [tilespmem:s23], [sflag:$0x2], $0x2800, $0x38;
	[tilespmem:$0x1F300] =	vst v63  }
0x3c: {  	_ =	swait.ge [sflag:s25], $0x2800  }
0x3d: {  	[sflag:s25] =	ssyncset.done $0x0  }
0x3e: {  	s22 =	rddreg [dreg:$0x9];
	[sflag:s25] =	ssyncadd.s32 $0xFFFFD800  }
0x3f: {  	[spmem:s22] =	stream.linear.scatter [tilespmem:s23], [sflag:$0x2], $0x2800, $0x38;
	[tilespmem:$0x1F300] =	vst v63  }
0x40: {  	_ =	swait.ge [sflag:s25], $0x2800  }
0x41: {  	[sflag:s25] =	ssyncset.done $0x0  }
0x42: {  	s24 =	rddreg [dreg:$0xa];
	[sflag:s25] =	ssyncadd.s32 $0xFFFFD800  }
0x43: {  	[spmem:s24] =	stream.linear.scatter [tilespmem:s23], [sflag:$0x2], $0x2800, $0x38;
	[tilespmem:$0x1F300] =	vst v63  }
0x44: {  	_ =	swait.ge [sflag:s25], $0x2800  }
0x45: {  	[sflag:s25] =	ssyncset.done $0x0  }
0x46: {  	s29 =	rddreg [dreg:$0xb];
	[sflag:s25] =	ssyncadd.s32 $0xFFFFD800  }
0x47: {  	[spmem:s29] =	stream.linear.scatter [tilespmem:s23], [sflag:$0x2], $0x2800, $0x38;
	[tilespmem:$0x1F300] =	vst v63  }
0x48: {  	_ =	swait.ge [sflag:s25], $0x2800  }
0x49: {  	[sflag:s25] =	ssyncset.done $0x0  }
0x4a: {  	s31 =	rddreg [dreg:$0xd];
	[sflag:s25] =	ssyncadd.s32 $0xFFFFD800  }
0x4b: {  	[spmem:s31] =	stream.linear.scatter [tilespmem:s23], [sflag:$0x2], $0x2800, $0x38;
	[tilespmem:$0x1F300] =	vst v63  }
0x4c: {  	_ =	swait.ge [sflag:s25], $0x2800  }
0x4d: {  	[sflag:s25] =	ssyncset.done $0x0  }
0x4e: {  	s3 =	rddreg [dreg:$0xe];
	[sflag:s25] =	ssyncadd.s32 $0xFFFFD800  }
0x4f: {  	[spmem:s3] =	stream.linear.scatter [tilespmem:s23], [sflag:$0x2], $0x2800, $0x38;
	[tilespmem:$0x1F300] =	vst v63  }
0x50: {  	_ =	swait.ge [sflag:s25], $0x2800  }
0x51: {  	[sflag:s25] =	ssyncset.done $0x0  }
0x52: {  	s5 =	rddreg [dreg:$0xc];
	[sflag:s25] =	ssyncadd.s32 $0xFFFFD800  }
0x53: {  	[spmem:s5] =	stream.linear.scatter [tilespmem:s23], [sflag:$0x2], $0x80, $0x38;
	[tilespmem:$0x1F300] =	vst v63  }
0x54: {  	_ =	swait.ge [sflag:s25], $0x80  }
0x55: {  	[sflag:s25] =	ssyncset.done $0x0  }
0x56: {  	s6 =	rddreg [dreg:$0xf];
	[sflag:s25] =	ssyncadd.s32 $0xFFFFFF80  }
0x57: {  	[spmem:s6] =	stream.linear.scatter [tilespmem:s23], [sflag:$0x2], $0x80, $0x38;
	[tilespmem:$0x1F300] =	vst v63  }
0x58: {  	_ =	swait.ge [sflag:s25], $0x80  }
0x59: {  	[sflag:s25] =	ssyncset.done $0x0  }
0x5a: {  	s10 =	rddreg [dreg:$0x10];
	[sflag:s25] =	ssyncadd.s32 $0xFFFFFF80  }
0x5b: {  	[spmem:s10] =	stream.linear.scatter [tilespmem:s23], [sflag:$0x2], $0x80, $0x38;
	[tilespmem:$0x1F300] =	vst v63  }
0x5c: {  	_ =	swait.ge [sflag:s25], $0x80  }
0x5d: {  	[sflag:s25] =	ssyncset.done $0x0  }
0x5e: {  	s11 =	rddreg [dreg:$0x11];
	[sflag:s25] =	ssyncadd.s32 $0xFFFFFF80  }
0x5f: {  	[spmem:s11] =	stream.linear.scatter [tilespmem:s23], [sflag:$0x2], $0x80, $0x38;
	[tilespmem:$0x1F300] =	vst v63  }
0x60: {  	_ =	swait.ge [sflag:s25], $0x80  }
0x61: {  	[sflag:s25] =	ssyncset.done $0x0  }
0x62: {  	s12 =	rddreg [dreg:$0x12];
	[sflag:s25] =	ssyncadd.s32 $0xFFFFFF80  }
0x63: {  	[spmem:s12] =	stream.linear.scatter [tilespmem:s23], [sflag:$0x2], $0x80, $0x38;
	[tilespmem:$0x1F300] =	vst v63  }
0x64: {  	_ =	swait.ge [sflag:s25], $0x80  }
0x65: {  	[sflag:s25] =	ssyncset.done $0x0  }
0x66: {  	s10 =	simm.s32 $0x0;
	s13 =	rddreg [dreg:$0x13];
	[sflag:s25] =	ssyncadd.s32 $0xFFFFFF80  }
0x67: {  	[tilespmem:s10], [sflag:$0x2] =	stream.linear.gather [hbm4b:s13+s10], $0x800, $0x38;
	[tilespmem:$0x1F300] =	vst v63  }
0x68: {  	_ =	swait.ge [sflag:s25], $0x800  }
0x69: {  	[sflag:s25] =	ssyncset.done $0x0  }
0x6a: {  	s14 =	rddreg [dreg:$0x14];
	[sflag:s25] =	ssyncadd.s32 $0xFFFFF800  }
0x6b: {  	[tilespmem:s26], [sflag:$0x2] =	stream.linear.gather [hbm4b:s14+s10], $0x800, $0x38;
	[tilespmem:$0x1F300] =	vst v63  }
0x6c: {  	_ =	swait.ge [sflag:s25], $0x800  }
0x6d: {  	[sflag:s25] =	ssyncset.done $0x0  }
0x6e: {  	[sflag:s25] =	ssyncadd.s32 $0xFFFFF800  }
0x6f: {  	[bflag:$0x0] =	sbarrier.arrive $0xFFFF  }
0x70: {  	[tilespmem:s23], [sflag:$0x1] =	stream.indirect.gather [hbm4b:s1+s28], $0x80, s10, s28, $0xb8;
	[tilespmem:$0x1F300] =	vst v63  }
0x71: {  	s15 =	simm.s32 $0x80  }
0x72: {  	[tilespmem:s30], [sflag:$0x1] =	stream.indirect.gather [hbm4b:s1+s28], $0x80, s15, s28, $0xb8;
	[tilespmem:$0x1F300] =	vst v63  }
0x73: {  	s16 =	simm.s32 $0x100  }
0x74: {  	[tilespmem:s0], [sflag:$0x1] =	stream.indirect.gather [hbm4b:s1+s28], $0x80, s16, s28, $0xb8;
	[tilespmem:$0x1F300] =	vst v63  }
0x75: {  	s17 =	simm.s32 $0x180  }
0x76: {  	[tilespmem:s7], [sflag:$0x1] =	stream.indirect.gather [hbm4b:s1+s28], $0x80, s17, s28, $0xb8;
	[tilespmem:$0x1F300] =	vst v63  }
0x77: {  	_ =	swait.ge [sflag:s8], $0x2800  }
0x78: {  	[sflag:s8] =	ssyncset.done $0x0  }
0x79: {  	[sflag:s8] =	ssyncadd.s32 $0xFFFFD800  }
0x7a: {  	_ =	swait.ge [sflag:s8], $0x2800  }
0x7b: {  	[sflag:s8] =	ssyncset.done $0x0  }
0x7c: {  	[sflag:s8] =	ssyncadd.s32 $0xFFFFD800  }
0x7d: {  	_ =	swait.ge [sflag:s8], $0x2800  }
0x7e: {  	[sflag:s8] =	ssyncset.done $0x0  }
0x7f: {  	[sflag:s8] =	ssyncadd.s32 $0xFFFFD800  }
0x80: {  	_ =	swait.ge [sflag:s8], $0x2800  }
0x81: {  	[sflag:s8] =	ssyncset.done $0x0  }
0x82: {  	[sflag:s8] =	ssyncadd.s32 $0xFFFFD800  }
0x83: {  	[spmem:s2] =	stream.indirect.scatter.add.f32 [tilespmem:s23], [sflag:$0x2], $0x80, s26, s28, $0xb8;
	[tilespmem:$0x1F300] =	vst v63  }
0x84: {  	_ =	swait.ge [sflag:s25], $0x2800  }
0x85: {  	[sflag:s25] =	ssyncset.done $0x0  }
0x86: {  	[sflag:s25] =	ssyncadd.s32 $0xFFFFD800  }
0x87: {  	[spmem:s4] =	stream.indirect.scatter.add.f32 [tilespmem:s9], [sflag:$0x2], $0x1, s26, s28, $0xb8;
	[tilespmem:$0x1F300] =	vst v63  }
0x88: {  	_ =	swait.ge [sflag:s25], $0x50  }
0x89: {  	[sflag:s25] =	ssyncset.done $0x0  }
0x8a: {  	s18 =	simm.s32 $0x880;
	[sflag:s25] =	ssyncadd.s32 $0xFFFFFFB0  }
0x8b: {  	[spmem:s2] =	stream.indirect.scatter.add.f32 [tilespmem:s30], [sflag:$0x2], $0x80, s18, s28, $0xb8;
	[tilespmem:$0x1F300] =	vst v63  }
0x8c: {  	_ =	swait.ge [sflag:s25], $0x2800  }
0x8d: {  	[sflag:s25] =	ssyncset.done $0x0  }
0x8e: {  	[sflag:s25] =	ssyncadd.s32 $0xFFFFD800  }
0x8f: {  	[spmem:s4] =	stream.indirect.scatter.add.f32 [tilespmem:s9], [sflag:$0x2], $0x1, s18, s28, $0xb8;
	[tilespmem:$0x1F300] =	vst v63  }
0x90: {  	_ =	swait.ge [sflag:s25], $0x50  }
0x91: {  	[sflag:s25] =	ssyncset.done $0x0  }
0x92: {  	s19 =	simm.s32 $0x900;
	[sflag:s25] =	ssyncadd.s32 $0xFFFFFFB0  }
0x93: {  	[spmem:s2] =	stream.indirect.scatter.add.f32 [tilespmem:s0], [sflag:$0x2], $0x80, s19, s28, $0xb8;
	[tilespmem:$0x1F300] =	vst v63  }
0x94: {  	_ =	swait.ge [sflag:s25], $0x2800  }
0x95: {  	[sflag:s25] =	ssyncset.done $0x0  }
0x96: {  	[sflag:s25] =	ssyncadd.s32 $0xFFFFD800  }
0x97: {  	[spmem:s4] =	stream.indirect.scatter.add.f32 [tilespmem:s9], [sflag:$0x2], $0x1, s19, s28, $0xb8;
	[tilespmem:$0x1F300] =	vst v63  }
0x98: {  	_ =	swait.ge [sflag:s25], $0x50  }
0x99: {  	[sflag:s25] =	ssyncset.done $0x0  }
0x9a: {  	s20 =	simm.s32 $0x980;
	[sflag:s25] =	ssyncadd.s32 $0xFFFFFFB0  }
0x9b: {  	[spmem:s2] =	stream.indirect.scatter.add.f32 [tilespmem:s7], [sflag:$0x2], $0x80, s20, s28, $0xb8;
	[tilespmem:$0x1F300] =	vst v63  }
0x9c: {  	_ =	swait.ge [sflag:s25], $0x2800  }
0x9d: {  	[sflag:s25] =	ssyncset.done $0x0  }
0x9e: {  	[sflag:s25] =	ssyncadd.s32 $0xFFFFD800  }
0x9f: {  	[spmem:s4] =	stream.indirect.scatter.add.f32 [tilespmem:s9], [sflag:$0x2], $0x1, s20, s28, $0xb8;
	[tilespmem:$0x1F300] =	vst v63  }
0xa0: {  	_ =	swait.ge [sflag:s25], $0x50  }
0xa1: {  	[sflag:s25] =	ssyncset.done $0x0  }
0xa2: {  	s21 =	simm.s32 $0x200;
	[sflag:s25] =	ssyncadd.s32 $0xFFFFFFB0  }
0xa3: {  	[tilespmem:s23], [sflag:$0x1] =	stream.indirect.gather [hbm4b:s1+s28], $0x80, s21, s28, $0xb8;
	[tilespmem:$0x1F300] =	vst v63  }
0xa4: {  	s24 =	simm.s32 $0x280  }
0xa5: {  	[tilespmem:s30], [sflag:$0x1] =	stream.indirect.gather [hbm4b:s1+s28], $0x80, s24, s28, $0xb8;
	[tilespmem:$0x1F300] =	vst v63  }
0xa6: {  	s29 =	simm.s32 $0x300  }
0xa7: {  	[tilespmem:s0], [sflag:$0x1] =	stream.indirect.gather [hbm4b:s1+s28], $0x80, s29, s28, $0xb8;
	[tilespmem:$0x1F300] =	vst v63  }
0xa8: {  	s31 =	simm.s32 $0x380  }
0xa9: {  	[tilespmem:s7], [sflag:$0x1] =	stream.indirect.gather [hbm4b:s1+s28], $0x80, s31, s28, $0xb8;
	[tilespmem:$0x1F300] =	vst v63  }
0xaa: {  	_ =	swait.ge [sflag:s8], $0x2800  }
0xab: {  	[sflag:s8] =	ssyncset.done $0x0  }
0xac: {  	[sflag:s8] =	ssyncadd.s32 $0xFFFFD800  }
0xad: {  	_ =	swait.ge [sflag:s8], $0x2800  }
0xae: {  	[sflag:s8] =	ssyncset.done $0x0  }
0xaf: {  	[sflag:s8] =	ssyncadd.s32 $0xFFFFD800  }
0xb0: {  	_ =	swait.ge [sflag:s8], $0x2800  }
0xb1: {  	[sflag:s8] =	ssyncset.done $0x0  }
0xb2: {  	[sflag:s8] =	ssyncadd.s32 $0xFFFFD800  }
0xb3: {  	_ =	swait.ge [sflag:s8], $0x2800  }
0xb4: {  	[sflag:s8] =	ssyncset.done $0x0  }
0xb5: {  	s6 =	simm.s32 $0xA00;
	[sflag:s8] =	ssyncadd.s32 $0xFFFFD800  }
0xb6: {  	[spmem:s2] =	stream.indirect.scatter.add.f32 [tilespmem:s23], [sflag:$0x2], $0x80, s6, s28, $0xb8;
	[tilespmem:$0x1F300] =	vst v63  }
0xb7: {  	_ =	swait.ge [sflag:s25], $0x2800  }
0xb8: {  	[sflag:s25] =	ssyncset.done $0x0  }
0xb9: {  	[sflag:s25] =	ssyncadd.s32 $0xFFFFD800  }
0xba: {  	[spmem:s4] =	stream.indirect.scatter.add.f32 [tilespmem:s9], [sflag:$0x2], $0x1, s6, s28, $0xb8;
	[tilespmem:$0x1F300] =	vst v63  }
0xbb: {  	_ =	swait.ge [sflag:s25], $0x50  }
0xbc: {  	[sflag:s25] =	ssyncset.done $0x0  }
0xbd: {  	s11 =	simm.s32 $0xA80;
	[sflag:s25] =	ssyncadd.s32 $0xFFFFFFB0  }
0xbe: {  	[spmem:s2] =	stream.indirect.scatter.add.f32 [tilespmem:s30], [sflag:$0x2], $0x80, s11, s28, $0xb8;
	[tilespmem:$0x1F300] =	vst v63  }
0xbf: {  	_ =	swait.ge [sflag:s25], $0x2800  }
0xc0: {  	[sflag:s25] =	ssyncset.done $0x0  }
0xc1: {  	[sflag:s25] =	ssyncadd.s32 $0xFFFFD800  }
0xc2: {  	[spmem:s4] =	stream.indirect.scatter.add.f32 [tilespmem:s9], [sflag:$0x2], $0x1, s11, s28, $0xb8;
	[tilespmem:$0x1F300] =	vst v63  }
0xc3: {  	_ =	swait.ge [sflag:s25], $0x50  }
0xc4: {  	[sflag:s25] =	ssyncset.done $0x0  }
0xc5: {  	s12 =	simm.s32 $0xB00;
	[sflag:s25] =	ssyncadd.s32 $0xFFFFFFB0  }
0xc6: {  	[spmem:s2] =	stream.indirect.scatter.add.f32 [tilespmem:s0], [sflag:$0x2], $0x80, s12, s28, $0xb8;
	[tilespmem:$0x1F300] =	vst v63  }
0xc7: {  	_ =	swait.ge [sflag:s25], $0x2800  }
0xc8: {  	[sflag:s25] =	ssyncset.done $0x0  }
0xc9: {  	[sflag:s25] =	ssyncadd.s32 $0xFFFFD800  }
0xca: {  	[spmem:s4] =	stream.indirect.scatter.add.f32 [tilespmem:s9], [sflag:$0x2], $0x1, s12, s28, $0xb8;
	[tilespmem:$0x1F300] =	vst v63  }
0xcb: {  	_ =	swait.ge [sflag:s25], $0x50  }
0xcc: {  	[sflag:s25] =	ssyncset.done $0x0  }
0xcd: {  	s5 =	smov.u32 s14;
	s14 =	simm.s32 $0xB80;
	[sflag:s25] =	ssyncadd.s32 $0xFFFFFFB0  }
0xce: {  	[spmem:s2] =	stream.indirect.scatter.add.f32 [tilespmem:s7], [sflag:$0x2], $0x80, s14, s28, $0xb8;
	[tilespmem:$0x1F300] =	vst v63  }
0xcf: {  	_ =	swait.ge [sflag:s25], $0x2800  }
0xd0: {  	[sflag:s25] =	ssyncset.done $0x0  }
0xd1: {  	[sflag:s25] =	ssyncadd.s32 $0xFFFFD800  }
0xd2: {  	[spmem:s4] =	stream.indirect.scatter.add.f32 [tilespmem:s9], [sflag:$0x2], $0x1, s14, s28, $0xb8;
	[tilespmem:$0x1F300] =	vst v63  }
0xd3: {  	_ =	swait.ge [sflag:s25], $0x50  }
0xd4: {  	[sflag:s25] =	ssyncset.done $0x0  }
0xd5: {  	s6 =	simm.s32 $0x400;
	[sflag:s25] =	ssyncadd.s32 $0xFFFFFFB0  }
0xd6: {  	[tilespmem:s23], [sflag:$0x1] =	stream.indirect.gather [hbm4b:s1+s28], $0x80, s6, s28, $0xb8;
	[tilespmem:$0x1F300] =	vst v63  }
0xd7: {  	s15 =	simm.s32 $0x480  }
0xd8: {  	[tilespmem:s30], [sflag:$0x1] =	stream.indirect.gather [hbm4b:s1+s28], $0x80, s15, s28, $0xb8;
	[tilespmem:$0x1F300] =	vst v63  }
0xd9: {  	s16 =	simm.s32 $0x500  }
0xda: {  	[tilespmem:s0], [sflag:$0x1] =	stream.indirect.gather [hbm4b:s1+s28], $0x80, s16, s28, $0xb8;
	[tilespmem:$0x1F300] =	vst v63  }
0xdb: {  	s19 =	simm.s32 $0x580  }
0xdc: {  	[tilespmem:s7], [sflag:$0x1] =	stream.indirect.gather [hbm4b:s1+s28], $0x80, s19, s28, $0xb8;
	[tilespmem:$0x1F300] =	vst v63  }
0xdd: {  	_ =	swait.ge [sflag:s8], $0x2800  }
0xde: {  	[sflag:s8] =	ssyncset.done $0x0  }
0xdf: {  	[sflag:s8] =	ssyncadd.s32 $0xFFFFD800  }
0xe0: {  	_ =	swait.ge [sflag:s8], $0x2800  }
0xe1: {  	[sflag:s8] =	ssyncset.done $0x0  }
0xe2: {  	[sflag:s8] =	ssyncadd.s32 $0xFFFFD800  }
0xe3: {  	_ =	swait.ge [sflag:s8], $0x2800  }
0xe4: {  	[sflag:s8] =	ssyncset.done $0x0  }
0xe5: {  	[sflag:s8] =	ssyncadd.s32 $0xFFFFD800  }
0xe6: {  	_ =	swait.ge [sflag:s8], $0x2800  }
0xe7: {  	[sflag:s8] =	ssyncset.done $0x0  }
0xe8: {  	s20 =	simm.s32 $0xC00;
	[sflag:s8] =	ssyncadd.s32 $0xFFFFD800  }
0xe9: {  	[spmem:s2] =	stream.indirect.scatter.add.f32 [tilespmem:s23], [sflag:$0x2], $0x80, s20, s28, $0xb8;
	[tilespmem:$0x1F300] =	vst v63  }
0xea: {  	_ =	swait.ge [sflag:s25], $0x2800  }
0xeb: {  	[sflag:s25] =	ssyncset.done $0x0  }
0xec: {  	[sflag:s25] =	ssyncadd.s32 $0xFFFFD800  }
0xed: {  	[spmem:s4] =	stream.indirect.scatter.add.f32 [tilespmem:s9], [sflag:$0x2], $0x1, s20, s28, $0xb8;
	[tilespmem:$0x1F300] =	vst v63  }
0xee: {  	_ =	swait.ge [sflag:s25], $0x50  }
0xef: {  	[sflag:s25] =	ssyncset.done $0x0  }
0xf0: {  	s24 =	simm.s32 $0xC80;
	[sflag:s25] =	ssyncadd.s32 $0xFFFFFFB0  }
0xf1: {  	[spmem:s2] =	stream.indirect.scatter.add.f32 [tilespmem:s30], [sflag:$0x2], $0x80, s24, s28, $0xb8;
	[tilespmem:$0x1F300] =	vst v63  }
0xf2: {  	_ =	swait.ge [sflag:s25], $0x2800  }
0xf3: {  	[sflag:s25] =	ssyncset.done $0x0  }
0xf4: {  	[sflag:s25] =	ssyncadd.s32 $0xFFFFD800  }
0xf5: {  	[spmem:s4] =	stream.indirect.scatter.add.f32 [tilespmem:s9], [sflag:$0x2], $0x1, s24, s28, $0xb8;
	[tilespmem:$0x1F300] =	vst v63  }
0xf6: {  	_ =	swait.ge [sflag:s25], $0x50  }
0xf7: {  	[sflag:s25] =	ssyncset.done $0x0  }
0xf8: {  	s29 =	simm.s32 $0xD00;
	[sflag:s25] =	ssyncadd.s32 $0xFFFFFFB0  }
0xf9: {  	[spmem:s2] =	stream.indirect.scatter.add.f32 [tilespmem:s0], [sflag:$0x2], $0x80, s29, s28, $0xb8;
	[tilespmem:$0x1F300] =	vst v63  }
0xfa: {  	_ =	swait.ge [sflag:s25], $0x2800  }
0xfb: {  	[sflag:s25] =	ssyncset.done $0x0  }
0xfc: {  	[sflag:s25] =	ssyncadd.s32 $0xFFFFD800  }
0xfd: {  	[spmem:s4] =	stream.indirect.scatter.add.f32 [tilespmem:s9], [sflag:$0x2], $0x1, s29, s28, $0xb8;
	[tilespmem:$0x1F300] =	vst v63  }
0xfe: {  	_ =	swait.ge [sflag:s25], $0x50  }
0xff: {  	[sflag:s25] =	ssyncset.done $0x0  }
0x100: {  	s6 =	simm.s32 $0xD80;
	[sflag:s25] =	ssyncadd.s32 $0xFFFFFFB0  }
0x101: {  	[spmem:s2] =	stream.indirect.scatter.add.f32 [tilespmem:s7], [sflag:$0x2], $0x80, s6, s28, $0xb8;
	[tilespmem:$0x1F300] =	vst v63  }
0x102: {  	_ =	swait.ge [sflag:s25], $0x2800  }
0x103: {  	[sflag:s25] =	ssyncset.done $0x0  }
0x104: {  	[sflag:s25] =	ssyncadd.s32 $0xFFFFD800  }
0x105: {  	[spmem:s4] =	stream.indirect.scatter.add.f32 [tilespmem:s9], [sflag:$0x2], $0x1, s6, s28, $0xb8;
	[tilespmem:$0x1F300] =	vst v63  }
0x106: {  	_ =	swait.ge [sflag:s25], $0x50  }
0x107: {  	[sflag:s25] =	ssyncset.done $0x0  }
0x108: {  	s11 =	simm.s32 $0x600;
	[sflag:s25] =	ssyncadd.s32 $0xFFFFFFB0  }
0x109: {  	[tilespmem:s23], [sflag:$0x1] =	stream.indirect.gather [hbm4b:s1+s28], $0x80, s11, s28, $0xb8;
	[tilespmem:$0x1F300] =	vst v63  }
0x10a: {  	s19 =	simm.s32 $0x680  }
0x10b: {  	[tilespmem:s30], [sflag:$0x1] =	stream.indirect.gather [hbm4b:s1+s28], $0x80, s19, s28, $0xb8;
	[tilespmem:$0x1F300] =	vst v63  }
0x10c: {  	s20 =	simm.s32 $0x700  }
0x10d: {  	[tilespmem:s0], [sflag:$0x1] =	stream.indirect.gather [hbm4b:s1+s28], $0x80, s20, s28, $0xb8;
	[tilespmem:$0x1F300] =	vst v63  }
0x10e: {  	s24 =	simm.s32 $0x780  }
0x10f: {  	[tilespmem:s7], [sflag:$0x1] =	stream.indirect.gather [hbm4b:s1+s28], $0x80, s24, s28, $0xb8;
	[tilespmem:$0x1F300] =	vst v63  }
0x110: {  	_ =	swait.ge [sflag:s8], $0x2800  }
0x111: {  	[sflag:s8] =	ssyncset.done $0x0  }
0x112: {  	[sflag:s8] =	ssyncadd.s32 $0xFFFFD800  }
0x113: {  	_ =	swait.ge [sflag:s8], $0x2800  }
0x114: {  	[sflag:s8] =	ssyncset.done $0x0  }
0x115: {  	[sflag:s8] =	ssyncadd.s32 $0xFFFFD800  }
0x116: {  	_ =	swait.ge [sflag:s8], $0x2800  }
0x117: {  	[sflag:s8] =	ssyncset.done $0x0  }
0x118: {  	[sflag:s8] =	ssyncadd.s32 $0xFFFFD800  }
0x119: {  	_ =	swait.ge [sflag:s8], $0x2800  }
0x11a: {  	[sflag:s8] =	ssyncset.done $0x0  }
0x11b: {  	s29 =	simm.s32 $0xE00;
	[sflag:s8] =	ssyncadd.s32 $0xFFFFD800  }
0x11c: {  	[spmem:s2] =	stream.indirect.scatter.add.f32 [tilespmem:s23], [sflag:$0x2], $0x80, s29, s28, $0xb8;
	[tilespmem:$0x1F300] =	vst v63  }
0x11d: {  	_ =	swait.ge [sflag:s25], $0x2800  }
0x11e: {  	[sflag:s25] =	ssyncset.done $0x0  }
0x11f: {  	[sflag:s25] =	ssyncadd.s32 $0xFFFFD800  }
0x120: {  	[spmem:s4] =	stream.indirect.scatter.add.f32 [tilespmem:s9], [sflag:$0x2], $0x1, s29, s28, $0xb8;
	[tilespmem:$0x1F300] =	vst v63  }
0x121: {  	_ =	swait.ge [sflag:s25], $0x50  }
0x122: {  	[sflag:s25] =	ssyncset.done $0x0  }
0x123: {  	s6 =	simm.s32 $0xE80;
	[sflag:s25] =	ssyncadd.s32 $0xFFFFFFB0  }
0x124: {  	[spmem:s2] =	stream.indirect.scatter.add.f32 [tilespmem:s30], [sflag:$0x2], $0x80, s6, s28, $0xb8;
	[tilespmem:$0x1F300] =	vst v63  }
0x125: {  	_ =	swait.ge [sflag:s25], $0x2800  }
0x126: {  	[sflag:s25] =	ssyncset.done $0x0  }
0x127: {  	[sflag:s25] =	ssyncadd.s32 $0xFFFFD800  }
0x128: {  	[spmem:s4] =	stream.indirect.scatter.add.f32 [tilespmem:s9], [sflag:$0x2], $0x1, s6, s28, $0xb8;
	[tilespmem:$0x1F300] =	vst v63  }
0x129: {  	_ =	swait.ge [sflag:s25], $0x50  }
0x12a: {  	[sflag:s25] =	ssyncset.done $0x0  }
0x12b: {  	s11 =	simm.s32 $0xF00;
	[sflag:s25] =	ssyncadd.s32 $0xFFFFFFB0  }
0x12c: {  	[spmem:s2] =	stream.indirect.scatter.add.f32 [tilespmem:s0], [sflag:$0x2], $0x80, s11, s28, $0xb8;
	[tilespmem:$0x1F300] =	vst v63  }
0x12d: {  	_ =	swait.ge [sflag:s25], $0x2800  }
0x12e: {  	[sflag:s25] =	ssyncset.done $0x0  }
0x12f: {  	[sflag:s25] =	ssyncadd.s32 $0xFFFFD800  }
0x130: {  	[spmem:s4] =	stream.indirect.scatter.add.f32 [tilespmem:s9], [sflag:$0x2], $0x1, s11, s28, $0xb8;
	[tilespmem:$0x1F300] =	vst v63  }
0x131: {  	_ =	swait.ge [sflag:s25], $0x50  }
0x132: {  	[sflag:s25] =	ssyncset.done $0x0  }
0x133: {  	s19 =	simm.s32 $0xF80;
	[sflag:s25] =	ssyncadd.s32 $0xFFFFFFB0  }
0x134: {  	[spmem:s2] =	stream.indirect.scatter.add.f32 [tilespmem:s7], [sflag:$0x2], $0x80, s19, s28, $0xb8;
	[tilespmem:$0x1F300] =	vst v63  }
0x135: {  	_ =	swait.ge [sflag:s25], $0x2800  }
0x136: {  	[sflag:s25] =	ssyncset.done $0x0  }
0x137: {  	[sflag:s25] =	ssyncadd.s32 $0xFFFFD800  }
0x138: {  	[spmem:s4] =	stream.indirect.scatter.add.f32 [tilespmem:s9], [sflag:$0x2], $0x1, s19, s28, $0xb8;
	[tilespmem:$0x1F300] =	vst v63  }
0x139: {  	_ =	swait.ge [sflag:s25], $0x50  }
0x13a: {  	s13 =	smov.u32 s13;
	[sflag:s25] =	ssyncset.done $0x0  }
0x13b: {  	s24 =	sadd.s32 $0x100, s13;
	[sflag:s25] =	ssyncadd.s32 $0xFFFFFFB0  }
0x13c: {  	[tilespmem:s10], [sflag:$0x2] =	stream.linear.gather [hbm4b:s24+s10], $0x800, $0x38;
	[tilespmem:$0x1F300] =	vst v63  }
0x13d: {  	_ =	swait.ge [sflag:s25], $0x800  }
0x13e: {  	[sflag:s25] =	ssyncset.done $0x0  }
0x13f: {  	s29 =	smov.u32 s13;
	s13 =	sadd.s32 $0x100, s5;
	[sflag:s25] =	ssyncadd.s32 $0xFFFFF800  }
0x140: {  	[tilespmem:s26], [sflag:$0x2] =	stream.linear.gather [hbm4b:s13+s10], $0x800, $0x38;
	[tilespmem:$0x1F300] =	vst v63  }
0x141: {  	_ =	swait.ge [sflag:s25], $0x800  }
0x142: {  	[sflag:s25] =	ssyncset.done $0x0  }
0x143: {  	[sflag:s25] =	ssyncadd.s32 $0xFFFFF800  }
0x144: {  	[tilespmem:s23], [sflag:$0x1] =	stream.indirect.gather [hbm4b:s1+s28], $0x80, s10, s28, $0xb8;
	[tilespmem:$0x1F300] =	vst v63  }
0x145: {  	s13 =	simm.s32 $0x80  }
0x146: {  	[tilespmem:s30], [sflag:$0x1] =	stream.indirect.gather [hbm4b:s1+s28], $0x80, s13, s28, $0xb8;
	[tilespmem:$0x1F300] =	vst v63  }
0x147: {  	s24 =	smov.u32 s5;
	s5 =	simm.s32 $0x100  }
0x148: {  	[tilespmem:s0], [sflag:$0x1] =	stream.indirect.gather [hbm4b:s1+s28], $0x80, s5, s28, $0xb8;
	[tilespmem:$0x1F300] =	vst v63  }
0x149: {  	s19 =	simm.s32 $0x180  }
0x14a: {  	[tilespmem:s7], [sflag:$0x1] =	stream.indirect.gather [hbm4b:s1+s28], $0x80, s19, s28, $0xb8;
	[tilespmem:$0x1F300] =	vst v63  }
0x14b: {  	_ =	swait.ge [sflag:s8], $0x2800  }
0x14c: {  	[sflag:s8] =	ssyncset.done $0x0  }
0x14d: {  	[sflag:s8] =	ssyncadd.s32 $0xFFFFD800  }
0x14e: {  	_ =	swait.ge [sflag:s8], $0x2800  }
0x14f: {  	[sflag:s8] =	ssyncset.done $0x0  }
0x150: {  	[sflag:s8] =	ssyncadd.s32 $0xFFFFD800  }
0x151: {  	_ =	swait.ge [sflag:s8], $0x2800  }
0x152: {  	[sflag:s8] =	ssyncset.done $0x0  }
0x153: {  	[sflag:s8] =	ssyncadd.s32 $0xFFFFD800  }
0x154: {  	_ =	swait.ge [sflag:s8], $0x2800  }
0x155: {  	[sflag:s8] =	ssyncset.done $0x0  }
0x156: {  	[sflag:s8] =	ssyncadd.s32 $0xFFFFD800  }
0x157: {  	[spmem:s2] =	stream.indirect.scatter.add.f32 [tilespmem:s23], [sflag:$0x2], $0x80, s26, s28, $0xb8;
	[tilespmem:$0x1F300] =	vst v63  }
0x158: {  	_ =	swait.ge [sflag:s25], $0x2800  }
0x159: {  	[sflag:s25] =	ssyncset.done $0x0  }
0x15a: {  	[sflag:s25] =	ssyncadd.s32 $0xFFFFD800  }
0x15b: {  	[spmem:s4] =	stream.indirect.scatter.add.f32 [tilespmem:s9], [sflag:$0x2], $0x1, s26, s28, $0xb8;
	[tilespmem:$0x1F300] =	vst v63  }
0x15c: {  	_ =	swait.ge [sflag:s25], $0x50  }
0x15d: {  	[sflag:s25] =	ssyncset.done $0x0  }
0x15e: {  	s17 =	simm.s32 $0x880;
	[sflag:s25] =	ssyncadd.s32 $0xFFFFFFB0  }
0x15f: {  	[spmem:s2] =	stream.indirect.scatter.add.f32 [tilespmem:s30], [sflag:$0x2], $0x80, s17, s28, $0xb8;
	[tilespmem:$0x1F300] =	vst v63  }
0x160: {  	_ =	swait.ge [sflag:s25], $0x2800  }
0x161: {  	[sflag:s25] =	ssyncset.done $0x0  }
0x162: {  	[sflag:s25] =	ssyncadd.s32 $0xFFFFD800  }
0x163: {  	[spmem:s4] =	stream.indirect.scatter.add.f32 [tilespmem:s9], [sflag:$0x2], $0x1, s17, s28, $0xb8;
	[tilespmem:$0x1F300] =	vst v63  }
0x164: {  	_ =	swait.ge [sflag:s25], $0x50  }
0x165: {  	[sflag:s25] =	ssyncset.done $0x0  }
0x166: {  	s18 =	simm.s32 $0x900;
	[sflag:s25] =	ssyncadd.s32 $0xFFFFFFB0  }
0x167: {  	[spmem:s2] =	stream.indirect.scatter.add.f32 [tilespmem:s0], [sflag:$0x2], $0x80, s18, s28, $0xb8;
	[tilespmem:$0x1F300] =	vst v63  }
0x168: {  	_ =	swait.ge [sflag:s25], $0x2800  }
0x169: {  	[sflag:s25] =	ssyncset.done $0x0  }
0x16a: {  	[sflag:s25] =	ssyncadd.s32 $0xFFFFD800  }
0x16b: {  	[spmem:s4] =	stream.indirect.scatter.add.f32 [tilespmem:s9], [sflag:$0x2], $0x1, s18, s28, $0xb8;
	[tilespmem:$0x1F300] =	vst v63  }
0x16c: {  	_ =	swait.ge [sflag:s25], $0x50  }
0x16d: {  	[sflag:s25] =	ssyncset.done $0x0  }
0x16e: {  	s22 =	simm.s32 $0x980;
	[sflag:s25] =	ssyncadd.s32 $0xFFFFFFB0  }
0x16f: {  	[spmem:s2] =	stream.indirect.scatter.add.f32 [tilespmem:s7], [sflag:$0x2], $0x80, s22, s28, $0xb8;
	[tilespmem:$0x1F300] =	vst v63  }
0x170: {  	_ =	swait.ge [sflag:s25], $0x2800  }
0x171: {  	[sflag:s25] =	ssyncset.done $0x0  }
0x172: {  	[sflag:s25] =	ssyncadd.s32 $0xFFFFD800  }
0x173: {  	[spmem:s4] =	stream.indirect.scatter.add.f32 [tilespmem:s9], [sflag:$0x2], $0x1, s22, s28, $0xb8;
	[tilespmem:$0x1F300] =	vst v63  }
0x174: {  	_ =	swait.ge [sflag:s25], $0x50  }
0x175: {  	[sflag:s25] =	ssyncset.done $0x0  }
0x176: {  	s17 =	simm.s32 $0x200;
	[sflag:s25] =	ssyncadd.s32 $0xFFFFFFB0  }
0x177: {  	[tilespmem:s23], [sflag:$0x1] =	stream.indirect.gather [hbm4b:s1+s28], $0x80, s17, s28, $0xb8;
	[tilespmem:$0x1F300] =	vst v63  }
0x178: {  	s22 =	simm.s32 $0x280  }
0x179: {  	[tilespmem:s30], [sflag:$0x1] =	stream.indirect.gather [hbm4b:s1+s28], $0x80, s22, s28, $0xb8;
	[tilespmem:$0x1F300] =	vst v63  }
0x17a: {  	s18 =	simm.s32 $0x300  }
0x17b: {  	[tilespmem:s0], [sflag:$0x1] =	stream.indirect.gather [hbm4b:s1+s28], $0x80, s18, s28, $0xb8;
	[tilespmem:$0x1F300] =	vst v63  }
0x17c: {  	s19 =	simm.s32 $0x380  }
0x17d: {  	[tilespmem:s7], [sflag:$0x1] =	stream.indirect.gather [hbm4b:s1+s28], $0x80, s19, s28, $0xb8;
	[tilespmem:$0x1F300] =	vst v63  }
0x17e: {  	_ =	swait.ge [sflag:s8], $0x2800  }
0x17f: {  	[sflag:s8] =	ssyncset.done $0x0  }
0x180: {  	[sflag:s8] =	ssyncadd.s32 $0xFFFFD800  }
0x181: {  	_ =	swait.ge [sflag:s8], $0x2800  }
0x182: {  	[sflag:s8] =	ssyncset.done $0x0  }
0x183: {  	[sflag:s8] =	ssyncadd.s32 $0xFFFFD800  }
0x184: {  	_ =	swait.ge [sflag:s8], $0x2800  }
0x185: {  	[sflag:s8] =	ssyncset.done $0x0  }
0x186: {  	[sflag:s8] =	ssyncadd.s32 $0xFFFFD800  }
0x187: {  	_ =	swait.ge [sflag:s8], $0x2800  }
0x188: {  	[sflag:s8] =	ssyncset.done $0x0  }
0x189: {  	s21 =	simm.s32 $0xA00;
	[sflag:s8] =	ssyncadd.s32 $0xFFFFD800  }
0x18a: {  	[spmem:s2] =	stream.indirect.scatter.add.f32 [tilespmem:s23], [sflag:$0x2], $0x80, s21, s28, $0xb8;
	[tilespmem:$0x1F300] =	vst v63  }
0x18b: {  	_ =	swait.ge [sflag:s25], $0x2800  }
0x18c: {  	[sflag:s25] =	ssyncset.done $0x0  }
0x18d: {  	[sflag:s25] =	ssyncadd.s32 $0xFFFFD800  }
0x18e: {  	[spmem:s4] =	stream.indirect.scatter.add.f32 [tilespmem:s9], [sflag:$0x2], $0x1, s21, s28, $0xb8;
	[tilespmem:$0x1F300] =	vst v63  }
0x18f: {  	_ =	swait.ge [sflag:s25], $0x50  }
0x190: {  	[sflag:s25] =	ssyncset.done $0x0  }
0x191: {  	s31 =	simm.s32 $0xA80;
	[sflag:s25] =	ssyncadd.s32 $0xFFFFFFB0  }
0x192: {  	[spmem:s2] =	stream.indirect.scatter.add.f32 [tilespmem:s30], [sflag:$0x2], $0x80, s31, s28, $0xb8;
	[tilespmem:$0x1F300] =	vst v63  }
0x193: {  	_ =	swait.ge [sflag:s25], $0x2800  }
0x194: {  	[sflag:s25] =	ssyncset.done $0x0  }
0x195: {  	[sflag:s25] =	ssyncadd.s32 $0xFFFFD800  }
0x196: {  	[spmem:s4] =	stream.indirect.scatter.add.f32 [tilespmem:s9], [sflag:$0x2], $0x1, s31, s28, $0xb8;
	[tilespmem:$0x1F300] =	vst v63  }
0x197: {  	_ =	swait.ge [sflag:s25], $0x50  }
0x198: {  	[sflag:s25] =	ssyncset.done $0x0  }
0x199: {  	s19 =	simm.s32 $0xB00;
	[sflag:s25] =	ssyncadd.s32 $0xFFFFFFB0  }
0x19a: {  	[spmem:s2] =	stream.indirect.scatter.add.f32 [tilespmem:s0], [sflag:$0x2], $0x80, s19, s28, $0xb8;
	[tilespmem:$0x1F300] =	vst v63  }
0x19b: {  	_ =	swait.ge [sflag:s25], $0x2800  }
0x19c: {  	[sflag:s25] =	ssyncset.done $0x0  }
0x19d: {  	[sflag:s25] =	ssyncadd.s32 $0xFFFFD800  }
0x19e: {  	[spmem:s4] =	stream.indirect.scatter.add.f32 [tilespmem:s9], [sflag:$0x2], $0x1, s19, s28, $0xb8;
	[tilespmem:$0x1F300] =	vst v63  }
0x19f: {  	_ =	swait.ge [sflag:s25], $0x50  }
0x1a0: {  	[sflag:s25] =	ssyncset.done $0x0  }
0x1a1: {  	s14 =	simm.s32 $0xB80;
	[sflag:s25] =	ssyncadd.s32 $0xFFFFFFB0  }
0x1a2: {  	[spmem:s2] =	stream.indirect.scatter.add.f32 [tilespmem:s7], [sflag:$0x2], $0x80, s14, s28, $0xb8;
	[tilespmem:$0x1F300] =	vst v63  }
0x1a3: {  	_ =	swait.ge [sflag:s25], $0x2800  }
0x1a4: {  	[sflag:s25] =	ssyncset.done $0x0  }
0x1a5: {  	[sflag:s25] =	ssyncadd.s32 $0xFFFFD800  }
0x1a6: {  	[spmem:s4] =	stream.indirect.scatter.add.f32 [tilespmem:s9], [sflag:$0x2], $0x1, s14, s28, $0xb8;
	[tilespmem:$0x1F300] =	vst v63  }
0x1a7: {  	_ =	swait.ge [sflag:s25], $0x50  }
0x1a8: {  	[sflag:s25] =	ssyncset.done $0x0  }
0x1a9: {  	s31 =	simm.s32 $0x400;
	[sflag:s25] =	ssyncadd.s32 $0xFFFFFFB0  }
0x1aa: {  	[tilespmem:s23], [sflag:$0x1] =	stream.indirect.gather [hbm4b:s1+s28], $0x80, s31, s28, $0xb8;
	[tilespmem:$0x1F300] =	vst v63  }
0x1ab: {  	s13 =	simm.s32 $0x480  }
0x1ac: {  	[tilespmem:s30], [sflag:$0x1] =	stream.indirect.gather [hbm4b:s1+s28], $0x80, s13, s28, $0xb8;
	[tilespmem:$0x1F300] =	vst v63  }
0x1ad: {  	s14 =	simm.s32 $0x500  }
0x1ae: {  	[tilespmem:s0], [sflag:$0x1] =	stream.indirect.gather [hbm4b:s1+s28], $0x80, s14, s28, $0xb8;
	[tilespmem:$0x1F300] =	vst v63  }
0x1af: {  	s21 =	simm.s32 $0x580  }
0x1b0: {  	[tilespmem:s7], [sflag:$0x1] =	stream.indirect.gather [hbm4b:s1+s28], $0x80, s21, s28, $0xb8;
	[tilespmem:$0x1F300] =	vst v63  }
0x1b1: {  	_ =	swait.ge [sflag:s8], $0x2800  }
0x1b2: {  	[sflag:s8] =	ssyncset.done $0x0  }
0x1b3: {  	[sflag:s8] =	ssyncadd.s32 $0xFFFFD800  }
0x1b4: {  	_ =	swait.ge [sflag:s8], $0x2800  }
0x1b5: {  	[sflag:s8] =	ssyncset.done $0x0  }
0x1b6: {  	[sflag:s8] =	ssyncadd.s32 $0xFFFFD800  }
0x1b7: {  	_ =	swait.ge [sflag:s8], $0x2800  }
0x1b8: {  	[sflag:s8] =	ssyncset.done $0x0  }
0x1b9: {  	[sflag:s8] =	ssyncadd.s32 $0xFFFFD800  }
0x1ba: {  	_ =	swait.ge [sflag:s8], $0x2800  }
0x1bb: {  	[sflag:s8] =	ssyncset.done $0x0  }
0x1bc: {  	s12 =	simm.s32 $0xC00;
	[sflag:s8] =	ssyncadd.s32 $0xFFFFD800  }
0x1bd: {  	[spmem:s2] =	stream.indirect.scatter.add.f32 [tilespmem:s23], [sflag:$0x2], $0x80, s12, s28, $0xb8;
	[tilespmem:$0x1F300] =	vst v63  }
0x1be: {  	_ =	swait.ge [sflag:s25], $0x2800  }
0x1bf: {  	[sflag:s25] =	ssyncset.done $0x0  }
0x1c0: {  	[sflag:s25] =	ssyncadd.s32 $0xFFFFD800  }
0x1c1: {  	[spmem:s4] =	stream.indirect.scatter.add.f32 [tilespmem:s9], [sflag:$0x2], $0x1, s12, s28, $0xb8;
	[tilespmem:$0x1F300] =	vst v63  }
0x1c2: {  	_ =	swait.ge [sflag:s25], $0x50  }
0x1c3: {  	[sflag:s25] =	ssyncset.done $0x0  }
0x1c4: {  	s16 =	simm.s32 $0xC80;
	[sflag:s25] =	ssyncadd.s32 $0xFFFFFFB0  }
0x1c5: {  	[spmem:s2] =	stream.indirect.scatter.add.f32 [tilespmem:s30], [sflag:$0x2], $0x80, s16, s28, $0xb8;
	[tilespmem:$0x1F300] =	vst v63  }
0x1c6: {  	_ =	swait.ge [sflag:s25], $0x2800  }
0x1c7: {  	[sflag:s25] =	ssyncset.done $0x0  }
0x1c8: {  	[sflag:s25] =	ssyncadd.s32 $0xFFFFD800  }
0x1c9: {  	[spmem:s4] =	stream.indirect.scatter.add.f32 [tilespmem:s9], [sflag:$0x2], $0x1, s16, s28, $0xb8;
	[tilespmem:$0x1F300] =	vst v63  }
0x1ca: {  	_ =	swait.ge [sflag:s25], $0x50  }
0x1cb: {  	[sflag:s25] =	ssyncset.done $0x0  }
0x1cc: {  	s15 =	simm.s32 $0xD00;
	[sflag:s25] =	ssyncadd.s32 $0xFFFFFFB0  }
0x1cd: {  	[spmem:s2] =	stream.indirect.scatter.add.f32 [tilespmem:s0], [sflag:$0x2], $0x80, s15, s28, $0xb8;
	[tilespmem:$0x1F300] =	vst v63  }
0x1ce: {  	_ =	swait.ge [sflag:s25], $0x2800  }
0x1cf: {  	[sflag:s25] =	ssyncset.done $0x0  }
0x1d0: {  	[sflag:s25] =	ssyncadd.s32 $0xFFFFD800  }
0x1d1: {  	[spmem:s4] =	stream.indirect.scatter.add.f32 [tilespmem:s9], [sflag:$0x2], $0x1, s15, s28, $0xb8;
	[tilespmem:$0x1F300] =	vst v63  }
0x1d2: {  	_ =	swait.ge [sflag:s25], $0x50  }
0x1d3: {  	[sflag:s25] =	ssyncset.done $0x0  }
0x1d4: {  	s21 =	simm.s32 $0xD80;
	[sflag:s25] =	ssyncadd.s32 $0xFFFFFFB0  }
0x1d5: {  	[spmem:s2] =	stream.indirect.scatter.add.f32 [tilespmem:s7], [sflag:$0x2], $0x80, s21, s28, $0xb8;
	[tilespmem:$0x1F300] =	vst v63  }
0x1d6: {  	_ =	swait.ge [sflag:s25], $0x2800  }
0x1d7: {  	[sflag:s25] =	ssyncset.done $0x0  }
0x1d8: {  	[sflag:s25] =	ssyncadd.s32 $0xFFFFD800  }
0x1d9: {  	[spmem:s4] =	stream.indirect.scatter.add.f32 [tilespmem:s9], [sflag:$0x2], $0x1, s21, s28, $0xb8;
	[tilespmem:$0x1F300] =	vst v63  }
0x1da: {  	_ =	swait.ge [sflag:s25], $0x50  }
0x1db: {  	[sflag:s25] =	ssyncset.done $0x0  }
0x1dc: {  	s15 =	simm.s32 $0x600;
	[sflag:s25] =	ssyncadd.s32 $0xFFFFFFB0  }
0x1dd: {  	[tilespmem:s23], [sflag:$0x1] =	stream.indirect.gather [hbm4b:s1+s28], $0x80, s15, s28, $0xb8;
	[tilespmem:$0x1F300] =	vst v63  }
0x1de: {  	s21 =	simm.s32 $0x680  }
0x1df: {  	[tilespmem:s30], [sflag:$0x1] =	stream.indirect.gather [hbm4b:s1+s28], $0x80, s21, s28, $0xb8;
	[tilespmem:$0x1F300] =	vst v63  }
0x1e0: {  	s16 =	simm.s32 $0x700  }
0x1e1: {  	[tilespmem:s0], [sflag:$0x1] =	stream.indirect.gather [hbm4b:s1+s28], $0x80, s16, s28, $0xb8;
	[tilespmem:$0x1F300] =	vst v63  }
0x1e2: {  	s19 =	simm.s32 $0x780  }
0x1e3: {  	[tilespmem:s7], [sflag:$0x1] =	stream.indirect.gather [hbm4b:s1+s28], $0x80, s19, s28, $0xb8;
	[tilespmem:$0x1F300] =	vst v63  }
0x1e4: {  	_ =	swait.ge [sflag:s8], $0x2800  }
0x1e5: {  	[sflag:s8] =	ssyncset.done $0x0  }
0x1e6: {  	[sflag:s8] =	ssyncadd.s32 $0xFFFFD800  }
0x1e7: {  	_ =	swait.ge [sflag:s8], $0x2800  }
0x1e8: {  	[sflag:s8] =	ssyncset.done $0x0  }
0x1e9: {  	[sflag:s8] =	ssyncadd.s32 $0xFFFFD800  }
0x1ea: {  	_ =	swait.ge [sflag:s8], $0x2800  }
0x1eb: {  	[sflag:s8] =	ssyncset.done $0x0  }
0x1ec: {  	[sflag:s8] =	ssyncadd.s32 $0xFFFFD800  }
0x1ed: {  	_ =	swait.ge [sflag:s8], $0x2800  }
0x1ee: {  	[sflag:s8] =	ssyncset.done $0x0  }
0x1ef: {  	s20 =	simm.s32 $0xE00;
	[sflag:s8] =	ssyncadd.s32 $0xFFFFD800  }
0x1f0: {  	[spmem:s2] =	stream.indirect.scatter.add.f32 [tilespmem:s23], [sflag:$0x2], $0x80, s20, s28, $0xb8;
	[tilespmem:$0x1F300] =	vst v63  }
0x1f1: {  	_ =	swait.ge [sflag:s25], $0x2800  }
0x1f2: {  	[sflag:s25] =	ssyncset.done $0x0  }
0x1f3: {  	[sflag:s25] =	ssyncadd.s32 $0xFFFFD800  }
0x1f4: {  	[spmem:s4] =	stream.indirect.scatter.add.f32 [tilespmem:s9], [sflag:$0x2], $0x1, s20, s28, $0xb8;
	[tilespmem:$0x1F300] =	vst v63  }
0x1f5: {  	_ =	swait.ge [sflag:s25], $0x50  }
0x1f6: {  	[sflag:s25] =	ssyncset.done $0x0  }
0x1f7: {  	s6 =	simm.s32 $0xE80;
	[sflag:s25] =	ssyncadd.s32 $0xFFFFFFB0  }
0x1f8: {  	[spmem:s2] =	stream.indirect.scatter.add.f32 [tilespmem:s30], [sflag:$0x2], $0x80, s6, s28, $0xb8;
	[tilespmem:$0x1F300] =	vst v63  }
0x1f9: {  	_ =	swait.ge [sflag:s25], $0x2800  }
0x1fa: {  	[sflag:s25] =	ssyncset.done $0x0  }
0x1fb: {  	[sflag:s25] =	ssyncadd.s32 $0xFFFFD800  }
0x1fc: {  	[spmem:s4] =	stream.indirect.scatter.add.f32 [tilespmem:s9], [sflag:$0x2], $0x1, s6, s28, $0xb8;
	[tilespmem:$0x1F300] =	vst v63  }
0x1fd: {  	_ =	swait.ge [sflag:s25], $0x50  }
0x1fe: {  	[sflag:s25] =	ssyncset.done $0x0  }
0x1ff: {  	s11 =	simm.s32 $0xF00;
	[sflag:s25] =	ssyncadd.s32 $0xFFFFFFB0  }
0x200: {  	[spmem:s2] =	stream.indirect.scatter.add.f32 [tilespmem:s0], [sflag:$0x2], $0x80, s11, s28, $0xb8;
	[tilespmem:$0x1F300] =	vst v63  }
0x201: {  	_ =	swait.ge [sflag:s25], $0x2800  }
0x202: {  	[sflag:s25] =	ssyncset.done $0x0  }
0x203: {  	[sflag:s25] =	ssyncadd.s32 $0xFFFFD800  }
0x204: {  	[spmem:s4] =	stream.indirect.scatter.add.f32 [tilespmem:s9], [sflag:$0x2], $0x1, s11, s28, $0xb8;
	[tilespmem:$0x1F300] =	vst v63  }
0x205: {  	_ =	swait.ge [sflag:s25], $0x50  }
0x206: {  	[sflag:s25] =	ssyncset.done $0x0  }
0x207: {  	s3 =	simm.s32 $0xF80;
	[sflag:s25] =	ssyncadd.s32 $0xFFFFFFB0  }
0x208: {  	[spmem:s2] =	stream.indirect.scatter.add.f32 [tilespmem:s7], [sflag:$0x2], $0x80, s3, s28, $0xb8;
	[tilespmem:$0x1F300] =	vst v63  }
0x209: {  	_ =	swait.ge [sflag:s25], $0x2800  }
0x20a: {  	[sflag:s25] =	ssyncset.done $0x0  }
0x20b: {  	[sflag:s25] =	ssyncadd.s32 $0xFFFFD800  }
0x20c: {  	[spmem:s4] =	stream.indirect.scatter.add.f32 [tilespmem:s9], [sflag:$0x2], $0x1, s3, s28, $0xb8;
	[tilespmem:$0x1F300] =	vst v63  }
0x20d: {  	_ =	swait.ge [sflag:s25], $0x50  }
0x20e: {  	[sflag:s25] =	ssyncset.done $0x0  }
0x20f: {  	s20 =	sadd.s32 $0x200, s29;
	[sflag:s25] =	ssyncadd.s32 $0xFFFFFFB0  }
0x210: {  	[tilespmem:s10], [sflag:$0x2] =	stream.linear.gather [hbm4b:s20+s10], $0x800, $0x38;
	[tilespmem:$0x1F300] =	vst v63  }
0x211: {  	_ =	swait.ge [sflag:s25], $0x800  }
0x212: {  	[sflag:s25] =	ssyncset.done $0x0  }
0x213: {  	s3 =	sadd.s32 $0x200, s24;
	[sflag:s25] =	ssyncadd.s32 $0xFFFFF800  }
0x214: {  	[tilespmem:s26], [sflag:$0x2] =	stream.linear.gather [hbm4b:s3+s10], $0x800, $0x38;
	[tilespmem:$0x1F300] =	vst v63  }
0x215: {  	_ =	swait.ge [sflag:s25], $0x800  }
0x216: {  	[sflag:s25] =	ssyncset.done $0x0  }
0x217: {  	[sflag:s25] =	ssyncadd.s32 $0xFFFFF800  }
0x218: {  	[tilespmem:s23], [sflag:$0x1] =	stream.indirect.gather [hbm4b:s1+s28], $0x80, s10, s28, $0xb8;
	[tilespmem:$0x1F300] =	vst v63  }
0x219: {  	s6 =	simm.s32 $0x80  }
0x21a: {  	[tilespmem:s30], [sflag:$0x1] =	stream.indirect.gather [hbm4b:s1+s28], $0x80, s6, s28, $0xb8;
	[tilespmem:$0x1F300] =	vst v63  }
0x21b: {  	_ = 	snop  }
0x21c: {  	[tilespmem:s0], [sflag:$0x1] =	stream.indirect.gather [hbm4b:s1+s28], $0x80, s5, s28, $0xb8;
	[tilespmem:$0x1F300] =	vst v63  }
0x21d: {  	s11 =	simm.s32 $0x180  }
0x21e: {  	[tilespmem:s7], [sflag:$0x1] =	stream.indirect.gather [hbm4b:s1+s28], $0x80, s11, s28, $0xb8;
	[tilespmem:$0x1F300] =	vst v63  }
0x21f: {  	_ =	swait.ge [sflag:s8], $0x2800  }
0x220: {  	[sflag:s8] =	ssyncset.done $0x0  }
0x221: {  	[sflag:s8] =	ssyncadd.s32 $0xFFFFD800  }
0x222: {  	_ =	swait.ge [sflag:s8], $0x2800  }
0x223: {  	[sflag:s8] =	ssyncset.done $0x0  }
0x224: {  	[sflag:s8] =	ssyncadd.s32 $0xFFFFD800  }
0x225: {  	_ =	swait.ge [sflag:s8], $0x2800  }
0x226: {  	[sflag:s8] =	ssyncset.done $0x0  }
0x227: {  	[sflag:s8] =	ssyncadd.s32 $0xFFFFD800  }
0x228: {  	_ =	swait.ge [sflag:s8], $0x2800  }
0x229: {  	[sflag:s8] =	ssyncset.done $0x0  }
0x22a: {  	[sflag:s8] =	ssyncadd.s32 $0xFFFFD800  }
0x22b: {  	[spmem:s2] =	stream.indirect.scatter.add.f32 [tilespmem:s23], [sflag:$0x2], $0x80, s26, s28, $0xb8;
	[tilespmem:$0x1F300] =	vst v63  }
0x22c: {  	_ =	swait.ge [sflag:s25], $0x2800  }
0x22d: {  	[sflag:s25] =	ssyncset.done $0x0  }
0x22e: {  	[sflag:s25] =	ssyncadd.s32 $0xFFFFD800  }
0x22f: {  	[spmem:s4] =	stream.indirect.scatter.add.f32 [tilespmem:s9], [sflag:$0x2], $0x1, s26, s28, $0xb8;
	[tilespmem:$0x1F300] =	vst v63  }
0x230: {  	_ =	swait.ge [sflag:s25], $0x50  }
0x231: {  	[sflag:s25] =	ssyncset.done $0x0  }
0x232: {  	s12 =	simm.s32 $0x880;
	[sflag:s25] =	ssyncadd.s32 $0xFFFFFFB0  }
0x233: {  	[spmem:s2] =	stream.indirect.scatter.add.f32 [tilespmem:s30], [sflag:$0x2], $0x80, s12, s28, $0xb8;
	[tilespmem:$0x1F300] =	vst v63  }
0x234: {  	_ =	swait.ge [sflag:s25], $0x2800  }
0x235: {  	[sflag:s25] =	ssyncset.done $0x0  }
0x236: {  	[sflag:s25] =	ssyncadd.s32 $0xFFFFD800  }
0x237: {  	[spmem:s4] =	stream.indirect.scatter.add.f32 [tilespmem:s9], [sflag:$0x2], $0x1, s12, s28, $0xb8;
	[tilespmem:$0x1F300] =	vst v63  }
0x238: {  	_ =	swait.ge [sflag:s25], $0x50  }
0x239: {  	[sflag:s25] =	ssyncset.done $0x0  }
0x23a: {  	s15 =	simm.s32 $0x900;
	[sflag:s25] =	ssyncadd.s32 $0xFFFFFFB0  }
0x23b: {  	[spmem:s2] =	stream.indirect.scatter.add.f32 [tilespmem:s0], [sflag:$0x2], $0x80, s15, s28, $0xb8;
	[tilespmem:$0x1F300] =	vst v63  }
0x23c: {  	_ =	swait.ge [sflag:s25], $0x2800  }
0x23d: {  	[sflag:s25] =	ssyncset.done $0x0  }
0x23e: {  	[sflag:s25] =	ssyncadd.s32 $0xFFFFD800  }
0x23f: {  	[spmem:s4] =	stream.indirect.scatter.add.f32 [tilespmem:s9], [sflag:$0x2], $0x1, s15, s28, $0xb8;
	[tilespmem:$0x1F300] =	vst v63  }
0x240: {  	_ =	swait.ge [sflag:s25], $0x50  }
0x241: {  	[sflag:s25] =	ssyncset.done $0x0  }
0x242: {  	s16 =	simm.s32 $0x980;
	[sflag:s25] =	ssyncadd.s32 $0xFFFFFFB0  }
0x243: {  	[spmem:s2] =	stream.indirect.scatter.add.f32 [tilespmem:s7], [sflag:$0x2], $0x80, s16, s28, $0xb8;
	[tilespmem:$0x1F300] =	vst v63  }
0x244: {  	_ =	swait.ge [sflag:s25], $0x2800  }
0x245: {  	[sflag:s25] =	ssyncset.done $0x0  }
0x246: {  	[sflag:s25] =	ssyncadd.s32 $0xFFFFD800  }
0x247: {  	[spmem:s4] =	stream.indirect.scatter.add.f32 [tilespmem:s9], [sflag:$0x2], $0x1, s16, s28, $0xb8;
	[tilespmem:$0x1F300] =	vst v63  }
0x248: {  	_ =	swait.ge [sflag:s25], $0x50  }
0x249: {  	[sflag:s25] =	ssyncset.done $0x0  }
0x24a: {  	[sflag:s25] =	ssyncadd.s32 $0xFFFFFFB0  }
0x24b: {  	[tilespmem:s23], [sflag:$0x1] =	stream.indirect.gather [hbm4b:s1+s28], $0x80, s17, s28, $0xb8;
	[tilespmem:$0x1F300] =	vst v63  }
0x24c: {  	_ = 	snop  }
0x24d: {  	[tilespmem:s30], [sflag:$0x1] =	stream.indirect.gather [hbm4b:s1+s28], $0x80, s22, s28, $0xb8;
	[tilespmem:$0x1F300] =	vst v63  }
0x24e: {  	_ = 	snop  }
0x24f: {  	[tilespmem:s0], [sflag:$0x1] =	stream.indirect.gather [hbm4b:s1+s28], $0x80, s18, s28, $0xb8;
	[tilespmem:$0x1F300] =	vst v63  }
0x250: {  	s17 =	simm.s32 $0x380  }
0x251: {  	[tilespmem:s7], [sflag:$0x1] =	stream.indirect.gather [hbm4b:s1+s28], $0x80, s17, s28, $0xb8;
	[tilespmem:$0x1F300] =	vst v63  }
0x252: {  	_ =	swait.ge [sflag:s8], $0x2800  }
0x253: {  	[sflag:s8] =	ssyncset.done $0x0  }
0x254: {  	[sflag:s8] =	ssyncadd.s32 $0xFFFFD800  }
0x255: {  	_ =	swait.ge [sflag:s8], $0x2800  }
0x256: {  	[sflag:s8] =	ssyncset.done $0x0  }
0x257: {  	[sflag:s8] =	ssyncadd.s32 $0xFFFFD800  }
0x258: {  	_ =	swait.ge [sflag:s8], $0x2800  }
0x259: {  	[sflag:s8] =	ssyncset.done $0x0  }
0x25a: {  	[sflag:s8] =	ssyncadd.s32 $0xFFFFD800  }
0x25b: {  	_ =	swait.ge [sflag:s8], $0x2800  }
0x25c: {  	[sflag:s8] =	ssyncset.done $0x0  }
0x25d: {  	s18 =	simm.s32 $0xA00;
	[sflag:s8] =	ssyncadd.s32 $0xFFFFD800  }
0x25e: {  	[spmem:s2] =	stream.indirect.scatter.add.f32 [tilespmem:s23], [sflag:$0x2], $0x80, s18, s28, $0xb8;
	[tilespmem:$0x1F300] =	vst v63  }
0x25f: {  	_ =	swait.ge [sflag:s25], $0x2800  }
0x260: {  	[sflag:s25] =	ssyncset.done $0x0  }
0x261: {  	[sflag:s25] =	ssyncadd.s32 $0xFFFFD800  }
0x262: {  	[spmem:s4] =	stream.indirect.scatter.add.f32 [tilespmem:s9], [sflag:$0x2], $0x1, s18, s28, $0xb8;
	[tilespmem:$0x1F300] =	vst v63  }
0x263: {  	_ =	swait.ge [sflag:s25], $0x50  }
0x264: {  	[sflag:s25] =	ssyncset.done $0x0  }
0x265: {  	s19 =	simm.s32 $0xA80;
	[sflag:s25] =	ssyncadd.s32 $0xFFFFFFB0  }
0x266: {  	[spmem:s2] =	stream.indirect.scatter.add.f32 [tilespmem:s30], [sflag:$0x2], $0x80, s19, s28, $0xb8;
	[tilespmem:$0x1F300] =	vst v63  }
0x267: {  	_ =	swait.ge [sflag:s25], $0x2800  }
0x268: {  	[sflag:s25] =	ssyncset.done $0x0  }
0x269: {  	[sflag:s25] =	ssyncadd.s32 $0xFFFFD800  }
0x26a: {  	[spmem:s4] =	stream.indirect.scatter.add.f32 [tilespmem:s9], [sflag:$0x2], $0x1, s19, s28, $0xb8;
	[tilespmem:$0x1F300] =	vst v63  }
0x26b: {  	_ =	swait.ge [sflag:s25], $0x50  }
0x26c: {  	[sflag:s25] =	ssyncset.done $0x0  }
0x26d: {  	s20 =	simm.s32 $0xB00;
	[sflag:s25] =	ssyncadd.s32 $0xFFFFFFB0  }
0x26e: {  	[spmem:s2] =	stream.indirect.scatter.add.f32 [tilespmem:s0], [sflag:$0x2], $0x80, s20, s28, $0xb8;
	[tilespmem:$0x1F300] =	vst v63  }
0x26f: {  	_ =	swait.ge [sflag:s25], $0x2800  }
0x270: {  	[sflag:s25] =	ssyncset.done $0x0  }
0x271: {  	[sflag:s25] =	ssyncadd.s32 $0xFFFFD800  }
0x272: {  	[spmem:s4] =	stream.indirect.scatter.add.f32 [tilespmem:s9], [sflag:$0x2], $0x1, s20, s28, $0xb8;
	[tilespmem:$0x1F300] =	vst v63  }
0x273: {  	_ =	swait.ge [sflag:s25], $0x50  }
0x274: {  	[sflag:s25] =	ssyncset.done $0x0  }
0x275: {  	s22 =	simm.s32 $0xB80;
	[sflag:s25] =	ssyncadd.s32 $0xFFFFFFB0  }
0x276: {  	[spmem:s2] =	stream.indirect.scatter.add.f32 [tilespmem:s7], [sflag:$0x2], $0x80, s22, s28, $0xb8;
	[tilespmem:$0x1F300] =	vst v63  }
0x277: {  	_ =	swait.ge [sflag:s25], $0x2800  }
0x278: {  	[sflag:s25] =	ssyncset.done $0x0  }
0x279: {  	[sflag:s25] =	ssyncadd.s32 $0xFFFFD800  }
0x27a: {  	[spmem:s4] =	stream.indirect.scatter.add.f32 [tilespmem:s9], [sflag:$0x2], $0x1, s22, s28, $0xb8;
	[tilespmem:$0x1F300] =	vst v63  }
0x27b: {  	_ =	swait.ge [sflag:s25], $0x50  }
0x27c: {  	[sflag:s25] =	ssyncset.done $0x0  }
0x27d: {  	[sflag:s25] =	ssyncadd.s32 $0xFFFFFFB0  }
0x27e: {  	[tilespmem:s23], [sflag:$0x1] =	stream.indirect.gather [hbm4b:s1+s28], $0x80, s31, s28, $0xb8;
	[tilespmem:$0x1F300] =	vst v63  }
0x27f: {  	_ = 	snop  }
0x280: {  	[tilespmem:s30], [sflag:$0x1] =	stream.indirect.gather [hbm4b:s1+s28], $0x80, s13, s28, $0xb8;
	[tilespmem:$0x1F300] =	vst v63  }
0x281: {  	_ = 	snop  }
0x282: {  	[tilespmem:s0], [sflag:$0x1] =	stream.indirect.gather [hbm4b:s1+s28], $0x80, s14, s28, $0xb8;
	[tilespmem:$0x1F300] =	vst v63  }
0x283: {  	s31 =	simm.s32 $0x580  }
0x284: {  	[tilespmem:s7], [sflag:$0x1] =	stream.indirect.gather [hbm4b:s1+s28], $0x80, s31, s28, $0xb8;
	[tilespmem:$0x1F300] =	vst v63  }
0x285: {  	_ =	swait.ge [sflag:s8], $0x2800  }
0x286: {  	[sflag:s8] =	ssyncset.done $0x0  }
0x287: {  	[sflag:s8] =	ssyncadd.s32 $0xFFFFD800  }
0x288: {  	_ =	swait.ge [sflag:s8], $0x2800  }
0x289: {  	[sflag:s8] =	ssyncset.done $0x0  }
0x28a: {  	[sflag:s8] =	ssyncadd.s32 $0xFFFFD800  }
0x28b: {  	_ =	swait.ge [sflag:s8], $0x2800  }
0x28c: {  	[sflag:s8] =	ssyncset.done $0x0  }
0x28d: {  	[sflag:s8] =	ssyncadd.s32 $0xFFFFD800  }
0x28e: {  	_ =	swait.ge [sflag:s8], $0x2800  }
0x28f: {  	[sflag:s8] =	ssyncset.done $0x0  }
0x290: {  	s12 =	simm.s32 $0xC00;
	[sflag:s8] =	ssyncadd.s32 $0xFFFFD800  }
0x291: {  	[spmem:s2] =	stream.indirect.scatter.add.f32 [tilespmem:s23], [sflag:$0x2], $0x80, s12, s28, $0xb8;
	[tilespmem:$0x1F300] =	vst v63  }
0x292: {  	_ =	swait.ge [sflag:s25], $0x2800  }
0x293: {  	[sflag:s25] =	ssyncset.done $0x0  }
0x294: {  	[sflag:s25] =	ssyncadd.s32 $0xFFFFD800  }
0x295: {  	[spmem:s4] =	stream.indirect.scatter.add.f32 [tilespmem:s9], [sflag:$0x2], $0x1, s12, s28, $0xb8;
	[tilespmem:$0x1F300] =	vst v63  }
0x296: {  	_ =	swait.ge [sflag:s25], $0x50  }
0x297: {  	[sflag:s25] =	ssyncset.done $0x0  }
0x298: {  	s13 =	simm.s32 $0xC80;
	[sflag:s25] =	ssyncadd.s32 $0xFFFFFFB0  }
0x299: {  	[spmem:s2] =	stream.indirect.scatter.add.f32 [tilespmem:s30], [sflag:$0x2], $0x80, s13, s28, $0xb8;
	[tilespmem:$0x1F300] =	vst v63  }
0x29a: {  	_ =	swait.ge [sflag:s25], $0x2800  }
0x29b: {  	[sflag:s25] =	ssyncset.done $0x0  }
0x29c: {  	[sflag:s25] =	ssyncadd.s32 $0xFFFFD800  }
0x29d: {  	[spmem:s4] =	stream.indirect.scatter.add.f32 [tilespmem:s9], [sflag:$0x2], $0x1, s13, s28, $0xb8;
	[tilespmem:$0x1F300] =	vst v63  }
0x29e: {  	_ =	swait.ge [sflag:s25], $0x50  }
0x29f: {  	[sflag:s25] =	ssyncset.done $0x0  }
0x2a0: {  	s14 =	simm.s32 $0xD00;
	[sflag:s25] =	ssyncadd.s32 $0xFFFFFFB0  }
0x2a1: {  	[spmem:s2] =	stream.indirect.scatter.add.f32 [tilespmem:s0], [sflag:$0x2], $0x80, s14, s28, $0xb8;
	[tilespmem:$0x1F300] =	vst v63  }
0x2a2: {  	_ =	swait.ge [sflag:s25], $0x2800  }
0x2a3: {  	[sflag:s25] =	ssyncset.done $0x0  }
0x2a4: {  	[sflag:s25] =	ssyncadd.s32 $0xFFFFD800  }
0x2a5: {  	[spmem:s4] =	stream.indirect.scatter.add.f32 [tilespmem:s9], [sflag:$0x2], $0x1, s14, s28, $0xb8;
	[tilespmem:$0x1F300] =	vst v63  }
0x2a6: {  	_ =	swait.ge [sflag:s25], $0x50  }
0x2a7: {  	[sflag:s25] =	ssyncset.done $0x0  }
0x2a8: {  	s19 =	simm.s32 $0xD80;
	[sflag:s25] =	ssyncadd.s32 $0xFFFFFFB0  }
0x2a9: {  	[spmem:s2] =	stream.indirect.scatter.add.f32 [tilespmem:s7], [sflag:$0x2], $0x80, s19, s28, $0xb8;
	[tilespmem:$0x1F300] =	vst v63  }
0x2aa: {  	_ =	swait.ge [sflag:s25], $0x2800  }
0x2ab: {  	[sflag:s25] =	ssyncset.done $0x0  }
0x2ac: {  	[sflag:s25] =	ssyncadd.s32 $0xFFFFD800  }
0x2ad: {  	[spmem:s4] =	stream.indirect.scatter.add.f32 [tilespmem:s9], [sflag:$0x2], $0x1, s19, s28, $0xb8;
	[tilespmem:$0x1F300] =	vst v63  }
0x2ae: {  	_ =	swait.ge [sflag:s25], $0x50  }
0x2af: {  	[sflag:s25] =	ssyncset.done $0x0  }
0x2b0: {  	s20 =	simm.s32 $0x600;
	[sflag:s25] =	ssyncadd.s32 $0xFFFFFFB0  }
0x2b1: {  	[tilespmem:s23], [sflag:$0x1] =	stream.indirect.gather [hbm4b:s1+s28], $0x80, s20, s28, $0xb8;
	[tilespmem:$0x1F300] =	vst v63  }
0x2b2: {  	_ = 	snop  }
0x2b3: {  	[tilespmem:s30], [sflag:$0x1] =	stream.indirect.gather [hbm4b:s1+s28], $0x80, s21, s28, $0xb8;
	[tilespmem:$0x1F300] =	vst v63  }
0x2b4: {  	s21 =	simm.s32 $0x700  }
0x2b5: {  	[tilespmem:s0], [sflag:$0x1] =	stream.indirect.gather [hbm4b:s1+s28], $0x80, s21, s28, $0xb8;
	[tilespmem:$0x1F300] =	vst v63  }
0x2b6: {  	s14 =	simm.s32 $0x780  }
0x2b7: {  	[tilespmem:s7], [sflag:$0x1] =	stream.indirect.gather [hbm4b:s1+s28], $0x80, s14, s28, $0xb8;
	[tilespmem:$0x1F300] =	vst v63  }
0x2b8: {  	_ =	swait.ge [sflag:s8], $0x2800  }
0x2b9: {  	[sflag:s8] =	ssyncset.done $0x0  }
0x2ba: {  	[sflag:s8] =	ssyncadd.s32 $0xFFFFD800  }
0x2bb: {  	_ =	swait.ge [sflag:s8], $0x2800  }
0x2bc: {  	[sflag:s8] =	ssyncset.done $0x0  }
0x2bd: {  	[sflag:s8] =	ssyncadd.s32 $0xFFFFD800  }
0x2be: {  	_ =	swait.ge [sflag:s8], $0x2800  }
0x2bf: {  	[sflag:s8] =	ssyncset.done $0x0  }
0x2c0: {  	[sflag:s8] =	ssyncadd.s32 $0xFFFFD800  }
0x2c1: {  	_ =	swait.ge [sflag:s8], $0x2800  }
0x2c2: {  	[sflag:s8] =	ssyncset.done $0x0  }
0x2c3: {  	s19 =	simm.s32 $0xE00;
	[sflag:s8] =	ssyncadd.s32 $0xFFFFD800  }
0x2c4: {  	[spmem:s2] =	stream.indirect.scatter.add.f32 [tilespmem:s23], [sflag:$0x2], $0x80, s19, s28, $0xb8;
	[tilespmem:$0x1F300] =	vst v63  }
0x2c5: {  	_ =	swait.ge [sflag:s25], $0x2800  }
0x2c6: {  	[sflag:s25] =	ssyncset.done $0x0  }
0x2c7: {  	[sflag:s25] =	ssyncadd.s32 $0xFFFFD800  }
0x2c8: {  	[spmem:s4] =	stream.indirect.scatter.add.f32 [tilespmem:s9], [sflag:$0x2], $0x1, s19, s28, $0xb8;
	[tilespmem:$0x1F300] =	vst v63  }
0x2c9: {  	_ =	swait.ge [sflag:s25], $0x50  }
0x2ca: {  	[sflag:s25] =	ssyncset.done $0x0  }
0x2cb: {  	s20 =	simm.s32 $0xE80;
	[sflag:s25] =	ssyncadd.s32 $0xFFFFFFB0  }
0x2cc: {  	[spmem:s2] =	stream.indirect.scatter.add.f32 [tilespmem:s30], [sflag:$0x2], $0x80, s20, s28, $0xb8;
	[tilespmem:$0x1F300] =	vst v63  }
0x2cd: {  	_ =	swait.ge [sflag:s25], $0x2800  }
0x2ce: {  	[sflag:s25] =	ssyncset.done $0x0  }
0x2cf: {  	[sflag:s25] =	ssyncadd.s32 $0xFFFFD800  }
0x2d0: {  	[spmem:s4] =	stream.indirect.scatter.add.f32 [tilespmem:s9], [sflag:$0x2], $0x1, s20, s28, $0xb8;
	[tilespmem:$0x1F300] =	vst v63  }
0x2d1: {  	_ =	swait.ge [sflag:s25], $0x50  }
0x2d2: {  	[sflag:s25] =	ssyncset.done $0x0  }
0x2d3: {  	s21 =	simm.s32 $0xF00;
	[sflag:s25] =	ssyncadd.s32 $0xFFFFFFB0  }
0x2d4: {  	[spmem:s2] =	stream.indirect.scatter.add.f32 [tilespmem:s0], [sflag:$0x2], $0x80, s21, s28, $0xb8;
	[tilespmem:$0x1F300] =	vst v63  }
0x2d5: {  	_ =	swait.ge [sflag:s25], $0x2800  }
0x2d6: {  	[sflag:s25] =	ssyncset.done $0x0  }
0x2d7: {  	[sflag:s25] =	ssyncadd.s32 $0xFFFFD800  }
0x2d8: {  	[spmem:s4] =	stream.indirect.scatter.add.f32 [tilespmem:s9], [sflag:$0x2], $0x1, s21, s28, $0xb8;
	[tilespmem:$0x1F300] =	vst v63  }
0x2d9: {  	_ =	swait.ge [sflag:s25], $0x50  }
0x2da: {  	[sflag:s25] =	ssyncset.done $0x0  }
0x2db: {  	s19 =	simm.s32 $0xF80;
	[sflag:s25] =	ssyncadd.s32 $0xFFFFFFB0  }
0x2dc: {  	[spmem:s2] =	stream.indirect.scatter.add.f32 [tilespmem:s7], [sflag:$0x2], $0x80, s19, s28, $0xb8;
	[tilespmem:$0x1F300] =	vst v63  }
0x2dd: {  	_ =	swait.ge [sflag:s25], $0x2800  }
0x2de: {  	[sflag:s25] =	ssyncset.done $0x0  }
0x2df: {  	[sflag:s25] =	ssyncadd.s32 $0xFFFFD800  }
0x2e0: {  	[spmem:s4] =	stream.indirect.scatter.add.f32 [tilespmem:s9], [sflag:$0x2], $0x1, s19, s28, $0xb8;
	[tilespmem:$0x1F300] =	vst v63  }
0x2e1: {  	_ =	swait.ge [sflag:s25], $0x50  }
0x2e2: {  	[sflag:s25] =	ssyncset.done $0x0  }
0x2e3: {  	s19 =	sadd.s32 $0x300, s29;
	[sflag:s25] =	ssyncadd.s32 $0xFFFFFFB0  }
0x2e4: {  	[tilespmem:s10], [sflag:$0x2] =	stream.linear.gather [hbm4b:s19+s10], $0x800, $0x38;
	[tilespmem:$0x1F300] =	vst v63  }
0x2e5: {  	_ =	swait.ge [sflag:s25], $0x800  }
0x2e6: {  	[sflag:s25] =	ssyncset.done $0x0  }
0x2e7: {  	s19 =	sadd.s32 $0x300, s24;
	[sflag:s25] =	ssyncadd.s32 $0xFFFFF800  }
0x2e8: {  	[tilespmem:s26], [sflag:$0x2] =	stream.linear.gather [hbm4b:s19+s10], $0x800, $0x38;
	[tilespmem:$0x1F300] =	vst v63  }
0x2e9: {  	_ =	swait.ge [sflag:s25], $0x800  }
0x2ea: {  	[sflag:s25] =	ssyncset.done $0x0  }
0x2eb: {  	[sflag:s25] =	ssyncadd.s32 $0xFFFFF800  }
0x2ec: {  	[tilespmem:s23], [sflag:$0x1] =	stream.indirect.gather [hbm4b:s1+s28], $0x80, s10, s28, $0xb8;
	[tilespmem:$0x1F300] =	vst v63  }
0x2ed: {  	s3 =	smov.u32 s29;
	s29 =	smov.u32 s24;
	s24 =	simm.s32 $0x80  }
0x2ee: {  	[tilespmem:s30], [sflag:$0x1] =	stream.indirect.gather [hbm4b:s1+s28], $0x80, s24, s28, $0xb8;
	[tilespmem:$0x1F300] =	vst v63  }
0x2ef: {  	s24 =	simm.s32 $0x100  }
0x2f0: {  	[tilespmem:s0], [sflag:$0x1] =	stream.indirect.gather [hbm4b:s1+s28], $0x80, s24, s28, $0xb8;
	[tilespmem:$0x1F300] =	vst v63  }
0x2f1: {  	s24 =	simm.s32 $0x180  }
0x2f2: {  	[tilespmem:s7], [sflag:$0x1] =	stream.indirect.gather [hbm4b:s1+s28], $0x80, s24, s28, $0xb8;
	[tilespmem:$0x1F300] =	vst v63  }
0x2f3: {  	_ =	swait.ge [sflag:s8], $0x2800  }
0x2f4: {  	[sflag:s8] =	ssyncset.done $0x0  }
0x2f5: {  	[sflag:s8] =	ssyncadd.s32 $0xFFFFD800  }
0x2f6: {  	_ =	swait.ge [sflag:s8], $0x2800  }
0x2f7: {  	[sflag:s8] =	ssyncset.done $0x0  }
0x2f8: {  	[sflag:s8] =	ssyncadd.s32 $0xFFFFD800  }
0x2f9: {  	_ =	swait.ge [sflag:s8], $0x2800  }
0x2fa: {  	[sflag:s8] =	ssyncset.done $0x0  }
0x2fb: {  	[sflag:s8] =	ssyncadd.s32 $0xFFFFD800  }
0x2fc: {  	_ =	swait.ge [sflag:s8], $0x2800  }
0x2fd: {  	[sflag:s8] =	ssyncset.done $0x0  }
0x2fe: {  	[sflag:s8] =	ssyncadd.s32 $0xFFFFD800  }
0x2ff: {  	[spmem:s2] =	stream.indirect.scatter.add.f32 [tilespmem:s23], [sflag:$0x2], $0x80, s26, s28, $0xb8;
	[tilespmem:$0x1F300] =	vst v63  }
0x300: {  	_ =	swait.ge [sflag:s25], $0x2800  }
0x301: {  	[sflag:s25] =	ssyncset.done $0x0  }
0x302: {  	[sflag:s25] =	ssyncadd.s32 $0xFFFFD800  }
0x303: {  	[spmem:s4] =	stream.indirect.scatter.add.f32 [tilespmem:s9], [sflag:$0x2], $0x1, s26, s28, $0xb8;
	[tilespmem:$0x1F300] =	vst v63  }
0x304: {  	_ =	swait.ge [sflag:s25], $0x50  }
0x305: {  	[sflag:s25] =	ssyncset.done $0x0  }
0x306: {  	s6 =	simm.s32 $0x880;
	[sflag:s25] =	ssyncadd.s32 $0xFFFFFFB0  }
0x307: {  	[spmem:s2] =	stream.indirect.scatter.add.f32 [tilespmem:s30], [sflag:$0x2], $0x80, s6, s28, $0xb8;
	[tilespmem:$0x1F300] =	vst v63  }
0x308: {  	_ =	swait.ge [sflag:s25], $0x2800  }
0x309: {  	[sflag:s25] =	ssyncset.done $0x0  }
0x30a: {  	[sflag:s25] =	ssyncadd.s32 $0xFFFFD800  }
0x30b: {  	[spmem:s4] =	stream.indirect.scatter.add.f32 [tilespmem:s9], [sflag:$0x2], $0x1, s6, s28, $0xb8;
	[tilespmem:$0x1F300] =	vst v63  }
0x30c: {  	_ =	swait.ge [sflag:s25], $0x50  }
0x30d: {  	[sflag:s25] =	ssyncset.done $0x0  }
0x30e: {  	s11 =	simm.s32 $0x900;
	[sflag:s25] =	ssyncadd.s32 $0xFFFFFFB0  }
0x30f: {  	[spmem:s2] =	stream.indirect.scatter.add.f32 [tilespmem:s0], [sflag:$0x2], $0x80, s11, s28, $0xb8;
	[tilespmem:$0x1F300] =	vst v63  }
0x310: {  	_ =	swait.ge [sflag:s25], $0x2800  }
0x311: {  	[sflag:s25] =	ssyncset.done $0x0  }
0x312: {  	[sflag:s25] =	ssyncadd.s32 $0xFFFFD800  }
0x313: {  	[spmem:s4] =	stream.indirect.scatter.add.f32 [tilespmem:s9], [sflag:$0x2], $0x1, s11, s28, $0xb8;
	[tilespmem:$0x1F300] =	vst v63  }
0x314: {  	_ =	swait.ge [sflag:s25], $0x50  }
0x315: {  	[sflag:s25] =	ssyncset.done $0x0  }
0x316: {  	s15 =	simm.s32 $0x980;
	[sflag:s25] =	ssyncadd.s32 $0xFFFFFFB0  }
0x317: {  	[spmem:s2] =	stream.indirect.scatter.add.f32 [tilespmem:s7], [sflag:$0x2], $0x80, s15, s28, $0xb8;
	[tilespmem:$0x1F300] =	vst v63  }
0x318: {  	_ =	swait.ge [sflag:s25], $0x2800  }
0x319: {  	[sflag:s25] =	ssyncset.done $0x0  }
0x31a: {  	[sflag:s25] =	ssyncadd.s32 $0xFFFFD800  }
0x31b: {  	[spmem:s4] =	stream.indirect.scatter.add.f32 [tilespmem:s9], [sflag:$0x2], $0x1, s15, s28, $0xb8;
	[tilespmem:$0x1F300] =	vst v63  }
0x31c: {  	_ =	swait.ge [sflag:s25], $0x50  }
0x31d: {  	[sflag:s25] =	ssyncset.done $0x0  }
0x31e: {  	s11 =	simm.s32 $0x200;
	[sflag:s25] =	ssyncadd.s32 $0xFFFFFFB0  }
0x31f: {  	[tilespmem:s23], [sflag:$0x1] =	stream.indirect.gather [hbm4b:s1+s28], $0x80, s11, s28, $0xb8;
	[tilespmem:$0x1F300] =	vst v63  }
0x320: {  	s15 =	simm.s32 $0x280  }
0x321: {  	[tilespmem:s30], [sflag:$0x1] =	stream.indirect.gather [hbm4b:s1+s28], $0x80, s15, s28, $0xb8;
	[tilespmem:$0x1F300] =	vst v63  }
0x322: {  	s19 =	simm.s32 $0x300  }
0x323: {  	[tilespmem:s0], [sflag:$0x1] =	stream.indirect.gather [hbm4b:s1+s28], $0x80, s19, s28, $0xb8;
	[tilespmem:$0x1F300] =	vst v63  }
0x324: {  	s15 =	simm.s32 $0x380  }
0x325: {  	[tilespmem:s7], [sflag:$0x1] =	stream.indirect.gather [hbm4b:s1+s28], $0x80, s15, s28, $0xb8;
	[tilespmem:$0x1F300] =	vst v63  }
0x326: {  	_ =	swait.ge [sflag:s8], $0x2800  }
0x327: {  	[sflag:s8] =	ssyncset.done $0x0  }
0x328: {  	[sflag:s8] =	ssyncadd.s32 $0xFFFFD800  }
0x329: {  	_ =	swait.ge [sflag:s8], $0x2800  }
0x32a: {  	[sflag:s8] =	ssyncset.done $0x0  }
0x32b: {  	[sflag:s8] =	ssyncadd.s32 $0xFFFFD800  }
0x32c: {  	_ =	swait.ge [sflag:s8], $0x2800  }
0x32d: {  	[sflag:s8] =	ssyncset.done $0x0  }
0x32e: {  	[sflag:s8] =	ssyncadd.s32 $0xFFFFD800  }
0x32f: {  	_ =	swait.ge [sflag:s8], $0x2800  }
0x330: {  	[sflag:s8] =	ssyncset.done $0x0  }
0x331: {  	s16 =	simm.s32 $0xA00;
	[sflag:s8] =	ssyncadd.s32 $0xFFFFD800  }
0x332: {  	[spmem:s2] =	stream.indirect.scatter.add.f32 [tilespmem:s23], [sflag:$0x2], $0x80, s16, s28, $0xb8;
	[tilespmem:$0x1F300] =	vst v63  }
0x333: {  	_ =	swait.ge [sflag:s25], $0x2800  }
0x334: {  	[sflag:s25] =	ssyncset.done $0x0  }
0x335: {  	[sflag:s25] =	ssyncadd.s32 $0xFFFFD800  }
0x336: {  	[spmem:s4] =	stream.indirect.scatter.add.f32 [tilespmem:s9], [sflag:$0x2], $0x1, s16, s28, $0xb8;
	[tilespmem:$0x1F300] =	vst v63  }
0x337: {  	_ =	swait.ge [sflag:s25], $0x50  }
0x338: {  	[sflag:s25] =	ssyncset.done $0x0  }
0x339: {  	s17 =	simm.s32 $0xA80;
	[sflag:s25] =	ssyncadd.s32 $0xFFFFFFB0  }
0x33a: {  	[spmem:s2] =	stream.indirect.scatter.add.f32 [tilespmem:s30], [sflag:$0x2], $0x80, s17, s28, $0xb8;
	[tilespmem:$0x1F300] =	vst v63  }
0x33b: {  	_ =	swait.ge [sflag:s25], $0x2800  }
0x33c: {  	[sflag:s25] =	ssyncset.done $0x0  }
0x33d: {  	[sflag:s25] =	ssyncadd.s32 $0xFFFFD800  }
0x33e: {  	[spmem:s4] =	stream.indirect.scatter.add.f32 [tilespmem:s9], [sflag:$0x2], $0x1, s17, s28, $0xb8;
	[tilespmem:$0x1F300] =	vst v63  }
0x33f: {  	_ =	swait.ge [sflag:s25], $0x50  }
0x340: {  	[sflag:s25] =	ssyncset.done $0x0  }
0x341: {  	s18 =	simm.s32 $0xB00;
	[sflag:s25] =	ssyncadd.s32 $0xFFFFFFB0  }
0x342: {  	[spmem:s2] =	stream.indirect.scatter.add.f32 [tilespmem:s0], [sflag:$0x2], $0x80, s18, s28, $0xb8;
	[tilespmem:$0x1F300] =	vst v63  }
0x343: {  	_ =	swait.ge [sflag:s25], $0x2800  }
0x344: {  	[sflag:s25] =	ssyncset.done $0x0  }
0x345: {  	[sflag:s25] =	ssyncadd.s32 $0xFFFFD800  }
0x346: {  	[spmem:s4] =	stream.indirect.scatter.add.f32 [tilespmem:s9], [sflag:$0x2], $0x1, s18, s28, $0xb8;
	[tilespmem:$0x1F300] =	vst v63  }
0x347: {  	_ =	swait.ge [sflag:s25], $0x50  }
0x348: {  	[sflag:s25] =	ssyncset.done $0x0  }
0x349: {  	s5 =	simm.s32 $0xB80;
	[sflag:s25] =	ssyncadd.s32 $0xFFFFFFB0  }
0x34a: {  	[spmem:s2] =	stream.indirect.scatter.add.f32 [tilespmem:s7], [sflag:$0x2], $0x80, s5, s28, $0xb8;
	[tilespmem:$0x1F300] =	vst v63  }
0x34b: {  	_ =	swait.ge [sflag:s25], $0x2800  }
0x34c: {  	[sflag:s25] =	ssyncset.done $0x0  }
0x34d: {  	[sflag:s25] =	ssyncadd.s32 $0xFFFFD800  }
0x34e: {  	[spmem:s4] =	stream.indirect.scatter.add.f32 [tilespmem:s9], [sflag:$0x2], $0x1, s5, s28, $0xb8;
	[tilespmem:$0x1F300] =	vst v63  }
0x34f: {  	_ =	swait.ge [sflag:s25], $0x50  }
0x350: {  	[sflag:s25] =	ssyncset.done $0x0  }
0x351: {  	s16 =	simm.s32 $0x400;
	[sflag:s25] =	ssyncadd.s32 $0xFFFFFFB0  }
0x352: {  	[tilespmem:s23], [sflag:$0x1] =	stream.indirect.gather [hbm4b:s1+s28], $0x80, s16, s28, $0xb8;
	[tilespmem:$0x1F300] =	vst v63  }
0x353: {  	s17 =	simm.s32 $0x480  }
0x354: {  	[tilespmem:s30], [sflag:$0x1] =	stream.indirect.gather [hbm4b:s1+s28], $0x80, s17, s28, $0xb8;
	[tilespmem:$0x1F300] =	vst v63  }
0x355: {  	s18 =	simm.s32 $0x500  }
0x356: {  	[tilespmem:s0], [sflag:$0x1] =	stream.indirect.gather [hbm4b:s1+s28], $0x80, s18, s28, $0xb8;
	[tilespmem:$0x1F300] =	vst v63  }
0x357: {  	s19 =	simm.s32 $0x580  }
0x358: {  	[tilespmem:s7], [sflag:$0x1] =	stream.indirect.gather [hbm4b:s1+s28], $0x80, s19, s28, $0xb8;
	[tilespmem:$0x1F300] =	vst v63  }
0x359: {  	_ =	swait.ge [sflag:s8], $0x2800  }
0x35a: {  	[sflag:s8] =	ssyncset.done $0x0  }
0x35b: {  	[sflag:s8] =	ssyncadd.s32 $0xFFFFD800  }
0x35c: {  	_ =	swait.ge [sflag:s8], $0x2800  }
0x35d: {  	[sflag:s8] =	ssyncset.done $0x0  }
0x35e: {  	[sflag:s8] =	ssyncadd.s32 $0xFFFFD800  }
0x35f: {  	_ =	swait.ge [sflag:s8], $0x2800  }
0x360: {  	[sflag:s8] =	ssyncset.done $0x0  }
0x361: {  	[sflag:s8] =	ssyncadd.s32 $0xFFFFD800  }
0x362: {  	_ =	swait.ge [sflag:s8], $0x2800  }
0x363: {  	[sflag:s8] =	ssyncset.done $0x0  }
0x364: {  	s31 =	simm.s32 $0xC00;
	[sflag:s8] =	ssyncadd.s32 $0xFFFFD800  }
0x365: {  	[spmem:s2] =	stream.indirect.scatter.add.f32 [tilespmem:s23], [sflag:$0x2], $0x80, s31, s28, $0xb8;
	[tilespmem:$0x1F300] =	vst v63  }
0x366: {  	_ =	swait.ge [sflag:s25], $0x2800  }
0x367: {  	[sflag:s25] =	ssyncset.done $0x0  }
0x368: {  	[sflag:s25] =	ssyncadd.s32 $0xFFFFD800  }
0x369: {  	[spmem:s4] =	stream.indirect.scatter.add.f32 [tilespmem:s9], [sflag:$0x2], $0x1, s31, s28, $0xb8;
	[tilespmem:$0x1F300] =	vst v63  }
0x36a: {  	_ =	swait.ge [sflag:s25], $0x50  }
0x36b: {  	[sflag:s25] =	ssyncset.done $0x0  }
0x36c: {  	s12 =	simm.s32 $0xC80;
	[sflag:s25] =	ssyncadd.s32 $0xFFFFFFB0  }
0x36d: {  	[spmem:s2] =	stream.indirect.scatter.add.f32 [tilespmem:s30], [sflag:$0x2], $0x80, s12, s28, $0xb8;
	[tilespmem:$0x1F300] =	vst v63  }
0x36e: {  	_ =	swait.ge [sflag:s25], $0x2800  }
0x36f: {  	[sflag:s25] =	ssyncset.done $0x0  }
0x370: {  	[sflag:s25] =	ssyncadd.s32 $0xFFFFD800  }
0x371: {  	[spmem:s4] =	stream.indirect.scatter.add.f32 [tilespmem:s9], [sflag:$0x2], $0x1, s12, s28, $0xb8;
	[tilespmem:$0x1F300] =	vst v63  }
0x372: {  	_ =	swait.ge [sflag:s25], $0x50  }
0x373: {  	[sflag:s25] =	ssyncset.done $0x0  }
0x374: {  	s13 =	simm.s32 $0xD00;
	[sflag:s25] =	ssyncadd.s32 $0xFFFFFFB0  }
0x375: {  	[spmem:s2] =	stream.indirect.scatter.add.f32 [tilespmem:s0], [sflag:$0x2], $0x80, s13, s28, $0xb8;
	[tilespmem:$0x1F300] =	vst v63  }
0x376: {  	_ =	swait.ge [sflag:s25], $0x2800  }
0x377: {  	[sflag:s25] =	ssyncset.done $0x0  }
0x378: {  	[sflag:s25] =	ssyncadd.s32 $0xFFFFD800  }
0x379: {  	[spmem:s4] =	stream.indirect.scatter.add.f32 [tilespmem:s9], [sflag:$0x2], $0x1, s13, s28, $0xb8;
	[tilespmem:$0x1F300] =	vst v63  }
0x37a: {  	_ =	swait.ge [sflag:s25], $0x50  }
0x37b: {  	[sflag:s25] =	ssyncset.done $0x0  }
0x37c: {  	s22 =	simm.s32 $0xD80;
	[sflag:s25] =	ssyncadd.s32 $0xFFFFFFB0  }
0x37d: {  	[spmem:s2] =	stream.indirect.scatter.add.f32 [tilespmem:s7], [sflag:$0x2], $0x80, s22, s28, $0xb8;
	[tilespmem:$0x1F300] =	vst v63  }
0x37e: {  	_ =	swait.ge [sflag:s25], $0x2800  }
0x37f: {  	[sflag:s25] =	ssyncset.done $0x0  }
0x380: {  	[sflag:s25] =	ssyncadd.s32 $0xFFFFD800  }
0x381: {  	[spmem:s4] =	stream.indirect.scatter.add.f32 [tilespmem:s9], [sflag:$0x2], $0x1, s22, s28, $0xb8;
	[tilespmem:$0x1F300] =	vst v63  }
0x382: {  	_ =	swait.ge [sflag:s25], $0x50  }
0x383: {  	[sflag:s25] =	ssyncset.done $0x0  }
0x384: {  	s31 =	simm.s32 $0x600;
	[sflag:s25] =	ssyncadd.s32 $0xFFFFFFB0  }
0x385: {  	[tilespmem:s23], [sflag:$0x1] =	stream.indirect.gather [hbm4b:s1+s28], $0x80, s31, s28, $0xb8;
	[tilespmem:$0x1F300] =	vst v63  }
0x386: {  	s12 =	simm.s32 $0x680  }
0x387: {  	[tilespmem:s30], [sflag:$0x1] =	stream.indirect.gather [hbm4b:s1+s28], $0x80, s12, s28, $0xb8;
	[tilespmem:$0x1F300] =	vst v63  }
0x388: {  	s13 =	simm.s32 $0x700  }
0x389: {  	[tilespmem:s0], [sflag:$0x1] =	stream.indirect.gather [hbm4b:s1+s28], $0x80, s13, s28, $0xb8;
	[tilespmem:$0x1F300] =	vst v63  }
0x38a: {  	s16 =	simm.s32 $0x780  }
0x38b: {  	[tilespmem:s7], [sflag:$0x1] =	stream.indirect.gather [hbm4b:s1+s28], $0x80, s16, s28, $0xb8;
	[tilespmem:$0x1F300] =	vst v63  }
0x38c: {  	_ =	swait.ge [sflag:s8], $0x2800  }
0x38d: {  	[sflag:s8] =	ssyncset.done $0x0  }
0x38e: {  	[sflag:s8] =	ssyncadd.s32 $0xFFFFD800  }
0x38f: {  	_ =	swait.ge [sflag:s8], $0x2800  }
0x390: {  	[sflag:s8] =	ssyncset.done $0x0  }
0x391: {  	[sflag:s8] =	ssyncadd.s32 $0xFFFFD800  }
0x392: {  	_ =	swait.ge [sflag:s8], $0x2800  }
0x393: {  	[sflag:s8] =	ssyncset.done $0x0  }
0x394: {  	[sflag:s8] =	ssyncadd.s32 $0xFFFFD800  }
0x395: {  	_ =	swait.ge [sflag:s8], $0x2800  }
0x396: {  	[sflag:s8] =	ssyncset.done $0x0  }
0x397: {  	s14 =	simm.s32 $0xE00;
	[sflag:s8] =	ssyncadd.s32 $0xFFFFD800  }
0x398: {  	[spmem:s2] =	stream.indirect.scatter.add.f32 [tilespmem:s23], [sflag:$0x2], $0x80, s14, s28, $0xb8;
	[tilespmem:$0x1F300] =	vst v63  }
0x399: {  	_ =	swait.ge [sflag:s25], $0x2800  }
0x39a: {  	[sflag:s25] =	ssyncset.done $0x0  }
0x39b: {  	[sflag:s25] =	ssyncadd.s32 $0xFFFFD800  }
0x39c: {  	[spmem:s4] =	stream.indirect.scatter.add.f32 [tilespmem:s9], [sflag:$0x2], $0x1, s14, s28, $0xb8;
	[tilespmem:$0x1F300] =	vst v63  }
0x39d: {  	_ =	swait.ge [sflag:s25], $0x50  }
0x39e: {  	[sflag:s25] =	ssyncset.done $0x0  }
0x39f: {  	s20 =	simm.s32 $0xE80;
	[sflag:s25] =	ssyncadd.s32 $0xFFFFFFB0  }
0x3a0: {  	[spmem:s2] =	stream.indirect.scatter.add.f32 [tilespmem:s30], [sflag:$0x2], $0x80, s20, s28, $0xb8;
	[tilespmem:$0x1F300] =	vst v63  }
0x3a1: {  	_ =	swait.ge [sflag:s25], $0x2800  }
0x3a2: {  	[sflag:s25] =	ssyncset.done $0x0  }
0x3a3: {  	[sflag:s25] =	ssyncadd.s32 $0xFFFFD800  }
0x3a4: {  	[spmem:s4] =	stream.indirect.scatter.add.f32 [tilespmem:s9], [sflag:$0x2], $0x1, s20, s28, $0xb8;
	[tilespmem:$0x1F300] =	vst v63  }
0x3a5: {  	_ =	swait.ge [sflag:s25], $0x50  }
0x3a6: {  	[sflag:s25] =	ssyncset.done $0x0  }
0x3a7: {  	s21 =	simm.s32 $0xF00;
	[sflag:s25] =	ssyncadd.s32 $0xFFFFFFB0  }
0x3a8: {  	[spmem:s2] =	stream.indirect.scatter.add.f32 [tilespmem:s0], [sflag:$0x2], $0x80, s21, s28, $0xb8;
	[tilespmem:$0x1F300] =	vst v63  }
0x3a9: {  	_ =	swait.ge [sflag:s25], $0x2800  }
0x3aa: {  	[sflag:s25] =	ssyncset.done $0x0  }
0x3ab: {  	[sflag:s25] =	ssyncadd.s32 $0xFFFFD800  }
0x3ac: {  	[spmem:s4] =	stream.indirect.scatter.add.f32 [tilespmem:s9], [sflag:$0x2], $0x1, s21, s28, $0xb8;
	[tilespmem:$0x1F300] =	vst v63  }
0x3ad: {  	_ =	swait.ge [sflag:s25], $0x50  }
0x3ae: {  	[sflag:s25] =	ssyncset.done $0x0  }
0x3af: {  	s17 =	simm.s32 $0xF80;
	[sflag:s25] =	ssyncadd.s32 $0xFFFFFFB0  }
0x3b0: {  	[spmem:s2] =	stream.indirect.scatter.add.f32 [tilespmem:s7], [sflag:$0x2], $0x80, s17, s28, $0xb8;
	[tilespmem:$0x1F300] =	vst v63  }
0x3b1: {  	_ =	swait.ge [sflag:s25], $0x2800  }
0x3b2: {  	[sflag:s25] =	ssyncset.done $0x0  }
0x3b3: {  	[sflag:s25] =	ssyncadd.s32 $0xFFFFD800  }
0x3b4: {  	[spmem:s4] =	stream.indirect.scatter.add.f32 [tilespmem:s9], [sflag:$0x2], $0x1, s17, s28, $0xb8;
	[tilespmem:$0x1F300] =	vst v63  }
0x3b5: {  	_ =	swait.ge [sflag:s25], $0x50  }
0x3b6: {  	[sflag:s25] =	ssyncset.done $0x0  }
0x3b7: {  	s18 =	sadd.s32 $0x400, s3;
	[sflag:s25] =	ssyncadd.s32 $0xFFFFFFB0  }
0x3b8: {  	[tilespmem:s10], [sflag:$0x2] =	stream.linear.gather [hbm4b:s18+s10], $0x800, $0x38;
	[tilespmem:$0x1F300] =	vst v63  }
0x3b9: {  	_ =	swait.ge [sflag:s25], $0x800  }
0x3ba: {  	[sflag:s25] =	ssyncset.done $0x0  }
0x3bb: {  	s20 =	sadd.s32 $0x400, s29;
	[sflag:s25] =	ssyncadd.s32 $0xFFFFF800  }
0x3bc: {  	[tilespmem:s26], [sflag:$0x2] =	stream.linear.gather [hbm4b:s20+s10], $0x800, $0x38;
	[tilespmem:$0x1F300] =	vst v63  }
0x3bd: {  	_ =	swait.ge [sflag:s25], $0x800  }
0x3be: {  	[sflag:s25] =	ssyncset.done $0x0  }
0x3bf: {  	[sflag:s25] =	ssyncadd.s32 $0xFFFFF800  }
0x3c0: {  	[tilespmem:s23], [sflag:$0x1] =	stream.indirect.gather [hbm4b:s1+s28], $0x80, s10, s28, $0xb8;
	[tilespmem:$0x1F300] =	vst v63  }
0x3c1: {  	s21 =	simm.s32 $0x80  }
0x3c2: {  	[tilespmem:s30], [sflag:$0x1] =	stream.indirect.gather [hbm4b:s1+s28], $0x80, s21, s28, $0xb8;
	[tilespmem:$0x1F300] =	vst v63  }
0x3c3: {  	s31 =	simm.s32 $0x100  }
0x3c4: {  	[tilespmem:s0], [sflag:$0x1] =	stream.indirect.gather [hbm4b:s1+s28], $0x80, s31, s28, $0xb8;
	[tilespmem:$0x1F300] =	vst v63  }
0x3c5: {  	_ = 	snop  }
0x3c6: {  	[tilespmem:s7], [sflag:$0x1] =	stream.indirect.gather [hbm4b:s1+s28], $0x80, s24, s28, $0xb8;
	[tilespmem:$0x1F300] =	vst v63  }
0x3c7: {  	_ =	swait.ge [sflag:s8], $0x2800  }
0x3c8: {  	[sflag:s8] =	ssyncset.done $0x0  }
0x3c9: {  	[sflag:s8] =	ssyncadd.s32 $0xFFFFD800  }
0x3ca: {  	_ =	swait.ge [sflag:s8], $0x2800  }
0x3cb: {  	[sflag:s8] =	ssyncset.done $0x0  }
0x3cc: {  	[sflag:s8] =	ssyncadd.s32 $0xFFFFD800  }
0x3cd: {  	_ =	swait.ge [sflag:s8], $0x2800  }
0x3ce: {  	[sflag:s8] =	ssyncset.done $0x0  }
0x3cf: {  	[sflag:s8] =	ssyncadd.s32 $0xFFFFD800  }
0x3d0: {  	_ =	swait.ge [sflag:s8], $0x2800  }
0x3d1: {  	[sflag:s8] =	ssyncset.done $0x0  }
0x3d2: {  	[sflag:s8] =	ssyncadd.s32 $0xFFFFD800  }
0x3d3: {  	[spmem:s2] =	stream.indirect.scatter.add.f32 [tilespmem:s23], [sflag:$0x2], $0x80, s26, s28, $0xb8;
	[tilespmem:$0x1F300] =	vst v63  }
0x3d4: {  	_ =	swait.ge [sflag:s25], $0x2800  }
0x3d5: {  	[sflag:s25] =	ssyncset.done $0x0  }
0x3d6: {  	[sflag:s25] =	ssyncadd.s32 $0xFFFFD800  }
0x3d7: {  	[spmem:s4] =	stream.indirect.scatter.add.f32 [tilespmem:s9], [sflag:$0x2], $0x1, s26, s28, $0xb8;
	[tilespmem:$0x1F300] =	vst v63  }
0x3d8: {  	_ =	swait.ge [sflag:s25], $0x50  }
0x3d9: {  	[sflag:s25] =	ssyncset.done $0x0  }
0x3da: {  	s11 =	simm.s32 $0x880;
	[sflag:s25] =	ssyncadd.s32 $0xFFFFFFB0  }
0x3db: {  	[spmem:s2] =	stream.indirect.scatter.add.f32 [tilespmem:s30], [sflag:$0x2], $0x80, s11, s28, $0xb8;
	[tilespmem:$0x1F300] =	vst v63  }
0x3dc: {  	_ =	swait.ge [sflag:s25], $0x2800  }
0x3dd: {  	[sflag:s25] =	ssyncset.done $0x0  }
0x3de: {  	[sflag:s25] =	ssyncadd.s32 $0xFFFFD800  }
0x3df: {  	[spmem:s4] =	stream.indirect.scatter.add.f32 [tilespmem:s9], [sflag:$0x2], $0x1, s11, s28, $0xb8;
	[tilespmem:$0x1F300] =	vst v63  }
0x3e0: {  	_ =	swait.ge [sflag:s25], $0x50  }
0x3e1: {  	[sflag:s25] =	ssyncset.done $0x0  }
0x3e2: {  	s12 =	simm.s32 $0x900;
	[sflag:s25] =	ssyncadd.s32 $0xFFFFFFB0  }
0x3e3: {  	[spmem:s2] =	stream.indirect.scatter.add.f32 [tilespmem:s0], [sflag:$0x2], $0x80, s12, s28, $0xb8;
	[tilespmem:$0x1F300] =	vst v63  }
0x3e4: {  	_ =	swait.ge [sflag:s25], $0x2800  }
0x3e5: {  	[sflag:s25] =	ssyncset.done $0x0  }
0x3e6: {  	[sflag:s25] =	ssyncadd.s32 $0xFFFFD800  }
0x3e7: {  	[spmem:s4] =	stream.indirect.scatter.add.f32 [tilespmem:s9], [sflag:$0x2], $0x1, s12, s28, $0xb8;
	[tilespmem:$0x1F300] =	vst v63  }
0x3e8: {  	_ =	swait.ge [sflag:s25], $0x50  }
0x3e9: {  	[sflag:s25] =	ssyncset.done $0x0  }
0x3ea: {  	s13 =	simm.s32 $0x980;
	[sflag:s25] =	ssyncadd.s32 $0xFFFFFFB0  }
0x3eb: {  	[spmem:s2] =	stream.indirect.scatter.add.f32 [tilespmem:s7], [sflag:$0x2], $0x80, s13, s28, $0xb8;
	[tilespmem:$0x1F300] =	vst v63  }
0x3ec: {  	_ =	swait.ge [sflag:s25], $0x2800  }
0x3ed: {  	[sflag:s25] =	ssyncset.done $0x0  }
0x3ee: {  	[sflag:s25] =	ssyncadd.s32 $0xFFFFD800  }
0x3ef: {  	[spmem:s4] =	stream.indirect.scatter.add.f32 [tilespmem:s9], [sflag:$0x2], $0x1, s13, s28, $0xb8;
	[tilespmem:$0x1F300] =	vst v63  }
0x3f0: {  	_ =	swait.ge [sflag:s25], $0x50  }
0x3f1: {  	[sflag:s25] =	ssyncset.done $0x0  }
0x3f2: {  	s6 =	simm.s32 $0x200;
	[sflag:s25] =	ssyncadd.s32 $0xFFFFFFB0  }
0x3f3: {  	[tilespmem:s23], [sflag:$0x1] =	stream.indirect.gather [hbm4b:s1+s28], $0x80, s6, s28, $0xb8;
	[tilespmem:$0x1F300] =	vst v63  }
0x3f4: {  	s14 =	simm.s32 $0x280  }
0x3f5: {  	[tilespmem:s30], [sflag:$0x1] =	stream.indirect.gather [hbm4b:s1+s28], $0x80, s14, s28, $0xb8;
	[tilespmem:$0x1F300] =	vst v63  }
0x3f6: {  	s18 =	simm.s32 $0x300  }
0x3f7: {  	[tilespmem:s0], [sflag:$0x1] =	stream.indirect.gather [hbm4b:s1+s28], $0x80, s18, s28, $0xb8;
	[tilespmem:$0x1F300] =	vst v63  }
0x3f8: {  	s19 =	simm.s32 $0x380  }
0x3f9: {  	[tilespmem:s7], [sflag:$0x1] =	stream.indirect.gather [hbm4b:s1+s28], $0x80, s19, s28, $0xb8;
	[tilespmem:$0x1F300] =	vst v63  }
0x3fa: {  	_ =	swait.ge [sflag:s8], $0x2800  }
0x3fb: {  	[sflag:s8] =	ssyncset.done $0x0  }
0x3fc: {  	[sflag:s8] =	ssyncadd.s32 $0xFFFFD800  }
0x3fd: {  	_ =	swait.ge [sflag:s8], $0x2800  }
0x3fe: {  	[sflag:s8] =	ssyncset.done $0x0  }
0x3ff: {  	[sflag:s8] =	ssyncadd.s32 $0xFFFFD800  }
0x400: {  	_ =	swait.ge [sflag:s8], $0x2800  }
0x401: {  	[sflag:s8] =	ssyncset.done $0x0  }
0x402: {  	[sflag:s8] =	ssyncadd.s32 $0xFFFFD800  }
0x403: {  	_ =	swait.ge [sflag:s8], $0x2800  }
0x404: {  	[sflag:s8] =	ssyncset.done $0x0  }
0x405: {  	s20 =	simm.s32 $0xA00;
	[sflag:s8] =	ssyncadd.s32 $0xFFFFD800  }
0x406: {  	[spmem:s2] =	stream.indirect.scatter.add.f32 [tilespmem:s23], [sflag:$0x2], $0x80, s20, s28, $0xb8;
	[tilespmem:$0x1F300] =	vst v63  }
0x407: {  	_ =	swait.ge [sflag:s25], $0x2800  }
0x408: {  	[sflag:s25] =	ssyncset.done $0x0  }
0x409: {  	[sflag:s25] =	ssyncadd.s32 $0xFFFFD800  }
0x40a: {  	[spmem:s4] =	stream.indirect.scatter.add.f32 [tilespmem:s9], [sflag:$0x2], $0x1, s20, s28, $0xb8;
	[tilespmem:$0x1F300] =	vst v63  }
0x40b: {  	_ =	swait.ge [sflag:s25], $0x50  }
0x40c: {  	[sflag:s25] =	ssyncset.done $0x0  }
0x40d: {  	s21 =	simm.s32 $0xA80;
	[sflag:s25] =	ssyncadd.s32 $0xFFFFFFB0  }
0x40e: {  	[spmem:s2] =	stream.indirect.scatter.add.f32 [tilespmem:s30], [sflag:$0x2], $0x80, s21, s28, $0xb8;
	[tilespmem:$0x1F300] =	vst v63  }
0x40f: {  	_ =	swait.ge [sflag:s25], $0x2800  }
0x410: {  	[sflag:s25] =	ssyncset.done $0x0  }
0x411: {  	[sflag:s25] =	ssyncadd.s32 $0xFFFFD800  }
0x412: {  	[spmem:s4] =	stream.indirect.scatter.add.f32 [tilespmem:s9], [sflag:$0x2], $0x1, s21, s28, $0xb8;
	[tilespmem:$0x1F300] =	vst v63  }
0x413: {  	_ =	swait.ge [sflag:s25], $0x50  }
0x414: {  	[sflag:s25] =	ssyncset.done $0x0  }
0x415: {  	s24 =	simm.s32 $0xB00;
	[sflag:s25] =	ssyncadd.s32 $0xFFFFFFB0  }
0x416: {  	[spmem:s2] =	stream.indirect.scatter.add.f32 [tilespmem:s0], [sflag:$0x2], $0x80, s24, s28, $0xb8;
	[tilespmem:$0x1F300] =	vst v63  }
0x417: {  	_ =	swait.ge [sflag:s25], $0x2800  }
0x418: {  	[sflag:s25] =	ssyncset.done $0x0  }
0x419: {  	[sflag:s25] =	ssyncadd.s32 $0xFFFFD800  }
0x41a: {  	[spmem:s4] =	stream.indirect.scatter.add.f32 [tilespmem:s9], [sflag:$0x2], $0x1, s24, s28, $0xb8;
	[tilespmem:$0x1F300] =	vst v63  }
0x41b: {  	_ =	swait.ge [sflag:s25], $0x50  }
0x41c: {  	[sflag:s25] =	ssyncset.done $0x0  }
0x41d: {  	s31 =	simm.s32 $0xB80;
	[sflag:s25] =	ssyncadd.s32 $0xFFFFFFB0  }
0x41e: {  	[spmem:s2] =	stream.indirect.scatter.add.f32 [tilespmem:s7], [sflag:$0x2], $0x80, s31, s28, $0xb8;
	[tilespmem:$0x1F300] =	vst v63  }
0x41f: {  	_ =	swait.ge [sflag:s25], $0x2800  }
0x420: {  	[sflag:s25] =	ssyncset.done $0x0  }
0x421: {  	[sflag:s25] =	ssyncadd.s32 $0xFFFFD800  }
0x422: {  	[spmem:s4] =	stream.indirect.scatter.add.f32 [tilespmem:s9], [sflag:$0x2], $0x1, s31, s28, $0xb8;
	[tilespmem:$0x1F300] =	vst v63  }
0x423: {  	_ =	swait.ge [sflag:s25], $0x50  }
0x424: {  	[sflag:s25] =	ssyncset.done $0x0  }
0x425: {  	s5 =	simm.s32 $0x400;
	[sflag:s25] =	ssyncadd.s32 $0xFFFFFFB0  }
0x426: {  	[tilespmem:s23], [sflag:$0x1] =	stream.indirect.gather [hbm4b:s1+s28], $0x80, s5, s28, $0xb8;
	[tilespmem:$0x1F300] =	vst v63  }
0x427: {  	s6 =	simm.s32 $0x480  }
0x428: {  	[tilespmem:s30], [sflag:$0x1] =	stream.indirect.gather [hbm4b:s1+s28], $0x80, s6, s28, $0xb8;
	[tilespmem:$0x1F300] =	vst v63  }
0x429: {  	s12 =	simm.s32 $0x500  }
0x42a: {  	[tilespmem:s0], [sflag:$0x1] =	stream.indirect.gather [hbm4b:s1+s28], $0x80, s12, s28, $0xb8;
	[tilespmem:$0x1F300] =	vst v63  }
0x42b: {  	s13 =	simm.s32 $0x580  }
0x42c: {  	[tilespmem:s7], [sflag:$0x1] =	stream.indirect.gather [hbm4b:s1+s28], $0x80, s13, s28, $0xb8;
	[tilespmem:$0x1F300] =	vst v63  }
0x42d: {  	_ =	swait.ge [sflag:s8], $0x2800  }
0x42e: {  	[sflag:s8] =	ssyncset.done $0x0  }
0x42f: {  	[sflag:s8] =	ssyncadd.s32 $0xFFFFD800  }
0x430: {  	_ =	swait.ge [sflag:s8], $0x2800  }
0x431: {  	[sflag:s8] =	ssyncset.done $0x0  }
0x432: {  	[sflag:s8] =	ssyncadd.s32 $0xFFFFD800  }
0x433: {  	_ =	swait.ge [sflag:s8], $0x2800  }
0x434: {  	[sflag:s8] =	ssyncset.done $0x0  }
0x435: {  	[sflag:s8] =	ssyncadd.s32 $0xFFFFD800  }
0x436: {  	_ =	swait.ge [sflag:s8], $0x2800  }
0x437: {  	[sflag:s8] =	ssyncset.done $0x0  }
0x438: {  	s14 =	simm.s32 $0xC00;
	[sflag:s8] =	ssyncadd.s32 $0xFFFFD800  }
0x439: {  	[spmem:s2] =	stream.indirect.scatter.add.f32 [tilespmem:s23], [sflag:$0x2], $0x80, s14, s28, $0xb8;
	[tilespmem:$0x1F300] =	vst v63  }
0x43a: {  	_ =	swait.ge [sflag:s25], $0x2800  }
0x43b: {  	[sflag:s25] =	ssyncset.done $0x0  }
0x43c: {  	[sflag:s25] =	ssyncadd.s32 $0xFFFFD800  }
0x43d: {  	[spmem:s4] =	stream.indirect.scatter.add.f32 [tilespmem:s9], [sflag:$0x2], $0x1, s14, s28, $0xb8;
	[tilespmem:$0x1F300] =	vst v63  }
0x43e: {  	_ =	swait.ge [sflag:s25], $0x50  }
0x43f: {  	[sflag:s25] =	ssyncset.done $0x0  }
0x440: {  	s19 =	simm.s32 $0xC80;
	[sflag:s25] =	ssyncadd.s32 $0xFFFFFFB0  }
0x441: {  	[spmem:s2] =	stream.indirect.scatter.add.f32 [tilespmem:s30], [sflag:$0x2], $0x80, s19, s28, $0xb8;
	[tilespmem:$0x1F300] =	vst v63  }
0x442: {  	_ =	swait.ge [sflag:s25], $0x2800  }
0x443: {  	[sflag:s25] =	ssyncset.done $0x0  }
0x444: {  	[sflag:s25] =	ssyncadd.s32 $0xFFFFD800  }
0x445: {  	[spmem:s4] =	stream.indirect.scatter.add.f32 [tilespmem:s9], [sflag:$0x2], $0x1, s19, s28, $0xb8;
	[tilespmem:$0x1F300] =	vst v63  }
0x446: {  	_ =	swait.ge [sflag:s25], $0x50  }
0x447: {  	[sflag:s25] =	ssyncset.done $0x0  }
0x448: {  	s24 =	simm.s32 $0xD00;
	[sflag:s25] =	ssyncadd.s32 $0xFFFFFFB0  }
0x449: {  	[spmem:s2] =	stream.indirect.scatter.add.f32 [tilespmem:s0], [sflag:$0x2], $0x80, s24, s28, $0xb8;
	[tilespmem:$0x1F300] =	vst v63  }
0x44a: {  	_ =	swait.ge [sflag:s25], $0x2800  }
0x44b: {  	[sflag:s25] =	ssyncset.done $0x0  }
0x44c: {  	[sflag:s25] =	ssyncadd.s32 $0xFFFFD800  }
0x44d: {  	[spmem:s4] =	stream.indirect.scatter.add.f32 [tilespmem:s9], [sflag:$0x2], $0x1, s24, s28, $0xb8;
	[tilespmem:$0x1F300] =	vst v63  }
0x44e: {  	_ =	swait.ge [sflag:s25], $0x50  }
0x44f: {  	[sflag:s25] =	ssyncset.done $0x0  }
0x450: {  	s31 =	simm.s32 $0xD80;
	[sflag:s25] =	ssyncadd.s32 $0xFFFFFFB0  }
0x451: {  	[spmem:s2] =	stream.indirect.scatter.add.f32 [tilespmem:s7], [sflag:$0x2], $0x80, s31, s28, $0xb8;
	[tilespmem:$0x1F300] =	vst v63  }
0x452: {  	_ =	swait.ge [sflag:s25], $0x2800  }
0x453: {  	[sflag:s25] =	ssyncset.done $0x0  }
0x454: {  	[sflag:s25] =	ssyncadd.s32 $0xFFFFD800  }
0x455: {  	[spmem:s4] =	stream.indirect.scatter.add.f32 [tilespmem:s9], [sflag:$0x2], $0x1, s31, s28, $0xb8;
	[tilespmem:$0x1F300] =	vst v63  }
0x456: {  	_ =	swait.ge [sflag:s25], $0x50  }
0x457: {  	[sflag:s25] =	ssyncset.done $0x0  }
0x458: {  	s15 =	simm.s32 $0x600;
	[sflag:s25] =	ssyncadd.s32 $0xFFFFFFB0  }
0x459: {  	[tilespmem:s23], [sflag:$0x1] =	stream.indirect.gather [hbm4b:s1+s28], $0x80, s15, s28, $0xb8;
	[tilespmem:$0x1F300] =	vst v63  }
0x45a: {  	s22 =	simm.s32 $0x680  }
0x45b: {  	[tilespmem:s30], [sflag:$0x1] =	stream.indirect.gather [hbm4b:s1+s28], $0x80, s22, s28, $0xb8;
	[tilespmem:$0x1F300] =	vst v63  }
0x45c: {  	s6 =	simm.s32 $0x700  }
0x45d: {  	[tilespmem:s0], [sflag:$0x1] =	stream.indirect.gather [hbm4b:s1+s28], $0x80, s6, s28, $0xb8;
	[tilespmem:$0x1F300] =	vst v63  }
0x45e: {  	s15 =	simm.s32 $0x780  }
0x45f: {  	[tilespmem:s7], [sflag:$0x1] =	stream.indirect.gather [hbm4b:s1+s28], $0x80, s15, s28, $0xb8;
	[tilespmem:$0x1F300] =	vst v63  }
0x460: {  	_ =	swait.ge [sflag:s8], $0x2800  }
0x461: {  	[sflag:s8] =	ssyncset.done $0x0  }
0x462: {  	[sflag:s8] =	ssyncadd.s32 $0xFFFFD800  }
0x463: {  	_ =	swait.ge [sflag:s8], $0x2800  }
0x464: {  	[sflag:s8] =	ssyncset.done $0x0  }
0x465: {  	[sflag:s8] =	ssyncadd.s32 $0xFFFFD800  }
0x466: {  	_ =	swait.ge [sflag:s8], $0x2800  }
0x467: {  	[sflag:s8] =	ssyncset.done $0x0  }
0x468: {  	[sflag:s8] =	ssyncadd.s32 $0xFFFFD800  }
0x469: {  	_ =	swait.ge [sflag:s8], $0x2800  }
0x46a: {  	[sflag:s8] =	ssyncset.done $0x0  }
0x46b: {  	s19 =	simm.s32 $0xE00;
	[sflag:s8] =	ssyncadd.s32 $0xFFFFD800  }
0x46c: {  	[spmem:s2] =	stream.indirect.scatter.add.f32 [tilespmem:s23], [sflag:$0x2], $0x80, s19, s28, $0xb8;
	[tilespmem:$0x1F300] =	vst v63  }
0x46d: {  	_ =	swait.ge [sflag:s25], $0x2800  }
0x46e: {  	[sflag:s25] =	ssyncset.done $0x0  }
0x46f: {  	[sflag:s25] =	ssyncadd.s32 $0xFFFFD800  }
0x470: {  	[spmem:s4] =	stream.indirect.scatter.add.f32 [tilespmem:s9], [sflag:$0x2], $0x1, s19, s28, $0xb8;
	[tilespmem:$0x1F300] =	vst v63  }
0x471: {  	_ =	swait.ge [sflag:s25], $0x50  }
0x472: {  	[sflag:s25] =	ssyncset.done $0x0  }
0x473: {  	s22 =	simm.s32 $0xE80;
	[sflag:s25] =	ssyncadd.s32 $0xFFFFFFB0  }
0x474: {  	[spmem:s2] =	stream.indirect.scatter.add.f32 [tilespmem:s30], [sflag:$0x2], $0x80, s22, s28, $0xb8;
	[tilespmem:$0x1F300] =	vst v63  }
0x475: {  	_ =	swait.ge [sflag:s25], $0x2800  }
0x476: {  	[sflag:s25] =	ssyncset.done $0x0  }
0x477: {  	[sflag:s25] =	ssyncadd.s32 $0xFFFFD800  }
0x478: {  	[spmem:s4] =	stream.indirect.scatter.add.f32 [tilespmem:s9], [sflag:$0x2], $0x1, s22, s28, $0xb8;
	[tilespmem:$0x1F300] =	vst v63  }
0x479: {  	_ =	swait.ge [sflag:s25], $0x50  }
0x47a: {  	[sflag:s25] =	ssyncset.done $0x0  }
0x47b: {  	s24 =	simm.s32 $0xF00;
	[sflag:s25] =	ssyncadd.s32 $0xFFFFFFB0  }
0x47c: {  	[spmem:s2] =	stream.indirect.scatter.add.f32 [tilespmem:s0], [sflag:$0x2], $0x80, s24, s28, $0xb8;
	[tilespmem:$0x1F300] =	vst v63  }
0x47d: {  	_ =	swait.ge [sflag:s25], $0x2800  }
0x47e: {  	[sflag:s25] =	ssyncset.done $0x0  }
0x47f: {  	[sflag:s25] =	ssyncadd.s32 $0xFFFFD800  }
0x480: {  	[spmem:s4] =	stream.indirect.scatter.add.f32 [tilespmem:s9], [sflag:$0x2], $0x1, s24, s28, $0xb8;
	[tilespmem:$0x1F300] =	vst v63  }
0x481: {  	_ =	swait.ge [sflag:s25], $0x50  }
0x482: {  	[sflag:s25] =	ssyncset.done $0x0  }
0x483: {  	s6 =	simm.s32 $0xF80;
	[sflag:s25] =	ssyncadd.s32 $0xFFFFFFB0  }
0x484: {  	[spmem:s2] =	stream.indirect.scatter.add.f32 [tilespmem:s7], [sflag:$0x2], $0x80, s6, s28, $0xb8;
	[tilespmem:$0x1F300] =	vst v63  }
0x485: {  	_ =	swait.ge [sflag:s25], $0x2800  }
0x486: {  	[sflag:s25] =	ssyncset.done $0x0  }
0x487: {  	[sflag:s25] =	ssyncadd.s32 $0xFFFFD800  }
0x488: {  	[spmem:s4] =	stream.indirect.scatter.add.f32 [tilespmem:s9], [sflag:$0x2], $0x1, s6, s28, $0xb8;
	[tilespmem:$0x1F300] =	vst v63  }
0x489: {  	_ =	swait.ge [sflag:s25], $0x50  }
0x48a: {  	s17 =	smov.u32 s3;
	[sflag:s25] =	ssyncset.done $0x0  }
0x48b: {  	s19 =	sadd.s32 $0x500, s17;
	[sflag:s25] =	ssyncadd.s32 $0xFFFFFFB0  }
0x48c: {  	[tilespmem:s10], [sflag:$0x2] =	stream.linear.gather [hbm4b:s19+s10], $0x800, $0x38;
	[tilespmem:$0x1F300] =	vst v63  }
0x48d: {  	_ =	swait.ge [sflag:s25], $0x800  }
0x48e: {  	[sflag:s25] =	ssyncset.done $0x0  }
0x48f: {  	s6 =	smov.u32 s17;
	s17 =	sadd.s32 $0x500, s29;
	[sflag:s25] =	ssyncadd.s32 $0xFFFFF800  }
0x490: {  	[tilespmem:s26], [sflag:$0x2] =	stream.linear.gather [hbm4b:s17+s10], $0x800, $0x38;
	[tilespmem:$0x1F300] =	vst v63  }
0x491: {  	_ =	swait.ge [sflag:s25], $0x800  }
0x492: {  	[sflag:s25] =	ssyncset.done $0x0  }
0x493: {  	[sflag:s25] =	ssyncadd.s32 $0xFFFFF800  }
0x494: {  	[tilespmem:s23], [sflag:$0x1] =	stream.indirect.gather [hbm4b:s1+s28], $0x80, s10, s28, $0xb8;
	[tilespmem:$0x1F300] =	vst v63  }
0x495: {  	s19 =	simm.s32 $0x80  }
0x496: {  	[tilespmem:s30], [sflag:$0x1] =	stream.indirect.gather [hbm4b:s1+s28], $0x80, s19, s28, $0xb8;
	[tilespmem:$0x1F300] =	vst v63  }
0x497: {  	s19 =	simm.s32 $0x100  }
0x498: {  	[tilespmem:s0], [sflag:$0x1] =	stream.indirect.gather [hbm4b:s1+s28], $0x80, s19, s28, $0xb8;
	[tilespmem:$0x1F300] =	vst v63  }
0x499: {  	s17 =	simm.s32 $0x180  }
0x49a: {  	[tilespmem:s7], [sflag:$0x1] =	stream.indirect.gather [hbm4b:s1+s28], $0x80, s17, s28, $0xb8;
	[tilespmem:$0x1F300] =	vst v63  }
0x49b: {  	_ =	swait.ge [sflag:s8], $0x2800  }
0x49c: {  	[sflag:s8] =	ssyncset.done $0x0  }
0x49d: {  	[sflag:s8] =	ssyncadd.s32 $0xFFFFD800  }
0x49e: {  	_ =	swait.ge [sflag:s8], $0x2800  }
0x49f: {  	[sflag:s8] =	ssyncset.done $0x0  }
0x4a0: {  	[sflag:s8] =	ssyncadd.s32 $0xFFFFD800  }
0x4a1: {  	_ =	swait.ge [sflag:s8], $0x2800  }
0x4a2: {  	[sflag:s8] =	ssyncset.done $0x0  }
0x4a3: {  	[sflag:s8] =	ssyncadd.s32 $0xFFFFD800  }
0x4a4: {  	_ =	swait.ge [sflag:s8], $0x2800  }
0x4a5: {  	[sflag:s8] =	ssyncset.done $0x0  }
0x4a6: {  	[sflag:s8] =	ssyncadd.s32 $0xFFFFD800  }
0x4a7: {  	[spmem:s2] =	stream.indirect.scatter.add.f32 [tilespmem:s23], [sflag:$0x2], $0x80, s26, s28, $0xb8;
	[tilespmem:$0x1F300] =	vst v63  }
0x4a8: {  	_ =	swait.ge [sflag:s25], $0x2800  }
0x4a9: {  	[sflag:s25] =	ssyncset.done $0x0  }
0x4aa: {  	[sflag:s25] =	ssyncadd.s32 $0xFFFFD800  }
0x4ab: {  	[spmem:s4] =	stream.indirect.scatter.add.f32 [tilespmem:s9], [sflag:$0x2], $0x1, s26, s28, $0xb8;
	[tilespmem:$0x1F300] =	vst v63  }
0x4ac: {  	_ =	swait.ge [sflag:s25], $0x50  }
0x4ad: {  	[sflag:s25] =	ssyncset.done $0x0  }
0x4ae: {  	s19 =	simm.s32 $0x880;
	[sflag:s25] =	ssyncadd.s32 $0xFFFFFFB0  }
0x4af: {  	[spmem:s2] =	stream.indirect.scatter.add.f32 [tilespmem:s30], [sflag:$0x2], $0x80, s19, s28, $0xb8;
	[tilespmem:$0x1F300] =	vst v63  }
0x4b0: {  	_ =	swait.ge [sflag:s25], $0x2800  }
0x4b1: {  	[sflag:s25] =	ssyncset.done $0x0  }
0x4b2: {  	[sflag:s25] =	ssyncadd.s32 $0xFFFFD800  }
0x4b3: {  	[spmem:s4] =	stream.indirect.scatter.add.f32 [tilespmem:s9], [sflag:$0x2], $0x1, s19, s28, $0xb8;
	[tilespmem:$0x1F300] =	vst v63  }
0x4b4: {  	_ =	swait.ge [sflag:s25], $0x50  }
0x4b5: {  	[sflag:s25] =	ssyncset.done $0x0  }
0x4b6: {  	s11 =	simm.s32 $0x900;
	[sflag:s25] =	ssyncadd.s32 $0xFFFFFFB0  }
0x4b7: {  	[spmem:s2] =	stream.indirect.scatter.add.f32 [tilespmem:s0], [sflag:$0x2], $0x80, s11, s28, $0xb8;
	[tilespmem:$0x1F300] =	vst v63  }
0x4b8: {  	_ =	swait.ge [sflag:s25], $0x2800  }
0x4b9: {  	[sflag:s25] =	ssyncset.done $0x0  }
0x4ba: {  	[sflag:s25] =	ssyncadd.s32 $0xFFFFD800  }
0x4bb: {  	[spmem:s4] =	stream.indirect.scatter.add.f32 [tilespmem:s9], [sflag:$0x2], $0x1, s11, s28, $0xb8;
	[tilespmem:$0x1F300] =	vst v63  }
0x4bc: {  	_ =	swait.ge [sflag:s25], $0x50  }
0x4bd: {  	[sflag:s25] =	ssyncset.done $0x0  }
0x4be: {  	s16 =	simm.s32 $0x980;
	[sflag:s25] =	ssyncadd.s32 $0xFFFFFFB0  }
0x4bf: {  	[spmem:s2] =	stream.indirect.scatter.add.f32 [tilespmem:s7], [sflag:$0x2], $0x80, s16, s28, $0xb8;
	[tilespmem:$0x1F300] =	vst v63  }
0x4c0: {  	_ =	swait.ge [sflag:s25], $0x2800  }
0x4c1: {  	[sflag:s25] =	ssyncset.done $0x0  }
0x4c2: {  	[sflag:s25] =	ssyncadd.s32 $0xFFFFD800  }
0x4c3: {  	[spmem:s4] =	stream.indirect.scatter.add.f32 [tilespmem:s9], [sflag:$0x2], $0x1, s16, s28, $0xb8;
	[tilespmem:$0x1F300] =	vst v63  }
0x4c4: {  	_ =	swait.ge [sflag:s25], $0x50  }
0x4c5: {  	[sflag:s25] =	ssyncset.done $0x0  }
0x4c6: {  	s19 =	simm.s32 $0x200;
	[sflag:s25] =	ssyncadd.s32 $0xFFFFFFB0  }
0x4c7: {  	[tilespmem:s23], [sflag:$0x1] =	stream.indirect.gather [hbm4b:s1+s28], $0x80, s19, s28, $0xb8;
	[tilespmem:$0x1F300] =	vst v63  }
0x4c8: {  	s16 =	simm.s32 $0x280  }
0x4c9: {  	[tilespmem:s30], [sflag:$0x1] =	stream.indirect.gather [hbm4b:s1+s28], $0x80, s16, s28, $0xb8;
	[tilespmem:$0x1F300] =	vst v63  }
0x4ca: {  	s16 =	simm.s32 $0x300  }
0x4cb: {  	[tilespmem:s0], [sflag:$0x1] =	stream.indirect.gather [hbm4b:s1+s28], $0x80, s16, s28, $0xb8;
	[tilespmem:$0x1F300] =	vst v63  }
0x4cc: {  	s19 =	simm.s32 $0x380  }
0x4cd: {  	[tilespmem:s7], [sflag:$0x1] =	stream.indirect.gather [hbm4b:s1+s28], $0x80, s19, s28, $0xb8;
	[tilespmem:$0x1F300] =	vst v63  }
0x4ce: {  	_ =	swait.ge [sflag:s8], $0x2800  }
0x4cf: {  	[sflag:s8] =	ssyncset.done $0x0  }
0x4d0: {  	[sflag:s8] =	ssyncadd.s32 $0xFFFFD800  }
0x4d1: {  	_ =	swait.ge [sflag:s8], $0x2800  }
0x4d2: {  	[sflag:s8] =	ssyncset.done $0x0  }
0x4d3: {  	[sflag:s8] =	ssyncadd.s32 $0xFFFFD800  }
0x4d4: {  	_ =	swait.ge [sflag:s8], $0x2800  }
0x4d5: {  	[sflag:s8] =	ssyncset.done $0x0  }
0x4d6: {  	[sflag:s8] =	ssyncadd.s32 $0xFFFFD800  }
0x4d7: {  	_ =	swait.ge [sflag:s8], $0x2800  }
0x4d8: {  	[sflag:s8] =	ssyncset.done $0x0  }
0x4d9: {  	s20 =	simm.s32 $0xA00;
	[sflag:s8] =	ssyncadd.s32 $0xFFFFD800  }
0x4da: {  	[spmem:s2] =	stream.indirect.scatter.add.f32 [tilespmem:s23], [sflag:$0x2], $0x80, s20, s28, $0xb8;
	[tilespmem:$0x1F300] =	vst v63  }
0x4db: {  	_ =	swait.ge [sflag:s25], $0x2800  }
0x4dc: {  	[sflag:s25] =	ssyncset.done $0x0  }
0x4dd: {  	[sflag:s25] =	ssyncadd.s32 $0xFFFFD800  }
0x4de: {  	[spmem:s4] =	stream.indirect.scatter.add.f32 [tilespmem:s9], [sflag:$0x2], $0x1, s20, s28, $0xb8;
	[tilespmem:$0x1F300] =	vst v63  }
0x4df: {  	_ =	swait.ge [sflag:s25], $0x50  }
0x4e0: {  	[sflag:s25] =	ssyncset.done $0x0  }
0x4e1: {  	s18 =	simm.s32 $0xA80;
	[sflag:s25] =	ssyncadd.s32 $0xFFFFFFB0  }
0x4e2: {  	[spmem:s2] =	stream.indirect.scatter.add.f32 [tilespmem:s30], [sflag:$0x2], $0x80, s18, s28, $0xb8;
	[tilespmem:$0x1F300] =	vst v63  }
0x4e3: {  	_ =	swait.ge [sflag:s25], $0x2800  }
0x4e4: {  	[sflag:s25] =	ssyncset.done $0x0  }
0x4e5: {  	[sflag:s25] =	ssyncadd.s32 $0xFFFFD800  }
0x4e6: {  	[spmem:s4] =	stream.indirect.scatter.add.f32 [tilespmem:s9], [sflag:$0x2], $0x1, s18, s28, $0xb8;
	[tilespmem:$0x1F300] =	vst v63  }
0x4e7: {  	_ =	swait.ge [sflag:s25], $0x50  }
0x4e8: {  	[sflag:s25] =	ssyncset.done $0x0  }
0x4e9: {  	s21 =	simm.s32 $0xB00;
	[sflag:s25] =	ssyncadd.s32 $0xFFFFFFB0  }
0x4ea: {  	[spmem:s2] =	stream.indirect.scatter.add.f32 [tilespmem:s0], [sflag:$0x2], $0x80, s21, s28, $0xb8;
	[tilespmem:$0x1F300] =	vst v63  }
0x4eb: {  	_ =	swait.ge [sflag:s25], $0x2800  }
0x4ec: {  	[sflag:s25] =	ssyncset.done $0x0  }
0x4ed: {  	[sflag:s25] =	ssyncadd.s32 $0xFFFFD800  }
0x4ee: {  	[spmem:s4] =	stream.indirect.scatter.add.f32 [tilespmem:s9], [sflag:$0x2], $0x1, s21, s28, $0xb8;
	[tilespmem:$0x1F300] =	vst v63  }
0x4ef: {  	_ =	swait.ge [sflag:s25], $0x50  }
0x4f0: {  	[sflag:s25] =	ssyncset.done $0x0  }
0x4f1: {  	s3 =	simm.s32 $0xB80;
	[sflag:s25] =	ssyncadd.s32 $0xFFFFFFB0  }
0x4f2: {  	[spmem:s2] =	stream.indirect.scatter.add.f32 [tilespmem:s7], [sflag:$0x2], $0x80, s3, s28, $0xb8;
	[tilespmem:$0x1F300] =	vst v63  }
0x4f3: {  	_ =	swait.ge [sflag:s25], $0x2800  }
0x4f4: {  	[sflag:s25] =	ssyncset.done $0x0  }
0x4f5: {  	[sflag:s25] =	ssyncadd.s32 $0xFFFFD800  }
0x4f6: {  	[spmem:s4] =	stream.indirect.scatter.add.f32 [tilespmem:s9], [sflag:$0x2], $0x1, s3, s28, $0xb8;
	[tilespmem:$0x1F300] =	vst v63  }
0x4f7: {  	_ =	swait.ge [sflag:s25], $0x50  }
0x4f8: {  	[sflag:s25] =	ssyncset.done $0x0  }
0x4f9: {  	s21 =	simm.s32 $0x400;
	[sflag:s25] =	ssyncadd.s32 $0xFFFFFFB0  }
0x4fa: {  	[tilespmem:s23], [sflag:$0x1] =	stream.indirect.gather [hbm4b:s1+s28], $0x80, s21, s28, $0xb8;
	[tilespmem:$0x1F300] =	vst v63  }
0x4fb: {  	s18 =	simm.s32 $0x480  }
0x4fc: {  	[tilespmem:s30], [sflag:$0x1] =	stream.indirect.gather [hbm4b:s1+s28], $0x80, s18, s28, $0xb8;
	[tilespmem:$0x1F300] =	vst v63  }
0x4fd: {  	s19 =	simm.s32 $0x500  }
0x4fe: {  	[tilespmem:s0], [sflag:$0x1] =	stream.indirect.gather [hbm4b:s1+s28], $0x80, s19, s28, $0xb8;
	[tilespmem:$0x1F300] =	vst v63  }
0x4ff: {  	s11 =	simm.s32 $0x580  }
0x500: {  	[tilespmem:s7], [sflag:$0x1] =	stream.indirect.gather [hbm4b:s1+s28], $0x80, s11, s28, $0xb8;
	[tilespmem:$0x1F300] =	vst v63  }
0x501: {  	_ =	swait.ge [sflag:s8], $0x2800  }
0x502: {  	[sflag:s8] =	ssyncset.done $0x0  }
0x503: {  	[sflag:s8] =	ssyncadd.s32 $0xFFFFD800  }
0x504: {  	_ =	swait.ge [sflag:s8], $0x2800  }
0x505: {  	[sflag:s8] =	ssyncset.done $0x0  }
0x506: {  	[sflag:s8] =	ssyncadd.s32 $0xFFFFD800  }
0x507: {  	_ =	swait.ge [sflag:s8], $0x2800  }
0x508: {  	[sflag:s8] =	ssyncset.done $0x0  }
0x509: {  	[sflag:s8] =	ssyncadd.s32 $0xFFFFD800  }
0x50a: {  	_ =	swait.ge [sflag:s8], $0x2800  }
0x50b: {  	[sflag:s8] =	ssyncset.done $0x0  }
0x50c: {  	s13 =	simm.s32 $0xC00;
	[sflag:s8] =	ssyncadd.s32 $0xFFFFD800  }
0x50d: {  	[spmem:s2] =	stream.indirect.scatter.add.f32 [tilespmem:s23], [sflag:$0x2], $0x80, s13, s28, $0xb8;
	[tilespmem:$0x1F300] =	vst v63  }
0x50e: {  	_ =	swait.ge [sflag:s25], $0x2800  }
0x50f: {  	[sflag:s25] =	ssyncset.done $0x0  }
0x510: {  	[sflag:s25] =	ssyncadd.s32 $0xFFFFD800  }
0x511: {  	[spmem:s4] =	stream.indirect.scatter.add.f32 [tilespmem:s9], [sflag:$0x2], $0x1, s13, s28, $0xb8;
	[tilespmem:$0x1F300] =	vst v63  }
0x512: {  	_ =	swait.ge [sflag:s25], $0x50  }
0x513: {  	[sflag:s25] =	ssyncset.done $0x0  }
0x514: {  	s12 =	simm.s32 $0xC80;
	[sflag:s25] =	ssyncadd.s32 $0xFFFFFFB0  }
0x515: {  	[spmem:s2] =	stream.indirect.scatter.add.f32 [tilespmem:s30], [sflag:$0x2], $0x80, s12, s28, $0xb8;
	[tilespmem:$0x1F300] =	vst v63  }
0x516: {  	_ =	swait.ge [sflag:s25], $0x2800  }
0x517: {  	[sflag:s25] =	ssyncset.done $0x0  }
0x518: {  	[sflag:s25] =	ssyncadd.s32 $0xFFFFD800  }
0x519: {  	[spmem:s4] =	stream.indirect.scatter.add.f32 [tilespmem:s9], [sflag:$0x2], $0x1, s12, s28, $0xb8;
	[tilespmem:$0x1F300] =	vst v63  }
0x51a: {  	_ =	swait.ge [sflag:s25], $0x50  }
0x51b: {  	[sflag:s25] =	ssyncset.done $0x0  }
0x51c: {  	s14 =	simm.s32 $0xD00;
	[sflag:s25] =	ssyncadd.s32 $0xFFFFFFB0  }
0x51d: {  	[spmem:s2] =	stream.indirect.scatter.add.f32 [tilespmem:s0], [sflag:$0x2], $0x80, s14, s28, $0xb8;
	[tilespmem:$0x1F300] =	vst v63  }
0x51e: {  	_ =	swait.ge [sflag:s25], $0x2800  }
0x51f: {  	[sflag:s25] =	ssyncset.done $0x0  }
0x520: {  	[sflag:s25] =	ssyncadd.s32 $0xFFFFD800  }
0x521: {  	[spmem:s4] =	stream.indirect.scatter.add.f32 [tilespmem:s9], [sflag:$0x2], $0x1, s14, s28, $0xb8;
	[tilespmem:$0x1F300] =	vst v63  }
0x522: {  	_ =	swait.ge [sflag:s25], $0x50  }
0x523: {  	[sflag:s25] =	ssyncset.done $0x0  }
0x524: {  	s31 =	simm.s32 $0xD80;
	[sflag:s25] =	ssyncadd.s32 $0xFFFFFFB0  }
0x525: {  	[spmem:s2] =	stream.indirect.scatter.add.f32 [tilespmem:s7], [sflag:$0x2], $0x80, s31, s28, $0xb8;
	[tilespmem:$0x1F300] =	vst v63  }
0x526: {  	_ =	swait.ge [sflag:s25], $0x2800  }
0x527: {  	[sflag:s25] =	ssyncset.done $0x0  }
0x528: {  	[sflag:s25] =	ssyncadd.s32 $0xFFFFD800  }
0x529: {  	[spmem:s4] =	stream.indirect.scatter.add.f32 [tilespmem:s9], [sflag:$0x2], $0x1, s31, s28, $0xb8;
	[tilespmem:$0x1F300] =	vst v63  }
0x52a: {  	_ =	swait.ge [sflag:s25], $0x50  }
0x52b: {  	[sflag:s25] =	ssyncset.done $0x0  }
0x52c: {  	s20 =	simm.s32 $0x600;
	[sflag:s25] =	ssyncadd.s32 $0xFFFFFFB0  }
0x52d: {  	[tilespmem:s23], [sflag:$0x1] =	stream.indirect.gather [hbm4b:s1+s28], $0x80, s20, s28, $0xb8;
	[tilespmem:$0x1F300] =	vst v63  }
0x52e: {  	s31 =	simm.s32 $0x680  }
0x52f: {  	[tilespmem:s30], [sflag:$0x1] =	stream.indirect.gather [hbm4b:s1+s28], $0x80, s31, s28, $0xb8;
	[tilespmem:$0x1F300] =	vst v63  }
0x530: {  	s14 =	simm.s32 $0x700  }
0x531: {  	[tilespmem:s0], [sflag:$0x1] =	stream.indirect.gather [hbm4b:s1+s28], $0x80, s14, s28, $0xb8;
	[tilespmem:$0x1F300] =	vst v63  }
0x532: {  	s31 =	simm.s32 $0x780  }
0x533: {  	[tilespmem:s7], [sflag:$0x1] =	stream.indirect.gather [hbm4b:s1+s28], $0x80, s31, s28, $0xb8;
	[tilespmem:$0x1F300] =	vst v63  }
0x534: {  	_ =	swait.ge [sflag:s8], $0x2800  }
0x535: {  	[sflag:s8] =	ssyncset.done $0x0  }
0x536: {  	[sflag:s8] =	ssyncadd.s32 $0xFFFFD800  }
0x537: {  	_ =	swait.ge [sflag:s8], $0x2800  }
0x538: {  	[sflag:s8] =	ssyncset.done $0x0  }
0x539: {  	[sflag:s8] =	ssyncadd.s32 $0xFFFFD800  }
0x53a: {  	_ =	swait.ge [sflag:s8], $0x2800  }
0x53b: {  	[sflag:s8] =	ssyncset.done $0x0  }
0x53c: {  	[sflag:s8] =	ssyncadd.s32 $0xFFFFD800  }
0x53d: {  	_ =	swait.ge [sflag:s8], $0x2800  }
0x53e: {  	[sflag:s8] =	ssyncset.done $0x0  }
0x53f: {  	s15 =	simm.s32 $0xE00;
	[sflag:s8] =	ssyncadd.s32 $0xFFFFD800  }
0x540: {  	[spmem:s2] =	stream.indirect.scatter.add.f32 [tilespmem:s23], [sflag:$0x2], $0x80, s15, s28, $0xb8;
	[tilespmem:$0x1F300] =	vst v63  }
0x541: {  	_ =	swait.ge [sflag:s25], $0x2800  }
0x542: {  	[sflag:s25] =	ssyncset.done $0x0  }
0x543: {  	[sflag:s25] =	ssyncadd.s32 $0xFFFFD800  }
0x544: {  	[spmem:s4] =	stream.indirect.scatter.add.f32 [tilespmem:s9], [sflag:$0x2], $0x1, s15, s28, $0xb8;
	[tilespmem:$0x1F300] =	vst v63  }
0x545: {  	_ =	swait.ge [sflag:s25], $0x50  }
0x546: {  	[sflag:s25] =	ssyncset.done $0x0  }
0x547: {  	s5 =	simm.s32 $0xE80;
	[sflag:s25] =	ssyncadd.s32 $0xFFFFFFB0  }
0x548: {  	[spmem:s2] =	stream.indirect.scatter.add.f32 [tilespmem:s30], [sflag:$0x2], $0x80, s5, s28, $0xb8;
	[tilespmem:$0x1F300] =	vst v63  }
0x549: {  	_ =	swait.ge [sflag:s25], $0x2800  }
0x54a: {  	[sflag:s25] =	ssyncset.done $0x0  }
0x54b: {  	[sflag:s25] =	ssyncadd.s32 $0xFFFFD800  }
0x54c: {  	[spmem:s4] =	stream.indirect.scatter.add.f32 [tilespmem:s9], [sflag:$0x2], $0x1, s5, s28, $0xb8;
	[tilespmem:$0x1F300] =	vst v63  }
0x54d: {  	_ =	swait.ge [sflag:s25], $0x50  }
0x54e: {  	[sflag:s25] =	ssyncset.done $0x0  }
0x54f: {  	s22 =	simm.s32 $0xF00;
	[sflag:s25] =	ssyncadd.s32 $0xFFFFFFB0  }
0x550: {  	[spmem:s2] =	stream.indirect.scatter.add.f32 [tilespmem:s0], [sflag:$0x2], $0x80, s22, s28, $0xb8;
	[tilespmem:$0x1F300] =	vst v63  }
0x551: {  	_ =	swait.ge [sflag:s25], $0x2800  }
0x552: {  	[sflag:s25] =	ssyncset.done $0x0  }
0x553: {  	[sflag:s25] =	ssyncadd.s32 $0xFFFFD800  }
0x554: {  	[spmem:s4] =	stream.indirect.scatter.add.f32 [tilespmem:s9], [sflag:$0x2], $0x1, s22, s28, $0xb8;
	[tilespmem:$0x1F300] =	vst v63  }
0x555: {  	_ =	swait.ge [sflag:s25], $0x50  }
0x556: {  	[sflag:s25] =	ssyncset.done $0x0  }
0x557: {  	s24 =	simm.s32 $0xF80;
	[sflag:s25] =	ssyncadd.s32 $0xFFFFFFB0  }
0x558: {  	[spmem:s2] =	stream.indirect.scatter.add.f32 [tilespmem:s7], [sflag:$0x2], $0x80, s24, s28, $0xb8;
	[tilespmem:$0x1F300] =	vst v63  }
0x559: {  	_ =	swait.ge [sflag:s25], $0x2800  }
0x55a: {  	[sflag:s25] =	ssyncset.done $0x0  }
0x55b: {  	[sflag:s25] =	ssyncadd.s32 $0xFFFFD800  }
0x55c: {  	[spmem:s4] =	stream.indirect.scatter.add.f32 [tilespmem:s9], [sflag:$0x2], $0x1, s24, s28, $0xb8;
	[tilespmem:$0x1F300] =	vst v63  }
0x55d: {  	_ =	swait.ge [sflag:s25], $0x50  }
0x55e: {  	[sflag:s25] =	ssyncset.done $0x0  }
0x55f: {  	s5 =	sadd.s32 $0x600, s6;
	[sflag:s25] =	ssyncadd.s32 $0xFFFFFFB0  }
0x560: {  	[tilespmem:s10], [sflag:$0x2] =	stream.linear.gather [hbm4b:s5+s10], $0x800, $0x38;
	[tilespmem:$0x1F300] =	vst v63  }
0x561: {  	_ =	swait.ge [sflag:s25], $0x800  }
0x562: {  	[sflag:s25] =	ssyncset.done $0x0  }
0x563: {  	s12 =	sadd.s32 $0x600, s29;
	[sflag:s25] =	ssyncadd.s32 $0xFFFFF800  }
0x564: {  	[tilespmem:s26], [sflag:$0x2] =	stream.linear.gather [hbm4b:s12+s10], $0x800, $0x38;
	[tilespmem:$0x1F300] =	vst v63  }
0x565: {  	_ =	swait.ge [sflag:s25], $0x800  }
0x566: {  	[sflag:s25] =	ssyncset.done $0x0  }
0x567: {  	[sflag:s25] =	ssyncadd.s32 $0xFFFFF800  }
0x568: {  	[tilespmem:s23], [sflag:$0x1] =	stream.indirect.gather [hbm4b:s1+s28], $0x80, s10, s28, $0xb8;
	[tilespmem:$0x1F300] =	vst v63  }
0x569: {  	s13 =	simm.s32 $0x80  }
0x56a: {  	[tilespmem:s30], [sflag:$0x1] =	stream.indirect.gather [hbm4b:s1+s28], $0x80, s13, s28, $0xb8;
	[tilespmem:$0x1F300] =	vst v63  }
0x56b: {  	s15 =	simm.s32 $0x100  }
0x56c: {  	[tilespmem:s0], [sflag:$0x1] =	stream.indirect.gather [hbm4b:s1+s28], $0x80, s15, s28, $0xb8;
	[tilespmem:$0x1F300] =	vst v63  }
0x56d: {  	_ = 	snop  }
0x56e: {  	[tilespmem:s7], [sflag:$0x1] =	stream.indirect.gather [hbm4b:s1+s28], $0x80, s17, s28, $0xb8;
	[tilespmem:$0x1F300] =	vst v63  }
0x56f: {  	_ =	swait.ge [sflag:s8], $0x2800  }
0x570: {  	[sflag:s8] =	ssyncset.done $0x0  }
0x571: {  	[sflag:s8] =	ssyncadd.s32 $0xFFFFD800  }
0x572: {  	_ =	swait.ge [sflag:s8], $0x2800  }
0x573: {  	[sflag:s8] =	ssyncset.done $0x0  }
0x574: {  	[sflag:s8] =	ssyncadd.s32 $0xFFFFD800  }
0x575: {  	_ =	swait.ge [sflag:s8], $0x2800  }
0x576: {  	[sflag:s8] =	ssyncset.done $0x0  }
0x577: {  	[sflag:s8] =	ssyncadd.s32 $0xFFFFD800  }
0x578: {  	_ =	swait.ge [sflag:s8], $0x2800  }
0x579: {  	[sflag:s8] =	ssyncset.done $0x0  }
0x57a: {  	[sflag:s8] =	ssyncadd.s32 $0xFFFFD800  }
0x57b: {  	[spmem:s2] =	stream.indirect.scatter.add.f32 [tilespmem:s23], [sflag:$0x2], $0x80, s26, s28, $0xb8;
	[tilespmem:$0x1F300] =	vst v63  }
0x57c: {  	_ =	swait.ge [sflag:s25], $0x2800  }
0x57d: {  	[sflag:s25] =	ssyncset.done $0x0  }
0x57e: {  	[sflag:s25] =	ssyncadd.s32 $0xFFFFD800  }
0x57f: {  	[spmem:s4] =	stream.indirect.scatter.add.f32 [tilespmem:s9], [sflag:$0x2], $0x1, s26, s28, $0xb8;
	[tilespmem:$0x1F300] =	vst v63  }
0x580: {  	_ =	swait.ge [sflag:s25], $0x50  }
0x581: {  	[sflag:s25] =	ssyncset.done $0x0  }
0x582: {  	s18 =	simm.s32 $0x880;
	[sflag:s25] =	ssyncadd.s32 $0xFFFFFFB0  }
0x583: {  	[spmem:s2] =	stream.indirect.scatter.add.f32 [tilespmem:s30], [sflag:$0x2], $0x80, s18, s28, $0xb8;
	[tilespmem:$0x1F300] =	vst v63  }
0x584: {  	_ =	swait.ge [sflag:s25], $0x2800  }
0x585: {  	[sflag:s25] =	ssyncset.done $0x0  }
0x586: {  	[sflag:s25] =	ssyncadd.s32 $0xFFFFD800  }
0x587: {  	[spmem:s4] =	stream.indirect.scatter.add.f32 [tilespmem:s9], [sflag:$0x2], $0x1, s18, s28, $0xb8;
	[tilespmem:$0x1F300] =	vst v63  }
0x588: {  	_ =	swait.ge [sflag:s25], $0x50  }
0x589: {  	[sflag:s25] =	ssyncset.done $0x0  }
0x58a: {  	s19 =	simm.s32 $0x900;
	[sflag:s25] =	ssyncadd.s32 $0xFFFFFFB0  }
0x58b: {  	[spmem:s2] =	stream.indirect.scatter.add.f32 [tilespmem:s0], [sflag:$0x2], $0x80, s19, s28, $0xb8;
	[tilespmem:$0x1F300] =	vst v63  }
0x58c: {  	_ =	swait.ge [sflag:s25], $0x2800  }
0x58d: {  	[sflag:s25] =	ssyncset.done $0x0  }
0x58e: {  	[sflag:s25] =	ssyncadd.s32 $0xFFFFD800  }
0x58f: {  	[spmem:s4] =	stream.indirect.scatter.add.f32 [tilespmem:s9], [sflag:$0x2], $0x1, s19, s28, $0xb8;
	[tilespmem:$0x1F300] =	vst v63  }
0x590: {  	_ =	swait.ge [sflag:s25], $0x50  }
0x591: {  	[sflag:s25] =	ssyncset.done $0x0  }
0x592: {  	s20 =	simm.s32 $0x980;
	[sflag:s25] =	ssyncadd.s32 $0xFFFFFFB0  }
0x593: {  	[spmem:s2] =	stream.indirect.scatter.add.f32 [tilespmem:s7], [sflag:$0x2], $0x80, s20, s28, $0xb8;
	[tilespmem:$0x1F300] =	vst v63  }
0x594: {  	_ =	swait.ge [sflag:s25], $0x2800  }
0x595: {  	[sflag:s25] =	ssyncset.done $0x0  }
0x596: {  	[sflag:s25] =	ssyncadd.s32 $0xFFFFD800  }
0x597: {  	[spmem:s4] =	stream.indirect.scatter.add.f32 [tilespmem:s9], [sflag:$0x2], $0x1, s20, s28, $0xb8;
	[tilespmem:$0x1F300] =	vst v63  }
0x598: {  	_ =	swait.ge [sflag:s25], $0x50  }
0x599: {  	[sflag:s25] =	ssyncset.done $0x0  }
0x59a: {  	s5 =	simm.s32 $0x200;
	[sflag:s25] =	ssyncadd.s32 $0xFFFFFFB0  }
0x59b: {  	[tilespmem:s23], [sflag:$0x1] =	stream.indirect.gather [hbm4b:s1+s28], $0x80, s5, s28, $0xb8;
	[tilespmem:$0x1F300] =	vst v63  }
0x59c: {  	s12 =	simm.s32 $0x280  }
0x59d: {  	[tilespmem:s30], [sflag:$0x1] =	stream.indirect.gather [hbm4b:s1+s28], $0x80, s12, s28, $0xb8;
	[tilespmem:$0x1F300] =	vst v63  }
0x59e: {  	_ = 	snop  }
0x59f: {  	[tilespmem:s0], [sflag:$0x1] =	stream.indirect.gather [hbm4b:s1+s28], $0x80, s16, s28, $0xb8;
	[tilespmem:$0x1F300] =	vst v63  }
0x5a0: {  	s13 =	simm.s32 $0x380  }
0x5a1: {  	[tilespmem:s7], [sflag:$0x1] =	stream.indirect.gather [hbm4b:s1+s28], $0x80, s13, s28, $0xb8;
	[tilespmem:$0x1F300] =	vst v63  }
0x5a2: {  	_ =	swait.ge [sflag:s8], $0x2800  }
0x5a3: {  	[sflag:s8] =	ssyncset.done $0x0  }
0x5a4: {  	[sflag:s8] =	ssyncadd.s32 $0xFFFFD800  }
0x5a5: {  	_ =	swait.ge [sflag:s8], $0x2800  }
0x5a6: {  	[sflag:s8] =	ssyncset.done $0x0  }
0x5a7: {  	[sflag:s8] =	ssyncadd.s32 $0xFFFFD800  }
0x5a8: {  	_ =	swait.ge [sflag:s8], $0x2800  }
0x5a9: {  	[sflag:s8] =	ssyncset.done $0x0  }
0x5aa: {  	[sflag:s8] =	ssyncadd.s32 $0xFFFFD800  }
0x5ab: {  	_ =	swait.ge [sflag:s8], $0x2800  }
0x5ac: {  	[sflag:s8] =	ssyncset.done $0x0  }
0x5ad: {  	s16 =	simm.s32 $0xA00;
	[sflag:s8] =	ssyncadd.s32 $0xFFFFD800  }
0x5ae: {  	[spmem:s2] =	stream.indirect.scatter.add.f32 [tilespmem:s23], [sflag:$0x2], $0x80, s16, s28, $0xb8;
	[tilespmem:$0x1F300] =	vst v63  }
0x5af: {  	_ =	swait.ge [sflag:s25], $0x2800  }
0x5b0: {  	[sflag:s25] =	ssyncset.done $0x0  }
0x5b1: {  	[sflag:s25] =	ssyncadd.s32 $0xFFFFD800  }
0x5b2: {  	[spmem:s4] =	stream.indirect.scatter.add.f32 [tilespmem:s9], [sflag:$0x2], $0x1, s16, s28, $0xb8;
	[tilespmem:$0x1F300] =	vst v63  }
0x5b3: {  	_ =	swait.ge [sflag:s25], $0x50  }
0x5b4: {  	[sflag:s25] =	ssyncset.done $0x0  }
0x5b5: {  	s17 =	simm.s32 $0xA80;
	[sflag:s25] =	ssyncadd.s32 $0xFFFFFFB0  }
0x5b6: {  	[spmem:s2] =	stream.indirect.scatter.add.f32 [tilespmem:s30], [sflag:$0x2], $0x80, s17, s28, $0xb8;
	[tilespmem:$0x1F300] =	vst v63  }
0x5b7: {  	_ =	swait.ge [sflag:s25], $0x2800  }
0x5b8: {  	[sflag:s25] =	ssyncset.done $0x0  }
0x5b9: {  	[sflag:s25] =	ssyncadd.s32 $0xFFFFD800  }
0x5ba: {  	[spmem:s4] =	stream.indirect.scatter.add.f32 [tilespmem:s9], [sflag:$0x2], $0x1, s17, s28, $0xb8;
	[tilespmem:$0x1F300] =	vst v63  }
0x5bb: {  	_ =	swait.ge [sflag:s25], $0x50  }
0x5bc: {  	[sflag:s25] =	ssyncset.done $0x0  }
0x5bd: {  	s18 =	simm.s32 $0xB00;
	[sflag:s25] =	ssyncadd.s32 $0xFFFFFFB0  }
0x5be: {  	[spmem:s2] =	stream.indirect.scatter.add.f32 [tilespmem:s0], [sflag:$0x2], $0x80, s18, s28, $0xb8;
	[tilespmem:$0x1F300] =	vst v63  }
0x5bf: {  	_ =	swait.ge [sflag:s25], $0x2800  }
0x5c0: {  	[sflag:s25] =	ssyncset.done $0x0  }
0x5c1: {  	[sflag:s25] =	ssyncadd.s32 $0xFFFFD800  }
0x5c2: {  	[spmem:s4] =	stream.indirect.scatter.add.f32 [tilespmem:s9], [sflag:$0x2], $0x1, s18, s28, $0xb8;
	[tilespmem:$0x1F300] =	vst v63  }
0x5c3: {  	_ =	swait.ge [sflag:s25], $0x50  }
0x5c4: {  	[sflag:s25] =	ssyncset.done $0x0  }
0x5c5: {  	s19 =	simm.s32 $0xB80;
	[sflag:s25] =	ssyncadd.s32 $0xFFFFFFB0  }
0x5c6: {  	[spmem:s2] =	stream.indirect.scatter.add.f32 [tilespmem:s7], [sflag:$0x2], $0x80, s19, s28, $0xb8;
	[tilespmem:$0x1F300] =	vst v63  }
0x5c7: {  	_ =	swait.ge [sflag:s25], $0x2800  }
0x5c8: {  	[sflag:s25] =	ssyncset.done $0x0  }
0x5c9: {  	[sflag:s25] =	ssyncadd.s32 $0xFFFFD800  }
0x5ca: {  	[spmem:s4] =	stream.indirect.scatter.add.f32 [tilespmem:s9], [sflag:$0x2], $0x1, s19, s28, $0xb8;
	[tilespmem:$0x1F300] =	vst v63  }
0x5cb: {  	_ =	swait.ge [sflag:s25], $0x50  }
0x5cc: {  	[sflag:s25] =	ssyncset.done $0x0  }
0x5cd: {  	[sflag:s25] =	ssyncadd.s32 $0xFFFFFFB0  }
0x5ce: {  	[tilespmem:s23], [sflag:$0x1] =	stream.indirect.gather [hbm4b:s1+s28], $0x80, s21, s28, $0xb8;
	[tilespmem:$0x1F300] =	vst v63  }
0x5cf: {  	s21 =	simm.s32 $0x480  }
0x5d0: {  	[tilespmem:s30], [sflag:$0x1] =	stream.indirect.gather [hbm4b:s1+s28], $0x80, s21, s28, $0xb8;
	[tilespmem:$0x1F300] =	vst v63  }
0x5d1: {  	s5 =	simm.s32 $0x500  }
0x5d2: {  	[tilespmem:s0], [sflag:$0x1] =	stream.indirect.gather [hbm4b:s1+s28], $0x80, s5, s28, $0xb8;
	[tilespmem:$0x1F300] =	vst v63  }
0x5d3: {  	_ = 	snop  }
0x5d4: {  	[tilespmem:s7], [sflag:$0x1] =	stream.indirect.gather [hbm4b:s1+s28], $0x80, s11, s28, $0xb8;
	[tilespmem:$0x1F300] =	vst v63  }
0x5d5: {  	_ =	swait.ge [sflag:s8], $0x2800  }
0x5d6: {  	[sflag:s8] =	ssyncset.done $0x0  }
0x5d7: {  	[sflag:s8] =	ssyncadd.s32 $0xFFFFD800  }
0x5d8: {  	_ =	swait.ge [sflag:s8], $0x2800  }
0x5d9: {  	[sflag:s8] =	ssyncset.done $0x0  }
0x5da: {  	[sflag:s8] =	ssyncadd.s32 $0xFFFFD800  }
0x5db: {  	_ =	swait.ge [sflag:s8], $0x2800  }
0x5dc: {  	[sflag:s8] =	ssyncset.done $0x0  }
0x5dd: {  	[sflag:s8] =	ssyncadd.s32 $0xFFFFD800  }
0x5de: {  	_ =	swait.ge [sflag:s8], $0x2800  }
0x5df: {  	[sflag:s8] =	ssyncset.done $0x0  }
0x5e0: {  	s12 =	simm.s32 $0xC00;
	[sflag:s8] =	ssyncadd.s32 $0xFFFFD800  }
0x5e1: {  	[spmem:s2] =	stream.indirect.scatter.add.f32 [tilespmem:s23], [sflag:$0x2], $0x80, s12, s28, $0xb8;
	[tilespmem:$0x1F300] =	vst v63  }
0x5e2: {  	_ =	swait.ge [sflag:s25], $0x2800  }
0x5e3: {  	[sflag:s25] =	ssyncset.done $0x0  }
0x5e4: {  	[sflag:s25] =	ssyncadd.s32 $0xFFFFD800  }
0x5e5: {  	[spmem:s4] =	stream.indirect.scatter.add.f32 [tilespmem:s9], [sflag:$0x2], $0x1, s12, s28, $0xb8;
	[tilespmem:$0x1F300] =	vst v63  }
0x5e6: {  	_ =	swait.ge [sflag:s25], $0x50  }
0x5e7: {  	[sflag:s25] =	ssyncset.done $0x0  }
0x5e8: {  	s13 =	simm.s32 $0xC80;
	[sflag:s25] =	ssyncadd.s32 $0xFFFFFFB0  }
0x5e9: {  	[spmem:s2] =	stream.indirect.scatter.add.f32 [tilespmem:s30], [sflag:$0x2], $0x80, s13, s28, $0xb8;
	[tilespmem:$0x1F300] =	vst v63  }
0x5ea: {  	_ =	swait.ge [sflag:s25], $0x2800  }
0x5eb: {  	[sflag:s25] =	ssyncset.done $0x0  }
0x5ec: {  	[sflag:s25] =	ssyncadd.s32 $0xFFFFD800  }
0x5ed: {  	[spmem:s4] =	stream.indirect.scatter.add.f32 [tilespmem:s9], [sflag:$0x2], $0x1, s13, s28, $0xb8;
	[tilespmem:$0x1F300] =	vst v63  }
0x5ee: {  	_ =	swait.ge [sflag:s25], $0x50  }
0x5ef: {  	[sflag:s25] =	ssyncset.done $0x0  }
0x5f0: {  	s19 =	simm.s32 $0xD00;
	[sflag:s25] =	ssyncadd.s32 $0xFFFFFFB0  }
0x5f1: {  	[spmem:s2] =	stream.indirect.scatter.add.f32 [tilespmem:s0], [sflag:$0x2], $0x80, s19, s28, $0xb8;
	[tilespmem:$0x1F300] =	vst v63  }
0x5f2: {  	_ =	swait.ge [sflag:s25], $0x2800  }
0x5f3: {  	[sflag:s25] =	ssyncset.done $0x0  }
0x5f4: {  	[sflag:s25] =	ssyncadd.s32 $0xFFFFD800  }
0x5f5: {  	[spmem:s4] =	stream.indirect.scatter.add.f32 [tilespmem:s9], [sflag:$0x2], $0x1, s19, s28, $0xb8;
	[tilespmem:$0x1F300] =	vst v63  }
0x5f6: {  	_ =	swait.ge [sflag:s25], $0x50  }
0x5f7: {  	[sflag:s25] =	ssyncset.done $0x0  }
0x5f8: {  	s21 =	simm.s32 $0xD80;
	[sflag:s25] =	ssyncadd.s32 $0xFFFFFFB0  }
0x5f9: {  	[spmem:s2] =	stream.indirect.scatter.add.f32 [tilespmem:s7], [sflag:$0x2], $0x80, s21, s28, $0xb8;
	[tilespmem:$0x1F300] =	vst v63  }
0x5fa: {  	_ =	swait.ge [sflag:s25], $0x2800  }
0x5fb: {  	[sflag:s25] =	ssyncset.done $0x0  }
0x5fc: {  	[sflag:s25] =	ssyncadd.s32 $0xFFFFD800  }
0x5fd: {  	[spmem:s4] =	stream.indirect.scatter.add.f32 [tilespmem:s9], [sflag:$0x2], $0x1, s21, s28, $0xb8;
	[tilespmem:$0x1F300] =	vst v63  }
0x5fe: {  	_ =	swait.ge [sflag:s25], $0x50  }
0x5ff: {  	[sflag:s25] =	ssyncset.done $0x0  }
0x600: {  	s5 =	simm.s32 $0x600;
	[sflag:s25] =	ssyncadd.s32 $0xFFFFFFB0  }
0x601: {  	[tilespmem:s23], [sflag:$0x1] =	stream.indirect.gather [hbm4b:s1+s28], $0x80, s5, s28, $0xb8;
	[tilespmem:$0x1F300] =	vst v63  }
0x602: {  	s19 =	simm.s32 $0x680  }
0x603: {  	[tilespmem:s30], [sflag:$0x1] =	stream.indirect.gather [hbm4b:s1+s28], $0x80, s19, s28, $0xb8;
	[tilespmem:$0x1F300] =	vst v63  }
0x604: {  	_ = 	snop  }
0x605: {  	[tilespmem:s0], [sflag:$0x1] =	stream.indirect.gather [hbm4b:s1+s28], $0x80, s14, s28, $0xb8;
	[tilespmem:$0x1F300] =	vst v63  }
0x606: {  	_ = 	snop  }
0x607: {  	[tilespmem:s7], [sflag:$0x1] =	stream.indirect.gather [hbm4b:s1+s28], $0x80, s31, s28, $0xb8;
	[tilespmem:$0x1F300] =	vst v63  }
0x608: {  	_ =	swait.ge [sflag:s8], $0x2800  }
0x609: {  	[sflag:s8] =	ssyncset.done $0x0  }
0x60a: {  	[sflag:s8] =	ssyncadd.s32 $0xFFFFD800  }
0x60b: {  	_ =	swait.ge [sflag:s8], $0x2800  }
0x60c: {  	[sflag:s8] =	ssyncset.done $0x0  }
0x60d: {  	[sflag:s8] =	ssyncadd.s32 $0xFFFFD800  }
0x60e: {  	_ =	swait.ge [sflag:s8], $0x2800  }
0x60f: {  	[sflag:s8] =	ssyncset.done $0x0  }
0x610: {  	[sflag:s8] =	ssyncadd.s32 $0xFFFFD800  }
0x611: {  	_ =	swait.ge [sflag:s8], $0x2800  }
0x612: {  	[sflag:s8] =	ssyncset.done $0x0  }
0x613: {  	s31 =	simm.s32 $0xE00;
	[sflag:s8] =	ssyncadd.s32 $0xFFFFD800  }
0x614: {  	[spmem:s2] =	stream.indirect.scatter.add.f32 [tilespmem:s23], [sflag:$0x2], $0x80, s31, s28, $0xb8;
	[tilespmem:$0x1F300] =	vst v63  }
0x615: {  	_ =	swait.ge [sflag:s25], $0x2800  }
0x616: {  	[sflag:s25] =	ssyncset.done $0x0  }
0x617: {  	[sflag:s25] =	ssyncadd.s32 $0xFFFFD800  }
0x618: {  	[spmem:s4] =	stream.indirect.scatter.add.f32 [tilespmem:s9], [sflag:$0x2], $0x1, s31, s28, $0xb8;
	[tilespmem:$0x1F300] =	vst v63  }
0x619: {  	_ =	swait.ge [sflag:s25], $0x50  }
0x61a: {  	[sflag:s25] =	ssyncset.done $0x0  }
0x61b: {  	s5 =	simm.s32 $0xE80;
	[sflag:s25] =	ssyncadd.s32 $0xFFFFFFB0  }
0x61c: {  	[spmem:s2] =	stream.indirect.scatter.add.f32 [tilespmem:s30], [sflag:$0x2], $0x80, s5, s28, $0xb8;
	[tilespmem:$0x1F300] =	vst v63  }
0x61d: {  	_ =	swait.ge [sflag:s25], $0x2800  }
0x61e: {  	[sflag:s25] =	ssyncset.done $0x0  }
0x61f: {  	[sflag:s25] =	ssyncadd.s32 $0xFFFFD800  }
0x620: {  	[spmem:s4] =	stream.indirect.scatter.add.f32 [tilespmem:s9], [sflag:$0x2], $0x1, s5, s28, $0xb8;
	[tilespmem:$0x1F300] =	vst v63  }
0x621: {  	_ =	swait.ge [sflag:s25], $0x50  }
0x622: {  	[sflag:s25] =	ssyncset.done $0x0  }
0x623: {  	s19 =	simm.s32 $0xF00;
	[sflag:s25] =	ssyncadd.s32 $0xFFFFFFB0  }
0x624: {  	[spmem:s2] =	stream.indirect.scatter.add.f32 [tilespmem:s0], [sflag:$0x2], $0x80, s19, s28, $0xb8;
	[tilespmem:$0x1F300] =	vst v63  }
0x625: {  	_ =	swait.ge [sflag:s25], $0x2800  }
0x626: {  	[sflag:s25] =	ssyncset.done $0x0  }
0x627: {  	[sflag:s25] =	ssyncadd.s32 $0xFFFFD800  }
0x628: {  	[spmem:s4] =	stream.indirect.scatter.add.f32 [tilespmem:s9], [sflag:$0x2], $0x1, s19, s28, $0xb8;
	[tilespmem:$0x1F300] =	vst v63  }
0x629: {  	_ =	swait.ge [sflag:s25], $0x50  }
0x62a: {  	[sflag:s25] =	ssyncset.done $0x0  }
0x62b: {  	s31 =	simm.s32 $0xF80;
	[sflag:s25] =	ssyncadd.s32 $0xFFFFFFB0  }
0x62c: {  	[spmem:s2] =	stream.indirect.scatter.add.f32 [tilespmem:s7], [sflag:$0x2], $0x80, s31, s28, $0xb8;
	[tilespmem:$0x1F300] =	vst v63  }
0x62d: {  	_ =	swait.ge [sflag:s25], $0x2800  }
0x62e: {  	[sflag:s25] =	ssyncset.done $0x0  }
0x62f: {  	[sflag:s25] =	ssyncadd.s32 $0xFFFFD800  }
0x630: {  	[spmem:s4] =	stream.indirect.scatter.add.f32 [tilespmem:s9], [sflag:$0x2], $0x1, s31, s28, $0xb8;
	[tilespmem:$0x1F300] =	vst v63  }
0x631: {  	_ =	swait.ge [sflag:s25], $0x50  }
0x632: {  	[sflag:s25] =	ssyncset.done $0x0  }
0x633: {  	s6 =	sadd.s32 $0x700, s6;
	[sflag:s25] =	ssyncadd.s32 $0xFFFFFFB0  }
0x634: {  	[tilespmem:s10], [sflag:$0x2] =	stream.linear.gather [hbm4b:s6+s10], $0x800, $0x38;
	[tilespmem:$0x1F300] =	vst v63  }
0x635: {  	_ =	swait.ge [sflag:s25], $0x800  }
0x636: {  	[sflag:s25] =	ssyncset.done $0x0  }
0x637: {  	s6 =	sadd.s32 $0x700, s29;
	[sflag:s25] =	ssyncadd.s32 $0xFFFFF800  }
0x638: {  	[tilespmem:s26], [sflag:$0x2] =	stream.linear.gather [hbm4b:s6+s10], $0x800, $0x38;
	[tilespmem:$0x1F300] =	vst v63  }
0x639: {  	_ =	swait.ge [sflag:s25], $0x800  }
0x63a: {  	[sflag:s25] =	ssyncset.done $0x0  }
0x63b: {  	[sflag:s25] =	ssyncadd.s32 $0xFFFFF800  }
0x63c: {  	[tilespmem:s23], [sflag:$0x1] =	stream.indirect.gather [hbm4b:s1+s28], $0x80, s10, s28, $0xb8;
	[tilespmem:$0x1F300] =	vst v63  }
0x63d: {  	s29 =	simm.s32 $0x80  }
0x63e: {  	[tilespmem:s30], [sflag:$0x1] =	stream.indirect.gather [hbm4b:s1+s28], $0x80, s29, s28, $0xb8;
	[tilespmem:$0x1F300] =	vst v63  }
0x63f: {  	s10 =	simm.s32 $0x100  }
0x640: {  	[tilespmem:s0], [sflag:$0x1] =	stream.indirect.gather [hbm4b:s1+s28], $0x80, s10, s28, $0xb8;
	[tilespmem:$0x1F300] =	vst v63  }
0x641: {  	s19 =	simm.s32 $0x180  }
0x642: {  	[tilespmem:s7], [sflag:$0x1] =	stream.indirect.gather [hbm4b:s1+s28], $0x80, s19, s28, $0xb8;
	[tilespmem:$0x1F300] =	vst v63  }
0x643: {  	_ =	swait.ge [sflag:s8], $0x2800  }
0x644: {  	[sflag:s8] =	ssyncset.done $0x0  }
0x645: {  	[sflag:s8] =	ssyncadd.s32 $0xFFFFD800  }
0x646: {  	_ =	swait.ge [sflag:s8], $0x2800  }
0x647: {  	[sflag:s8] =	ssyncset.done $0x0  }
0x648: {  	[sflag:s8] =	ssyncadd.s32 $0xFFFFD800  }
0x649: {  	_ =	swait.ge [sflag:s8], $0x2800  }
0x64a: {  	[sflag:s8] =	ssyncset.done $0x0  }
0x64b: {  	[sflag:s8] =	ssyncadd.s32 $0xFFFFD800  }
0x64c: {  	_ =	swait.ge [sflag:s8], $0x2800  }
0x64d: {  	[sflag:s8] =	ssyncset.done $0x0  }
0x64e: {  	[sflag:s8] =	ssyncadd.s32 $0xFFFFD800  }
0x64f: {  	[spmem:s2] =	stream.indirect.scatter.add.f32 [tilespmem:s23], [sflag:$0x2], $0x80, s26, s28, $0xb8;
	[tilespmem:$0x1F300] =	vst v63  }
0x650: {  	_ =	swait.ge [sflag:s25], $0x2800  }
0x651: {  	[sflag:s25] =	ssyncset.done $0x0  }
0x652: {  	[sflag:s25] =	ssyncadd.s32 $0xFFFFD800  }
0x653: {  	[spmem:s4] =	stream.indirect.scatter.add.f32 [tilespmem:s9], [sflag:$0x2], $0x1, s26, s28, $0xb8;
	[tilespmem:$0x1F300] =	vst v63  }
0x654: {  	_ =	swait.ge [sflag:s25], $0x50  }
0x655: {  	[sflag:s25] =	ssyncset.done $0x0  }
0x656: {  	s24 =	simm.s32 $0x880;
	[sflag:s25] =	ssyncadd.s32 $0xFFFFFFB0  }
0x657: {  	[spmem:s2] =	stream.indirect.scatter.add.f32 [tilespmem:s30], [sflag:$0x2], $0x80, s24, s28, $0xb8;
	[tilespmem:$0x1F300] =	vst v63  }
0x658: {  	_ =	swait.ge [sflag:s25], $0x2800  }
0x659: {  	[sflag:s25] =	ssyncset.done $0x0  }
0x65a: {  	[sflag:s25] =	ssyncadd.s32 $0xFFFFD800  }
0x65b: {  	[spmem:s4] =	stream.indirect.scatter.add.f32 [tilespmem:s9], [sflag:$0x2], $0x1, s24, s28, $0xb8;
	[tilespmem:$0x1F300] =	vst v63  }
0x65c: {  	_ =	swait.ge [sflag:s25], $0x50  }
0x65d: {  	[sflag:s25] =	ssyncset.done $0x0  }
0x65e: {  	s22 =	simm.s32 $0x900;
	[sflag:s25] =	ssyncadd.s32 $0xFFFFFFB0  }
0x65f: {  	[spmem:s2] =	stream.indirect.scatter.add.f32 [tilespmem:s0], [sflag:$0x2], $0x80, s22, s28, $0xb8;
	[tilespmem:$0x1F300] =	vst v63  }
0x660: {  	_ =	swait.ge [sflag:s25], $0x2800  }
0x661: {  	[sflag:s25] =	ssyncset.done $0x0  }
0x662: {  	[sflag:s25] =	ssyncadd.s32 $0xFFFFD800  }
0x663: {  	[spmem:s4] =	stream.indirect.scatter.add.f32 [tilespmem:s9], [sflag:$0x2], $0x1, s22, s28, $0xb8;
	[tilespmem:$0x1F300] =	vst v63  }
0x664: {  	_ =	swait.ge [sflag:s25], $0x50  }
0x665: {  	[sflag:s25] =	ssyncset.done $0x0  }
0x666: {  	s15 =	simm.s32 $0x980;
	[sflag:s25] =	ssyncadd.s32 $0xFFFFFFB0  }
0x667: {  	[spmem:s2] =	stream.indirect.scatter.add.f32 [tilespmem:s7], [sflag:$0x2], $0x80, s15, s28, $0xb8;
	[tilespmem:$0x1F300] =	vst v63  }
0x668: {  	_ =	swait.ge [sflag:s25], $0x2800  }
0x669: {  	[sflag:s25] =	ssyncset.done $0x0  }
0x66a: {  	[sflag:s25] =	ssyncadd.s32 $0xFFFFD800  }
0x66b: {  	[spmem:s4] =	stream.indirect.scatter.add.f32 [tilespmem:s9], [sflag:$0x2], $0x1, s15, s28, $0xb8;
	[tilespmem:$0x1F300] =	vst v63  }
0x66c: {  	_ =	swait.ge [sflag:s25], $0x50  }
0x66d: {  	[sflag:s25] =	ssyncset.done $0x0  }
0x66e: {  	s29 =	simm.s32 $0x200;
	[sflag:s25] =	ssyncadd.s32 $0xFFFFFFB0  }
0x66f: {  	[tilespmem:s23], [sflag:$0x1] =	stream.indirect.gather [hbm4b:s1+s28], $0x80, s29, s28, $0xb8;
	[tilespmem:$0x1F300] =	vst v63  }
0x670: {  	s10 =	simm.s32 $0x280  }
0x671: {  	[tilespmem:s30], [sflag:$0x1] =	stream.indirect.gather [hbm4b:s1+s28], $0x80, s10, s28, $0xb8;
	[tilespmem:$0x1F300] =	vst v63  }
0x672: {  	s15 =	simm.s32 $0x300  }
0x673: {  	[tilespmem:s0], [sflag:$0x1] =	stream.indirect.gather [hbm4b:s1+s28], $0x80, s15, s28, $0xb8;
	[tilespmem:$0x1F300] =	vst v63  }
0x674: {  	s19 =	simm.s32 $0x380  }
0x675: {  	[tilespmem:s7], [sflag:$0x1] =	stream.indirect.gather [hbm4b:s1+s28], $0x80, s19, s28, $0xb8;
	[tilespmem:$0x1F300] =	vst v63  }
0x676: {  	_ =	swait.ge [sflag:s8], $0x2800  }
0x677: {  	[sflag:s8] =	ssyncset.done $0x0  }
0x678: {  	[sflag:s8] =	ssyncadd.s32 $0xFFFFD800  }
0x679: {  	_ =	swait.ge [sflag:s8], $0x2800  }
0x67a: {  	[sflag:s8] =	ssyncset.done $0x0  }
0x67b: {  	[sflag:s8] =	ssyncadd.s32 $0xFFFFD800  }
0x67c: {  	_ =	swait.ge [sflag:s8], $0x2800  }
0x67d: {  	[sflag:s8] =	ssyncset.done $0x0  }
0x67e: {  	[sflag:s8] =	ssyncadd.s32 $0xFFFFD800  }
0x67f: {  	_ =	swait.ge [sflag:s8], $0x2800  }
0x680: {  	[sflag:s8] =	ssyncset.done $0x0  }
0x681: {  	s16 =	simm.s32 $0xA00;
	[sflag:s8] =	ssyncadd.s32 $0xFFFFD800  }
0x682: {  	[spmem:s2] =	stream.indirect.scatter.add.f32 [tilespmem:s23], [sflag:$0x2], $0x80, s16, s28, $0xb8;
	[tilespmem:$0x1F300] =	vst v63  }
0x683: {  	_ =	swait.ge [sflag:s25], $0x2800  }
0x684: {  	[sflag:s25] =	ssyncset.done $0x0  }
0x685: {  	[sflag:s25] =	ssyncadd.s32 $0xFFFFD800  }
0x686: {  	[spmem:s4] =	stream.indirect.scatter.add.f32 [tilespmem:s9], [sflag:$0x2], $0x1, s16, s28, $0xb8;
	[tilespmem:$0x1F300] =	vst v63  }
0x687: {  	_ =	swait.ge [sflag:s25], $0x50  }
0x688: {  	[sflag:s25] =	ssyncset.done $0x0  }
0x689: {  	s17 =	simm.s32 $0xA80;
	[sflag:s25] =	ssyncadd.s32 $0xFFFFFFB0  }
0x68a: {  	[spmem:s2] =	stream.indirect.scatter.add.f32 [tilespmem:s30], [sflag:$0x2], $0x80, s17, s28, $0xb8;
	[tilespmem:$0x1F300] =	vst v63  }
0x68b: {  	_ =	swait.ge [sflag:s25], $0x2800  }
0x68c: {  	[sflag:s25] =	ssyncset.done $0x0  }
0x68d: {  	[sflag:s25] =	ssyncadd.s32 $0xFFFFD800  }
0x68e: {  	[spmem:s4] =	stream.indirect.scatter.add.f32 [tilespmem:s9], [sflag:$0x2], $0x1, s17, s28, $0xb8;
	[tilespmem:$0x1F300] =	vst v63  }
0x68f: {  	_ =	swait.ge [sflag:s25], $0x50  }
0x690: {  	[sflag:s25] =	ssyncset.done $0x0  }
0x691: {  	s20 =	simm.s32 $0xB00;
	[sflag:s25] =	ssyncadd.s32 $0xFFFFFFB0  }
0x692: {  	[spmem:s2] =	stream.indirect.scatter.add.f32 [tilespmem:s0], [sflag:$0x2], $0x80, s20, s28, $0xb8;
	[tilespmem:$0x1F300] =	vst v63  }
0x693: {  	_ =	swait.ge [sflag:s25], $0x2800  }
0x694: {  	[sflag:s25] =	ssyncset.done $0x0  }
0x695: {  	[sflag:s25] =	ssyncadd.s32 $0xFFFFD800  }
0x696: {  	[spmem:s4] =	stream.indirect.scatter.add.f32 [tilespmem:s9], [sflag:$0x2], $0x1, s20, s28, $0xb8;
	[tilespmem:$0x1F300] =	vst v63  }
0x697: {  	_ =	swait.ge [sflag:s25], $0x50  }
0x698: {  	[sflag:s25] =	ssyncset.done $0x0  }
0x699: {  	s18 =	simm.s32 $0xB80;
	[sflag:s25] =	ssyncadd.s32 $0xFFFFFFB0  }
0x69a: {  	[spmem:s2] =	stream.indirect.scatter.add.f32 [tilespmem:s7], [sflag:$0x2], $0x80, s18, s28, $0xb8;
	[tilespmem:$0x1F300] =	vst v63  }
0x69b: {  	_ =	swait.ge [sflag:s25], $0x2800  }
0x69c: {  	[sflag:s25] =	ssyncset.done $0x0  }
0x69d: {  	[sflag:s25] =	ssyncadd.s32 $0xFFFFD800  }
0x69e: {  	[spmem:s4] =	stream.indirect.scatter.add.f32 [tilespmem:s9], [sflag:$0x2], $0x1, s18, s28, $0xb8;
	[tilespmem:$0x1F300] =	vst v63  }
0x69f: {  	_ =	swait.ge [sflag:s25], $0x50  }
0x6a0: {  	[sflag:s25] =	ssyncset.done $0x0  }
0x6a1: {  	s20 =	simm.s32 $0x400;
	[sflag:s25] =	ssyncadd.s32 $0xFFFFFFB0  }
0x6a2: {  	[tilespmem:s23], [sflag:$0x1] =	stream.indirect.gather [hbm4b:s1+s28], $0x80, s20, s28, $0xb8;
	[tilespmem:$0x1F300] =	vst v63  }
0x6a3: {  	s22 =	simm.s32 $0x480  }
0x6a4: {  	[tilespmem:s30], [sflag:$0x1] =	stream.indirect.gather [hbm4b:s1+s28], $0x80, s22, s28, $0xb8;
	[tilespmem:$0x1F300] =	vst v63  }
0x6a5: {  	s24 =	simm.s32 $0x500  }
0x6a6: {  	[tilespmem:s0], [sflag:$0x1] =	stream.indirect.gather [hbm4b:s1+s28], $0x80, s24, s28, $0xb8;
	[tilespmem:$0x1F300] =	vst v63  }
0x6a7: {  	s29 =	simm.s32 $0x580  }
0x6a8: {  	[tilespmem:s7], [sflag:$0x1] =	stream.indirect.gather [hbm4b:s1+s28], $0x80, s29, s28, $0xb8;
	[tilespmem:$0x1F300] =	vst v63  }
0x6a9: {  	_ =	swait.ge [sflag:s8], $0x2800  }
0x6aa: {  	[sflag:s8] =	ssyncset.done $0x0  }
0x6ab: {  	[sflag:s8] =	ssyncadd.s32 $0xFFFFD800  }
0x6ac: {  	_ =	swait.ge [sflag:s8], $0x2800  }
0x6ad: {  	[sflag:s8] =	ssyncset.done $0x0  }
0x6ae: {  	[sflag:s8] =	ssyncadd.s32 $0xFFFFD800  }
0x6af: {  	_ =	swait.ge [sflag:s8], $0x2800  }
0x6b0: {  	[sflag:s8] =	ssyncset.done $0x0  }
0x6b1: {  	[sflag:s8] =	ssyncadd.s32 $0xFFFFD800  }
0x6b2: {  	_ =	swait.ge [sflag:s8], $0x2800  }
0x6b3: {  	[sflag:s8] =	ssyncset.done $0x0  }
0x6b4: {  	s12 =	simm.s32 $0xC00;
	[sflag:s8] =	ssyncadd.s32 $0xFFFFD800  }
0x6b5: {  	[spmem:s2] =	stream.indirect.scatter.add.f32 [tilespmem:s23], [sflag:$0x2], $0x80, s12, s28, $0xb8;
	[tilespmem:$0x1F300] =	vst v63  }
0x6b6: {  	_ =	swait.ge [sflag:s25], $0x2800  }
0x6b7: {  	[sflag:s25] =	ssyncset.done $0x0  }
0x6b8: {  	[sflag:s25] =	ssyncadd.s32 $0xFFFFD800  }
0x6b9: {  	[spmem:s4] =	stream.indirect.scatter.add.f32 [tilespmem:s9], [sflag:$0x2], $0x1, s12, s28, $0xb8;
	[tilespmem:$0x1F300] =	vst v63  }
0x6ba: {  	_ =	swait.ge [sflag:s25], $0x50  }
0x6bb: {  	[sflag:s25] =	ssyncset.done $0x0  }
0x6bc: {  	s11 =	simm.s32 $0xC80;
	[sflag:s25] =	ssyncadd.s32 $0xFFFFFFB0  }
0x6bd: {  	[spmem:s2] =	stream.indirect.scatter.add.f32 [tilespmem:s30], [sflag:$0x2], $0x80, s11, s28, $0xb8;
	[tilespmem:$0x1F300] =	vst v63  }
0x6be: {  	_ =	swait.ge [sflag:s25], $0x2800  }
0x6bf: {  	[sflag:s25] =	ssyncset.done $0x0  }
0x6c0: {  	[sflag:s25] =	ssyncadd.s32 $0xFFFFD800  }
0x6c1: {  	[spmem:s4] =	stream.indirect.scatter.add.f32 [tilespmem:s9], [sflag:$0x2], $0x1, s11, s28, $0xb8;
	[tilespmem:$0x1F300] =	vst v63  }
0x6c2: {  	_ =	swait.ge [sflag:s25], $0x50  }
0x6c3: {  	[sflag:s25] =	ssyncset.done $0x0  }
0x6c4: {  	s13 =	simm.s32 $0xD00;
	[sflag:s25] =	ssyncadd.s32 $0xFFFFFFB0  }
0x6c5: {  	[spmem:s2] =	stream.indirect.scatter.add.f32 [tilespmem:s0], [sflag:$0x2], $0x80, s13, s28, $0xb8;
	[tilespmem:$0x1F300] =	vst v63  }
0x6c6: {  	_ =	swait.ge [sflag:s25], $0x2800  }
0x6c7: {  	[sflag:s25] =	ssyncset.done $0x0  }
0x6c8: {  	[sflag:s25] =	ssyncadd.s32 $0xFFFFD800  }
0x6c9: {  	[spmem:s4] =	stream.indirect.scatter.add.f32 [tilespmem:s9], [sflag:$0x2], $0x1, s13, s28, $0xb8;
	[tilespmem:$0x1F300] =	vst v63  }
0x6ca: {  	_ =	swait.ge [sflag:s25], $0x50  }
0x6cb: {  	[sflag:s25] =	ssyncset.done $0x0  }
0x6cc: {  	s21 =	simm.s32 $0xD80;
	[sflag:s25] =	ssyncadd.s32 $0xFFFFFFB0  }
0x6cd: {  	[spmem:s2] =	stream.indirect.scatter.add.f32 [tilespmem:s7], [sflag:$0x2], $0x80, s21, s28, $0xb8;
	[tilespmem:$0x1F300] =	vst v63  }
0x6ce: {  	_ =	swait.ge [sflag:s25], $0x2800  }
0x6cf: {  	[sflag:s25] =	ssyncset.done $0x0  }
0x6d0: {  	[sflag:s25] =	ssyncadd.s32 $0xFFFFD800  }
0x6d1: {  	[spmem:s4] =	stream.indirect.scatter.add.f32 [tilespmem:s9], [sflag:$0x2], $0x1, s21, s28, $0xb8;
	[tilespmem:$0x1F300] =	vst v63  }
0x6d2: {  	_ =	swait.ge [sflag:s25], $0x50  }
0x6d3: {  	[sflag:s25] =	ssyncset.done $0x0  }
0x6d4: {  	s10 =	simm.s32 $0x600;
	[sflag:s25] =	ssyncadd.s32 $0xFFFFFFB0  }
0x6d5: {  	[tilespmem:s23], [sflag:$0x1] =	stream.indirect.gather [hbm4b:s1+s28], $0x80, s10, s28, $0xb8;
	[tilespmem:$0x1F300] =	vst v63  }
0x6d6: {  	s11 =	simm.s32 $0x680  }
0x6d7: {  	[tilespmem:s30], [sflag:$0x1] =	stream.indirect.gather [hbm4b:s1+s28], $0x80, s11, s28, $0xb8;
	[tilespmem:$0x1F300] =	vst v63  }
0x6d8: {  	s12 =	simm.s32 $0x700  }
0x6d9: {  	[tilespmem:s0], [sflag:$0x1] =	stream.indirect.gather [hbm4b:s1+s28], $0x80, s12, s28, $0xb8;
	[tilespmem:$0x1F300] =	vst v63  }
0x6da: {  	s13 =	simm.s32 $0x780  }
0x6db: {  	[tilespmem:s7], [sflag:$0x1] =	stream.indirect.gather [hbm4b:s1+s28], $0x80, s13, s28, $0xb8;
	[tilespmem:$0x1F300] =	vst v63  }
0x6dc: {  	_ =	swait.ge [sflag:s8], $0x2800  }
0x6dd: {  	[sflag:s8] =	ssyncset.done $0x0  }
0x6de: {  	[sflag:s8] =	ssyncadd.s32 $0xFFFFD800  }
0x6df: {  	_ =	swait.ge [sflag:s8], $0x2800  }
0x6e0: {  	[sflag:s8] =	ssyncset.done $0x0  }
0x6e1: {  	[sflag:s8] =	ssyncadd.s32 $0xFFFFD800  }
0x6e2: {  	_ =	swait.ge [sflag:s8], $0x2800  }
0x6e3: {  	[sflag:s8] =	ssyncset.done $0x0  }
0x6e4: {  	[sflag:s8] =	ssyncadd.s32 $0xFFFFD800  }
0x6e5: {  	_ =	swait.ge [sflag:s8], $0x2800  }
0x6e6: {  	[sflag:s8] =	ssyncset.done $0x0  }
0x6e7: {  	s14 =	simm.s32 $0xE00;
	[sflag:s8] =	ssyncadd.s32 $0xFFFFD800  }
0x6e8: {  	[spmem:s2] =	stream.indirect.scatter.add.f32 [tilespmem:s23], [sflag:$0x2], $0x80, s14, s28, $0xb8;
	[tilespmem:$0x1F300] =	vst v63  }
0x6e9: {  	_ =	swait.ge [sflag:s25], $0x2800  }
0x6ea: {  	[sflag:s25] =	ssyncset.done $0x0  }
0x6eb: {  	[sflag:s25] =	ssyncadd.s32 $0xFFFFD800  }
0x6ec: {  	[spmem:s4] =	stream.indirect.scatter.add.f32 [tilespmem:s9], [sflag:$0x2], $0x1, s14, s28, $0xb8;
	[tilespmem:$0x1F300] =	vst v63  }
0x6ed: {  	_ =	swait.ge [sflag:s25], $0x50  }
0x6ee: {  	[sflag:s25] =	ssyncset.done $0x0  }
0x6ef: {  	s3 =	simm.s32 $0xE80;
	[sflag:s25] =	ssyncadd.s32 $0xFFFFFFB0  }
0x6f0: {  	[spmem:s2] =	stream.indirect.scatter.add.f32 [tilespmem:s30], [sflag:$0x2], $0x80, s3, s28, $0xb8;
	[tilespmem:$0x1F300] =	vst v63  }
0x6f1: {  	_ =	swait.ge [sflag:s25], $0x2800  }
0x6f2: {  	[sflag:s25] =	ssyncset.done $0x0  }
0x6f3: {  	[sflag:s25] =	ssyncadd.s32 $0xFFFFD800  }
0x6f4: {  	[spmem:s4] =	stream.indirect.scatter.add.f32 [tilespmem:s9], [sflag:$0x2], $0x1, s3, s28, $0xb8;
	[tilespmem:$0x1F300] =	vst v63  }
0x6f5: {  	_ =	swait.ge [sflag:s25], $0x50  }
0x6f6: {  	[sflag:s25] =	ssyncset.done $0x0  }
0x6f7: {  	s5 =	simm.s32 $0xF00;
	[sflag:s25] =	ssyncadd.s32 $0xFFFFFFB0  }
0x6f8: {  	[spmem:s2] =	stream.indirect.scatter.add.f32 [tilespmem:s0], [sflag:$0x2], $0x80, s5, s28, $0xb8;
	[tilespmem:$0x1F300] =	vst v63  }
0x6f9: {  	_ =	swait.ge [sflag:s25], $0x2800  }
0x6fa: {  	[sflag:s25] =	ssyncset.done $0x0  }
0x6fb: {  	[sflag:s25] =	ssyncadd.s32 $0xFFFFD800  }
0x6fc: {  	[spmem:s4] =	stream.indirect.scatter.add.f32 [tilespmem:s9], [sflag:$0x2], $0x1, s5, s28, $0xb8;
	[tilespmem:$0x1F300] =	vst v63  }
0x6fd: {  	_ =	swait.ge [sflag:s25], $0x50  }
0x6fe: {  	[sflag:s25] =	ssyncset.done $0x0  }
0x6ff: {  	s31 =	simm.s32 $0xF80;
	[sflag:s25] =	ssyncadd.s32 $0xFFFFFFB0  }
0x700: {  	[spmem:s2] =	stream.indirect.scatter.add.f32 [tilespmem:s7], [sflag:$0x2], $0x80, s31, s28, $0xb8;
	[tilespmem:$0x1F300] =	vst v63  }
0x701: {  	_ =	swait.ge [sflag:s25], $0x2800  }
0x702: {  	[sflag:s25] =	ssyncset.done $0x0  }
0x703: {  	[sflag:s25] =	ssyncadd.s32 $0xFFFFD800  }
0x704: {  	[spmem:s4] =	stream.indirect.scatter.add.f32 [tilespmem:s9], [sflag:$0x2], $0x1, s31, s28, $0xb8;
	[tilespmem:$0x1F300] =	vst v63  }
0x705: {  	_ =	swait.ge [sflag:s25], $0x50  }
0x706: {  	[sflag:s25] =	ssyncset.done $0x0  }
0x707: {  	[sflag:s25] =	ssyncadd.s32 $0xFFFFFFB0  }
0x708: {  	s14 =	stileid.u32;
	[bflag:$0x0] =	sbarrier.arrive $0xFFFF  }
0x709: {  	s19 =	sshll.u32 s14, $0x6;
	s15 =	rddreg [dreg:$0x6]  }
0x70a: {  	s19 =	sor.u32 $0x1C02, s19;
	s17 =	rddreg [dreg:$0x16];
	s16 =	sshrl.u32 s15, $0x3  }
0x70b: {  	[hbm:s17], [sflag:s19] =	dma.local [spmem:s16], $0x2800  }
0x70c: {  	s22 =	simm.s32 $0x20;
	_ =	swait.ge [sflag:s25], $0x2800  }
0x70d: {  	s24 =	simm.s32 $0x10;
	[sflag:s25] =	ssyncset.done $0x0;
	s18 =	rddreg [dreg:$0xc]  }
0x70e: {  	s21 =	rddreg [dreg:$0x17];
	[sflag:s25] =	ssyncadd.s32 $0xFFFFD800;
	s20 =	sshrl.u32 s18, $0x3  }
0x70f: {  	[hbm:s21@s22], [sflag:s19] =	dma.strided [spmem:s20@s24], $0x50, s8, $0x10   }
0x710: {  	_ =	swait.ge [sflag:s25], $0x50  }
0x711: {  	s29 =	rddreg [dreg:$0x18]  }
0x712: {  	s31 =	rddreg [dreg:$0x15];
	s3 =	sadd.s32 $0x1, s29  }
0x713: {  	p0 =	sne.s32 s3, s31  }
.Ltmp1:
0x714: {  	_ = 	snop;
	(pc) =	sbr.rel @p0 .LBB2_1-.Ltmp1, $3  }
0x715: {  	_ =	sdelay $0x1  }
0x716: {  	[sflag:s25] =	ssyncset.done $0x0  }
0x717: {  	[sflag:s25] =	ssyncadd.s32 $0xFFFFFFB0  }
0x718: {  	_ =	sfence.sel $0x180000  }
0x719: {  	[bflag:$0x0] =	sbarrier.arrive $0xFFFF  }
0x71a: {  	_ =	strace $0x90000047  }
0x71b: {  	s0 =	stileid.u32;
	[bflag:$0x2] =	sbarrier.arrive $0xFFFF  }
0x71c: {  	p0 =	sne.s32 s0, $0x0;
	s0 =	rddreg [dreg:$0x5]  }
0x71d: {  	s0 =	sadd.s32 @!p0 $0x100000, s0  }
0x71e: {  	[sflag:s0] =	ssyncadd.tile.s32 @!p0 $0x1;
	_ =	shalt  }
.Lfunc_end2:
_tile_overlayer_lowered:
.L_overlay_start_2:
0x71f: {  	(tag) =	ssettag $0x2  }
0x720: {  	s0 =	rddreg [dreg:$0x0];
	s2 =	stileid.u32  }
0x721: {  	s1 =	rddreg [dreg:$0x1];
	p0 =	sne.s32 s2, $0x0  }
0x722: {  	s3 =	rddreg [dreg:$0x2];
	[bflag:$0x3] =	sbarrier.arrive $0xFFFF;
	s2 =	simm.s32 @!p0 $0x1C02  }
0x723: {  	[timem:s3], [sflag:s2] =	dma.local @!p0 [hbm:s0], s1  }
0x724: {  	s0 =	simm.s32 @!p0 $0x2  }
0x725: {  	_ =	swait.ge @!p0 [sflag:s0], s1  }
0x726: {  	s1 =	ssub.s32 @!p0 $0x0, s1;
	[sflag:s0] =	ssyncset.done @!p0 $0x0  }
0x727: {  	[sflag:s0] =	ssyncadd.s32 @!p0 s1  }
0x728: {  	[bflag:$0x3] =	sbarrier.arrive $0xFFFF  }
0x729: {  	_ =	shalt  }

</sc_bundles>
